<compile_context>
chip_gen: v7x
topology: tpu7x:2x2x1
jax: 0.10.2.dev20260603
libtpu: 0.0.44.dev20260713+nightly
codegen_flags: <defaults>
</compile_context>

<pallas_src>
import functools

import jax
import jax.numpy as jnp
from jax import lax
from jax.experimental import pallas as pl
from jax.experimental.pallas import tpu as pltpu
from jax.experimental.pallas import tpu_sc as plsc

NC, NS, L = 2, 16, 16
NW = NC * NS
D = 512
LEAK = 0.01
_SC_PARAMS = pltpu.CompilerParams(needs_layout_passes=False)


def _wid():
  return lax.axis_index("s") * NC + lax.axis_index("c")


def _sc_layer0(x, src0, val0, n_out=2048, fan=8):
  rows_w = n_out // NW
  ed_w = rows_w * fan
  mesh = plsc.VectorSubcoreMesh(core_axis_name="c", subcore_axis_name="s")

  @functools.partial(
      pl.kernel,
      out_type=(jax.ShapeDtypeStruct((n_out,), jnp.float32),
                jax.ShapeDtypeStruct((n_out,), jnp.float32)),
      mesh=mesh,
      compiler_params=_SC_PARAMS,
      scratch_types=[
          pltpu.VMEM((4096,), jnp.float32),
          pltpu.VMEM((ed_w,), jnp.int32),
          pltpu.VMEM((ed_w,), jnp.float32),
          pltpu.VMEM((rows_w,), jnp.float32),
          pltpu.VMEM((rows_w,), jnp.float32),
      ],
  )
  def k(x_hbm, src_hbm, val_hbm, a_hbm, c_hbm, x_v, src_v, val_v, a_v, c_v):
    w = _wid()
    e_base = w * ed_w
    r_base = w * rows_w
    pltpu.sync_copy(x_hbm, x_v)
    pltpu.sync_copy(src_hbm.at[pl.ds(e_base, ed_w)], src_v)
    pltpu.sync_copy(val_hbm.at[pl.ds(e_base, ed_w)], val_v)
    lanes = lax.iota(jnp.int32, L)
    for g in range(rows_w // L):
      acc_a = jnp.zeros((L,), jnp.float32)
      acc_c = jnp.zeros((L,), jnp.float32)
      for j in range(fan):
        idxs = g * (L * fan) + lanes * fan + j
        sv = plsc.load_gather(src_v, [idxs])
        vv = plsc.load_gather(val_v, [idxs])
        xv = plsc.load_gather(x_v, [sv])
        acc_a = acc_a + xv * vv
        acc_c = acc_c + vv
      a_v[pl.ds(g * L, L)] = acc_a
      c_v[pl.ds(g * L, L)] = acc_c
    pltpu.sync_copy(a_v, a_hbm.at[pl.ds(r_base, rows_w)])
    pltpu.sync_copy(c_v, c_hbm.at[pl.ds(r_base, rows_w)])

  return k(x, src0, val0)


def _sc_gather_layer(table, src, val, n_out, fan):
  rows_w = n_out // NW
  ed_w = rows_w * fan
  R = 16
  ce = R * fan
  n_chunks = rows_w // R
  mesh = plsc.VectorSubcoreMesh(core_axis_name="c", subcore_axis_name="s")

  @functools.partial(
      pl.kernel,
      out_type=jax.ShapeDtypeStruct((n_out, D), jnp.float32),
      mesh=mesh,
      compiler_params=_SC_PARAMS,
      scratch_types=[
          pltpu.VMEM((ed_w,), jnp.int32),
          pltpu.VMEM((ed_w,), jnp.float32),
          pltpu.VMEM((ce, D // 2), jnp.int32),
          pltpu.VMEM((ce, D // 2), jnp.int32),
          pltpu.VMEM((rows_w, D), jnp.float32),
          pltpu.SemaphoreType.DMA,
          pltpu.SemaphoreType.DMA,
          pltpu.SemaphoreType.DMA,
      ],
  )
  def k(tab_hbm, src_hbm, val_hbm, out_hbm,
        idx_v, val_v, rows0, rows1, out_v, sem0, sem1, sem_o):
    w = _wid()
    e_base = w * ed_w
    r_base = w * rows_w
    cp_i = pltpu.async_copy(src_hbm.at[pl.ds(e_base, ed_w)], idx_v, sem_o)
    cp_v = pltpu.async_copy(val_hbm.at[pl.ds(e_base, ed_w)], val_v, sem_o)
    cp_i.wait()
    cp_v.wait()

    def gather(c, rows_v, sem):
      return pltpu.async_copy(tab_hbm.at[idx_v.at[pl.ds(c * ce, ce)]],
                              rows_v, sem)

    def compute(c, rows_v):
      def row_body(r, carry):
        vs = [plsc.load_gather(
                  val_v, [jnp.full((L,), c * ce + r * fan + j, jnp.int32)])
              for j in range(fan)]
        row_out = c * R + r

        @plsc.parallel_loop(0, D // 2, step=L, unroll=8)
        def _(col):
          mlo, mhi = [], []
          for j in range(fan):
            pair = rows_v[r * fan + j, pl.ds(col, L)]
            lo = plsc.bitcast(lax.shift_left(pair, 16), jnp.float32)
            hi = plsc.bitcast(pair, jnp.float32)
            mlo.append(vs[j] * lo)
            mhi.append(vs[j] * hi)
          for ms in (mlo, mhi):
            while len(ms) > 1:
              ms[:] = [ms[i] + ms[i + 1]
                       for i in range(0, len(ms) - 1, 2)] + (
                  [ms[-1]] if len(ms) % 2 else [])
          out_v[row_out, pl.ds(col, L)] = mlo[0]
          out_v[row_out, pl.ds(col + D // 2, L)] = mhi[0]

        return carry

      lax.fori_loop(0, R, row_body, 0)

    gather(0, rows0, sem0)

    def store(c):
      return pltpu.async_copy(out_v.at[pl.ds(c * R, R), :],
                              out_hbm.at[pl.ds(r_base + c * R, R), :], sem_o)

    for t in range(n_chunks // 2):
      c0 = 2 * t
      gather(c0 + 1, rows1, sem1)
      pltpu.make_async_copy(tab_hbm.at[idx_v.at[pl.ds(c0 * ce, ce)]],
                            rows0, sem0).wait()
      compute(c0, rows0)
      store(c0)
      if c0 + 2 < n_chunks:
        gather(c0 + 2, rows0, sem0)
      pltpu.make_async_copy(tab_hbm.at[idx_v.at[pl.ds((c0 + 1) * ce, ce)]],
                            rows1, sem1).wait()
      compute(c0 + 1, rows1)
      store(c0 + 1)

    for c in range(n_chunks):
      pltpu.make_async_copy(out_v.at[pl.ds(c * R, R), :],
                            out_hbm.at[pl.ds(r_base + c * R, R), :],
                            sem_o).wait()

  return k(table, src, val)


def _pack_halves(y):
  yb = y.astype(jnp.bfloat16)
  lo = lax.bitcast_convert_type(yb[:, :D // 2], jnp.uint16).astype(jnp.uint32)
  hi = lax.bitcast_convert_type(yb[:, D // 2:], jnp.uint16).astype(jnp.uint32)
  return lax.bitcast_convert_type(lo | (hi << 16), jnp.int32)


def _tc_stage2(a2, c2, Wa, wv_row, bv_row, ba_row):
  def body(a_ref, c_ref, wa_ref, wv_ref, bv_ref, ba_ref, out_ref):
    wa1 = wa_ref[:, :D]
    dn = (((1,), (1,)), ((), ()))
    u = lax.dot_general(wv_ref[...], wa1, dn,
                        preferred_element_type=jnp.float32)
    ww = lax.dot_general(bv_ref[...], wa1, dn,
                         preferred_element_type=jnp.float32)
    y = a_ref[...] * u + c_ref[...] * ww + ba_ref[...]
    out_ref[...] = _pack_halves(jnp.where(y >= 0, y, LEAK * y))

  return pl.pallas_call(
      body, out_shape=jax.ShapeDtypeStruct((2048, D // 2), jnp.int32),
  )(a2, c2, Wa, wv_row, bv_row, ba_row)


def _tc_act(s, Wa, ba_row):
  def body(s_ref, wa_ref, ba_ref, out_ref):
    dn = (((1,), (1,)), ((), ()))
    y = lax.dot_general(s_ref[...], wa_ref[:, :D], dn,
                        preferred_element_type=jnp.float32) + ba_ref[...]
    out_ref[...] = _pack_halves(jnp.where(y >= 0, y, LEAK * y))

  n = s.shape[0]
  return pl.pallas_call(
      body, out_shape=jax.ShapeDtypeStruct((n, D // 2), jnp.int32),
  )(s, Wa, ba_row)


def _tc_final(s2, Wa, ba_row, wf_row, bf, Y, n_valid=1000):
  def body(s_ref, wa_ref, ba_ref, wf_ref, bf_ref, y_ref, loss_ref, acc_ref):
    dn = (((1,), (1,)), ((), ()))
    z = lax.dot_general(s_ref[...], wa_ref[:, :D], dn,
                        preferred_element_type=jnp.float32) + ba_ref[...]
    z = jnp.where(z >= 0, z, LEAK * z)
    logits = lax.dot_general(wf_ref[...], z, dn,
                             preferred_element_type=jnp.float32) + bf_ref[0, 0]
    rows = lax.broadcasted_iota(jnp.int32, logits.shape, 1)
    valid = rows < n_valid
    lm = jnp.where(valid, logits, -1e30)
    m = jnp.max(lm)
    lse = jnp.log(jnp.sum(jnp.exp(lm - m))) + m
    ly = jnp.sum(jnp.where(rows == y_ref[0], logits, 0.0))
    loss_ref[...] = jnp.broadcast_to(lse - ly, (1, 1))
    acc_ref[...] = jnp.broadcast_to((ly >= m).astype(jnp.float32), (1, 1))

  n = s2.shape[0]
  return pl.pallas_call(
      body,
      out_shape=(jax.ShapeDtypeStruct((1, 1), jnp.float32),
                 jax.ShapeDtypeStruct((1, 1), jnp.float32)),
      in_specs=[
          pl.BlockSpec((n, D), lambda: (0, 0)),
          pl.BlockSpec((D, 2 * D), lambda: (0, 0)),
          pl.BlockSpec((1, D), lambda: (0, 0)),
          pl.BlockSpec((1, D), lambda: (0, 0)),
          pl.BlockSpec((1, 1), lambda: (0, 0)),
          pl.BlockSpec(memory_space=pltpu.SMEM),
      ],
  )(s2, Wa, ba_row, wf_row, bf, Y)


def kernel(x, Y, Wv, bv, Wa, ba, Wf, bf,
           src0, dst0, val0, h0,
           src1, dst1, val1, h1,
           src2, dst2, val2, h2):
  del dst0, dst1, dst2, h0, h1, h2
  wv_row = jnp.reshape(Wv, (1, D))
  bv_row = jnp.reshape(bv, (1, D))
  ba_row = jnp.reshape(ba, (1, D))
  wf_row = jnp.reshape(Wf, (1, D))
  bf_2d = jnp.reshape(bf, (1, 1))
  y_idx = Y.astype(jnp.int32)

  a, c = _sc_layer0(x, src0.astype(jnp.int32), val0)
  y1 = _tc_stage2(a[:, None], c[:, None], Wa, wv_row, bv_row, ba_row)

  s1 = _sc_gather_layer(y1, src1.astype(jnp.int32), val1, 2048, 7)
  y2 = _tc_act(s1, Wa, ba_row)

  pad = 1024 * 7 - src2.shape[0]
  src2p = jnp.concatenate([src2.astype(jnp.int32),
                           jnp.zeros((pad,), jnp.int32)])
  val2p = jnp.concatenate([val2, jnp.zeros((pad,), jnp.float32)])
  s2 = _sc_gather_layer(y2, src2p, val2p, 1024, 7)

  loss, acc = _tc_final(s2, Wa, ba_row, wf_row, bf_2d, y_idx)
  return loss[0, 0], acc[0, 0]

# --- scband reference (transcript-rebuilt; emitter-appended) ---
"""Pipeline reference for scband-nemmodel-27504970563844 (READ-ONLY COPY).

The authoritative reference and input builder live on the scoring server;
editing this copy changes nothing except your own understanding.
"""

import jax, jax.numpy as jnp
import numpy as np
import math


def setup_inputs(seed: int = 0) -> dict:
    key = jax.random.key(seed)
    d_h = 512
    d_a = 512
    n_in = 4096
    n_hidden = 2048
    n_out = 1000
    dims = [(n_in, n_hidden), (n_hidden, n_hidden), (n_hidden, n_out)]
    ks = jax.random.split(key, 32)
    ki = iter(range(32))
    inp = {}
    inp["x"] = jax.random.normal(ks[next(ki)], (n_in,), dtype=jnp.float32)
    inp["Y"] = jax.random.randint(ks[next(ki)], (1,), 0, n_out, dtype=jnp.int64 if jax.config.jax_enable_x64 else jnp.int32)

    def lin(k, dout, din):
        k1, k2 = jax.random.split(k)
        bound = 1.0 / math.sqrt(din)
        W = jax.random.uniform(k1, (dout, din), minval=-bound, maxval=bound, dtype=jnp.float32)
        b = jax.random.uniform(k2, (dout,), minval=-bound, maxval=bound, dtype=jnp.float32)
        return W, b

    inp["Wv"], inp["bv"] = lin(ks[next(ki)], d_a, 1)
    inp["Wa"], inp["ba"] = lin(ks[next(ki)], d_a, d_a + d_h)
    inp["Wf"], inp["bf"] = lin(ks[next(ki)], 1, d_a)
    for i, (din, dout) in enumerate(dims):
        fanin = math.floor(math.log(din))
        n_elem = dout * fanin
        inp[f"src{i}"] = jax.random.randint(ks[next(ki)], (n_elem,), 0, din - 1)
        inp[f"dst{i}"] = jnp.repeat(jnp.arange(dout), fanin)
        inp[f"val{i}"] = jax.random.normal(ks[next(ki)], (n_elem,), dtype=jnp.float32) / math.sqrt(fanin)
        inp[f"h{i}"] = jnp.zeros((dout, d_h), dtype=jnp.float32)
    return inp


def reference(x, Y, Wv, bv, Wa, ba, Wf, bf,
              src0, dst0, val0, h0,
              src1, dst1, val1, h1,
              src2, dst2, val2, h2):
    # to_vec: Linear(1, d_a) applied to x.unsqueeze(-1) -> [n_in, d_a]
    y = x[:, None] @ Wv.T + bv
    layers = [(src0, dst0, val0, h0), (src1, dst1, val1, h1), (src2, dst2, val2, h2)]
    for src, dst, val, h in layers:
        # torch.sparse.mm(w, y): gather rows of y by source index, weight, scatter-add to dst
        g = y[src] * val[:, None]
        y = jax.ops.segment_sum(g, dst, num_segments=h.shape[0])
        # to_act: Linear(d_a + d_h, d_a) + LeakyReLU(0.01)
        y = jnp.concatenate([y, h], axis=-1) @ Wa.T + ba
        y = jnp.where(y >= 0, y, 0.01 * y)
    # from_vec: Linear(d_a, 1) -> logits [1, n_out]
    logits = (y @ Wf.T + bf)[:, 0][None, :]
    logp = jax.nn.log_softmax(logits, axis=-1)
    loss = -logp[0, Y[0]]
    acc = (jnp.argmax(logits, axis=-1)[0] == Y[0]).astype(jnp.float32)
    return loss, acc

if __name__ == "__main__":
    import jax
    _d = setup_inputs()
    print(jax.jit(kernel)(*tuple(_d.values())))

</pallas_src>

<mosaic_0001>
#map = affine_map<(d0, d1) -> (0)>
module attributes {stable_mosaic.version = 14 : i64} {
  func.func @k(%arg0: i32, %arg1: i32, %arg2: memref<4096xf32, #tpu.memory_space<hbm>>, %arg3: memref<16384xi32, #tpu.memory_space<hbm>>, %arg4: memref<16384xf32, #tpu.memory_space<hbm>>, %arg5: memref<2048xf32, #tpu.memory_space<hbm>>, %arg6: memref<2048xf32, #tpu.memory_space<hbm>>, %arg7: memref<4096xf32, #tpu.memory_space<vmem>>, %arg8: memref<512xi32, #tpu.memory_space<vmem>>, %arg9: memref<512xf32, #tpu.memory_space<vmem>>, %arg10: memref<64xf32, #tpu.memory_space<vmem>>, %arg11: memref<64xf32, #tpu.memory_space<vmem>>) attributes {dimension_semantics = [#tpu.dimension_semantics<core_parallel>, #tpu.dimension_semantics<subcore_parallel>], iteration_bounds = array<i64: 2, 16>, scalar_prefetch = 0 : i64, scratch_operands = 5 : i64, tpu.core_type = #tpu.core_type<sc_vector_subcore>, window_params = [{transform_indices = #map}, {transform_indices = #map}, {transform_indices = #map}, {transform_indices = #map}, {transform_indices = #map}]} {
    %mul3A = arith.constant 2 : i32
    %mul3A_0 = arith.muli %arg1, %mul3A : i32
    %add3A = arith.addi %mul3A_0, %arg0 : i32
    %mul3A_1 = arith.constant 512 : i32
    %mul3A_2 = arith.muli %add3A, %mul3A_1 : i32
    %mul3A_3 = arith.constant 64 : i32
    %mul3A_4 = arith.muli %add3A, %mul3A_3 : i32
    "tpu.region"() ({
      %run_scoped3A = tpu.sem_alloc : memref<!tpu.dma_semaphore, #tpu.memory_space<semaphore_mem>>
      tpu.enqueue_dma source(%arg2 : memref<4096xf32, #tpu.memory_space<hbm>>) target(%arg7 : memref<4096xf32, #tpu.memory_space<vmem>>) target_semaphore(%run_scoped3A : memref<!tpu.dma_semaphore, #tpu.memory_space<semaphore_mem>>)
      tpu.wait_dma2 semaphore(%run_scoped3A : memref<!tpu.dma_semaphore, #tpu.memory_space<semaphore_mem>>) src(%arg2 : memref<4096xf32, #tpu.memory_space<hbm>>) dst(%arg7 : memref<4096xf32, #tpu.memory_space<vmem>>)
      tpu.yield
    }) : () -> ()
    "tpu.region"() ({
      %run_scoped3A = tpu.sem_alloc : memref<!tpu.dma_semaphore, #tpu.memory_space<semaphore_mem>>
      %dma_start3A = tpu.memref_slice %arg3[%mul3A_2] : memref<16384xi32, #tpu.memory_space<hbm>> -> memref<512xi32, #tpu.memory_space<hbm>>
      %dma_start3A_514 = tpu.memref_slice %arg3[%mul3A_2] : memref<16384xi32, #tpu.memory_space<hbm>> -> memref<512xi32, #tpu.memory_space<hbm>>
      tpu.enqueue_dma source(%dma_start3A_514 : memref<512xi32, #tpu.memory_space<hbm>>) target(%arg8 : memref<512xi32, #tpu.memory_space<vmem>>) target_semaphore(%run_scoped3A : memref<!tpu.dma_semaphore, #tpu.memory_space<semaphore_mem>>)
      %dma_wait3A = tpu.memref_slice %arg3[%mul3A_2] : memref<16384xi32, #tpu.memory_space<hbm>> -> memref<512xi32, #tpu.memory_space<hbm>>
      %dma_wait3A_515 = tpu.memref_slice %arg3[%mul3A_2] : memref<16384xi32, #tpu.memory_space<hbm>> -> memref<512xi32, #tpu.memory_space<hbm>>
      tpu.wait_dma2 semaphore(%run_scoped3A : memref<!tpu.dma_semaphore, #tpu.memory_space<semaphore_mem>>) src(%dma_wait3A_515 : memref<512xi32, #tpu.memory_space<hbm>>) dst(%arg8 : memref<512xi32, #tpu.memory_space<vmem>>)
      tpu.yield
    }) : () -> ()
    "tpu.region"() ({
      %run_scoped3A = tpu.sem_alloc : memref<!tpu.dma_semaphore, #tpu.memory_space<semaphore_mem>>
      %dma_start3A = tpu.memref_slice %arg4[%mul3A_2] : memref<16384xf32, #tpu.memory_space<hbm>> -> memref<512xf32, #tpu.memory_space<hbm>>
      %dma_start3A_514 = tpu.memref_slice %arg4[%mul3A_2] : memref<16384xf32, #tpu.memory_space<hbm>> -> memref<512xf32, #tpu.memory_space<hbm>>
      tpu.enqueue_dma source(%dma_start3A_514 : memref<512xf32, #tpu.memory_space<hbm>>) target(%arg9 : memref<512xf32, #tpu.memory_space<vmem>>) target_semaphore(%run_scoped3A : memref<!tpu.dma_semaphore, #tpu.memory_space<semaphore_mem>>)
      %dma_wait3A = tpu.memref_slice %arg4[%mul3A_2] : memref<16384xf32, #tpu.memory_space<hbm>> -> memref<512xf32, #tpu.memory_space<hbm>>
      %dma_wait3A_515 = tpu.memref_slice %arg4[%mul3A_2] : memref<16384xf32, #tpu.memory_space<hbm>> -> memref<512xf32, #tpu.memory_space<hbm>>
      tpu.wait_dma2 semaphore(%run_scoped3A : memref<!tpu.dma_semaphore, #tpu.memory_space<semaphore_mem>>) src(%dma_wait3A_515 : memref<512xf32, #tpu.memory_space<hbm>>) dst(%arg9 : memref<512xf32, #tpu.memory_space<vmem>>)
      tpu.yield
    }) : () -> ()
    %iota3A = tpu.iota {dimensions = array<i32: 0>} : vector<16xi32>
    %broadcast_in_dim3A = arith.constant 0.000000e+00 : f32
    %broadcast_in_dim3A_5 = vector.broadcast %broadcast_in_dim3A : f32 to vector<16xf32>
    %broadcast_in_dim3A_6 = arith.constant 0.000000e+00 : f32
    %broadcast_in_dim3A_7 = vector.broadcast %broadcast_in_dim3A_6 : f32 to vector<16xf32>
    %mul3A_8 = arith.constant 8 : i32
    %mul3A_9 = vector.broadcast %mul3A_8 : i32 to vector<16xi32>
    %mul3A_10 = arith.muli %iota3A, %mul3A_9 : vector<16xi32>
    %add3A_11 = arith.constant 0 : i32
    %add3A_12 = vector.broadcast %add3A_11 : i32 to vector<16xi32>
    %add3A_13 = arith.addi %add3A_12, %mul3A_10 : vector<16xi32>
    %add3A_14 = arith.constant 0 : i32
    %add3A_15 = vector.broadcast %add3A_14 : i32 to vector<16xi32>
    %add3A_16 = arith.addi %add3A_13, %add3A_15 : vector<16xi32>
    %gather3A = tpu.vector_load_idx %arg8[%add3A_16] : memref<512xi32, #tpu.memory_space<vmem>>[vector<16xi32>], vector<16xi32>,
    %gather3A_17 = tpu.vector_load_idx %arg9[%add3A_16] : memref<512xf32, #tpu.memory_space<vmem>>[vector<16xi32>], vector<16xf32>,
    %gather3A_18 = tpu.vector_load_idx %arg7[%gather3A] : memref<4096xf32, #tpu.memory_space<vmem>>[vector<16xi32>], vector<16xf32>,
    %mul3A_19 = arith.mulf %gather3A_18, %gather3A_17 : vector<16xf32>
    %add3A_20 = arith.addf %broadcast_in_dim3A_5, %mul3A_19 : vector<16xf32>
    %add3A_21 = arith.addf %broadcast_in_dim3A_7, %gather3A_17 : vector<16xf32>
    %mul3A_22 = arith.constant 8 : i32
    %mul3A_23 = vector.broadcast %mul3A_22 : i32 to vector<16xi32>
    %mul3A_24 = arith.muli %iota3A, %mul3A_23 : vector<16xi32>
    %add3A_25 = arith.constant 0 : i32
    %add3A_26 = vector.broadcast %add3A_25 : i32 to vector<16xi32>
    %add3A_27 = arith.addi %add3A_26, %mul3A_24 : vector<16xi32>
    %add3A_28 = arith.constant 1 : i32
    %add3A_29 = vector.broadcast %add3A_28 : i32 to vector<16xi32>
    %add3A_30 = arith.addi %add3A_27, %add3A_29 : vector<16xi32>
    %gather3A_31 = tpu.vector_load_idx %arg8[%add3A_30] : memref<512xi32, #tpu.memory_space<vmem>>[vector<16xi32>], vector<16xi32>,
    %gather3A_32 = tpu.vector_load_idx %arg9[%add3A_30] : memref<512xf32, #tpu.memory_space<vmem>>[vector<16xi32>], vector<16xf32>,
    %gather3A_33 = tpu.vector_load_idx %arg7[%gather3A_31] : memref<4096xf32, #tpu.memory_space<vmem>>[vector<16xi32>], vector<16xf32>,
    %mul3A_34 = arith.mulf %gather3A_33, %gather3A_32 : vector<16xf32>
    %add3A_35 = arith.addf %add3A_20, %mul3A_34 : vector<16xf32>
    %add3A_36 = arith.addf %add3A_21, %gather3A_32 : vector<16xf32>
    %mul3A_37 = arith.constant 8 : i32
    %mul3A_38 = vector.broadcast %mul3A_37 : i32 to vector<16xi32>
    %mul3A_39 = arith.muli %iota3A, %mul3A_38 : vector<16xi32>
    %add3A_40 = arith.constant 0 : i32
    %add3A_41 = vector.broadcast %add3A_40 : i32 to vector<16xi32>
    %add3A_42 = arith.addi %add3A_41, %mul3A_39 : vector<16xi32>
    %add3A_43 = arith.constant 2 : i32
    %add3A_44 = vector.broadcast %add3A_43 : i32 to vector<16xi32>
    %add3A_45 = arith.addi %add3A_42, %add3A_44 : vector<16xi32>
    %gather3A_46 = tpu.vector_load_idx %arg8[%add3A_45] : memref<512xi32, #tpu.memory_space<vmem>>[vector<16xi32>], vector<16xi32>,
    %gather3A_47 = tpu.vector_load_idx %arg9[%add3A_45] : memref<512xf32, #tpu.memory_space<vmem>>[vector<16xi32>], vector<16xf32>,
    %gather3A_48 = tpu.vector_load_idx %arg7[%gather3A_46] : memref<4096xf32, #tpu.memory_space<vmem>>[vector<16xi32>], vector<16xf32>,
    %mul3A_49 = arith.mulf %gather3A_48, %gather3A_47 : vector<16xf32>
    %add3A_50 = arith.addf %add3A_35, %mul3A_49 : vector<16xf32>
    %add3A_51 = arith.addf %add3A_36, %gather3A_47 : vector<16xf32>
    %mul3A_52 = arith.constant 8 : i32
    %mul3A_53 = vector.broadcast %mul3A_52 : i32 to vector<16xi32>
    %mul3A_54 = arith.muli %iota3A, %mul3A_53 : vector<16xi32>
    %add3A_55 = arith.constant 0 : i32
    %add3A_56 = vector.broadcast %add3A_55 : i32 to vector<16xi32>
    %add3A_57 = arith.addi %add3A_56, %mul3A_54 : vector<16xi32>
    %add3A_58 = arith.constant 3 : i32
    %add3A_59 = vector.broadcast %add3A_58 : i32 to vector<16xi32>
    %add3A_60 = arith.addi %add3A_57, %add3A_59 : vector<16xi32>
    %gather3A_61 = tpu.vector_load_idx %arg8[%add3A_60] : memref<512xi32, #tpu.memory_space<vmem>>[vector<16xi32>], vector<16xi32>,
    %gather3A_62 = tpu.vector_load_idx %arg9[%add3A_60] : memref<512xf32, #tpu.memory_space<vmem>>[vector<16xi32>], vector<16xf32>,
    %gather3A_63 = tpu.vector_load_idx %arg7[%gather3A_61] : memref<4096xf32, #tpu.memory_space<vmem>>[vector<16xi32>], vector<16xf32>,
    %mul3A_64 = arith.mulf %gather3A_63, %gather3A_62 : vector<16xf32>
    %add3A_65 = arith.addf %add3A_50, %mul3A_64 : vector<16xf32>
    %add3A_66 = arith.addf %add3A_51, %gather3A_62 : vector<16xf32>
    %mul3A_67 = arith.constant 8 : i32
    %mul3A_68 = vector.broadcast %mul3A_67 : i32 to vector<16xi32>
    %mul3A_69 = arith.muli %iota3A, %mul3A_68 : vector<16xi32>
    %add3A_70 = arith.constant 0 : i32
    %add3A_71 = vector.broadcast %add3A_70 : i32 to vector<16xi32>
    %add3A_72 = arith.addi %add3A_71, %mul3A_69 : vector<16xi32>
    %add3A_73 = arith.constant 4 : i32
    %add3A_74 = vector.broadcast %add3A_73 : i32 to vector<16xi32>
    %add3A_75 = arith.addi %add3A_72, %add3A_74 : vector<16xi32>
    %gather3A_76 = tpu.vector_load_idx %arg8[%add3A_75] : memref<512xi32, #tpu.memory_space<vmem>>[vector<16xi32>], vector<16xi32>,
    %gather3A_77 = tpu.vector_load_idx %arg9[%add3A_75] : memref<512xf32, #tpu.memory_space<vmem>>[vector<16xi32>], vector<16xf32>,
    %gather3A_78 = tpu.vector_load_idx %arg7[%gather3A_76] : memref<4096xf32, #tpu.memory_space<vmem>>[vector<16xi32>], vector<16xf32>,
    %mul3A_79 = arith.mulf %gather3A_78, %gather3A_77 : vector<16xf32>
    %add3A_80 = arith.addf %add3A_65, %mul3A_79 : vector<16xf32>
    %add3A_81 = arith.addf %add3A_66, %gather3A_77 : vector<16xf32>
    %mul3A_82 = arith.constant 8 : i32
    %mul3A_83 = vector.broadcast %mul3A_82 : i32 to vector<16xi32>
    %mul3A_84 = arith.muli %iota3A, %mul3A_83 : vector<16xi32>
    %add3A_85 = arith.constant 0 : i32
    %add3A_86 = vector.broadcast %add3A_85 : i32 to vector<16xi32>
    %add3A_87 = arith.addi %add3A_86, %mul3A_84 : vector<16xi32>
    %add3A_88 = arith.constant 5 : i32
    %add3A_89 = vector.broadcast %add3A_88 : i32 to vector<16xi32>
    %add3A_90 = arith.addi %add3A_87, %add3A_89 : vector<16xi32>
    %gather3A_91 = tpu.vector_load_idx %arg8[%add3A_90] : memref<512xi32, #tpu.memory_space<vmem>>[vector<16xi32>], vector<16xi32>,
    %gather3A_92 = tpu.vector_load_idx %arg9[%add3A_90] : memref<512xf32, #tpu.memory_space<vmem>>[vector<16xi32>], vector<16xf32>,
    %gather3A_93 = tpu.vector_load_idx %arg7[%gather3A_91] : memref<4096xf32, #tpu.memory_space<vmem>>[vector<16xi32>], vector<16xf32>,
    %mul3A_94 = arith.mulf %gather3A_93, %gather3A_92 : vector<16xf32>
    %add3A_95 = arith.addf %add3A_80, %mul3A_94 : vector<16xf32>
    %add3A_96 = arith.addf %add3A_81, %gather3A_92 : vector<16xf32>
    %mul3A_97 = arith.constant 8 : i32
    %mul3A_98 = vector.broadcast %mul3A_97 : i32 to vector<16xi32>
    %mul3A_99 = arith.muli %iota3A, %mul3A_98 : vector<16xi32>
    %add3A_100 = arith.constant 0 : i32
    %add3A_101 = vector.broadcast %add3A_100 : i32 to vector<16xi32>
    %add3A_102 = arith.addi %add3A_101, %mul3A_99 : vector<16xi32>
    %add3A_103 = arith.constant 6 : i32
    %add3A_104 = vector.broadcast %add3A_103 : i32 to vector<16xi32>
    %add3A_105 = arith.addi %add3A_102, %add3A_104 : vector<16xi32>
    %gather3A_106 = tpu.vector_load_idx %arg8[%add3A_105] : memref<512xi32, #tpu.memory_space<vmem>>[vector<16xi32>], vector<16xi32>,
    %gather3A_107 = tpu.vector_load_idx %arg9[%add3A_105] : memref<512xf32, #tpu.memory_space<vmem>>[vector<16xi32>], vector<16xf32>,
    %gather3A_108 = tpu.vector_load_idx %arg7[%gather3A_106] : memref<4096xf32, #tpu.memory_space<vmem>>[vector<16xi32>], vector<16xf32>,
    %mul3A_109 = arith.mulf %gather3A_108, %gather3A_107 : vector<16xf32>
    %add3A_110 = arith.addf %add3A_95, %mul3A_109 : vector<16xf32>
    %add3A_111 = arith.addf %add3A_96, %gather3A_107 : vector<16xf32>
    %mul3A_112 = arith.constant 8 : i32
    %mul3A_113 = vector.broadcast %mul3A_112 : i32 to vector<16xi32>
    %mul3A_114 = arith.muli %iota3A, %mul3A_113 : vector<16xi32>
    %add3A_115 = arith.constant 0 : i32
    %add3A_116 = vector.broadcast %add3A_115 : i32 to vector<16xi32>
    %add3A_117 = arith.addi %add3A_116, %mul3A_114 : vector<16xi32>
    %add3A_118 = arith.constant 7 : i32
    %add3A_119 = vector.broadcast %add3A_118 : i32 to vector<16xi32>
    %add3A_120 = arith.addi %add3A_117, %add3A_119 : vector<16xi32>
    %gather3A_121 = tpu.vector_load_idx %arg8[%add3A_120] : memref<512xi32, #tpu.memory_space<vmem>>[vector<16xi32>], vector<16xi32>,
    %gather3A_122 = tpu.vector_load_idx %arg9[%add3A_120] : memref<512xf32, #tpu.memory_space<vmem>>[vector<16xi32>], vector<16xf32>,
    %gather3A_123 = tpu.vector_load_idx %arg7[%gather3A_121] : memref<4096xf32, #tpu.memory_space<vmem>>[vector<16xi32>], vector<16xf32>,
    %mul3A_124 = arith.mulf %gather3A_123, %gather3A_122 : vector<16xf32>
    %add3A_125 = arith.addf %add3A_110, %mul3A_124 : vector<16xf32>
    %add3A_126 = arith.addf %add3A_111, %gather3A_122 : vector<16xf32>
    %swap3A = arith.constant 0 : index
    %swap3A_127 = tpu.vector_load %arg10[%swap3A] {strides = array<i32>} : memref<64xf32, #tpu.memory_space<vmem>>, vector<16xf32>,
    tpu.vector_store %arg10[%swap3A], %add3A_125 {strides = array<i32>} : memref<64xf32, #tpu.memory_space<vmem>>, vector<16xf32>,
    %swap3A_128 = arith.constant 0 : index
    %swap3A_129 = tpu.vector_load %arg11[%swap3A_128] {strides = array<i32>} : memref<64xf32, #tpu.memory_space<vmem>>, vector<16xf32>,
    tpu.vector_store %arg11[%swap3A_128], %add3A_126 {strides = array<i32>} : memref<64xf32, #tpu.memory_space<vmem>>, vector<16xf32>,
    %broadcast_in_dim3A_130 = arith.constant 0.000000e+00 : f32
    %broadcast_in_dim3A_131 = vector.broadcast %broadcast_in_dim3A_130 : f32 to vector<16xf32>
    %broadcast_in_dim3A_132 = arith.constant 0.000000e+00 : f32
    %broadcast_in_dim3A_133 = vector.broadcast %broadcast_in_dim3A_132 : f32 to vector<16xf32>
    %mul3A_134 = arith.constant 8 : i32
    %mul3A_135 = vector.broadcast %mul3A_134 : i32 to vector<16xi32>
    %mul3A_136 = arith.muli %iota3A, %mul3A_135 : vector<16xi32>
    %add3A_137 = arith.constant 128 : i32
    %add3A_138 = vector.broadcast %add3A_137 : i32 to vector<16xi32>
    %add3A_139 = arith.addi %add3A_138, %mul3A_136 : vector<16xi32>
    %add3A_140 = arith.constant 0 : i32
    %add3A_141 = vector.broadcast %add3A_140 : i32 to vector<16xi32>
    %add3A_142 = arith.addi %add3A_139, %add3A_141 : vector<16xi32>
    %gather3A_143 = tpu.vector_load_idx %arg8[%add3A_142] : memref<512xi32, #tpu.memory_space<vmem>>[vector<16xi32>], vector<16xi32>,
    %gather3A_144 = tpu.vector_load_idx %arg9[%add3A_142] : memref<512xf32, #tpu.memory_space<vmem>>[vector<16xi32>], vector<16xf32>,
    %gather3A_145 = tpu.vector_load_idx %arg7[%gather3A_143] : memref<4096xf32, #tpu.memory_space<vmem>>[vector<16xi32>], vector<16xf32>,
    %mul3A_146 = arith.mulf %gather3A_145, %gather3A_144 : vector<16xf32>
    %add3A_147 = arith.addf %broadcast_in_dim3A_131, %mul3A_146 : vector<16xf32>
    %add3A_148 = arith.addf %broadcast_in_dim3A_133, %gather3A_144 : vector<16xf32>
    %mul3A_149 = arith.constant 8 : i32
    %mul3A_150 = vector.broadcast %mul3A_149 : i32 to vector<16xi32>
    %mul3A_151 = arith.muli %iota3A, %mul3A_150 : vector<16xi32>
    %add3A_152 = arith.constant 128 : i32
    %add3A_153 = vector.broadcast %add3A_152 : i32 to vector<16xi32>
    %add3A_154 = arith.addi %add3A_153, %mul3A_151 : vector<16xi32>
    %add3A_155 = arith.constant 1 : i32
    %add3A_156 = vector.broadcast %add3A_155 : i32 to vector<16xi32>
    %add3A_157 = arith.addi %add3A_154, %add3A_156 : vector<16xi32>
    %gather3A_158 = tpu.vector_load_idx %arg8[%add3A_157] : memref<512xi32, #tpu.memory_space<vmem>>[vector<16xi32>], vector<16xi32>,
    %gather3A_159 = tpu.vector_load_idx %arg9[%add3A_157] : memref<512xf32, #tpu.memory_space<vmem>>[vector<16xi32>], vector<16xf32>,
    %gather3A_160 = tpu.vector_load_idx %arg7[%gather3A_158] : memref<4096xf32, #tpu.memory_space<vmem>>[vector<16xi32>], vector<16xf32>,
    %mul3A_161 = arith.mulf %gather3A_160, %gather3A_159 : vector<16xf32>
    %add3A_162 = arith.addf %add3A_147, %mul3A_161 : vector<16xf32>
    %add3A_163 = arith.addf %add3A_148, %gather3A_159 : vector<16xf32>
    %mul3A_164 = arith.constant 8 : i32
    %mul3A_165 = vector.broadcast %mul3A_164 : i32 to vector<16xi32>
    %mul3A_166 = arith.muli %iota3A, %mul3A_165 : vector<16xi32>
    %add3A_167 = arith.constant 128 : i32
    %add3A_168 = vector.broadcast %add3A_167 : i32 to vector<16xi32>
    %add3A_169 = arith.addi %add3A_168, %mul3A_166 : vector<16xi32>
    %add3A_170 = arith.constant 2 : i32
    %add3A_171 = vector.broadcast %add3A_170 : i32 to vector<16xi32>
    %add3A_172 = arith.addi %add3A_169, %add3A_171 : vector<16xi32>
    %gather3A_173 = tpu.vector_load_idx %arg8[%add3A_172] : memref<512xi32, #tpu.memory_space<vmem>>[vector<16xi32>], vector<16xi32>,
    %gather3A_174 = tpu.vector_load_idx %arg9[%add3A_172] : memref<512xf32, #tpu.memory_space<vmem>>[vector<16xi32>], vector<16xf32>,
    %gather3A_175 = tpu.vector_load_idx %arg7[%gather3A_173] : memref<4096xf32, #tpu.memory_space<vmem>>[vector<16xi32>], vector<16xf32>,
    %mul3A_176 = arith.mulf %gather3A_175, %gather3A_174 : vector<16xf32>
    %add3A_177 = arith.addf %add3A_162, %mul3A_176 : vector<16xf32>
    %add3A_178 = arith.addf %add3A_163, %gather3A_174 : vector<16xf32>
    %mul3A_179 = arith.constant 8 : i32
    %mul3A_180 = vector.broadcast %mul3A_179 : i32 to vector<16xi32>
    %mul3A_181 = arith.muli %iota3A, %mul3A_180 : vector<16xi32>
    %add3A_182 = arith.constant 128 : i32
    %add3A_183 = vector.broadcast %add3A_182 : i32 to vector<16xi32>
    %add3A_184 = arith.addi %add3A_183, %mul3A_181 : vector<16xi32>
    %add3A_185 = arith.constant 3 : i32
    %add3A_186 = vector.broadcast %add3A_185 : i32 to vector<16xi32>
    %add3A_187 = arith.addi %add3A_184, %add3A_186 : vector<16xi32>
    %gather3A_188 = tpu.vector_load_idx %arg8[%add3A_187] : memref<512xi32, #tpu.memory_space<vmem>>[vector<16xi32>], vector<16xi32>,
    %gather3A_189 = tpu.vector_load_idx %arg9[%add3A_187] : memref<512xf32, #tpu.memory_space<vmem>>[vector<16xi32>], vector<16xf32>,
    %gather3A_190 = tpu.vector_load_idx %arg7[%gather3A_188] : memref<4096xf32, #tpu.memory_space<vmem>>[vector<16xi32>], vector<16xf32>,
    %mul3A_191 = arith.mulf %gather3A_190, %gather3A_189 : vector<16xf32>
    %add3A_192 = arith.addf %add3A_177, %mul3A_191 : vector<16xf32>
    %add3A_193 = arith.addf %add3A_178, %gather3A_189 : vector<16xf32>
    %mul3A_194 = arith.constant 8 : i32
    %mul3A_195 = vector.broadcast %mul3A_194 : i32 to vector<16xi32>
    %mul3A_196 = arith.muli %iota3A, %mul3A_195 : vector<16xi32>
    %add3A_197 = arith.constant 128 : i32
    %add3A_198 = vector.broadcast %add3A_197 : i32 to vector<16xi32>
    %add3A_199 = arith.addi %add3A_198, %mul3A_196 : vector<16xi32>
    %add3A_200 = arith.constant 4 : i32
    %add3A_201 = vector.broadcast %add3A_200 : i32 to vector<16xi32>
    %add3A_202 = arith.addi %add3A_199, %add3A_201 : vector<16xi32>
    %gather3A_203 = tpu.vector_load_idx %arg8[%add3A_202] : memref<512xi32, #tpu.memory_space<vmem>>[vector<16xi32>], vector<16xi32>,
    %gather3A_204 = tpu.vector_load_idx %arg9[%add3A_202] : memref<512xf32, #tpu.memory_space<vmem>>[vector<16xi32>], vector<16xf32>,
    %gather3A_205 = tpu.vector_load_idx %arg7[%gather3A_203] : memref<4096xf32, #tpu.memory_space<vmem>>[vector<16xi32>], vector<16xf32>,
    %mul3A_206 = arith.mulf %gather3A_205, %gather3A_204 : vector<16xf32>
    %add3A_207 = arith.addf %add3A_192, %mul3A_206 : vector<16xf32>
    %add3A_208 = arith.addf %add3A_193, %gather3A_204 : vector<16xf32>
    %mul3A_209 = arith.constant 8 : i32
    %mul3A_210 = vector.broadcast %mul3A_209 : i32 to vector<16xi32>
    %mul3A_211 = arith.muli %iota3A, %mul3A_210 : vector<16xi32>
    %add3A_212 = arith.constant 128 : i32
    %add3A_213 = vector.broadcast %add3A_212 : i32 to vector<16xi32>
    %add3A_214 = arith.addi %add3A_213, %mul3A_211 : vector<16xi32>
    %add3A_215 = arith.constant 5 : i32
    %add3A_216 = vector.broadcast %add3A_215 : i32 to vector<16xi32>
    %add3A_217 = arith.addi %add3A_214, %add3A_216 : vector<16xi32>
    %gather3A_218 = tpu.vector_load_idx %arg8[%add3A_217] : memref<512xi32, #tpu.memory_space<vmem>>[vector<16xi32>], vector<16xi32>,
    %gather3A_219 = tpu.vector_load_idx %arg9[%add3A_217] : memref<512xf32, #tpu.memory_space<vmem>>[vector<16xi32>], vector<16xf32>,
    %gather3A_220 = tpu.vector_load_idx %arg7[%gather3A_218] : memref<4096xf32, #tpu.memory_space<vmem>>[vector<16xi32>], vector<16xf32>,
    %mul3A_221 = arith.mulf %gather3A_220, %gather3A_219 : vector<16xf32>
    %add3A_222 = arith.addf %add3A_207, %mul3A_221 : vector<16xf32>
    %add3A_223 = arith.addf %add3A_208, %gather3A_219 : vector<16xf32>
    %mul3A_224 = arith.constant 8 : i32
    %mul3A_225 = vector.broadcast %mul3A_224 : i32 to vector<16xi32>
    %mul3A_226 = arith.muli %iota3A, %mul3A_225 : vector<16xi32>
    %add3A_227 = arith.constant 128 : i32
    %add3A_228 = vector.broadcast %add3A_227 : i32 to vector<16xi32>
    %add3A_229 = arith.addi %add3A_228, %mul3A_226 : vector<16xi32>
    %add3A_230 = arith.constant 6 : i32
    %add3A_231 = vector.broadcast %add3A_230 : i32 to vector<16xi32>
    %add3A_232 = arith.addi %add3A_229, %add3A_231 : vector<16xi32>
    %gather3A_233 = tpu.vector_load_idx %arg8[%add3A_232] : memref<512xi32, #tpu.memory_space<vmem>>[vector<16xi32>], vector<16xi32>,
    %gather3A_234 = tpu.vector_load_idx %arg9[%add3A_232] : memref<512xf32, #tpu.memory_space<vmem>>[vector<16xi32>], vector<16xf32>,
    %gather3A_235 = tpu.vector_load_idx %arg7[%gather3A_233] : memref<4096xf32, #tpu.memory_space<vmem>>[vector<16xi32>], vector<16xf32>,
    %mul3A_236 = arith.mulf %gather3A_235, %gather3A_234 : vector<16xf32>
    %add3A_237 = arith.addf %add3A_222, %mul3A_236 : vector<16xf32>
    %add3A_238 = arith.addf %add3A_223, %gather3A_234 : vector<16xf32>
    %mul3A_239 = arith.constant 8 : i32
    %mul3A_240 = vector.broadcast %mul3A_239 : i32 to vector<16xi32>
    %mul3A_241 = arith.muli %iota3A, %mul3A_240 : vector<16xi32>
    %add3A_242 = arith.constant 128 : i32
    %add3A_243 = vector.broadcast %add3A_242 : i32 to vector<16xi32>
    %add3A_244 = arith.addi %add3A_243, %mul3A_241 : vector<16xi32>
    %add3A_245 = arith.constant 7 : i32
    %add3A_246 = vector.broadcast %add3A_245 : i32 to vector<16xi32>
    %add3A_247 = arith.addi %add3A_244, %add3A_246 : vector<16xi32>
    %gather3A_248 = tpu.vector_load_idx %arg8[%add3A_247] : memref<512xi32, #tpu.memory_space<vmem>>[vector<16xi32>], vector<16xi32>,
    %gather3A_249 = tpu.vector_load_idx %arg9[%add3A_247] : memref<512xf32, #tpu.memory_space<vmem>>[vector<16xi32>], vector<16xf32>,
    %gather3A_250 = tpu.vector_load_idx %arg7[%gather3A_248] : memref<4096xf32, #tpu.memory_space<vmem>>[vector<16xi32>], vector<16xf32>,
    %mul3A_251 = arith.mulf %gather3A_250, %gather3A_249 : vector<16xf32>
    %add3A_252 = arith.addf %add3A_237, %mul3A_251 : vector<16xf32>
    %add3A_253 = arith.addf %add3A_238, %gather3A_249 : vector<16xf32>
    %swap3A_254 = arith.constant 16 : index
    %swap3A_255 = tpu.vector_load %arg10[%swap3A_254] {strides = array<i32>} : memref<64xf32, #tpu.memory_space<vmem>>, vector<16xf32>,
    tpu.vector_store %arg10[%swap3A_254], %add3A_252 {strides = array<i32>} : memref<64xf32, #tpu.memory_space<vmem>>, vector<16xf32>,
    %swap3A_256 = arith.constant 16 : index
    %swap3A_257 = tpu.vector_load %arg11[%swap3A_256] {strides = array<i32>} : memref<64xf32, #tpu.memory_space<vmem>>, vector<16xf32>,
    tpu.vector_store %arg11[%swap3A_256], %add3A_253 {strides = array<i32>} : memref<64xf32, #tpu.memory_space<vmem>>, vector<16xf32>,
    %broadcast_in_dim3A_258 = arith.constant 0.000000e+00 : f32
    %broadcast_in_dim3A_259 = vector.broadcast %broadcast_in_dim3A_258 : f32 to vector<16xf32>
    %broadcast_in_dim3A_260 = arith.constant 0.000000e+00 : f32
    %broadcast_in_dim3A_261 = vector.broadcast %broadcast_in_dim3A_260 : f32 to vector<16xf32>
    %mul3A_262 = arith.constant 8 : i32
    %mul3A_263 = vector.broadcast %mul3A_262 : i32 to vector<16xi32>
    %mul3A_264 = arith.muli %iota3A, %mul3A_263 : vector<16xi32>
    %add3A_265 = arith.constant 256 : i32
    %add3A_266 = vector.broadcast %add3A_265 : i32 to vector<16xi32>
    %add3A_267 = arith.addi %add3A_266, %mul3A_264 : vector<16xi32>
    %add3A_268 = arith.constant 0 : i32
    %add3A_269 = vector.broadcast %add3A_268 : i32 to vector<16xi32>
    %add3A_270 = arith.addi %add3A_267, %add3A_269 : vector<16xi32>
    %gather3A_271 = tpu.vector_load_idx %arg8[%add3A_270] : memref<512xi32, #tpu.memory_space<vmem>>[vector<16xi32>], vector<16xi32>,
    %gather3A_272 = tpu.vector_load_idx %arg9[%add3A_270] : memref<512xf32, #tpu.memory_space<vmem>>[vector<16xi32>], vector<16xf32>,
    %gather3A_273 = tpu.vector_load_idx %arg7[%gather3A_271] : memref<4096xf32, #tpu.memory_space<vmem>>[vector<16xi32>], vector<16xf32>,
    %mul3A_274 = arith.mulf %gather3A_273, %gather3A_272 : vector<16xf32>
    %add3A_275 = arith.addf %broadcast_in_dim3A_259, %mul3A_274 : vector<16xf32>
    %add3A_276 = arith.addf %broadcast_in_dim3A_261, %gather3A_272 : vector<16xf32>
    %mul3A_277 = arith.constant 8 : i32
    %mul3A_278 = vector.broadcast %mul3A_277 : i32 to vector<16xi32>
    %mul3A_279 = arith.muli %iota3A, %mul3A_278 : vector<16xi32>
    %add3A_280 = arith.constant 256 : i32
    %add3A_281 = vector.broadcast %add3A_280 : i32 to vector<16xi32>
    %add3A_282 = arith.addi %add3A_281, %mul3A_279 : vector<16xi32>
    %add3A_283 = arith.constant 1 : i32
    %add3A_284 = vector.broadcast %add3A_283 : i32 to vector<16xi32>
    %add3A_285 = arith.addi %add3A_282, %add3A_284 : vector<16xi32>
    %gather3A_286 = tpu.vector_load_idx %arg8[%add3A_285] : memref<512xi32, #tpu.memory_space<vmem>>[vector<16xi32>], vector<16xi32>,
    %gather3A_287 = tpu.vector_load_idx %arg9[%add3A_285] : memref<512xf32, #tpu.memory_space<vmem>>[vector<16xi32>], vector<16xf32>,
    %gather3A_288 = tpu.vector_load_idx %arg7[%gather3A_286] : memref<4096xf32, #tpu.memory_space<vmem>>[vector<16xi32>], vector<16xf32>,
    %mul3A_289 = arith.mulf %gather3A_288, %gather3A_287 : vector<16xf32>
    %add3A_290 = arith.addf %add3A_275, %mul3A_289 : vector<16xf32>
    %add3A_291 = arith.addf %add3A_276, %gather3A_287 : vector<16xf32>
    %mul3A_292 = arith.constant 8 : i32
    %mul3A_293 = vector.broadcast %mul3A_292 : i32 to vector<16xi32>
    %mul3A_294 = arith.muli %iota3A, %mul3A_293 : vector<16xi32>
    %add3A_295 = arith.constant 256 : i32
    %add3A_296 = vector.broadcast %add3A_295 : i32 to vector<16xi32>
    %add3A_297 = arith.addi %add3A_296, %mul3A_294 : vector<16xi32>
    %add3A_298 = arith.constant 2 : i32
    %add3A_299 = vector.broadcast %add3A_298 : i32 to vector<16xi32>
    %add3A_300 = arith.addi %add3A_297, %add3A_299 : vector<16xi32>
    %gather3A_301 = tpu.vector_load_idx %arg8[%add3A_300] : memref<512xi32, #tpu.memory_space<vmem>>[vector<16xi32>], vector<16xi32>,
    %gather3A_302 = tpu.vector_load_idx %arg9[%add3A_300] : memref<512xf32, #tpu.memory_space<vmem>>[vector<16xi32>], vector<16xf32>,
    %gather3A_303 = tpu.vector_load_idx %arg7[%gather3A_301] : memref<4096xf32, #tpu.memory_space<vmem>>[vector<16xi32>], vector<16xf32>,
    %mul3A_304 = arith.mulf %gather3A_303, %gather3A_302 : vector<16xf32>
    %add3A_305 = arith.addf %add3A_290, %mul3A_304 : vector<16xf32>
    %add3A_306 = arith.addf %add3A_291, %gather3A_302 : vector<16xf32>
    %mul3A_307 = arith.constant 8 : i32
    %mul3A_308 = vector.broadcast %mul3A_307 : i32 to vector<16xi32>
    %mul3A_309 = arith.muli %iota3A, %mul3A_308 : vector<16xi32>
    %add3A_310 = arith.constant 256 : i32
    %add3A_311 = vector.broadcast %add3A_310 : i32 to vector<16xi32>
    %add3A_312 = arith.addi %add3A_311, %mul3A_309 : vector<16xi32>
    %add3A_313 = arith.constant 3 : i32
    %add3A_314 = vector.broadcast %add3A_313 : i32 to vector<16xi32>
    %add3A_315 = arith.addi %add3A_312, %add3A_314 : vector<16xi32>
    %gather3A_316 = tpu.vector_load_idx %arg8[%add3A_315] : memref<512xi32, #tpu.memory_space<vmem>>[vector<16xi32>], vector<16xi32>,
    %gather3A_317 = tpu.vector_load_idx %arg9[%add3A_315] : memref<512xf32, #tpu.memory_space<vmem>>[vector<16xi32>], vector<16xf32>,
    %gather3A_318 = tpu.vector_load_idx %arg7[%gather3A_316] : memref<4096xf32, #tpu.memory_space<vmem>>[vector<16xi32>], vector<16xf32>,
    %mul3A_319 = arith.mulf %gather3A_318, %gather3A_317 : vector<16xf32>
    %add3A_320 = arith.addf %add3A_305, %mul3A_319 : vector<16xf32>
    %add3A_321 = arith.addf %add3A_306, %gather3A_317 : vector<16xf32>
    %mul3A_322 = arith.constant 8 : i32
    %mul3A_323 = vector.broadcast %mul3A_322 : i32 to vector<16xi32>
    %mul3A_324 = arith.muli %iota3A, %mul3A_323 : vector<16xi32>
    %add3A_325 = arith.constant 256 : i32
    %add3A_326 = vector.broadcast %add3A_325 : i32 to vector<16xi32>
    %add3A_327 = arith.addi %add3A_326, %mul3A_324 : vector<16xi32>
    %add3A_328 = arith.constant 4 : i32
    %add3A_329 = vector.broadcast %add3A_328 : i32 to vector<16xi32>
    %add3A_330 = arith.addi %add3A_327, %add3A_329 : vector<16xi32>
    %gather3A_331 = tpu.vector_load_idx %arg8[%add3A_330] : memref<512xi32, #tpu.memory_space<vmem>>[vector<16xi32>], vector<16xi32>,
    %gather3A_332 = tpu.vector_load_idx %arg9[%add3A_330] : memref<512xf32, #tpu.memory_space<vmem>>[vector<16xi32>], vector<16xf32>,
    %gather3A_333 = tpu.vector_load_idx %arg7[%gather3A_331] : memref<4096xf32, #tpu.memory_space<vmem>>[vector<16xi32>], vector<16xf32>,
    %mul3A_334 = arith.mulf %gather3A_333, %gather3A_332 : vector<16xf32>
    %add3A_335 = arith.addf %add3A_320, %mul3A_334 : vector<16xf32>
    %add3A_336 = arith.addf %add3A_321, %gather3A_332 : vector<16xf32>
    %mul3A_337 = arith.constant 8 : i32
    %mul3A_338 = vector.broadcast %mul3A_337 : i32 to vector<16xi32>
    %mul3A_339 = arith.muli %iota3A, %mul3A_338 : vector<16xi32>
    %add3A_340 = arith.constant 256 : i32
    %add3A_341 = vector.broadcast %add3A_340 : i32 to vector<16xi32>
    %add3A_342 = arith.addi %add3A_341, %mul3A_339 : vector<16xi32>
    %add3A_343 = arith.constant 5 : i32
    %add3A_344 = vector.broadcast %add3A_343 : i32 to vector<16xi32>
    %add3A_345 = arith.addi %add3A_342, %add3A_344 : vector<16xi32>
    %gather3A_346 = tpu.vector_load_idx %arg8[%add3A_345] : memref<512xi32, #tpu.memory_space<vmem>>[vector<16xi32>], vector<16xi32>,
    %gather3A_347 = tpu.vector_load_idx %arg9[%add3A_345] : memref<512xf32, #tpu.memory_space<vmem>>[vector<16xi32>], vector<16xf32>,
    %gather3A_348 = tpu.vector_load_idx %arg7[%gather3A_346] : memref<4096xf32, #tpu.memory_space<vmem>>[vector<16xi32>], vector<16xf32>,
    %mul3A_349 = arith.mulf %gather3A_348, %gather3A_347 : vector<16xf32>
    %add3A_350 = arith.addf %add3A_335, %mul3A_349 : vector<16xf32>
    %add3A_351 = arith.addf %add3A_336, %gather3A_347 : vector<16xf32>
    %mul3A_352 = arith.constant 8 : i32
    %mul3A_353 = vector.broadcast %mul3A_352 : i32 to vector<16xi32>
    %mul3A_354 = arith.muli %iota3A, %mul3A_353 : vector<16xi32>
    %add3A_355 = arith.constant 256 : i32
    %add3A_356 = vector.broadcast %add3A_355 : i32 to vector<16xi32>
    %add3A_357 = arith.addi %add3A_356, %mul3A_354 : vector<16xi32>
    %add3A_358 = arith.constant 6 : i32
    %add3A_359 = vector.broadcast %add3A_358 : i32 to vector<16xi32>
    %add3A_360 = arith.addi %add3A_357, %add3A_359 : vector<16xi32>
    %gather3A_361 = tpu.vector_load_idx %arg8[%add3A_360] : memref<512xi32, #tpu.memory_space<vmem>>[vector<16xi32>], vector<16xi32>,
    %gather3A_362 = tpu.vector_load_idx %arg9[%add3A_360] : memref<512xf32, #tpu.memory_space<vmem>>[vector<16xi32>], vector<16xf32>,
    %gather3A_363 = tpu.vector_load_idx %arg7[%gather3A_361] : memref<4096xf32, #tpu.memory_space<vmem>>[vector<16xi32>], vector<16xf32>,
    %mul3A_364 = arith.mulf %gather3A_363, %gather3A_362 : vector<16xf32>
    %add3A_365 = arith.addf %add3A_350, %mul3A_364 : vector<16xf32>
    %add3A_366 = arith.addf %add3A_351, %gather3A_362 : vector<16xf32>
    %mul3A_367 = arith.constant 8 : i32
    %mul3A_368 = vector.broadcast %mul3A_367 : i32 to vector<16xi32>
    %mul3A_369 = arith.muli %iota3A, %mul3A_368 : vector<16xi32>
    %add3A_370 = arith.constant 256 : i32
    %add3A_371 = vector.broadcast %add3A_370 : i32 to vector<16xi32>
    %add3A_372 = arith.addi %add3A_371, %mul3A_369 : vector<16xi32>
    %add3A_373 = arith.constant 7 : i32
    %add3A_374 = vector.broadcast %add3A_373 : i32 to vector<16xi32>
    %add3A_375 = arith.addi %add3A_372, %add3A_374 : vector<16xi32>
    %gather3A_376 = tpu.vector_load_idx %arg8[%add3A_375] : memref<512xi32, #tpu.memory_space<vmem>>[vector<16xi32>], vector<16xi32>,
    %gather3A_377 = tpu.vector_load_idx %arg9[%add3A_375] : memref<512xf32, #tpu.memory_space<vmem>>[vector<16xi32>], vector<16xf32>,
    %gather3A_378 = tpu.vector_load_idx %arg7[%gather3A_376] : memref<4096xf32, #tpu.memory_space<vmem>>[vector<16xi32>], vector<16xf32>,
    %mul3A_379 = arith.mulf %gather3A_378, %gather3A_377 : vector<16xf32>
    %add3A_380 = arith.addf %add3A_365, %mul3A_379 : vector<16xf32>
    %add3A_381 = arith.addf %add3A_366, %gather3A_377 : vector<16xf32>
    %swap3A_382 = arith.constant 32 : index
    %swap3A_383 = tpu.vector_load %arg10[%swap3A_382] {strides = array<i32>} : memref<64xf32, #tpu.memory_space<vmem>>, vector<16xf32>,
    tpu.vector_store %arg10[%swap3A_382], %add3A_380 {strides = array<i32>} : memref<64xf32, #tpu.memory_space<vmem>>, vector<16xf32>,
    %swap3A_384 = arith.constant 32 : index
    %swap3A_385 = tpu.vector_load %arg11[%swap3A_384] {strides = array<i32>} : memref<64xf32, #tpu.memory_space<vmem>>, vector<16xf32>,
    tpu.vector_store %arg11[%swap3A_384], %add3A_381 {strides = array<i32>} : memref<64xf32, #tpu.memory_space<vmem>>, vector<16xf32>,
    %broadcast_in_dim3A_386 = arith.constant 0.000000e+00 : f32
    %broadcast_in_dim3A_387 = vector.broadcast %broadcast_in_dim3A_386 : f32 to vector<16xf32>
    %broadcast_in_dim3A_388 = arith.constant 0.000000e+00 : f32
    %broadcast_in_dim3A_389 = vector.broadcast %broadcast_in_dim3A_388 : f32 to vector<16xf32>
    %mul3A_390 = arith.constant 8 : i32
    %mul3A_391 = vector.broadcast %mul3A_390 : i32 to vector<16xi32>
    %mul3A_392 = arith.muli %iota3A, %mul3A_391 : vector<16xi32>
    %add3A_393 = arith.constant 384 : i32
    %add3A_394 = vector.broadcast %add3A_393 : i32 to vector<16xi32>
    %add3A_395 = arith.addi %add3A_394, %mul3A_392 : vector<16xi32>
    %add3A_396 = arith.constant 0 : i32
    %add3A_397 = vector.broadcast %add3A_396 : i32 to vector<16xi32>
    %add3A_398 = arith.addi %add3A_395, %add3A_397 : vector<16xi32>
    %gather3A_399 = tpu.vector_load_idx %arg8[%add3A_398] : memref<512xi32, #tpu.memory_space<vmem>>[vector<16xi32>], vector<16xi32>,
    %gather3A_400 = tpu.vector_load_idx %arg9[%add3A_398] : memref<512xf32, #tpu.memory_space<vmem>>[vector<16xi32>], vector<16xf32>,
    %gather3A_401 = tpu.vector_load_idx %arg7[%gather3A_399] : memref<4096xf32, #tpu.memory_space<vmem>>[vector<16xi32>], vector<16xf32>,
    %mul3A_402 = arith.mulf %gather3A_401, %gather3A_400 : vector<16xf32>
    %add3A_403 = arith.addf %broadcast_in_dim3A_387, %mul3A_402 : vector<16xf32>
    %add3A_404 = arith.addf %broadcast_in_dim3A_389, %gather3A_400 : vector<16xf32>
    %mul3A_405 = arith.constant 8 : i32
    %mul3A_406 = vector.broadcast %mul3A_405 : i32 to vector<16xi32>
    %mul3A_407 = arith.muli %iota3A, %mul3A_406 : vector<16xi32>
    %add3A_408 = arith.constant 384 : i32
    %add3A_409 = vector.broadcast %add3A_408 : i32 to vector<16xi32>
    %add3A_410 = arith.addi %add3A_409, %mul3A_407 : vector<16xi32>
    %add3A_411 = arith.constant 1 : i32
    %add3A_412 = vector.broadcast %add3A_411 : i32 to vector<16xi32>
    %add3A_413 = arith.addi %add3A_410, %add3A_412 : vector<16xi32>
    %gather3A_414 = tpu.vector_load_idx %arg8[%add3A_413] : memref<512xi32, #tpu.memory_space<vmem>>[vector<16xi32>], vector<16xi32>,
    %gather3A_415 = tpu.vector_load_idx %arg9[%add3A_413] : memref<512xf32, #tpu.memory_space<vmem>>[vector<16xi32>], vector<16xf32>,
    %gather3A_416 = tpu.vector_load_idx %arg7[%gather3A_414] : memref<4096xf32, #tpu.memory_space<vmem>>[vector<16xi32>], vector<16xf32>,
    %mul3A_417 = arith.mulf %gather3A_416, %gather3A_415 : vector<16xf32>
    %add3A_418 = arith.addf %add3A_403, %mul3A_417 : vector<16xf32>
    %add3A_419 = arith.addf %add3A_404, %gather3A_415 : vector<16xf32>
    %mul3A_420 = arith.constant 8 : i32
    %mul3A_421 = vector.broadcast %mul3A_420 : i32 to vector<16xi32>
    %mul3A_422 = arith.muli %iota3A, %mul3A_421 : vector<16xi32>
    %add3A_423 = arith.constant 384 : i32
    %add3A_424 = vector.broadcast %add3A_423 : i32 to vector<16xi32>
    %add3A_425 = arith.addi %add3A_424, %mul3A_422 : vector<16xi32>
    %add3A_426 = arith.constant 2 : i32
    %add3A_427 = vector.broadcast %add3A_426 : i32 to vector<16xi32>
    %add3A_428 = arith.addi %add3A_425, %add3A_427 : vector<16xi32>
    %gather3A_429 = tpu.vector_load_idx %arg8[%add3A_428] : memref<512xi32, #tpu.memory_space<vmem>>[vector<16xi32>], vector<16xi32>,
    %gather3A_430 = tpu.vector_load_idx %arg9[%add3A_428] : memref<512xf32, #tpu.memory_space<vmem>>[vector<16xi32>], vector<16xf32>,
    %gather3A_431 = tpu.vector_load_idx %arg7[%gather3A_429] : memref<4096xf32, #tpu.memory_space<vmem>>[vector<16xi32>], vector<16xf32>,
    %mul3A_432 = arith.mulf %gather3A_431, %gather3A_430 : vector<16xf32>
    %add3A_433 = arith.addf %add3A_418, %mul3A_432 : vector<16xf32>
    %add3A_434 = arith.addf %add3A_419, %gather3A_430 : vector<16xf32>
    %mul3A_435 = arith.constant 8 : i32
    %mul3A_436 = vector.broadcast %mul3A_435 : i32 to vector<16xi32>
    %mul3A_437 = arith.muli %iota3A, %mul3A_436 : vector<16xi32>
    %add3A_438 = arith.constant 384 : i32
    %add3A_439 = vector.broadcast %add3A_438 : i32 to vector<16xi32>
    %add3A_440 = arith.addi %add3A_439, %mul3A_437 : vector<16xi32>
    %add3A_441 = arith.constant 3 : i32
    %add3A_442 = vector.broadcast %add3A_441 : i32 to vector<16xi32>
    %add3A_443 = arith.addi %add3A_440, %add3A_442 : vector<16xi32>
    %gather3A_444 = tpu.vector_load_idx %arg8[%add3A_443] : memref<512xi32, #tpu.memory_space<vmem>>[vector<16xi32>], vector<16xi32>,
    %gather3A_445 = tpu.vector_load_idx %arg9[%add3A_443] : memref<512xf32, #tpu.memory_space<vmem>>[vector<16xi32>], vector<16xf32>,
    %gather3A_446 = tpu.vector_load_idx %arg7[%gather3A_444] : memref<4096xf32, #tpu.memory_space<vmem>>[vector<16xi32>], vector<16xf32>,
    %mul3A_447 = arith.mulf %gather3A_446, %gather3A_445 : vector<16xf32>
    %add3A_448 = arith.addf %add3A_433, %mul3A_447 : vector<16xf32>
    %add3A_449 = arith.addf %add3A_434, %gather3A_445 : vector<16xf32>
    %mul3A_450 = arith.constant 8 : i32
    %mul3A_451 = vector.broadcast %mul3A_450 : i32 to vector<16xi32>
    %mul3A_452 = arith.muli %iota3A, %mul3A_451 : vector<16xi32>
    %add3A_453 = arith.constant 384 : i32
    %add3A_454 = vector.broadcast %add3A_453 : i32 to vector<16xi32>
    %add3A_455 = arith.addi %add3A_454, %mul3A_452 : vector<16xi32>
    %add3A_456 = arith.constant 4 : i32
    %add3A_457 = vector.broadcast %add3A_456 : i32 to vector<16xi32>
    %add3A_458 = arith.addi %add3A_455, %add3A_457 : vector<16xi32>
    %gather3A_459 = tpu.vector_load_idx %arg8[%add3A_458] : memref<512xi32, #tpu.memory_space<vmem>>[vector<16xi32>], vector<16xi32>,
    %gather3A_460 = tpu.vector_load_idx %arg9[%add3A_458] : memref<512xf32, #tpu.memory_space<vmem>>[vector<16xi32>], vector<16xf32>,
    %gather3A_461 = tpu.vector_load_idx %arg7[%gather3A_459] : memref<4096xf32, #tpu.memory_space<vmem>>[vector<16xi32>], vector<16xf32>,
    %mul3A_462 = arith.mulf %gather3A_461, %gather3A_460 : vector<16xf32>
    %add3A_463 = arith.addf %add3A_448, %mul3A_462 : vector<16xf32>
    %add3A_464 = arith.addf %add3A_449, %gather3A_460 : vector<16xf32>
    %mul3A_465 = arith.constant 8 : i32
    %mul3A_466 = vector.broadcast %mul3A_465 : i32 to vector<16xi32>
    %mul3A_467 = arith.muli %iota3A, %mul3A_466 : vector<16xi32>
    %add3A_468 = arith.constant 384 : i32
    %add3A_469 = vector.broadcast %add3A_468 : i32 to vector<16xi32>
    %add3A_470 = arith.addi %add3A_469, %mul3A_467 : vector<16xi32>
    %add3A_471 = arith.constant 5 : i32
    %add3A_472 = vector.broadcast %add3A_471 : i32 to vector<16xi32>
    %add3A_473 = arith.addi %add3A_470, %add3A_472 : vector<16xi32>
    %gather3A_474 = tpu.vector_load_idx %arg8[%add3A_473] : memref<512xi32, #tpu.memory_space<vmem>>[vector<16xi32>], vector<16xi32>,
    %gather3A_475 = tpu.vector_load_idx %arg9[%add3A_473] : memref<512xf32, #tpu.memory_space<vmem>>[vector<16xi32>], vector<16xf32>,
    %gather3A_476 = tpu.vector_load_idx %arg7[%gather3A_474] : memref<4096xf32, #tpu.memory_space<vmem>>[vector<16xi32>], vector<16xf32>,
    %mul3A_477 = arith.mulf %gather3A_476, %gather3A_475 : vector<16xf32>
    %add3A_478 = arith.addf %add3A_463, %mul3A_477 : vector<16xf32>
    %add3A_479 = arith.addf %add3A_464, %gather3A_475 : vector<16xf32>
    %mul3A_480 = arith.constant 8 : i32
    %mul3A_481 = vector.broadcast %mul3A_480 : i32 to vector<16xi32>
    %mul3A_482 = arith.muli %iota3A, %mul3A_481 : vector<16xi32>
    %add3A_483 = arith.constant 384 : i32
    %add3A_484 = vector.broadcast %add3A_483 : i32 to vector<16xi32>
    %add3A_485 = arith.addi %add3A_484, %mul3A_482 : vector<16xi32>
    %add3A_486 = arith.constant 6 : i32
    %add3A_487 = vector.broadcast %add3A_486 : i32 to vector<16xi32>
    %add3A_488 = arith.addi %add3A_485, %add3A_487 : vector<16xi32>
    %gather3A_489 = tpu.vector_load_idx %arg8[%add3A_488] : memref<512xi32, #tpu.memory_space<vmem>>[vector<16xi32>], vector<16xi32>,
    %gather3A_490 = tpu.vector_load_idx %arg9[%add3A_488] : memref<512xf32, #tpu.memory_space<vmem>>[vector<16xi32>], vector<16xf32>,
    %gather3A_491 = tpu.vector_load_idx %arg7[%gather3A_489] : memref<4096xf32, #tpu.memory_space<vmem>>[vector<16xi32>], vector<16xf32>,
    %mul3A_492 = arith.mulf %gather3A_491, %gather3A_490 : vector<16xf32>
    %add3A_493 = arith.addf %add3A_478, %mul3A_492 : vector<16xf32>
    %add3A_494 = arith.addf %add3A_479, %gather3A_490 : vector<16xf32>
    %mul3A_495 = arith.constant 8 : i32
    %mul3A_496 = vector.broadcast %mul3A_495 : i32 to vector<16xi32>
    %mul3A_497 = arith.muli %iota3A, %mul3A_496 : vector<16xi32>
    %add3A_498 = arith.constant 384 : i32
    %add3A_499 = vector.broadcast %add3A_498 : i32 to vector<16xi32>
    %add3A_500 = arith.addi %add3A_499, %mul3A_497 : vector<16xi32>
    %add3A_501 = arith.constant 7 : i32
    %add3A_502 = vector.broadcast %add3A_501 : i32 to vector<16xi32>
    %add3A_503 = arith.addi %add3A_500, %add3A_502 : vector<16xi32>
    %gather3A_504 = tpu.vector_load_idx %arg8[%add3A_503] : memref<512xi32, #tpu.memory_space<vmem>>[vector<16xi32>], vector<16xi32>,
    %gather3A_505 = tpu.vector_load_idx %arg9[%add3A_503] : memref<512xf32, #tpu.memory_space<vmem>>[vector<16xi32>], vector<16xf32>,
    %gather3A_506 = tpu.vector_load_idx %arg7[%gather3A_504] : memref<4096xf32, #tpu.memory_space<vmem>>[vector<16xi32>], vector<16xf32>,
    %mul3A_507 = arith.mulf %gather3A_506, %gather3A_505 : vector<16xf32>
    %add3A_508 = arith.addf %add3A_493, %mul3A_507 : vector<16xf32>
    %add3A_509 = arith.addf %add3A_494, %gather3A_505 : vector<16xf32>
    %swap3A_510 = arith.constant 48 : index
    %swap3A_511 = tpu.vector_load %arg10[%swap3A_510] {strides = array<i32>} : memref<64xf32, #tpu.memory_space<vmem>>, vector<16xf32>,
    tpu.vector_store %arg10[%swap3A_510], %add3A_508 {strides = array<i32>} : memref<64xf32, #tpu.memory_space<vmem>>, vector<16xf32>,
    %swap3A_512 = arith.constant 48 : index
    %swap3A_513 = tpu.vector_load %arg11[%swap3A_512] {strides = array<i32>} : memref<64xf32, #tpu.memory_space<vmem>>, vector<16xf32>,
    tpu.vector_store %arg11[%swap3A_512], %add3A_509 {strides = array<i32>} : memref<64xf32, #tpu.memory_space<vmem>>, vector<16xf32>,
    "tpu.region"() ({
      %run_scoped3A = tpu.sem_alloc : memref<!tpu.dma_semaphore, #tpu.memory_space<semaphore_mem>>
      %dma_start3A = tpu.memref_slice %arg5[%mul3A_4] : memref<2048xf32, #tpu.memory_space<hbm>> -> memref<64xf32, #tpu.memory_space<hbm>>
      %dma_start3A_514 = tpu.memref_slice %arg5[%mul3A_4] : memref<2048xf32, #tpu.memory_space<hbm>> -> memref<64xf32, #tpu.memory_space<hbm>>
      tpu.enqueue_dma source(%arg10 : memref<64xf32, #tpu.memory_space<vmem>>) target(%dma_start3A_514 : memref<64xf32, #tpu.memory_space<hbm>>) target_semaphore(%run_scoped3A : memref<!tpu.dma_semaphore, #tpu.memory_space<semaphore_mem>>)
      %dma_wait3A = tpu.memref_slice %arg5[%mul3A_4] : memref<2048xf32, #tpu.memory_space<hbm>> -> memref<64xf32, #tpu.memory_space<hbm>>
      %dma_wait3A_515 = tpu.memref_slice %arg5[%mul3A_4] : memref<2048xf32, #tpu.memory_space<hbm>> -> memref<64xf32, #tpu.memory_space<hbm>>
      tpu.wait_dma2 semaphore(%run_scoped3A : memref<!tpu.dma_semaphore, #tpu.memory_space<semaphore_mem>>) src(%arg10 : memref<64xf32, #tpu.memory_space<vmem>>) dst(%dma_wait3A_515 : memref<64xf32, #tpu.memory_space<hbm>>)
      tpu.yield
    }) : () -> ()
    "tpu.region"() ({
      %run_scoped3A = tpu.sem_alloc : memref<!tpu.dma_semaphore, #tpu.memory_space<semaphore_mem>>
      %dma_start3A = tpu.memref_slice %arg6[%mul3A_4] : memref<2048xf32, #tpu.memory_space<hbm>> -> memref<64xf32, #tpu.memory_space<hbm>>
      %dma_start3A_514 = tpu.memref_slice %arg6[%mul3A_4] : memref<2048xf32, #tpu.memory_space<hbm>> -> memref<64xf32, #tpu.memory_space<hbm>>
      tpu.enqueue_dma source(%arg11 : memref<64xf32, #tpu.memory_space<vmem>>) target(%dma_start3A_514 : memref<64xf32, #tpu.memory_space<hbm>>) target_semaphore(%run_scoped3A : memref<!tpu.dma_semaphore, #tpu.memory_space<semaphore_mem>>)
      %dma_wait3A = tpu.memref_slice %arg6[%mul3A_4] : memref<2048xf32, #tpu.memory_space<hbm>> -> memref<64xf32, #tpu.memory_space<hbm>>
      %dma_wait3A_515 = tpu.memref_slice %arg6[%mul3A_4] : memref<2048xf32, #tpu.memory_space<hbm>> -> memref<64xf32, #tpu.memory_space<hbm>>
      tpu.wait_dma2 semaphore(%run_scoped3A : memref<!tpu.dma_semaphore, #tpu.memory_space<semaphore_mem>>) src(%arg11 : memref<64xf32, #tpu.memory_space<vmem>>) dst(%dma_wait3A_515 : memref<64xf32, #tpu.memory_space<hbm>>)
      tpu.yield
    }) : () -> ()
    return
  }
}

#map = affine_map<(d0, d1) -> (0, 0)>
#map1 = affine_map<(d0, d1) -> (0)>
module attributes {stable_mosaic.version = 14 : i64} {
  func.func @k(%arg0: i32, %arg1: i32, %arg2: memref<2048x256xi32, #tpu.memory_space<hbm>>, %arg3: memref<14336xi32, #tpu.memory_space<hbm>>, %arg4: memref<14336xf32, #tpu.memory_space<hbm>>, %arg5: memref<2048x512xf32, #tpu.memory_space<hbm>>, %arg6: memref<448xi32, #tpu.memory_space<vmem>>, %arg7: memref<448xf32, #tpu.memory_space<vmem>>, %arg8: memref<112x256xi32, #tpu.memory_space<vmem>>, %arg9: memref<112x256xi32, #tpu.memory_space<vmem>>, %arg10: memref<64x512xf32, #tpu.memory_space<vmem>>, %arg11: memref<!tpu.dma_semaphore, #tpu.memory_space<semaphore_mem>>, %arg12: memref<!tpu.dma_semaphore, #tpu.memory_space<semaphore_mem>>, %arg13: memref<!tpu.dma_semaphore, #tpu.memory_space<semaphore_mem>>) attributes {dimension_semantics = [#tpu.dimension_semantics<core_parallel>, #tpu.dimension_semantics<subcore_parallel>], iteration_bounds = array<i64: 2, 16>, scalar_prefetch = 0 : i64, scratch_operands = 8 : i64, tpu.core_type = #tpu.core_type<sc_vector_subcore>, window_params = [{transform_indices = #map}, {transform_indices = #map1}, {transform_indices = #map1}, {transform_indices = #map}]} {
    %mul3A = arith.constant 2 : i32
    %mul3A_0 = arith.muli %arg1, %mul3A : i32
    %add3A = arith.addi %mul3A_0, %arg0 : i32
    %mul3A_1 = arith.constant 448 : i32
    %mul3A_2 = arith.muli %add3A, %mul3A_1 : i32
    %mul3A_3 = arith.constant 64 : i32
    %mul3A_4 = arith.muli %add3A, %mul3A_3 : i32
    %dma_start3A = tpu.memref_slice %arg3[%mul3A_2] : memref<14336xi32, #tpu.memory_space<hbm>> -> memref<448xi32, #tpu.memory_space<hbm>>
    %dma_start3A_5 = tpu.memref_slice %arg3[%mul3A_2] : memref<14336xi32, #tpu.memory_space<hbm>> -> memref<448xi32, #tpu.memory_space<hbm>>
    tpu.enqueue_dma source(%dma_start3A_5 : memref<448xi32, #tpu.memory_space<hbm>>) target(%arg6 : memref<448xi32, #tpu.memory_space<vmem>>) target_semaphore(%arg13 : memref<!tpu.dma_semaphore, #tpu.memory_space<semaphore_mem>>)
    %dma_start3A_6 = tpu.memref_slice %arg4[%mul3A_2] : memref<14336xf32, #tpu.memory_space<hbm>> -> memref<448xf32, #tpu.memory_space<hbm>>
    %dma_start3A_7 = tpu.memref_slice %arg4[%mul3A_2] : memref<14336xf32, #tpu.memory_space<hbm>> -> memref<448xf32, #tpu.memory_space<hbm>>
    tpu.enqueue_dma source(%dma_start3A_7 : memref<448xf32, #tpu.memory_space<hbm>>) target(%arg7 : memref<448xf32, #tpu.memory_space<vmem>>) target_semaphore(%arg13 : memref<!tpu.dma_semaphore, #tpu.memory_space<semaphore_mem>>)
    %dma_wait3A = tpu.memref_slice %arg3[%mul3A_2] : memref<14336xi32, #tpu.memory_space<hbm>> -> memref<448xi32, #tpu.memory_space<hbm>>
    %dma_wait3A_8 = tpu.memref_slice %arg3[%mul3A_2] : memref<14336xi32, #tpu.memory_space<hbm>> -> memref<448xi32, #tpu.memory_space<hbm>>
    tpu.wait_dma2 semaphore(%arg13 : memref<!tpu.dma_semaphore, #tpu.memory_space<semaphore_mem>>) src(%dma_wait3A_8 : memref<448xi32, #tpu.memory_space<hbm>>) dst(%arg6 : memref<448xi32, #tpu.memory_space<vmem>>)
    %dma_wait3A_9 = tpu.memref_slice %arg4[%mul3A_2] : memref<14336xf32, #tpu.memory_space<hbm>> -> memref<448xf32, #tpu.memory_space<hbm>>
    %dma_wait3A_10 = tpu.memref_slice %arg4[%mul3A_2] : memref<14336xf32, #tpu.memory_space<hbm>> -> memref<448xf32, #tpu.memory_space<hbm>>
    tpu.wait_dma2 semaphore(%arg13 : memref<!tpu.dma_semaphore, #tpu.memory_space<semaphore_mem>>) src(%dma_wait3A_10 : memref<448xf32, #tpu.memory_space<hbm>>) dst(%arg7 : memref<448xf32, #tpu.memory_space<vmem>>)
    %dma_start3A_11 = arith.constant 0 : i32
    %dma_start3A_12 = tpu.memref_slice %arg6[%dma_start3A_11] : memref<448xi32, #tpu.memory_space<vmem>> -> memref<112xi32, #tpu.memory_space<vmem>>
    %dma_start3A_13 = arith.constant 0 : i32
    %dma_start3A_14 = arith.constant 0 : i32
    %dma_start3A_15 = tpu.memref_slice %arg2[%dma_start3A_13, %dma_start3A_14] : memref<2048x256xi32, #tpu.memory_space<hbm>> -> memref<2048x256xi32, #tpu.memory_space<hbm>>
    tpu.enqueue_indirect_dma source(%dma_start3A_15 : memref<2048x256xi32, #tpu.memory_space<hbm>>) target(%arg8 : memref<112x256xi32, #tpu.memory_space<vmem>>) offsets(%dma_start3A_12 : memref<112xi32, #tpu.memory_space<vmem>>) semaphore(%arg11 : memref<!tpu.dma_semaphore, #tpu.memory_space<semaphore_mem>>)
    %dma_start3A_16 = arith.constant 112 : i32
    %dma_start3A_17 = tpu.memref_slice %arg6[%dma_start3A_16] : memref<448xi32, #tpu.memory_space<vmem>> -> memref<112xi32, #tpu.memory_space<vmem>>
    %dma_start3A_18 = arith.constant 0 : i32
    %dma_start3A_19 = arith.constant 0 : i32
    %dma_start3A_20 = tpu.memref_slice %arg2[%dma_start3A_18, %dma_start3A_19] : memref<2048x256xi32, #tpu.memory_space<hbm>> -> memref<2048x256xi32, #tpu.memory_space<hbm>>
    tpu.enqueue_indirect_dma source(%dma_start3A_20 : memref<2048x256xi32, #tpu.memory_space<hbm>>) target(%arg9 : memref<112x256xi32, #tpu.memory_space<vmem>>) offsets(%dma_start3A_17 : memref<112xi32, #tpu.memory_space<vmem>>) semaphore(%arg12 : memref<!tpu.dma_semaphore, #tpu.memory_space<semaphore_mem>>)
    %dma_wait3A_21 = arith.constant 0 : i32
    %dma_wait3A_22 = tpu.memref_slice %arg6[%dma_wait3A_21] : memref<448xi32, #tpu.memory_space<vmem>> -> memref<112xi32, #tpu.memory_space<vmem>>
    %dma_wait3A_23 = arith.constant 0 : i32
    %dma_wait3A_24 = arith.constant 0 : i32
    %dma_wait3A_25 = tpu.memref_slice %arg2[%dma_wait3A_23, %dma_wait3A_24] : memref<2048x256xi32, #tpu.memory_space<hbm>> -> memref<2048x256xi32, #tpu.memory_space<hbm>>
    tpu.wait_indirect_dma semaphore(%arg11 : memref<!tpu.dma_semaphore, #tpu.memory_space<semaphore_mem>>) src(%dma_wait3A_25 : memref<2048x256xi32, #tpu.memory_space<hbm>>) dst(%arg8 : memref<112x256xi32, #tpu.memory_space<vmem>>)
    %scan3A = arith.constant 0 : i32
    %scan3A_26 = arith.constant 0 : i32
    %scan3A_27 = arith.constant 16 : i32
    %scan3A_28 = arith.addi %scan3A_26, %scan3A_27 : i32
    %scan3A_29 = arith.constant 1 : i32
    scf.for %scan3A_170 = %scan3A_26 to %scan3A_28 step %scan3A_29  : i32 {
      %mul3A_171 = arith.constant 7 : i32
      %mul3A_172 = arith.muli %scan3A_170, %mul3A_171 : i32
      %add3A_173 = arith.constant 0 : i32
      %add3A_174 = arith.addi %add3A_173, %mul3A_172 : i32
      %add3A_175 = arith.constant 0 : i32
      %add3A_176 = arith.addi %add3A_174, %add3A_175 : i32
      %broadcast_in_dim3A = vector.broadcast %add3A_176 : i32 to vector<16xi32>
      %gather3A = tpu.vector_load_idx %arg7[%broadcast_in_dim3A] : memref<448xf32, #tpu.memory_space<vmem>>[vector<16xi32>], vector<16xf32>,
      %mul3A_177 = arith.constant 7 : i32
      %mul3A_178 = arith.muli %scan3A_170, %mul3A_177 : i32
      %add3A_179 = arith.constant 0 : i32
      %add3A_180 = arith.addi %add3A_179, %mul3A_178 : i32
      %add3A_181 = arith.constant 1 : i32
      %add3A_182 = arith.addi %add3A_180, %add3A_181 : i32
      %broadcast_in_dim3A_183 = vector.broadcast %add3A_182 : i32 to vector<16xi32>
      %gather3A_184 = tpu.vector_load_idx %arg7[%broadcast_in_dim3A_183] : memref<448xf32, #tpu.memory_space<vmem>>[vector<16xi32>], vector<16xf32>,
      %mul3A_185 = arith.constant 7 : i32
      %mul3A_186 = arith.muli %scan3A_170, %mul3A_185 : i32
      %add3A_187 = arith.constant 0 : i32
      %add3A_188 = arith.addi %add3A_187, %mul3A_186 : i32
      %add3A_189 = arith.constant 2 : i32
      %add3A_190 = arith.addi %add3A_188, %add3A_189 : i32
      %broadcast_in_dim3A_191 = vector.broadcast %add3A_190 : i32 to vector<16xi32>
      %gather3A_192 = tpu.vector_load_idx %arg7[%broadcast_in_dim3A_191] : memref<448xf32, #tpu.memory_space<vmem>>[vector<16xi32>], vector<16xf32>,
      %mul3A_193 = arith.constant 7 : i32
      %mul3A_194 = arith.muli %scan3A_170, %mul3A_193 : i32
      %add3A_195 = arith.constant 0 : i32
      %add3A_196 = arith.addi %add3A_195, %mul3A_194 : i32
      %add3A_197 = arith.constant 3 : i32
      %add3A_198 = arith.addi %add3A_196, %add3A_197 : i32
      %broadcast_in_dim3A_199 = vector.broadcast %add3A_198 : i32 to vector<16xi32>
      %gather3A_200 = tpu.vector_load_idx %arg7[%broadcast_in_dim3A_199] : memref<448xf32, #tpu.memory_space<vmem>>[vector<16xi32>], vector<16xf32>,
      %mul3A_201 = arith.constant 7 : i32
      %mul3A_202 = arith.muli %scan3A_170, %mul3A_201 : i32
      %add3A_203 = arith.constant 0 : i32
      %add3A_204 = arith.addi %add3A_203, %mul3A_202 : i32
      %add3A_205 = arith.constant 4 : i32
      %add3A_206 = arith.addi %add3A_204, %add3A_205 : i32
      %broadcast_in_dim3A_207 = vector.broadcast %add3A_206 : i32 to vector<16xi32>
      %gather3A_208 = tpu.vector_load_idx %arg7[%broadcast_in_dim3A_207] : memref<448xf32, #tpu.memory_space<vmem>>[vector<16xi32>], vector<16xf32>,
      %mul3A_209 = arith.constant 7 : i32
      %mul3A_210 = arith.muli %scan3A_170, %mul3A_209 : i32
      %add3A_211 = arith.constant 0 : i32
      %add3A_212 = arith.addi %add3A_211, %mul3A_210 : i32
      %add3A_213 = arith.constant 5 : i32
      %add3A_214 = arith.addi %add3A_212, %add3A_213 : i32
      %broadcast_in_dim3A_215 = vector.broadcast %add3A_214 : i32 to vector<16xi32>
      %gather3A_216 = tpu.vector_load_idx %arg7[%broadcast_in_dim3A_215] : memref<448xf32, #tpu.memory_space<vmem>>[vector<16xi32>], vector<16xf32>,
      %mul3A_217 = arith.constant 7 : i32
      %mul3A_218 = arith.muli %scan3A_170, %mul3A_217 : i32
      %add3A_219 = arith.constant 0 : i32
      %add3A_220 = arith.addi %add3A_219, %mul3A_218 : i32
      %add3A_221 = arith.constant 6 : i32
      %add3A_222 = arith.addi %add3A_220, %add3A_221 : i32
      %broadcast_in_dim3A_223 = vector.broadcast %add3A_222 : i32 to vector<16xi32>
      %gather3A_224 = tpu.vector_load_idx %arg7[%broadcast_in_dim3A_223] : memref<448xf32, #tpu.memory_space<vmem>>[vector<16xi32>], vector<16xf32>,
      %add3A_225 = arith.constant 0 : i32
      %add3A_226 = arith.addi %add3A_225, %scan3A_170 : i32
      %parallel_loop3A = arith.constant 0 : i32
      %parallel_loop3A_227 = arith.constant 256 : i32
      %parallel_loop3A_228 = arith.constant 16 : i32
      scf.for %parallel_loop3A_229 = %parallel_loop3A to %parallel_loop3A_227 step %parallel_loop3A_228  : i32 {
        %parallel_loop3A_230 = arith.constant 7 : i32
        %parallel_loop3A_231 = arith.muli %scan3A_170, %parallel_loop3A_230 : i32
        %parallel_loop3A_232 = arith.constant 0 : i32
        %parallel_loop3A_233 = arith.addi %parallel_loop3A_231, %parallel_loop3A_232 : i32
        %parallel_loop3A_234 = arith.index_cast %parallel_loop3A_233 : i32 to index
        %parallel_loop3A_235 = arith.index_cast %parallel_loop3A_229 : i32 to index
        %parallel_loop3A_236 = tpu.vector_load %arg8[%parallel_loop3A_234, %parallel_loop3A_235] {strides = array<i32>} : memref<112x256xi32, #tpu.memory_space<vmem>>, vector<16xi32>,
        %parallel_loop3A_237 = arith.constant 16 : i32
        %parallel_loop3A_238 = vector.broadcast %parallel_loop3A_237 : i32 to vector<16xi32>
        %parallel_loop3A_239 = arith.shli %parallel_loop3A_236, %parallel_loop3A_238 : vector<16xi32>
        %parallel_loop3A_240 = vector.bitcast %parallel_loop3A_239 : vector<16xi32> to vector<16xf32>
        %parallel_loop3A_241 = vector.bitcast %parallel_loop3A_236 : vector<16xi32> to vector<16xf32>
        %parallel_loop3A_242 = arith.mulf %gather3A, %parallel_loop3A_240 : vector<16xf32>
        %parallel_loop3A_243 = arith.mulf %gather3A, %parallel_loop3A_241 : vector<16xf32>
        %parallel_loop3A_244 = arith.constant 7 : i32
        %parallel_loop3A_245 = arith.muli %scan3A_170, %parallel_loop3A_244 : i32
        %parallel_loop3A_246 = arith.constant 1 : i32
        %parallel_loop3A_247 = arith.addi %parallel_loop3A_245, %parallel_loop3A_246 : i32
        %parallel_loop3A_248 = arith.index_cast %parallel_loop3A_247 : i32 to index
        %parallel_loop3A_249 = arith.index_cast %parallel_loop3A_229 : i32 to index
        %parallel_loop3A_250 = tpu.vector_load %arg8[%parallel_loop3A_248, %parallel_loop3A_249] {strides = array<i32>} : memref<112x256xi32, #tpu.memory_space<vmem>>, vector<16xi32>,
        %parallel_loop3A_251 = arith.constant 16 : i32
        %parallel_loop3A_252 = vector.broadcast %parallel_loop3A_251 : i32 to vector<16xi32>
        %parallel_loop3A_253 = arith.shli %parallel_loop3A_250, %parallel_loop3A_252 : vector<16xi32>
        %parallel_loop3A_254 = vector.bitcast %parallel_loop3A_253 : vector<16xi32> to vector<16xf32>
        %parallel_loop3A_255 = vector.bitcast %parallel_loop3A_250 : vector<16xi32> to vector<16xf32>
        %parallel_loop3A_256 = arith.mulf %gather3A_184, %parallel_loop3A_254 : vector<16xf32>
        %parallel_loop3A_257 = arith.mulf %gather3A_184, %parallel_loop3A_255 : vector<16xf32>
        %parallel_loop3A_258 = arith.constant 7 : i32
        %parallel_loop3A_259 = arith.muli %scan3A_170, %parallel_loop3A_258 : i32
        %parallel_loop3A_260 = arith.constant 2 : i32
        %parallel_loop3A_261 = arith.addi %parallel_loop3A_259, %parallel_loop3A_260 : i32
        %parallel_loop3A_262 = arith.index_cast %parallel_loop3A_261 : i32 to index
        %parallel_loop3A_263 = arith.index_cast %parallel_loop3A_229 : i32 to index
        %parallel_loop3A_264 = tpu.vector_load %arg8[%parallel_loop3A_262, %parallel_loop3A_263] {strides = array<i32>} : memref<112x256xi32, #tpu.memory_space<vmem>>, vector<16xi32>,
        %parallel_loop3A_265 = arith.constant 16 : i32
        %parallel_loop3A_266 = vector.broadcast %parallel_loop3A_265 : i32 to vector<16xi32>
        %parallel_loop3A_267 = arith.shli %parallel_loop3A_264, %parallel_loop3A_266 : vector<16xi32>
        %parallel_loop3A_268 = vector.bitcast %parallel_loop3A_267 : vector<16xi32> to vector<16xf32>
        %parallel_loop3A_269 = vector.bitcast %parallel_loop3A_264 : vector<16xi32> to vector<16xf32>
        %parallel_loop3A_270 = arith.mulf %gather3A_192, %parallel_loop3A_268 : vector<16xf32>
        %parallel_loop3A_271 = arith.mulf %gather3A_192, %parallel_loop3A_269 : vector<16xf32>
        %parallel_loop3A_272 = arith.constant 7 : i32
        %parallel_loop3A_273 = arith.muli %scan3A_170, %parallel_loop3A_272 : i32
        %parallel_loop3A_274 = arith.constant 3 : i32
        %parallel_loop3A_275 = arith.addi %parallel_loop3A_273, %parallel_loop3A_274 : i32
        %parallel_loop3A_276 = arith.index_cast %parallel_loop3A_275 : i32 to index
        %parallel_loop3A_277 = arith.index_cast %parallel_loop3A_229 : i32 to index
        %parallel_loop3A_278 = tpu.vector_load %arg8[%parallel_loop3A_276, %parallel_loop3A_277] {strides = array<i32>} : memref<112x256xi32, #tpu.memory_space<vmem>>, vector<16xi32>,
        %parallel_loop3A_279 = arith.constant 16 : i32
        %parallel_loop3A_280 = vector.broadcast %parallel_loop3A_279 : i32 to vector<16xi32>
        %parallel_loop3A_281 = arith.shli %parallel_loop3A_278, %parallel_loop3A_280 : vector<16xi32>
        %parallel_loop3A_282 = vector.bitcast %parallel_loop3A_281 : vector<16xi32> to vector<16xf32>
        %parallel_loop3A_283 = vector.bitcast %parallel_loop3A_278 : vector<16xi32> to vector<16xf32>
        %parallel_loop3A_284 = arith.mulf %gather3A_200, %parallel_loop3A_282 : vector<16xf32>
        %parallel_loop3A_285 = arith.mulf %gather3A_200, %parallel_loop3A_283 : vector<16xf32>
        %parallel_loop3A_286 = arith.constant 7 : i32
        %parallel_loop3A_287 = arith.muli %scan3A_170, %parallel_loop3A_286 : i32
        %parallel_loop3A_288 = arith.constant 4 : i32
        %parallel_loop3A_289 = arith.addi %parallel_loop3A_287, %parallel_loop3A_288 : i32
        %parallel_loop3A_290 = arith.index_cast %parallel_loop3A_289 : i32 to index
        %parallel_loop3A_291 = arith.index_cast %parallel_loop3A_229 : i32 to index
        %parallel_loop3A_292 = tpu.vector_load %arg8[%parallel_loop3A_290, %parallel_loop3A_291] {strides = array<i32>} : memref<112x256xi32, #tpu.memory_space<vmem>>, vector<16xi32>,
        %parallel_loop3A_293 = arith.constant 16 : i32
        %parallel_loop3A_294 = vector.broadcast %parallel_loop3A_293 : i32 to vector<16xi32>
        %parallel_loop3A_295 = arith.shli %parallel_loop3A_292, %parallel_loop3A_294 : vector<16xi32>
        %parallel_loop3A_296 = vector.bitcast %parallel_loop3A_295 : vector<16xi32> to vector<16xf32>
        %parallel_loop3A_297 = vector.bitcast %parallel_loop3A_292 : vector<16xi32> to vector<16xf32>
        %parallel_loop3A_298 = arith.mulf %gather3A_208, %parallel_loop3A_296 : vector<16xf32>
        %parallel_loop3A_299 = arith.mulf %gather3A_208, %parallel_loop3A_297 : vector<16xf32>
        %parallel_loop3A_300 = arith.constant 7 : i32
        %parallel_loop3A_301 = arith.muli %scan3A_170, %parallel_loop3A_300 : i32
        %parallel_loop3A_302 = arith.constant 5 : i32
        %parallel_loop3A_303 = arith.addi %parallel_loop3A_301, %parallel_loop3A_302 : i32
        %parallel_loop3A_304 = arith.index_cast %parallel_loop3A_303 : i32 to index
        %parallel_loop3A_305 = arith.index_cast %parallel_loop3A_229 : i32 to index
        %parallel_loop3A_306 = tpu.vector_load %arg8[%parallel_loop3A_304, %parallel_loop3A_305] {strides = array<i32>} : memref<112x256xi32, #tpu.memory_space<vmem>>, vector<16xi32>,
        %parallel_loop3A_307 = arith.constant 16 : i32
        %parallel_loop3A_308 = vector.broadcast %parallel_loop3A_307 : i32 to vector<16xi32>
        %parallel_loop3A_309 = arith.shli %parallel_loop3A_306, %parallel_loop3A_308 : vector<16xi32>
        %parallel_loop3A_310 = vector.bitcast %parallel_loop3A_309 : vector<16xi32> to vector<16xf32>
        %parallel_loop3A_311 = vector.bitcast %parallel_loop3A_306 : vector<16xi32> to vector<16xf32>
        %parallel_loop3A_312 = arith.mulf %gather3A_216, %parallel_loop3A_310 : vector<16xf32>
        %parallel_loop3A_313 = arith.mulf %gather3A_216, %parallel_loop3A_311 : vector<16xf32>
        %parallel_loop3A_314 = arith.constant 7 : i32
        %parallel_loop3A_315 = arith.muli %scan3A_170, %parallel_loop3A_314 : i32
        %parallel_loop3A_316 = arith.constant 6 : i32
        %parallel_loop3A_317 = arith.addi %parallel_loop3A_315, %parallel_loop3A_316 : i32
        %parallel_loop3A_318 = arith.index_cast %parallel_loop3A_317 : i32 to index
        %parallel_loop3A_319 = arith.index_cast %parallel_loop3A_229 : i32 to index
        %parallel_loop3A_320 = tpu.vector_load %arg8[%parallel_loop3A_318, %parallel_loop3A_319] {strides = array<i32>} : memref<112x256xi32, #tpu.memory_space<vmem>>, vector<16xi32>,
        %parallel_loop3A_321 = arith.constant 16 : i32
        %parallel_loop3A_322 = vector.broadcast %parallel_loop3A_321 : i32 to vector<16xi32>
        %parallel_loop3A_323 = arith.shli %parallel_loop3A_320, %parallel_loop3A_322 : vector<16xi32>
        %parallel_loop3A_324 = vector.bitcast %parallel_loop3A_323 : vector<16xi32> to vector<16xf32>
        %parallel_loop3A_325 = vector.bitcast %parallel_loop3A_320 : vector<16xi32> to vector<16xf32>
        %parallel_loop3A_326 = arith.mulf %gather3A_224, %parallel_loop3A_324 : vector<16xf32>
        %parallel_loop3A_327 = arith.mulf %gather3A_224, %parallel_loop3A_325 : vector<16xf32>
        %parallel_loop3A_328 = arith.addf %parallel_loop3A_242, %parallel_loop3A_256 : vector<16xf32>
        %parallel_loop3A_329 = arith.addf %parallel_loop3A_270, %parallel_loop3A_284 : vector<16xf32>
        %parallel_loop3A_330 = arith.addf %parallel_loop3A_298, %parallel_loop3A_312 : vector<16xf32>
        %parallel_loop3A_331 = arith.addf %parallel_loop3A_328, %parallel_loop3A_329 : vector<16xf32>
        %parallel_loop3A_332 = arith.addf %parallel_loop3A_330, %parallel_loop3A_326 : vector<16xf32>
        %parallel_loop3A_333 = arith.addf %parallel_loop3A_331, %parallel_loop3A_332 : vector<16xf32>
        %parallel_loop3A_334 = arith.addf %parallel_loop3A_243, %parallel_loop3A_257 : vector<16xf32>
        %parallel_loop3A_335 = arith.addf %parallel_loop3A_271, %parallel_loop3A_285 : vector<16xf32>
        %parallel_loop3A_336 = arith.addf %parallel_loop3A_299, %parallel_loop3A_313 : vector<16xf32>
        %parallel_loop3A_337 = arith.addf %parallel_loop3A_334, %parallel_loop3A_335 : vector<16xf32>
        %parallel_loop3A_338 = arith.addf %parallel_loop3A_336, %parallel_loop3A_327 : vector<16xf32>
        %parallel_loop3A_339 = arith.addf %parallel_loop3A_337, %parallel_loop3A_338 : vector<16xf32>
        %parallel_loop3A_340 = arith.index_cast %add3A_226 : i32 to index
        %parallel_loop3A_341 = arith.index_cast %parallel_loop3A_229 : i32 to index
        %parallel_loop3A_342 = tpu.vector_load %arg10[%parallel_loop3A_340, %parallel_loop3A_341] {strides = array<i32>} : memref<64x512xf32, #tpu.memory_space<vmem>>, vector<16xf32>,
        tpu.vector_store %arg10[%parallel_loop3A_340, %parallel_loop3A_341], %parallel_loop3A_333 {strides = array<i32>} : memref<64x512xf32, #tpu.memory_space<vmem>>, vector<16xf32>,
        %parallel_loop3A_343 = arith.constant 256 : i32
        %parallel_loop3A_344 = arith.addi %parallel_loop3A_229, %parallel_loop3A_343 : i32
        %parallel_loop3A_345 = arith.index_cast %add3A_226 : i32 to index
        %parallel_loop3A_346 = arith.index_cast %parallel_loop3A_344 : i32 to index
        %parallel_loop3A_347 = tpu.vector_load %arg10[%parallel_loop3A_345, %parallel_loop3A_346] {strides = array<i32>} : memref<64x512xf32, #tpu.memory_space<vmem>>, vector<16xf32>,
        tpu.vector_store %arg10[%parallel_loop3A_345, %parallel_loop3A_346], %parallel_loop3A_339 {strides = array<i32>} : memref<64x512xf32, #tpu.memory_space<vmem>>, vector<16xf32>,
      } {sc.loop_unroll_factor = 8 : i64, sc.parallel_access}
    }
    %scan3A_30 = arith.constant 16 : i32
    %add3A_31 = arith.constant 0 : i32
    %add3A_32 = arith.addi %mul3A_4, %add3A_31 : i32
    %dma_start3A_33 = arith.constant 0 : i32
    %dma_start3A_34 = arith.constant 0 : i32
    %dma_start3A_35 = tpu.memref_slice %arg10[%dma_start3A_33, %dma_start3A_34] : memref<64x512xf32, #tpu.memory_space<vmem>> -> memref<16x512xf32, #tpu.memory_space<vmem>>
    %dma_start3A_36 = arith.constant 0 : i32
    %dma_start3A_37 = tpu.memref_slice %arg5[%add3A_32, %dma_start3A_36] : memref<2048x512xf32, #tpu.memory_space<hbm>> -> memref<16x512xf32, #tpu.memory_space<hbm>>
    %dma_start3A_38 = arith.constant 0 : i32
    %dma_start3A_39 = tpu.memref_slice %arg5[%add3A_32, %dma_start3A_38] : memref<2048x512xf32, #tpu.memory_space<hbm>> -> memref<16x512xf32, #tpu.memory_space<hbm>>
    %dma_start3A_40 = arith.constant 0 : i32
    %dma_start3A_41 = arith.constant 0 : i32
    %dma_start3A_42 = tpu.memref_slice %arg10[%dma_start3A_40, %dma_start3A_41] : memref<64x512xf32, #tpu.memory_space<vmem>> -> memref<16x512xf32, #tpu.memory_space<vmem>>
    tpu.enqueue_dma source(%dma_start3A_42 : memref<16x512xf32, #tpu.memory_space<vmem>>) target(%dma_start3A_39 : memref<16x512xf32, #tpu.memory_space<hbm>>) target_semaphore(%arg13 : memref<!tpu.dma_semaphore, #tpu.memory_space<semaphore_mem>>)
    %dma_start3A_43 = arith.constant 224 : i32
    %dma_start3A_44 = tpu.memref_slice %arg6[%dma_start3A_43] : memref<448xi32, #tpu.memory_space<vmem>> -> memref<112xi32, #tpu.memory_space<vmem>>
    %dma_start3A_45 = arith.constant 0 : i32
    %dma_start3A_46 = arith.constant 0 : i32
    %dma_start3A_47 = tpu.memref_slice %arg2[%dma_start3A_45, %dma_start3A_46] : memref<2048x256xi32, #tpu.memory_space<hbm>> -> memref<2048x256xi32, #tpu.memory_space<hbm>>
    tpu.enqueue_indirect_dma source(%dma_start3A_47 : memref<2048x256xi32, #tpu.memory_space<hbm>>) target(%arg8 : memref<112x256xi32, #tpu.memory_space<vmem>>) offsets(%dma_start3A_44 : memref<112xi32, #tpu.memory_space<vmem>>) semaphore(%arg11 : memref<!tpu.dma_semaphore, #tpu.memory_space<semaphore_mem>>)
    %dma_wait3A_48 = arith.constant 112 : i32
    %dma_wait3A_49 = tpu.memref_slice %arg6[%dma_wait3A_48] : memref<448xi32, #tpu.memory_space<vmem>> -> memref<112xi32, #tpu.memory_space<vmem>>
    %dma_wait3A_50 = arith.constant 0 : i32
    %dma_wait3A_51 = arith.constant 0 : i32
    %dma_wait3A_52 = tpu.memref_slice %arg2[%dma_wait3A_50, %dma_wait3A_51] : memref<2048x256xi32, #tpu.memory_space<hbm>> -> memref<2048x256xi32, #tpu.memory_space<hbm>>
    tpu.wait_indirect_dma semaphore(%arg12 : memref<!tpu.dma_semaphore, #tpu.memory_space<semaphore_mem>>) src(%dma_wait3A_52 : memref<2048x256xi32, #tpu.memory_space<hbm>>) dst(%arg9 : memref<112x256xi32, #tpu.memory_space<vmem>>)
    %scan3A_53 = arith.constant 0 : i32
    %scan3A_54 = arith.constant 0 : i32
    %scan3A_55 = arith.constant 16 : i32
    %scan3A_56 = arith.addi %scan3A_54, %scan3A_55 : i32
    %scan3A_57 = arith.constant 1 : i32
    scf.for %scan3A_170 = %scan3A_54 to %scan3A_56 step %scan3A_57  : i32 {
      %mul3A_171 = arith.constant 7 : i32
      %mul3A_172 = arith.muli %scan3A_170, %mul3A_171 : i32
      %add3A_173 = arith.constant 112 : i32
      %add3A_174 = arith.addi %add3A_173, %mul3A_172 : i32
      %add3A_175 = arith.constant 0 : i32
      %add3A_176 = arith.addi %add3A_174, %add3A_175 : i32
      %broadcast_in_dim3A = vector.broadcast %add3A_176 : i32 to vector<16xi32>
      %gather3A = tpu.vector_load_idx %arg7[%broadcast_in_dim3A] : memref<448xf32, #tpu.memory_space<vmem>>[vector<16xi32>], vector<16xf32>,
      %mul3A_177 = arith.constant 7 : i32
      %mul3A_178 = arith.muli %scan3A_170, %mul3A_177 : i32
      %add3A_179 = arith.constant 112 : i32
      %add3A_180 = arith.addi %add3A_179, %mul3A_178 : i32
      %add3A_181 = arith.constant 1 : i32
      %add3A_182 = arith.addi %add3A_180, %add3A_181 : i32
      %broadcast_in_dim3A_183 = vector.broadcast %add3A_182 : i32 to vector<16xi32>
      %gather3A_184 = tpu.vector_load_idx %arg7[%broadcast_in_dim3A_183] : memref<448xf32, #tpu.memory_space<vmem>>[vector<16xi32>], vector<16xf32>,
      %mul3A_185 = arith.constant 7 : i32
      %mul3A_186 = arith.muli %scan3A_170, %mul3A_185 : i32
      %add3A_187 = arith.constant 112 : i32
      %add3A_188 = arith.addi %add3A_187, %mul3A_186 : i32
      %add3A_189 = arith.constant 2 : i32
      %add3A_190 = arith.addi %add3A_188, %add3A_189 : i32
      %broadcast_in_dim3A_191 = vector.broadcast %add3A_190 : i32 to vector<16xi32>
      %gather3A_192 = tpu.vector_load_idx %arg7[%broadcast_in_dim3A_191] : memref<448xf32, #tpu.memory_space<vmem>>[vector<16xi32>], vector<16xf32>,
      %mul3A_193 = arith.constant 7 : i32
      %mul3A_194 = arith.muli %scan3A_170, %mul3A_193 : i32
      %add3A_195 = arith.constant 112 : i32
      %add3A_196 = arith.addi %add3A_195, %mul3A_194 : i32
      %add3A_197 = arith.constant 3 : i32
      %add3A_198 = arith.addi %add3A_196, %add3A_197 : i32
      %broadcast_in_dim3A_199 = vector.broadcast %add3A_198 : i32 to vector<16xi32>
      %gather3A_200 = tpu.vector_load_idx %arg7[%broadcast_in_dim3A_199] : memref<448xf32, #tpu.memory_space<vmem>>[vector<16xi32>], vector<16xf32>,
      %mul3A_201 = arith.constant 7 : i32
      %mul3A_202 = arith.muli %scan3A_170, %mul3A_201 : i32
      %add3A_203 = arith.constant 112 : i32
      %add3A_204 = arith.addi %add3A_203, %mul3A_202 : i32
      %add3A_205 = arith.constant 4 : i32
      %add3A_206 = arith.addi %add3A_204, %add3A_205 : i32
      %broadcast_in_dim3A_207 = vector.broadcast %add3A_206 : i32 to vector<16xi32>
      %gather3A_208 = tpu.vector_load_idx %arg7[%broadcast_in_dim3A_207] : memref<448xf32, #tpu.memory_space<vmem>>[vector<16xi32>], vector<16xf32>,
      %mul3A_209 = arith.constant 7 : i32
      %mul3A_210 = arith.muli %scan3A_170, %mul3A_209 : i32
      %add3A_211 = arith.constant 112 : i32
      %add3A_212 = arith.addi %add3A_211, %mul3A_210 : i32
      %add3A_213 = arith.constant 5 : i32
      %add3A_214 = arith.addi %add3A_212, %add3A_213 : i32
      %broadcast_in_dim3A_215 = vector.broadcast %add3A_214 : i32 to vector<16xi32>
      %gather3A_216 = tpu.vector_load_idx %arg7[%broadcast_in_dim3A_215] : memref<448xf32, #tpu.memory_space<vmem>>[vector<16xi32>], vector<16xf32>,
      %mul3A_217 = arith.constant 7 : i32
      %mul3A_218 = arith.muli %scan3A_170, %mul3A_217 : i32
      %add3A_219 = arith.constant 112 : i32
      %add3A_220 = arith.addi %add3A_219, %mul3A_218 : i32
      %add3A_221 = arith.constant 6 : i32
      %add3A_222 = arith.addi %add3A_220, %add3A_221 : i32
      %broadcast_in_dim3A_223 = vector.broadcast %add3A_222 : i32 to vector<16xi32>
      %gather3A_224 = tpu.vector_load_idx %arg7[%broadcast_in_dim3A_223] : memref<448xf32, #tpu.memory_space<vmem>>[vector<16xi32>], vector<16xf32>,
      %add3A_225 = arith.constant 16 : i32
      %add3A_226 = arith.addi %add3A_225, %scan3A_170 : i32
      %parallel_loop3A = arith.constant 0 : i32
      %parallel_loop3A_227 = arith.constant 256 : i32
      %parallel_loop3A_228 = arith.constant 16 : i32
      scf.for %parallel_loop3A_229 = %parallel_loop3A to %parallel_loop3A_227 step %parallel_loop3A_228  : i32 {
        %parallel_loop3A_230 = arith.constant 7 : i32
        %parallel_loop3A_231 = arith.muli %scan3A_170, %parallel_loop3A_230 : i32
        %parallel_loop3A_232 = arith.constant 0 : i32
        %parallel_loop3A_233 = arith.addi %parallel_loop3A_231, %parallel_loop3A_232 : i32
        %parallel_loop3A_234 = arith.index_cast %parallel_loop3A_233 : i32 to index
        %parallel_loop3A_235 = arith.index_cast %parallel_loop3A_229 : i32 to index
        %parallel_loop3A_236 = tpu.vector_load %arg9[%parallel_loop3A_234, %parallel_loop3A_235] {strides = array<i32>} : memref<112x256xi32, #tpu.memory_space<vmem>>, vector<16xi32>,
        %parallel_loop3A_237 = arith.constant 16 : i32
        %parallel_loop3A_238 = vector.broadcast %parallel_loop3A_237 : i32 to vector<16xi32>
        %parallel_loop3A_239 = arith.shli %parallel_loop3A_236, %parallel_loop3A_238 : vector<16xi32>
        %parallel_loop3A_240 = vector.bitcast %parallel_loop3A_239 : vector<16xi32> to vector<16xf32>
        %parallel_loop3A_241 = vector.bitcast %parallel_loop3A_236 : vector<16xi32> to vector<16xf32>
        %parallel_loop3A_242 = arith.mulf %gather3A, %parallel_loop3A_240 : vector<16xf32>
        %parallel_loop3A_243 = arith.mulf %gather3A, %parallel_loop3A_241 : vector<16xf32>
        %parallel_loop3A_244 = arith.constant 7 : i32
        %parallel_loop3A_245 = arith.muli %scan3A_170, %parallel_loop3A_244 : i32
        %parallel_loop3A_246 = arith.constant 1 : i32
        %parallel_loop3A_247 = arith.addi %parallel_loop3A_245, %parallel_loop3A_246 : i32
        %parallel_loop3A_248 = arith.index_cast %parallel_loop3A_247 : i32 to index
        %parallel_loop3A_249 = arith.index_cast %parallel_loop3A_229 : i32 to index
        %parallel_loop3A_250 = tpu.vector_load %arg9[%parallel_loop3A_248, %parallel_loop3A_249] {strides = array<i32>} : memref<112x256xi32, #tpu.memory_space<vmem>>, vector<16xi32>,
        %parallel_loop3A_251 = arith.constant 16 : i32
        %parallel_loop3A_252 = vector.broadcast %parallel_loop3A_251 : i32 to vector<16xi32>
        %parallel_loop3A_253 = arith.shli %parallel_loop3A_250, %parallel_loop3A_252 : vector<16xi32>
        %parallel_loop3A_254 = vector.bitcast %parallel_loop3A_253 : vector<16xi32> to vector<16xf32>
        %parallel_loop3A_255 = vector.bitcast %parallel_loop3A_250 : vector<16xi32> to vector<16xf32>
        %parallel_loop3A_256 = arith.mulf %gather3A_184, %parallel_loop3A_254 : vector<16xf32>
        %parallel_loop3A_257 = arith.mulf %gather3A_184, %parallel_loop3A_255 : vector<16xf32>
        %parallel_loop3A_258 = arith.constant 7 : i32
        %parallel_loop3A_259 = arith.muli %scan3A_170, %parallel_loop3A_258 : i32
        %parallel_loop3A_260 = arith.constant 2 : i32
        %parallel_loop3A_261 = arith.addi %parallel_loop3A_259, %parallel_loop3A_260 : i32
        %parallel_loop3A_262 = arith.index_cast %parallel_loop3A_261 : i32 to index
        %parallel_loop3A_263 = arith.index_cast %parallel_loop3A_229 : i32 to index
        %parallel_loop3A_264 = tpu.vector_load %arg9[%parallel_loop3A_262, %parallel_loop3A_263] {strides = array<i32>} : memref<112x256xi32, #tpu.memory_space<vmem>>, vector<16xi32>,
        %parallel_loop3A_265 = arith.constant 16 : i32
        %parallel_loop3A_266 = vector.broadcast %parallel_loop3A_265 : i32 to vector<16xi32>
        %parallel_loop3A_267 = arith.shli %parallel_loop3A_264, %parallel_loop3A_266 : vector<16xi32>
        %parallel_loop3A_268 = vector.bitcast %parallel_loop3A_267 : vector<16xi32> to vector<16xf32>
        %parallel_loop3A_269 = vector.bitcast %parallel_loop3A_264 : vector<16xi32> to vector<16xf32>
        %parallel_loop3A_270 = arith.mulf %gather3A_192, %parallel_loop3A_268 : vector<16xf32>
        %parallel_loop3A_271 = arith.mulf %gather3A_192, %parallel_loop3A_269 : vector<16xf32>
        %parallel_loop3A_272 = arith.constant 7 : i32
        %parallel_loop3A_273 = arith.muli %scan3A_170, %parallel_loop3A_272 : i32
        %parallel_loop3A_274 = arith.constant 3 : i32
        %parallel_loop3A_275 = arith.addi %parallel_loop3A_273, %parallel_loop3A_274 : i32
        %parallel_loop3A_276 = arith.index_cast %parallel_loop3A_275 : i32 to index
        %parallel_loop3A_277 = arith.index_cast %parallel_loop3A_229 : i32 to index
        %parallel_loop3A_278 = tpu.vector_load %arg9[%parallel_loop3A_276, %parallel_loop3A_277] {strides = array<i32>} : memref<112x256xi32, #tpu.memory_space<vmem>>, vector<16xi32>,
        %parallel_loop3A_279 = arith.constant 16 : i32
        %parallel_loop3A_280 = vector.broadcast %parallel_loop3A_279 : i32 to vector<16xi32>
        %parallel_loop3A_281 = arith.shli %parallel_loop3A_278, %parallel_loop3A_280 : vector<16xi32>
        %parallel_loop3A_282 = vector.bitcast %parallel_loop3A_281 : vector<16xi32> to vector<16xf32>
        %parallel_loop3A_283 = vector.bitcast %parallel_loop3A_278 : vector<16xi32> to vector<16xf32>
        %parallel_loop3A_284 = arith.mulf %gather3A_200, %parallel_loop3A_282 : vector<16xf32>
        %parallel_loop3A_285 = arith.mulf %gather3A_200, %parallel_loop3A_283 : vector<16xf32>
        %parallel_loop3A_286 = arith.constant 7 : i32
        %parallel_loop3A_287 = arith.muli %scan3A_170, %parallel_loop3A_286 : i32
        %parallel_loop3A_288 = arith.constant 4 : i32
        %parallel_loop3A_289 = arith.addi %parallel_loop3A_287, %parallel_loop3A_288 : i32
        %parallel_loop3A_290 = arith.index_cast %parallel_loop3A_289 : i32 to index
        %parallel_loop3A_291 = arith.index_cast %parallel_loop3A_229 : i32 to index
        %parallel_loop3A_292 = tpu.vector_load %arg9[%parallel_loop3A_290, %parallel_loop3A_291] {strides = array<i32>} : memref<112x256xi32, #tpu.memory_space<vmem>>, vector<16xi32>,
        %parallel_loop3A_293 = arith.constant 16 : i32
        %parallel_loop3A_294 = vector.broadcast %parallel_loop3A_293 : i32 to vector<16xi32>
        %parallel_loop3A_295 = arith.shli %parallel_loop3A_292, %parallel_loop3A_294 : vector<16xi32>
        %parallel_loop3A_296 = vector.bitcast %parallel_loop3A_295 : vector<16xi32> to vector<16xf32>
        %parallel_loop3A_297 = vector.bitcast %parallel_loop3A_292 : vector<16xi32> to vector<16xf32>
        %parallel_loop3A_298 = arith.mulf %gather3A_208, %parallel_loop3A_296 : vector<16xf32>
        %parallel_loop3A_299 = arith.mulf %gather3A_208, %parallel_loop3A_297 : vector<16xf32>
        %parallel_loop3A_300 = arith.constant 7 : i32
        %parallel_loop3A_301 = arith.muli %scan3A_170, %parallel_loop3A_300 : i32
        %parallel_loop3A_302 = arith.constant 5 : i32
        %parallel_loop3A_303 = arith.addi %parallel_loop3A_301, %parallel_loop3A_302 : i32
        %parallel_loop3A_304 = arith.index_cast %parallel_loop3A_303 : i32 to index
        %parallel_loop3A_305 = arith.index_cast %parallel_loop3A_229 : i32 to index
        %parallel_loop3A_306 = tpu.vector_load %arg9[%parallel_loop3A_304, %parallel_loop3A_305] {strides = array<i32>} : memref<112x256xi32, #tpu.memory_space<vmem>>, vector<16xi32>,
        %parallel_loop3A_307 = arith.constant 16 : i32
        %parallel_loop3A_308 = vector.broadcast %parallel_loop3A_307 : i32 to vector<16xi32>
        %parallel_loop3A_309 = arith.shli %parallel_loop3A_306, %parallel_loop3A_308 : vector<16xi32>
        %parallel_loop3A_310 = vector.bitcast %parallel_loop3A_309 : vector<16xi32> to vector<16xf32>
        %parallel_loop3A_311 = vector.bitcast %parallel_loop3A_306 : vector<16xi32> to vector<16xf32>
        %parallel_loop3A_312 = arith.mulf %gather3A_216, %parallel_loop3A_310 : vector<16xf32>
        %parallel_loop3A_313 = arith.mulf %gather3A_216, %parallel_loop3A_311 : vector<16xf32>
        %parallel_loop3A_314 = arith.constant 7 : i32
        %parallel_loop3A_315 = arith.muli %scan3A_170, %parallel_loop3A_314 : i32
        %parallel_loop3A_316 = arith.constant 6 : i32
        %parallel_loop3A_317 = arith.addi %parallel_loop3A_315, %parallel_loop3A_316 : i32
        %parallel_loop3A_318 = arith.index_cast %parallel_loop3A_317 : i32 to index
        %parallel_loop3A_319 = arith.index_cast %parallel_loop3A_229 : i32 to index
        %parallel_loop3A_320 = tpu.vector_load %arg9[%parallel_loop3A_318, %parallel_loop3A_319] {strides = array<i32>} : memref<112x256xi32, #tpu.memory_space<vmem>>, vector<16xi32>,
        %parallel_loop3A_321 = arith.constant 16 : i32
        %parallel_loop3A_322 = vector.broadcast %parallel_loop3A_321 : i32 to vector<16xi32>
        %parallel_loop3A_323 = arith.shli %parallel_loop3A_320, %parallel_loop3A_322 : vector<16xi32>
        %parallel_loop3A_324 = vector.bitcast %parallel_loop3A_323 : vector<16xi32> to vector<16xf32>
        %parallel_loop3A_325 = vector.bitcast %parallel_loop3A_320 : vector<16xi32> to vector<16xf32>
        %parallel_loop3A_326 = arith.mulf %gather3A_224, %parallel_loop3A_324 : vector<16xf32>
        %parallel_loop3A_327 = arith.mulf %gather3A_224, %parallel_loop3A_325 : vector<16xf32>
        %parallel_loop3A_328 = arith.addf %parallel_loop3A_242, %parallel_loop3A_256 : vector<16xf32>
        %parallel_loop3A_329 = arith.addf %parallel_loop3A_270, %parallel_loop3A_284 : vector<16xf32>
        %parallel_loop3A_330 = arith.addf %parallel_loop3A_298, %parallel_loop3A_312 : vector<16xf32>
        %parallel_loop3A_331 = arith.addf %parallel_loop3A_328, %parallel_loop3A_329 : vector<16xf32>
        %parallel_loop3A_332 = arith.addf %parallel_loop3A_330, %parallel_loop3A_326 : vector<16xf32>
        %parallel_loop3A_333 = arith.addf %parallel_loop3A_331, %parallel_loop3A_332 : vector<16xf32>
        %parallel_loop3A_334 = arith.addf %parallel_loop3A_243, %parallel_loop3A_257 : vector<16xf32>
        %parallel_loop3A_335 = arith.addf %parallel_loop3A_271, %parallel_loop3A_285 : vector<16xf32>
        %parallel_loop3A_336 = arith.addf %parallel_loop3A_299, %parallel_loop3A_313 : vector<16xf32>
        %parallel_loop3A_337 = arith.addf %parallel_loop3A_334, %parallel_loop3A_335 : vector<16xf32>
        %parallel_loop3A_338 = arith.addf %parallel_loop3A_336, %parallel_loop3A_327 : vector<16xf32>
        %parallel_loop3A_339 = arith.addf %parallel_loop3A_337, %parallel_loop3A_338 : vector<16xf32>
        %parallel_loop3A_340 = arith.index_cast %add3A_226 : i32 to index
        %parallel_loop3A_341 = arith.index_cast %parallel_loop3A_229 : i32 to index
        %parallel_loop3A_342 = tpu.vector_load %arg10[%parallel_loop3A_340, %parallel_loop3A_341] {strides = array<i32>} : memref<64x512xf32, #tpu.memory_space<vmem>>, vector<16xf32>,
        tpu.vector_store %arg10[%parallel_loop3A_340, %parallel_loop3A_341], %parallel_loop3A_333 {strides = array<i32>} : memref<64x512xf32, #tpu.memory_space<vmem>>, vector<16xf32>,
        %parallel_loop3A_343 = arith.constant 256 : i32
        %parallel_loop3A_344 = arith.addi %parallel_loop3A_229, %parallel_loop3A_343 : i32
        %parallel_loop3A_345 = arith.index_cast %add3A_226 : i32 to index
        %parallel_loop3A_346 = arith.index_cast %parallel_loop3A_344 : i32 to index
        %parallel_loop3A_347 = tpu.vector_load %arg10[%parallel_loop3A_345, %parallel_loop3A_346] {strides = array<i32>} : memref<64x512xf32, #tpu.memory_space<vmem>>, vector<16xf32>,
        tpu.vector_store %arg10[%parallel_loop3A_345, %parallel_loop3A_346], %parallel_loop3A_339 {strides = array<i32>} : memref<64x512xf32, #tpu.memory_space<vmem>>, vector<16xf32>,
      } {sc.loop_unroll_factor = 8 : i64, sc.parallel_access}
    }
    %scan3A_58 = arith.constant 16 : i32
    %add3A_59 = arith.constant 16 : i32
    %add3A_60 = arith.addi %mul3A_4, %add3A_59 : i32
    %dma_start3A_61 = arith.constant 16 : i32
    %dma_start3A_62 = arith.constant 0 : i32
    %dma_start3A_63 = tpu.memref_slice %arg10[%dma_start3A_61, %dma_start3A_62] : memref<64x512xf32, #tpu.memory_space<vmem>> -> memref<16x512xf32, #tpu.memory_space<vmem>>
    %dma_start3A_64 = arith.constant 0 : i32
    %dma_start3A_65 = tpu.memref_slice %arg5[%add3A_60, %dma_start3A_64] : memref<2048x512xf32, #tpu.memory_space<hbm>> -> memref<16x512xf32, #tpu.memory_space<hbm>>
    %dma_start3A_66 = arith.constant 0 : i32
    %dma_start3A_67 = tpu.memref_slice %arg5[%add3A_60, %dma_start3A_66] : memref<2048x512xf32, #tpu.memory_space<hbm>> -> memref<16x512xf32, #tpu.memory_space<hbm>>
    %dma_start3A_68 = arith.constant 16 : i32
    %dma_start3A_69 = arith.constant 0 : i32
    %dma_start3A_70 = tpu.memref_slice %arg10[%dma_start3A_68, %dma_start3A_69] : memref<64x512xf32, #tpu.memory_space<vmem>> -> memref<16x512xf32, #tpu.memory_space<vmem>>
    tpu.enqueue_dma source(%dma_start3A_70 : memref<16x512xf32, #tpu.memory_space<vmem>>) target(%dma_start3A_67 : memref<16x512xf32, #tpu.memory_space<hbm>>) target_semaphore(%arg13 : memref<!tpu.dma_semaphore, #tpu.memory_space<semaphore_mem>>)
    %dma_start3A_71 = arith.constant 336 : i32
    %dma_start3A_72 = tpu.memref_slice %arg6[%dma_start3A_71] : memref<448xi32, #tpu.memory_space<vmem>> -> memref<112xi32, #tpu.memory_space<vmem>>
    %dma_start3A_73 = arith.constant 0 : i32
    %dma_start3A_74 = arith.constant 0 : i32
    %dma_start3A_75 = tpu.memref_slice %arg2[%dma_start3A_73, %dma_start3A_74] : memref<2048x256xi32, #tpu.memory_space<hbm>> -> memref<2048x256xi32, #tpu.memory_space<hbm>>
    tpu.enqueue_indirect_dma source(%dma_start3A_75 : memref<2048x256xi32, #tpu.memory_space<hbm>>) target(%arg9 : memref<112x256xi32, #tpu.memory_space<vmem>>) offsets(%dma_start3A_72 : memref<112xi32, #tpu.memory_space<vmem>>) semaphore(%arg12 : memref<!tpu.dma_semaphore, #tpu.memory_space<semaphore_mem>>)
    %dma_wait3A_76 = arith.constant 224 : i32
    %dma_wait3A_77 = tpu.memref_slice %arg6[%dma_wait3A_76] : memref<448xi32, #tpu.memory_space<vmem>> -> memref<112xi32, #tpu.memory_space<vmem>>
    %dma_wait3A_78 = arith.constant 0 : i32
    %dma_wait3A_79 = arith.constant 0 : i32
    %dma_wait3A_80 = tpu.memref_slice %arg2[%dma_wait3A_78, %dma_wait3A_79] : memref<2048x256xi32, #tpu.memory_space<hbm>> -> memref<2048x256xi32, #tpu.memory_space<hbm>>
    tpu.wait_indirect_dma semaphore(%arg11 : memref<!tpu.dma_semaphore, #tpu.memory_space<semaphore_mem>>) src(%dma_wait3A_80 : memref<2048x256xi32, #tpu.memory_space<hbm>>) dst(%arg8 : memref<112x256xi32, #tpu.memory_space<vmem>>)
    %scan3A_81 = arith.constant 0 : i32
    %scan3A_82 = arith.constant 0 : i32
    %scan3A_83 = arith.constant 16 : i32
    %scan3A_84 = arith.addi %scan3A_82, %scan3A_83 : i32
    %scan3A_85 = arith.constant 1 : i32
    scf.for %scan3A_170 = %scan3A_82 to %scan3A_84 step %scan3A_85  : i32 {
      %mul3A_171 = arith.constant 7 : i32
      %mul3A_172 = arith.muli %scan3A_170, %mul3A_171 : i32
      %add3A_173 = arith.constant 224 : i32
      %add3A_174 = arith.addi %add3A_173, %mul3A_172 : i32
      %add3A_175 = arith.constant 0 : i32
      %add3A_176 = arith.addi %add3A_174, %add3A_175 : i32
      %broadcast_in_dim3A = vector.broadcast %add3A_176 : i32 to vector<16xi32>
      %gather3A = tpu.vector_load_idx %arg7[%broadcast_in_dim3A] : memref<448xf32, #tpu.memory_space<vmem>>[vector<16xi32>], vector<16xf32>,
      %mul3A_177 = arith.constant 7 : i32
      %mul3A_178 = arith.muli %scan3A_170, %mul3A_177 : i32
      %add3A_179 = arith.constant 224 : i32
      %add3A_180 = arith.addi %add3A_179, %mul3A_178 : i32
      %add3A_181 = arith.constant 1 : i32
      %add3A_182 = arith.addi %add3A_180, %add3A_181 : i32
      %broadcast_in_dim3A_183 = vector.broadcast %add3A_182 : i32 to vector<16xi32>
      %gather3A_184 = tpu.vector_load_idx %arg7[%broadcast_in_dim3A_183] : memref<448xf32, #tpu.memory_space<vmem>>[vector<16xi32>], vector<16xf32>,
      %mul3A_185 = arith.constant 7 : i32
      %mul3A_186 = arith.muli %scan3A_170, %mul3A_185 : i32
      %add3A_187 = arith.constant 224 : i32
      %add3A_188 = arith.addi %add3A_187, %mul3A_186 : i32
      %add3A_189 = arith.constant 2 : i32
      %add3A_190 = arith.addi %add3A_188, %add3A_189 : i32
      %broadcast_in_dim3A_191 = vector.broadcast %add3A_190 : i32 to vector<16xi32>
      %gather3A_192 = tpu.vector_load_idx %arg7[%broadcast_in_dim3A_191] : memref<448xf32, #tpu.memory_space<vmem>>[vector<16xi32>], vector<16xf32>,
      %mul3A_193 = arith.constant 7 : i32
      %mul3A_194 = arith.muli %scan3A_170, %mul3A_193 : i32
      %add3A_195 = arith.constant 224 : i32
      %add3A_196 = arith.addi %add3A_195, %mul3A_194 : i32
      %add3A_197 = arith.constant 3 : i32
      %add3A_198 = arith.addi %add3A_196, %add3A_197 : i32
      %broadcast_in_dim3A_199 = vector.broadcast %add3A_198 : i32 to vector<16xi32>
      %gather3A_200 = tpu.vector_load_idx %arg7[%broadcast_in_dim3A_199] : memref<448xf32, #tpu.memory_space<vmem>>[vector<16xi32>], vector<16xf32>,
      %mul3A_201 = arith.constant 7 : i32
      %mul3A_202 = arith.muli %scan3A_170, %mul3A_201 : i32
      %add3A_203 = arith.constant 224 : i32
      %add3A_204 = arith.addi %add3A_203, %mul3A_202 : i32
      %add3A_205 = arith.constant 4 : i32
      %add3A_206 = arith.addi %add3A_204, %add3A_205 : i32
      %broadcast_in_dim3A_207 = vector.broadcast %add3A_206 : i32 to vector<16xi32>
      %gather3A_208 = tpu.vector_load_idx %arg7[%broadcast_in_dim3A_207] : memref<448xf32, #tpu.memory_space<vmem>>[vector<16xi32>], vector<16xf32>,
      %mul3A_209 = arith.constant 7 : i32
      %mul3A_210 = arith.muli %scan3A_170, %mul3A_209 : i32
      %add3A_211 = arith.constant 224 : i32
      %add3A_212 = arith.addi %add3A_211, %mul3A_210 : i32
      %add3A_213 = arith.constant 5 : i32
      %add3A_214 = arith.addi %add3A_212, %add3A_213 : i32
      %broadcast_in_dim3A_215 = vector.broadcast %add3A_214 : i32 to vector<16xi32>
      %gather3A_216 = tpu.vector_load_idx %arg7[%broadcast_in_dim3A_215] : memref<448xf32, #tpu.memory_space<vmem>>[vector<16xi32>], vector<16xf32>,
      %mul3A_217 = arith.constant 7 : i32
      %mul3A_218 = arith.muli %scan3A_170, %mul3A_217 : i32
      %add3A_219 = arith.constant 224 : i32
      %add3A_220 = arith.addi %add3A_219, %mul3A_218 : i32
      %add3A_221 = arith.constant 6 : i32
      %add3A_222 = arith.addi %add3A_220, %add3A_221 : i32
      %broadcast_in_dim3A_223 = vector.broadcast %add3A_222 : i32 to vector<16xi32>
      %gather3A_224 = tpu.vector_load_idx %arg7[%broadcast_in_dim3A_223] : memref<448xf32, #tpu.memory_space<vmem>>[vector<16xi32>], vector<16xf32>,
      %add3A_225 = arith.constant 32 : i32
      %add3A_226 = arith.addi %add3A_225, %scan3A_170 : i32
      %parallel_loop3A = arith.constant 0 : i32
      %parallel_loop3A_227 = arith.constant 256 : i32
      %parallel_loop3A_228 = arith.constant 16 : i32
      scf.for %parallel_loop3A_229 = %parallel_loop3A to %parallel_loop3A_227 step %parallel_loop3A_228  : i32 {
        %parallel_loop3A_230 = arith.constant 7 : i32
        %parallel_loop3A_231 = arith.muli %scan3A_170, %parallel_loop3A_230 : i32
        %parallel_loop3A_232 = arith.constant 0 : i32
        %parallel_loop3A_233 = arith.addi %parallel_loop3A_231, %parallel_loop3A_232 : i32
        %parallel_loop3A_234 = arith.index_cast %parallel_loop3A_233 : i32 to index
        %parallel_loop3A_235 = arith.index_cast %parallel_loop3A_229 : i32 to index
        %parallel_loop3A_236 = tpu.vector_load %arg8[%parallel_loop3A_234, %parallel_loop3A_235] {strides = array<i32>} : memref<112x256xi32, #tpu.memory_space<vmem>>, vector<16xi32>,
        %parallel_loop3A_237 = arith.constant 16 : i32
        %parallel_loop3A_238 = vector.broadcast %parallel_loop3A_237 : i32 to vector<16xi32>
        %parallel_loop3A_239 = arith.shli %parallel_loop3A_236, %parallel_loop3A_238 : vector<16xi32>
        %parallel_loop3A_240 = vector.bitcast %parallel_loop3A_239 : vector<16xi32> to vector<16xf32>
        %parallel_loop3A_241 = vector.bitcast %parallel_loop3A_236 : vector<16xi32> to vector<16xf32>
        %parallel_loop3A_242 = arith.mulf %gather3A, %parallel_loop3A_240 : vector<16xf32>
        %parallel_loop3A_243 = arith.mulf %gather3A, %parallel_loop3A_241 : vector<16xf32>
        %parallel_loop3A_244 = arith.constant 7 : i32
        %parallel_loop3A_245 = arith.muli %scan3A_170, %parallel_loop3A_244 : i32
        %parallel_loop3A_246 = arith.constant 1 : i32
        %parallel_loop3A_247 = arith.addi %parallel_loop3A_245, %parallel_loop3A_246 : i32
        %parallel_loop3A_248 = arith.index_cast %parallel_loop3A_247 : i32 to index
        %parallel_loop3A_249 = arith.index_cast %parallel_loop3A_229 : i32 to index
        %parallel_loop3A_250 = tpu.vector_load %arg8[%parallel_loop3A_248, %parallel_loop3A_249] {strides = array<i32>} : memref<112x256xi32, #tpu.memory_space<vmem>>, vector<16xi32>,
        %parallel_loop3A_251 = arith.constant 16 : i32
        %parallel_loop3A_252 = vector.broadcast %parallel_loop3A_251 : i32 to vector<16xi32>
        %parallel_loop3A_253 = arith.shli %parallel_loop3A_250, %parallel_loop3A_252 : vector<16xi32>
        %parallel_loop3A_254 = vector.bitcast %parallel_loop3A_253 : vector<16xi32> to vector<16xf32>
        %parallel_loop3A_255 = vector.bitcast %parallel_loop3A_250 : vector<16xi32> to vector<16xf32>
        %parallel_loop3A_256 = arith.mulf %gather3A_184, %parallel_loop3A_254 : vector<16xf32>
        %parallel_loop3A_257 = arith.mulf %gather3A_184, %parallel_loop3A_255 : vector<16xf32>
        %parallel_loop3A_258 = arith.constant 7 : i32
        %parallel_loop3A_259 = arith.muli %scan3A_170, %parallel_loop3A_258 : i32
        %parallel_loop3A_260 = arith.constant 2 : i32
        %parallel_loop3A_261 = arith.addi %parallel_loop3A_259, %parallel_loop3A_260 : i32
        %parallel_loop3A_262 = arith.index_cast %parallel_loop3A_261 : i32 to index
        %parallel_loop3A_263 = arith.index_cast %parallel_loop3A_229 : i32 to index
        %parallel_loop3A_264 = tpu.vector_load %arg8[%parallel_loop3A_262, %parallel_loop3A_263] {strides = array<i32>} : memref<112x256xi32, #tpu.memory_space<vmem>>, vector<16xi32>,
        %parallel_loop3A_265 = arith.constant 16 : i32
        %parallel_loop3A_266 = vector.broadcast %parallel_loop3A_265 : i32 to vector<16xi32>
        %parallel_loop3A_267 = arith.shli %parallel_loop3A_264, %parallel_loop3A_266 : vector<16xi32>
        %parallel_loop3A_268 = vector.bitcast %parallel_loop3A_267 : vector<16xi32> to vector<16xf32>
        %parallel_loop3A_269 = vector.bitcast %parallel_loop3A_264 : vector<16xi32> to vector<16xf32>
        %parallel_loop3A_270 = arith.mulf %gather3A_192, %parallel_loop3A_268 : vector<16xf32>
        %parallel_loop3A_271 = arith.mulf %gather3A_192, %parallel_loop3A_269 : vector<16xf32>
        %parallel_loop3A_272 = arith.constant 7 : i32
        %parallel_loop3A_273 = arith.muli %scan3A_170, %parallel_loop3A_272 : i32
        %parallel_loop3A_274 = arith.constant 3 : i32
        %parallel_loop3A_275 = arith.addi %parallel_loop3A_273, %parallel_loop3A_274 : i32
        %parallel_loop3A_276 = arith.index_cast %parallel_loop3A_275 : i32 to index
        %parallel_loop3A_277 = arith.index_cast %parallel_loop3A_229 : i32 to index
        %parallel_loop3A_278 = tpu.vector_load %arg8[%parallel_loop3A_276, %parallel_loop3A_277] {strides = array<i32>} : memref<112x256xi32, #tpu.memory_space<vmem>>, vector<16xi32>,
        %parallel_loop3A_279 = arith.constant 16 : i32
        %parallel_loop3A_280 = vector.broadcast %parallel_loop3A_279 : i32 to vector<16xi32>
        %parallel_loop3A_281 = arith.shli %parallel_loop3A_278, %parallel_loop3A_280 : vector<16xi32>
        %parallel_loop3A_282 = vector.bitcast %parallel_loop3A_281 : vector<16xi32> to vector<16xf32>
        %parallel_loop3A_283 = vector.bitcast %parallel_loop3A_278 : vector<16xi32> to vector<16xf32>
        %parallel_loop3A_284 = arith.mulf %gather3A_200, %parallel_loop3A_282 : vector<16xf32>
        %parallel_loop3A_285 = arith.mulf %gather3A_200, %parallel_loop3A_283 : vector<16xf32>
        %parallel_loop3A_286 = arith.constant 7 : i32
        %parallel_loop3A_287 = arith.muli %scan3A_170, %parallel_loop3A_286 : i32
        %parallel_loop3A_288 = arith.constant 4 : i32
        %parallel_loop3A_289 = arith.addi %parallel_loop3A_287, %parallel_loop3A_288 : i32
        %parallel_loop3A_290 = arith.index_cast %parallel_loop3A_289 : i32 to index
        %parallel_loop3A_291 = arith.index_cast %parallel_loop3A_229 : i32 to index
        %parallel_loop3A_292 = tpu.vector_load %arg8[%parallel_loop3A_290, %parallel_loop3A_291] {strides = array<i32>} : memref<112x256xi32, #tpu.memory_space<vmem>>, vector<16xi32>,
        %parallel_loop3A_293 = arith.constant 16 : i32
        %parallel_loop3A_294 = vector.broadcast %parallel_loop3A_293 : i32 to vector<16xi32>
        %parallel_loop3A_295 = arith.shli %parallel_loop3A_292, %parallel_loop3A_294 : vector<16xi32>
        %parallel_loop3A_296 = vector.bitcast %parallel_loop3A_295 : vector<16xi32> to vector<16xf32>
        %parallel_loop3A_297 = vector.bitcast %parallel_loop3A_292 : vector<16xi32> to vector<16xf32>
        %parallel_loop3A_298 = arith.mulf %gather3A_208, %parallel_loop3A_296 : vector<16xf32>
        %parallel_loop3A_299 = arith.mulf %gather3A_208, %parallel_loop3A_297 : vector<16xf32>
        %parallel_loop3A_300 = arith.constant 7 : i32
        %parallel_loop3A_301 = arith.muli %scan3A_170, %parallel_loop3A_300 : i32
        %parallel_loop3A_302 = arith.constant 5 : i32
        %parallel_loop3A_303 = arith.addi %parallel_loop3A_301, %parallel_loop3A_302 : i32
        %parallel_loop3A_304 = arith.index_cast %parallel_loop3A_303 : i32 to index
        %parallel_loop3A_305 = arith.index_cast %parallel_loop3A_229 : i32 to index
        %parallel_loop3A_306 = tpu.vector_load %arg8[%parallel_loop3A_304, %parallel_loop3A_305] {strides = array<i32>} : memref<112x256xi32, #tpu.memory_space<vmem>>, vector<16xi32>,
        %parallel_loop3A_307 = arith.constant 16 : i32
        %parallel_loop3A_308 = vector.broadcast %parallel_loop3A_307 : i32 to vector<16xi32>
        %parallel_loop3A_309 = arith.shli %parallel_loop3A_306, %parallel_loop3A_308 : vector<16xi32>
        %parallel_loop3A_310 = vector.bitcast %parallel_loop3A_309 : vector<16xi32> to vector<16xf32>
        %parallel_loop3A_311 = vector.bitcast %parallel_loop3A_306 : vector<16xi32> to vector<16xf32>
        %parallel_loop3A_312 = arith.mulf %gather3A_216, %parallel_loop3A_310 : vector<16xf32>
        %parallel_loop3A_313 = arith.mulf %gather3A_216, %parallel_loop3A_311 : vector<16xf32>
        %parallel_loop3A_314 = arith.constant 7 : i32
        %parallel_loop3A_315 = arith.muli %scan3A_170, %parallel_loop3A_314 : i32
        %parallel_loop3A_316 = arith.constant 6 : i32
        %parallel_loop3A_317 = arith.addi %parallel_loop3A_315, %parallel_loop3A_316 : i32
        %parallel_loop3A_318 = arith.index_cast %parallel_loop3A_317 : i32 to index
        %parallel_loop3A_319 = arith.index_cast %parallel_loop3A_229 : i32 to index
        %parallel_loop3A_320 = tpu.vector_load %arg8[%parallel_loop3A_318, %parallel_loop3A_319] {strides = array<i32>} : memref<112x256xi32, #tpu.memory_space<vmem>>, vector<16xi32>,
        %parallel_loop3A_321 = arith.constant 16 : i32
        %parallel_loop3A_322 = vector.broadcast %parallel_loop3A_321 : i32 to vector<16xi32>
        %parallel_loop3A_323 = arith.shli %parallel_loop3A_320, %parallel_loop3A_322 : vector<16xi32>
        %parallel_loop3A_324 = vector.bitcast %parallel_loop3A_323 : vector<16xi32> to vector<16xf32>
        %parallel_loop3A_325 = vector.bitcast %parallel_loop3A_320 : vector<16xi32> to vector<16xf32>
        %parallel_loop3A_326 = arith.mulf %gather3A_224, %parallel_loop3A_324 : vector<16xf32>
        %parallel_loop3A_327 = arith.mulf %gather3A_224, %parallel_loop3A_325 : vector<16xf32>
        %parallel_loop3A_328 = arith.addf %parallel_loop3A_242, %parallel_loop3A_256 : vector<16xf32>
        %parallel_loop3A_329 = arith.addf %parallel_loop3A_270, %parallel_loop3A_284 : vector<16xf32>
        %parallel_loop3A_330 = arith.addf %parallel_loop3A_298, %parallel_loop3A_312 : vector<16xf32>
        %parallel_loop3A_331 = arith.addf %parallel_loop3A_328, %parallel_loop3A_329 : vector<16xf32>
        %parallel_loop3A_332 = arith.addf %parallel_loop3A_330, %parallel_loop3A_326 : vector<16xf32>
        %parallel_loop3A_333 = arith.addf %parallel_loop3A_331, %parallel_loop3A_332 : vector<16xf32>
        %parallel_loop3A_334 = arith.addf %parallel_loop3A_243, %parallel_loop3A_257 : vector<16xf32>
        %parallel_loop3A_335 = arith.addf %parallel_loop3A_271, %parallel_loop3A_285 : vector<16xf32>
        %parallel_loop3A_336 = arith.addf %parallel_loop3A_299, %parallel_loop3A_313 : vector<16xf32>
        %parallel_loop3A_337 = arith.addf %parallel_loop3A_334, %parallel_loop3A_335 : vector<16xf32>
        %parallel_loop3A_338 = arith.addf %parallel_loop3A_336, %parallel_loop3A_327 : vector<16xf32>
        %parallel_loop3A_339 = arith.addf %parallel_loop3A_337, %parallel_loop3A_338 : vector<16xf32>
        %parallel_loop3A_340 = arith.index_cast %add3A_226 : i32 to index
        %parallel_loop3A_341 = arith.index_cast %parallel_loop3A_229 : i32 to index
        %parallel_loop3A_342 = tpu.vector_load %arg10[%parallel_loop3A_340, %parallel_loop3A_341] {strides = array<i32>} : memref<64x512xf32, #tpu.memory_space<vmem>>, vector<16xf32>,
        tpu.vector_store %arg10[%parallel_loop3A_340, %parallel_loop3A_341], %parallel_loop3A_333 {strides = array<i32>} : memref<64x512xf32, #tpu.memory_space<vmem>>, vector<16xf32>,
        %parallel_loop3A_343 = arith.constant 256 : i32
        %parallel_loop3A_344 = arith.addi %parallel_loop3A_229, %parallel_loop3A_343 : i32
        %parallel_loop3A_345 = arith.index_cast %add3A_226 : i32 to index
        %parallel_loop3A_346 = arith.index_cast %parallel_loop3A_344 : i32 to index
        %parallel_loop3A_347 = tpu.vector_load %arg10[%parallel_loop3A_345, %parallel_loop3A_346] {strides = array<i32>} : memref<64x512xf32, #tpu.memory_space<vmem>>, vector<16xf32>,
        tpu.vector_store %arg10[%parallel_loop3A_345, %parallel_loop3A_346], %parallel_loop3A_339 {strides = array<i32>} : memref<64x512xf32, #tpu.memory_space<vmem>>, vector<16xf32>,
      } {sc.loop_unroll_factor = 8 : i64, sc.parallel_access}
    }
    %scan3A_86 = arith.constant 16 : i32
    %add3A_87 = arith.constant 32 : i32
    %add3A_88 = arith.addi %mul3A_4, %add3A_87 : i32
    %dma_start3A_89 = arith.constant 32 : i32
    %dma_start3A_90 = arith.constant 0 : i32
    %dma_start3A_91 = tpu.memref_slice %arg10[%dma_start3A_89, %dma_start3A_90] : memref<64x512xf32, #tpu.memory_space<vmem>> -> memref<16x512xf32, #tpu.memory_space<vmem>>
    %dma_start3A_92 = arith.constant 0 : i32
    %dma_start3A_93 = tpu.memref_slice %arg5[%add3A_88, %dma_start3A_92] : memref<2048x512xf32, #tpu.memory_space<hbm>> -> memref<16x512xf32, #tpu.memory_space<hbm>>
    %dma_start3A_94 = arith.constant 0 : i32
    %dma_start3A_95 = tpu.memref_slice %arg5[%add3A_88, %dma_start3A_94] : memref<2048x512xf32, #tpu.memory_space<hbm>> -> memref<16x512xf32, #tpu.memory_space<hbm>>
    %dma_start3A_96 = arith.constant 32 : i32
    %dma_start3A_97 = arith.constant 0 : i32
    %dma_start3A_98 = tpu.memref_slice %arg10[%dma_start3A_96, %dma_start3A_97] : memref<64x512xf32, #tpu.memory_space<vmem>> -> memref<16x512xf32, #tpu.memory_space<vmem>>
    tpu.enqueue_dma source(%dma_start3A_98 : memref<16x512xf32, #tpu.memory_space<vmem>>) target(%dma_start3A_95 : memref<16x512xf32, #tpu.memory_space<hbm>>) target_semaphore(%arg13 : memref<!tpu.dma_semaphore, #tpu.memory_space<semaphore_mem>>)
    %dma_wait3A_99 = arith.constant 336 : i32
    %dma_wait3A_100 = tpu.memref_slice %arg6[%dma_wait3A_99] : memref<448xi32, #tpu.memory_space<vmem>> -> memref<112xi32, #tpu.memory_space<vmem>>
    %dma_wait3A_101 = arith.constant 0 : i32
    %dma_wait3A_102 = arith.constant 0 : i32
    %dma_wait3A_103 = tpu.memref_slice %arg2[%dma_wait3A_101, %dma_wait3A_102] : memref<2048x256xi32, #tpu.memory_space<hbm>> -> memref<2048x256xi32, #tpu.memory_space<hbm>>
    tpu.wait_indirect_dma semaphore(%arg12 : memref<!tpu.dma_semaphore, #tpu.memory_space<semaphore_mem>>) src(%dma_wait3A_103 : memref<2048x256xi32, #tpu.memory_space<hbm>>) dst(%arg9 : memref<112x256xi32, #tpu.memory_space<vmem>>)
    %scan3A_104 = arith.constant 0 : i32
    %scan3A_105 = arith.constant 0 : i32
    %scan3A_106 = arith.constant 16 : i32
    %scan3A_107 = arith.addi %scan3A_105, %scan3A_106 : i32
    %scan3A_108 = arith.constant 1 : i32
    scf.for %scan3A_170 = %scan3A_105 to %scan3A_107 step %scan3A_108  : i32 {
      %mul3A_171 = arith.constant 7 : i32
      %mul3A_172 = arith.muli %scan3A_170, %mul3A_171 : i32
      %add3A_173 = arith.constant 336 : i32
      %add3A_174 = arith.addi %add3A_173, %mul3A_172 : i32
      %add3A_175 = arith.constant 0 : i32
      %add3A_176 = arith.addi %add3A_174, %add3A_175 : i32
      %broadcast_in_dim3A = vector.broadcast %add3A_176 : i32 to vector<16xi32>
      %gather3A = tpu.vector_load_idx %arg7[%broadcast_in_dim3A] : memref<448xf32, #tpu.memory_space<vmem>>[vector<16xi32>], vector<16xf32>,
      %mul3A_177 = arith.constant 7 : i32
      %mul3A_178 = arith.muli %scan3A_170, %mul3A_177 : i32
      %add3A_179 = arith.constant 336 : i32
      %add3A_180 = arith.addi %add3A_179, %mul3A_178 : i32
      %add3A_181 = arith.constant 1 : i32
      %add3A_182 = arith.addi %add3A_180, %add3A_181 : i32
      %broadcast_in_dim3A_183 = vector.broadcast %add3A_182 : i32 to vector<16xi32>
      %gather3A_184 = tpu.vector_load_idx %arg7[%broadcast_in_dim3A_183] : memref<448xf32, #tpu.memory_space<vmem>>[vector<16xi32>], vector<16xf32>,
      %mul3A_185 = arith.constant 7 : i32
      %mul3A_186 = arith.muli %scan3A_170, %mul3A_185 : i32
      %add3A_187 = arith.constant 336 : i32
      %add3A_188 = arith.addi %add3A_187, %mul3A_186 : i32
      %add3A_189 = arith.constant 2 : i32
      %add3A_190 = arith.addi %add3A_188, %add3A_189 : i32
      %broadcast_in_dim3A_191 = vector.broadcast %add3A_190 : i32 to vector<16xi32>
      %gather3A_192 = tpu.vector_load_idx %arg7[%broadcast_in_dim3A_191] : memref<448xf32, #tpu.memory_space<vmem>>[vector<16xi32>], vector<16xf32>,
      %mul3A_193 = arith.constant 7 : i32
      %mul3A_194 = arith.muli %scan3A_170, %mul3A_193 : i32
      %add3A_195 = arith.constant 336 : i32
      %add3A_196 = arith.addi %add3A_195, %mul3A_194 : i32
      %add3A_197 = arith.constant 3 : i32
      %add3A_198 = arith.addi %add3A_196, %add3A_197 : i32
      %broadcast_in_dim3A_199 = vector.broadcast %add3A_198 : i32 to vector<16xi32>
      %gather3A_200 = tpu.vector_load_idx %arg7[%broadcast_in_dim3A_199] : memref<448xf32, #tpu.memory_space<vmem>>[vector<16xi32>], vector<16xf32>,
      %mul3A_201 = arith.constant 7 : i32
      %mul3A_202 = arith.muli %scan3A_170, %mul3A_201 : i32
      %add3A_203 = arith.constant 336 : i32
      %add3A_204 = arith.addi %add3A_203, %mul3A_202 : i32
      %add3A_205 = arith.constant 4 : i32
      %add3A_206 = arith.addi %add3A_204, %add3A_205 : i32
      %broadcast_in_dim3A_207 = vector.broadcast %add3A_206 : i32 to vector<16xi32>
      %gather3A_208 = tpu.vector_load_idx %arg7[%broadcast_in_dim3A_207] : memref<448xf32, #tpu.memory_space<vmem>>[vector<16xi32>], vector<16xf32>,
      %mul3A_209 = arith.constant 7 : i32
      %mul3A_210 = arith.muli %scan3A_170, %mul3A_209 : i32
      %add3A_211 = arith.constant 336 : i32
      %add3A_212 = arith.addi %add3A_211, %mul3A_210 : i32
      %add3A_213 = arith.constant 5 : i32
      %add3A_214 = arith.addi %add3A_212, %add3A_213 : i32
      %broadcast_in_dim3A_215 = vector.broadcast %add3A_214 : i32 to vector<16xi32>
      %gather3A_216 = tpu.vector_load_idx %arg7[%broadcast_in_dim3A_215] : memref<448xf32, #tpu.memory_space<vmem>>[vector<16xi32>], vector<16xf32>,
      %mul3A_217 = arith.constant 7 : i32
      %mul3A_218 = arith.muli %scan3A_170, %mul3A_217 : i32
      %add3A_219 = arith.constant 336 : i32
      %add3A_220 = arith.addi %add3A_219, %mul3A_218 : i32
      %add3A_221 = arith.constant 6 : i32
      %add3A_222 = arith.addi %add3A_220, %add3A_221 : i32
      %broadcast_in_dim3A_223 = vector.broadcast %add3A_222 : i32 to vector<16xi32>
      %gather3A_224 = tpu.vector_load_idx %arg7[%broadcast_in_dim3A_223] : memref<448xf32, #tpu.memory_space<vmem>>[vector<16xi32>], vector<16xf32>,
      %add3A_225 = arith.constant 48 : i32
      %add3A_226 = arith.addi %add3A_225, %scan3A_170 : i32
      %parallel_loop3A = arith.constant 0 : i32
      %parallel_loop3A_227 = arith.constant 256 : i32
      %parallel_loop3A_228 = arith.constant 16 : i32
      scf.for %parallel_loop3A_229 = %parallel_loop3A to %parallel_loop3A_227 step %parallel_loop3A_228  : i32 {
        %parallel_loop3A_230 = arith.constant 7 : i32
        %parallel_loop3A_231 = arith.muli %scan3A_170, %parallel_loop3A_230 : i32
        %parallel_loop3A_232 = arith.constant 0 : i32
        %parallel_loop3A_233 = arith.addi %parallel_loop3A_231, %parallel_loop3A_232 : i32
        %parallel_loop3A_234 = arith.index_cast %parallel_loop3A_233 : i32 to index
        %parallel_loop3A_235 = arith.index_cast %parallel_loop3A_229 : i32 to index
        %parallel_loop3A_236 = tpu.vector_load %arg9[%parallel_loop3A_234, %parallel_loop3A_235] {strides = array<i32>} : memref<112x256xi32, #tpu.memory_space<vmem>>, vector<16xi32>,
        %parallel_loop3A_237 = arith.constant 16 : i32
        %parallel_loop3A_238 = vector.broadcast %parallel_loop3A_237 : i32 to vector<16xi32>
        %parallel_loop3A_239 = arith.shli %parallel_loop3A_236, %parallel_loop3A_238 : vector<16xi32>
        %parallel_loop3A_240 = vector.bitcast %parallel_loop3A_239 : vector<16xi32> to vector<16xf32>
        %parallel_loop3A_241 = vector.bitcast %parallel_loop3A_236 : vector<16xi32> to vector<16xf32>
        %parallel_loop3A_242 = arith.mulf %gather3A, %parallel_loop3A_240 : vector<16xf32>
        %parallel_loop3A_243 = arith.mulf %gather3A, %parallel_loop3A_241 : vector<16xf32>
        %parallel_loop3A_244 = arith.constant 7 : i32
        %parallel_loop3A_245 = arith.muli %scan3A_170, %parallel_loop3A_244 : i32
        %parallel_loop3A_246 = arith.constant 1 : i32
        %parallel_loop3A_247 = arith.addi %parallel_loop3A_245, %parallel_loop3A_246 : i32
        %parallel_loop3A_248 = arith.index_cast %parallel_loop3A_247 : i32 to index
        %parallel_loop3A_249 = arith.index_cast %parallel_loop3A_229 : i32 to index
        %parallel_loop3A_250 = tpu.vector_load %arg9[%parallel_loop3A_248, %parallel_loop3A_249] {strides = array<i32>} : memref<112x256xi32, #tpu.memory_space<vmem>>, vector<16xi32>,
        %parallel_loop3A_251 = arith.constant 16 : i32
        %parallel_loop3A_252 = vector.broadcast %parallel_loop3A_251 : i32 to vector<16xi32>
        %parallel_loop3A_253 = arith.shli %parallel_loop3A_250, %parallel_loop3A_252 : vector<16xi32>
        %parallel_loop3A_254 = vector.bitcast %parallel_loop3A_253 : vector<16xi32> to vector<16xf32>
        %parallel_loop3A_255 = vector.bitcast %parallel_loop3A_250 : vector<16xi32> to vector<16xf32>
        %parallel_loop3A_256 = arith.mulf %gather3A_184, %parallel_loop3A_254 : vector<16xf32>
        %parallel_loop3A_257 = arith.mulf %gather3A_184, %parallel_loop3A_255 : vector<16xf32>
        %parallel_loop3A_258 = arith.constant 7 : i32
        %parallel_loop3A_259 = arith.muli %scan3A_170, %parallel_loop3A_258 : i32
        %parallel_loop3A_260 = arith.constant 2 : i32
        %parallel_loop3A_261 = arith.addi %parallel_loop3A_259, %parallel_loop3A_260 : i32
        %parallel_loop3A_262 = arith.index_cast %parallel_loop3A_261 : i32 to index
        %parallel_loop3A_263 = arith.index_cast %parallel_loop3A_229 : i32 to index
        %parallel_loop3A_264 = tpu.vector_load %arg9[%parallel_loop3A_262, %parallel_loop3A_263] {strides = array<i32>} : memref<112x256xi32, #tpu.memory_space<vmem>>, vector<16xi32>,
        %parallel_loop3A_265 = arith.constant 16 : i32
        %parallel_loop3A_266 = vector.broadcast %parallel_loop3A_265 : i32 to vector<16xi32>
        %parallel_loop3A_267 = arith.shli %parallel_loop3A_264, %parallel_loop3A_266 : vector<16xi32>
        %parallel_loop3A_268 = vector.bitcast %parallel_loop3A_267 : vector<16xi32> to vector<16xf32>
        %parallel_loop3A_269 = vector.bitcast %parallel_loop3A_264 : vector<16xi32> to vector<16xf32>
        %parallel_loop3A_270 = arith.mulf %gather3A_192, %parallel_loop3A_268 : vector<16xf32>
        %parallel_loop3A_271 = arith.mulf %gather3A_192, %parallel_loop3A_269 : vector<16xf32>
        %parallel_loop3A_272 = arith.constant 7 : i32
        %parallel_loop3A_273 = arith.muli %scan3A_170, %parallel_loop3A_272 : i32
        %parallel_loop3A_274 = arith.constant 3 : i32
        %parallel_loop3A_275 = arith.addi %parallel_loop3A_273, %parallel_loop3A_274 : i32
        %parallel_loop3A_276 = arith.index_cast %parallel_loop3A_275 : i32 to index
        %parallel_loop3A_277 = arith.index_cast %parallel_loop3A_229 : i32 to index
        %parallel_loop3A_278 = tpu.vector_load %arg9[%parallel_loop3A_276, %parallel_loop3A_277] {strides = array<i32>} : memref<112x256xi32, #tpu.memory_space<vmem>>, vector<16xi32>,
        %parallel_loop3A_279 = arith.constant 16 : i32
        %parallel_loop3A_280 = vector.broadcast %parallel_loop3A_279 : i32 to vector<16xi32>
        %parallel_loop3A_281 = arith.shli %parallel_loop3A_278, %parallel_loop3A_280 : vector<16xi32>
        %parallel_loop3A_282 = vector.bitcast %parallel_loop3A_281 : vector<16xi32> to vector<16xf32>
        %parallel_loop3A_283 = vector.bitcast %parallel_loop3A_278 : vector<16xi32> to vector<16xf32>
        %parallel_loop3A_284 = arith.mulf %gather3A_200, %parallel_loop3A_282 : vector<16xf32>
        %parallel_loop3A_285 = arith.mulf %gather3A_200, %parallel_loop3A_283 : vector<16xf32>
        %parallel_loop3A_286 = arith.constant 7 : i32
        %parallel_loop3A_287 = arith.muli %scan3A_170, %parallel_loop3A_286 : i32
        %parallel_loop3A_288 = arith.constant 4 : i32
        %parallel_loop3A_289 = arith.addi %parallel_loop3A_287, %parallel_loop3A_288 : i32
        %parallel_loop3A_290 = arith.index_cast %parallel_loop3A_289 : i32 to index
        %parallel_loop3A_291 = arith.index_cast %parallel_loop3A_229 : i32 to index
        %parallel_loop3A_292 = tpu.vector_load %arg9[%parallel_loop3A_290, %parallel_loop3A_291] {strides = array<i32>} : memref<112x256xi32, #tpu.memory_space<vmem>>, vector<16xi32>,
        %parallel_loop3A_293 = arith.constant 16 : i32
        %parallel_loop3A_294 = vector.broadcast %parallel_loop3A_293 : i32 to vector<16xi32>
        %parallel_loop3A_295 = arith.shli %parallel_loop3A_292, %parallel_loop3A_294 : vector<16xi32>
        %parallel_loop3A_296 = vector.bitcast %parallel_loop3A_295 : vector<16xi32> to vector<16xf32>
        %parallel_loop3A_297 = vector.bitcast %parallel_loop3A_292 : vector<16xi32> to vector<16xf32>
        %parallel_loop3A_298 = arith.mulf %gather3A_208, %parallel_loop3A_296 : vector<16xf32>
        %parallel_loop3A_299 = arith.mulf %gather3A_208, %parallel_loop3A_297 : vector<16xf32>
        %parallel_loop3A_300 = arith.constant 7 : i32
        %parallel_loop3A_301 = arith.muli %scan3A_170, %parallel_loop3A_300 : i32
        %parallel_loop3A_302 = arith.constant 5 : i32
        %parallel_loop3A_303 = arith.addi %parallel_loop3A_301, %parallel_loop3A_302 : i32
        %parallel_loop3A_304 = arith.index_cast %parallel_loop3A_303 : i32 to index
        %parallel_loop3A_305 = arith.index_cast %parallel_loop3A_229 : i32 to index
        %parallel_loop3A_306 = tpu.vector_load %arg9[%parallel_loop3A_304, %parallel_loop3A_305] {strides = array<i32>} : memref<112x256xi32, #tpu.memory_space<vmem>>, vector<16xi32>,
        %parallel_loop3A_307 = arith.constant 16 : i32
        %parallel_loop3A_308 = vector.broadcast %parallel_loop3A_307 : i32 to vector<16xi32>
        %parallel_loop3A_309 = arith.shli %parallel_loop3A_306, %parallel_loop3A_308 : vector<16xi32>
        %parallel_loop3A_310 = vector.bitcast %parallel_loop3A_309 : vector<16xi32> to vector<16xf32>
        %parallel_loop3A_311 = vector.bitcast %parallel_loop3A_306 : vector<16xi32> to vector<16xf32>
        %parallel_loop3A_312 = arith.mulf %gather3A_216, %parallel_loop3A_310 : vector<16xf32>
        %parallel_loop3A_313 = arith.mulf %gather3A_216, %parallel_loop3A_311 : vector<16xf32>
        %parallel_loop3A_314 = arith.constant 7 : i32
        %parallel_loop3A_315 = arith.muli %scan3A_170, %parallel_loop3A_314 : i32
        %parallel_loop3A_316 = arith.constant 6 : i32
        %parallel_loop3A_317 = arith.addi %parallel_loop3A_315, %parallel_loop3A_316 : i32
        %parallel_loop3A_318 = arith.index_cast %parallel_loop3A_317 : i32 to index
        %parallel_loop3A_319 = arith.index_cast %parallel_loop3A_229 : i32 to index
        %parallel_loop3A_320 = tpu.vector_load %arg9[%parallel_loop3A_318, %parallel_loop3A_319] {strides = array<i32>} : memref<112x256xi32, #tpu.memory_space<vmem>>, vector<16xi32>,
        %parallel_loop3A_321 = arith.constant 16 : i32
        %parallel_loop3A_322 = vector.broadcast %parallel_loop3A_321 : i32 to vector<16xi32>
        %parallel_loop3A_323 = arith.shli %parallel_loop3A_320, %parallel_loop3A_322 : vector<16xi32>
        %parallel_loop3A_324 = vector.bitcast %parallel_loop3A_323 : vector<16xi32> to vector<16xf32>
        %parallel_loop3A_325 = vector.bitcast %parallel_loop3A_320 : vector<16xi32> to vector<16xf32>
        %parallel_loop3A_326 = arith.mulf %gather3A_224, %parallel_loop3A_324 : vector<16xf32>
        %parallel_loop3A_327 = arith.mulf %gather3A_224, %parallel_loop3A_325 : vector<16xf32>
        %parallel_loop3A_328 = arith.addf %parallel_loop3A_242, %parallel_loop3A_256 : vector<16xf32>
        %parallel_loop3A_329 = arith.addf %parallel_loop3A_270, %parallel_loop3A_284 : vector<16xf32>
        %parallel_loop3A_330 = arith.addf %parallel_loop3A_298, %parallel_loop3A_312 : vector<16xf32>
        %parallel_loop3A_331 = arith.addf %parallel_loop3A_328, %parallel_loop3A_329 : vector<16xf32>
        %parallel_loop3A_332 = arith.addf %parallel_loop3A_330, %parallel_loop3A_326 : vector<16xf32>
        %parallel_loop3A_333 = arith.addf %parallel_loop3A_331, %parallel_loop3A_332 : vector<16xf32>
        %parallel_loop3A_334 = arith.addf %parallel_loop3A_243, %parallel_loop3A_257 : vector<16xf32>
        %parallel_loop3A_335 = arith.addf %parallel_loop3A_271, %parallel_loop3A_285 : vector<16xf32>
        %parallel_loop3A_336 = arith.addf %parallel_loop3A_299, %parallel_loop3A_313 : vector<16xf32>
        %parallel_loop3A_337 = arith.addf %parallel_loop3A_334, %parallel_loop3A_335 : vector<16xf32>
        %parallel_loop3A_338 = arith.addf %parallel_loop3A_336, %parallel_loop3A_327 : vector<16xf32>
        %parallel_loop3A_339 = arith.addf %parallel_loop3A_337, %parallel_loop3A_338 : vector<16xf32>
        %parallel_loop3A_340 = arith.index_cast %add3A_226 : i32 to index
        %parallel_loop3A_341 = arith.index_cast %parallel_loop3A_229 : i32 to index
        %parallel_loop3A_342 = tpu.vector_load %arg10[%parallel_loop3A_340, %parallel_loop3A_341] {strides = array<i32>} : memref<64x512xf32, #tpu.memory_space<vmem>>, vector<16xf32>,
        tpu.vector_store %arg10[%parallel_loop3A_340, %parallel_loop3A_341], %parallel_loop3A_333 {strides = array<i32>} : memref<64x512xf32, #tpu.memory_space<vmem>>, vector<16xf32>,
        %parallel_loop3A_343 = arith.constant 256 : i32
        %parallel_loop3A_344 = arith.addi %parallel_loop3A_229, %parallel_loop3A_343 : i32
        %parallel_loop3A_345 = arith.index_cast %add3A_226 : i32 to index
        %parallel_loop3A_346 = arith.index_cast %parallel_loop3A_344 : i32 to index
        %parallel_loop3A_347 = tpu.vector_load %arg10[%parallel_loop3A_345, %parallel_loop3A_346] {strides = array<i32>} : memref<64x512xf32, #tpu.memory_space<vmem>>, vector<16xf32>,
        tpu.vector_store %arg10[%parallel_loop3A_345, %parallel_loop3A_346], %parallel_loop3A_339 {strides = array<i32>} : memref<64x512xf32, #tpu.memory_space<vmem>>, vector<16xf32>,
      } {sc.loop_unroll_factor = 8 : i64, sc.parallel_access}
    }
    %scan3A_109 = arith.constant 16 : i32
    %add3A_110 = arith.constant 48 : i32
    %add3A_111 = arith.addi %mul3A_4, %add3A_110 : i32
    %dma_start3A_112 = arith.constant 48 : i32
    %dma_start3A_113 = arith.constant 0 : i32
    %dma_start3A_114 = tpu.memref_slice %arg10[%dma_start3A_112, %dma_start3A_113] : memref<64x512xf32, #tpu.memory_space<vmem>> -> memref<16x512xf32, #tpu.memory_space<vmem>>
    %dma_start3A_115 = arith.constant 0 : i32
    %dma_start3A_116 = tpu.memref_slice %arg5[%add3A_111, %dma_start3A_115] : memref<2048x512xf32, #tpu.memory_space<hbm>> -> memref<16x512xf32, #tpu.memory_space<hbm>>
    %dma_start3A_117 = arith.constant 0 : i32
    %dma_start3A_118 = tpu.memref_slice %arg5[%add3A_111, %dma_start3A_117] : memref<2048x512xf32, #tpu.memory_space<hbm>> -> memref<16x512xf32, #tpu.memory_space<hbm>>
    %dma_start3A_119 = arith.constant 48 : i32
    %dma_start3A_120 = arith.constant 0 : i32
    %dma_start3A_121 = tpu.memref_slice %arg10[%dma_start3A_119, %dma_start3A_120] : memref<64x512xf32, #tpu.memory_space<vmem>> -> memref<16x512xf32, #tpu.memory_space<vmem>>
    tpu.enqueue_dma source(%dma_start3A_121 : memref<16x512xf32, #tpu.memory_space<vmem>>) target(%dma_start3A_118 : memref<16x512xf32, #tpu.memory_space<hbm>>) target_semaphore(%arg13 : memref<!tpu.dma_semaphore, #tpu.memory_space<semaphore_mem>>)
    %add3A_122 = arith.constant 0 : i32
    %add3A_123 = arith.addi %mul3A_4, %add3A_122 : i32
    %dma_wait3A_124 = arith.constant 0 : i32
    %dma_wait3A_125 = arith.constant 0 : i32
    %dma_wait3A_126 = tpu.memref_slice %arg10[%dma_wait3A_124, %dma_wait3A_125] : memref<64x512xf32, #tpu.memory_space<vmem>> -> memref<16x512xf32, #tpu.memory_space<vmem>>
    %dma_wait3A_127 = arith.constant 0 : i32
    %dma_wait3A_128 = tpu.memref_slice %arg5[%add3A_123, %dma_wait3A_127] : memref<2048x512xf32, #tpu.memory_space<hbm>> -> memref<16x512xf32, #tpu.memory_space<hbm>>
    %dma_wait3A_129 = arith.constant 0 : i32
    %dma_wait3A_130 = tpu.memref_slice %arg5[%add3A_123, %dma_wait3A_129] : memref<2048x512xf32, #tpu.memory_space<hbm>> -> memref<16x512xf32, #tpu.memory_space<hbm>>
    %dma_wait3A_131 = arith.constant 0 : i32
    %dma_wait3A_132 = arith.constant 0 : i32
    %dma_wait3A_133 = tpu.memref_slice %arg10[%dma_wait3A_131, %dma_wait3A_132] : memref<64x512xf32, #tpu.memory_space<vmem>> -> memref<16x512xf32, #tpu.memory_space<vmem>>
    tpu.wait_dma2 semaphore(%arg13 : memref<!tpu.dma_semaphore, #tpu.memory_space<semaphore_mem>>) src(%dma_wait3A_133 : memref<16x512xf32, #tpu.memory_space<vmem>>) dst(%dma_wait3A_130 : memref<16x512xf32, #tpu.memory_space<hbm>>)
    %add3A_134 = arith.constant 16 : i32
    %add3A_135 = arith.addi %mul3A_4, %add3A_134 : i32
    %dma_wait3A_136 = arith.constant 16 : i32
    %dma_wait3A_137 = arith.constant 0 : i32
    %dma_wait3A_138 = tpu.memref_slice %arg10[%dma_wait3A_136, %dma_wait3A_137] : memref<64x512xf32, #tpu.memory_space<vmem>> -> memref<16x512xf32, #tpu.memory_space<vmem>>
    %dma_wait3A_139 = arith.constant 0 : i32
    %dma_wait3A_140 = tpu.memref_slice %arg5[%add3A_135, %dma_wait3A_139] : memref<2048x512xf32, #tpu.memory_space<hbm>> -> memref<16x512xf32, #tpu.memory_space<hbm>>
    %dma_wait3A_141 = arith.constant 0 : i32
    %dma_wait3A_142 = tpu.memref_slice %arg5[%add3A_135, %dma_wait3A_141] : memref<2048x512xf32, #tpu.memory_space<hbm>> -> memref<16x512xf32, #tpu.memory_space<hbm>>
    %dma_wait3A_143 = arith.constant 16 : i32
    %dma_wait3A_144 = arith.constant 0 : i32
    %dma_wait3A_145 = tpu.memref_slice %arg10[%dma_wait3A_143, %dma_wait3A_144] : memref<64x512xf32, #tpu.memory_space<vmem>> -> memref<16x512xf32, #tpu.memory_space<vmem>>
    tpu.wait_dma2 semaphore(%arg13 : memref<!tpu.dma_semaphore, #tpu.memory_space<semaphore_mem>>) src(%dma_wait3A_145 : memref<16x512xf32, #tpu.memory_space<vmem>>) dst(%dma_wait3A_142 : memref<16x512xf32, #tpu.memory_space<hbm>>)
    %add3A_146 = arith.constant 32 : i32
    %add3A_147 = arith.addi %mul3A_4, %add3A_146 : i32
    %dma_wait3A_148 = arith.constant 32 : i32
    %dma_wait3A_149 = arith.constant 0 : i32
    %dma_wait3A_150 = tpu.memref_slice %arg10[%dma_wait3A_148, %dma_wait3A_149] : memref<64x512xf32, #tpu.memory_space<vmem>> -> memref<16x512xf32, #tpu.memory_space<vmem>>
    %dma_wait3A_151 = arith.constant 0 : i32
    %dma_wait3A_152 = tpu.memref_slice %arg5[%add3A_147, %dma_wait3A_151] : memref<2048x512xf32, #tpu.memory_space<hbm>> -> memref<16x512xf32, #tpu.memory_space<hbm>>
    %dma_wait3A_153 = arith.constant 0 : i32
    %dma_wait3A_154 = tpu.memref_slice %arg5[%add3A_147, %dma_wait3A_153] : memref<2048x512xf32, #tpu.memory_space<hbm>> -> memref<16x512xf32, #tpu.memory_space<hbm>>
    %dma_wait3A_155 = arith.constant 32 : i32
    %dma_wait3A_156 = arith.constant 0 : i32
    %dma_wait3A_157 = tpu.memref_slice %arg10[%dma_wait3A_155, %dma_wait3A_156] : memref<64x512xf32, #tpu.memory_space<vmem>> -> memref<16x512xf32, #tpu.memory_space<vmem>>
    tpu.wait_dma2 semaphore(%arg13 : memref<!tpu.dma_semaphore, #tpu.memory_space<semaphore_mem>>) src(%dma_wait3A_157 : memref<16x512xf32, #tpu.memory_space<vmem>>) dst(%dma_wait3A_154 : memref<16x512xf32, #tpu.memory_space<hbm>>)
    %add3A_158 = arith.constant 48 : i32
    %add3A_159 = arith.addi %mul3A_4, %add3A_158 : i32
    %dma_wait3A_160 = arith.constant 48 : i32
    %dma_wait3A_161 = arith.constant 0 : i32
    %dma_wait3A_162 = tpu.memref_slice %arg10[%dma_wait3A_160, %dma_wait3A_161] : memref<64x512xf32, #tpu.memory_space<vmem>> -> memref<16x512xf32, #tpu.memory_space<vmem>>
    %dma_wait3A_163 = arith.constant 0 : i32
    %dma_wait3A_164 = tpu.memref_slice %arg5[%add3A_159, %dma_wait3A_163] : memref<2048x512xf32, #tpu.memory_space<hbm>> -> memref<16x512xf32, #tpu.memory_space<hbm>>
    %dma_wait3A_165 = arith.constant 0 : i32
    %dma_wait3A_166 = tpu.memref_slice %arg5[%add3A_159, %dma_wait3A_165] : memref<2048x512xf32, #tpu.memory_space<hbm>> -> memref<16x512xf32, #tpu.memory_space<hbm>>
    %dma_wait3A_167 = arith.constant 48 : i32
    %dma_wait3A_168 = arith.constant 0 : i32
    %dma_wait3A_169 = tpu.memref_slice %arg10[%dma_wait3A_167, %dma_wait3A_168] : memref<64x512xf32, #tpu.memory_space<vmem>> -> memref<16x512xf32, #tpu.memory_space<vmem>>
    tpu.wait_dma2 semaphore(%arg13 : memref<!tpu.dma_semaphore, #tpu.memory_space<semaphore_mem>>) src(%dma_wait3A_169 : memref<16x512xf32, #tpu.memory_space<vmem>>) dst(%dma_wait3A_166 : memref<16x512xf32, #tpu.memory_space<hbm>>)
    return
  }
}

#map = affine_map<(d0, d1) -> (0, 0)>
#map1 = affine_map<(d0, d1) -> (0)>
module attributes {stable_mosaic.version = 14 : i64} {
  func.func @k(%arg0: i32, %arg1: i32, %arg2: memref<2048x256xi32, #tpu.memory_space<hbm>>, %arg3: memref<7168xi32, #tpu.memory_space<hbm>>, %arg4: memref<7168xf32, #tpu.memory_space<hbm>>, %arg5: memref<1024x512xf32, #tpu.memory_space<hbm>>, %arg6: memref<224xi32, #tpu.memory_space<vmem>>, %arg7: memref<224xf32, #tpu.memory_space<vmem>>, %arg8: memref<112x256xi32, #tpu.memory_space<vmem>>, %arg9: memref<112x256xi32, #tpu.memory_space<vmem>>, %arg10: memref<32x512xf32, #tpu.memory_space<vmem>>, %arg11: memref<!tpu.dma_semaphore, #tpu.memory_space<semaphore_mem>>, %arg12: memref<!tpu.dma_semaphore, #tpu.memory_space<semaphore_mem>>, %arg13: memref<!tpu.dma_semaphore, #tpu.memory_space<semaphore_mem>>) attributes {dimension_semantics = [#tpu.dimension_semantics<core_parallel>, #tpu.dimension_semantics<subcore_parallel>], iteration_bounds = array<i64: 2, 16>, scalar_prefetch = 0 : i64, scratch_operands = 8 : i64, tpu.core_type = #tpu.core_type<sc_vector_subcore>, window_params = [{transform_indices = #map}, {transform_indices = #map1}, {transform_indices = #map1}, {transform_indices = #map}]} {
    %mul3A = arith.constant 2 : i32
    %mul3A_0 = arith.muli %arg1, %mul3A : i32
    %add3A = arith.addi %mul3A_0, %arg0 : i32
    %mul3A_1 = arith.constant 224 : i32
    %mul3A_2 = arith.muli %add3A, %mul3A_1 : i32
    %mul3A_3 = arith.constant 32 : i32
    %mul3A_4 = arith.muli %add3A, %mul3A_3 : i32
    %dma_start3A = tpu.memref_slice %arg3[%mul3A_2] : memref<7168xi32, #tpu.memory_space<hbm>> -> memref<224xi32, #tpu.memory_space<hbm>>
    %dma_start3A_5 = tpu.memref_slice %arg3[%mul3A_2] : memref<7168xi32, #tpu.memory_space<hbm>> -> memref<224xi32, #tpu.memory_space<hbm>>
    tpu.enqueue_dma source(%dma_start3A_5 : memref<224xi32, #tpu.memory_space<hbm>>) target(%arg6 : memref<224xi32, #tpu.memory_space<vmem>>) target_semaphore(%arg13 : memref<!tpu.dma_semaphore, #tpu.memory_space<semaphore_mem>>)
    %dma_start3A_6 = tpu.memref_slice %arg4[%mul3A_2] : memref<7168xf32, #tpu.memory_space<hbm>> -> memref<224xf32, #tpu.memory_space<hbm>>
    %dma_start3A_7 = tpu.memref_slice %arg4[%mul3A_2] : memref<7168xf32, #tpu.memory_space<hbm>> -> memref<224xf32, #tpu.memory_space<hbm>>
    tpu.enqueue_dma source(%dma_start3A_7 : memref<224xf32, #tpu.memory_space<hbm>>) target(%arg7 : memref<224xf32, #tpu.memory_space<vmem>>) target_semaphore(%arg13 : memref<!tpu.dma_semaphore, #tpu.memory_space<semaphore_mem>>)
    %dma_wait3A = tpu.memref_slice %arg3[%mul3A_2] : memref<7168xi32, #tpu.memory_space<hbm>> -> memref<224xi32, #tpu.memory_space<hbm>>
    %dma_wait3A_8 = tpu.memref_slice %arg3[%mul3A_2] : memref<7168xi32, #tpu.memory_space<hbm>> -> memref<224xi32, #tpu.memory_space<hbm>>
    tpu.wait_dma2 semaphore(%arg13 : memref<!tpu.dma_semaphore, #tpu.memory_space<semaphore_mem>>) src(%dma_wait3A_8 : memref<224xi32, #tpu.memory_space<hbm>>) dst(%arg6 : memref<224xi32, #tpu.memory_space<vmem>>)
    %dma_wait3A_9 = tpu.memref_slice %arg4[%mul3A_2] : memref<7168xf32, #tpu.memory_space<hbm>> -> memref<224xf32, #tpu.memory_space<hbm>>
    %dma_wait3A_10 = tpu.memref_slice %arg4[%mul3A_2] : memref<7168xf32, #tpu.memory_space<hbm>> -> memref<224xf32, #tpu.memory_space<hbm>>
    tpu.wait_dma2 semaphore(%arg13 : memref<!tpu.dma_semaphore, #tpu.memory_space<semaphore_mem>>) src(%dma_wait3A_10 : memref<224xf32, #tpu.memory_space<hbm>>) dst(%arg7 : memref<224xf32, #tpu.memory_space<vmem>>)
    %dma_start3A_11 = arith.constant 0 : i32
    %dma_start3A_12 = tpu.memref_slice %arg6[%dma_start3A_11] : memref<224xi32, #tpu.memory_space<vmem>> -> memref<112xi32, #tpu.memory_space<vmem>>
    %dma_start3A_13 = arith.constant 0 : i32
    %dma_start3A_14 = arith.constant 0 : i32
    %dma_start3A_15 = tpu.memref_slice %arg2[%dma_start3A_13, %dma_start3A_14] : memref<2048x256xi32, #tpu.memory_space<hbm>> -> memref<2048x256xi32, #tpu.memory_space<hbm>>
    tpu.enqueue_indirect_dma source(%dma_start3A_15 : memref<2048x256xi32, #tpu.memory_space<hbm>>) target(%arg8 : memref<112x256xi32, #tpu.memory_space<vmem>>) offsets(%dma_start3A_12 : memref<112xi32, #tpu.memory_space<vmem>>) semaphore(%arg11 : memref<!tpu.dma_semaphore, #tpu.memory_space<semaphore_mem>>)
    %dma_start3A_16 = arith.constant 112 : i32
    %dma_start3A_17 = tpu.memref_slice %arg6[%dma_start3A_16] : memref<224xi32, #tpu.memory_space<vmem>> -> memref<112xi32, #tpu.memory_space<vmem>>
    %dma_start3A_18 = arith.constant 0 : i32
    %dma_start3A_19 = arith.constant 0 : i32
    %dma_start3A_20 = tpu.memref_slice %arg2[%dma_start3A_18, %dma_start3A_19] : memref<2048x256xi32, #tpu.memory_space<hbm>> -> memref<2048x256xi32, #tpu.memory_space<hbm>>
    tpu.enqueue_indirect_dma source(%dma_start3A_20 : memref<2048x256xi32, #tpu.memory_space<hbm>>) target(%arg9 : memref<112x256xi32, #tpu.memory_space<vmem>>) offsets(%dma_start3A_17 : memref<112xi32, #tpu.memory_space<vmem>>) semaphore(%arg12 : memref<!tpu.dma_semaphore, #tpu.memory_space<semaphore_mem>>)
    %dma_wait3A_21 = arith.constant 0 : i32
    %dma_wait3A_22 = tpu.memref_slice %arg6[%dma_wait3A_21] : memref<224xi32, #tpu.memory_space<vmem>> -> memref<112xi32, #tpu.memory_space<vmem>>
    %dma_wait3A_23 = arith.constant 0 : i32
    %dma_wait3A_24 = arith.constant 0 : i32
    %dma_wait3A_25 = tpu.memref_slice %arg2[%dma_wait3A_23, %dma_wait3A_24] : memref<2048x256xi32, #tpu.memory_space<hbm>> -> memref<2048x256xi32, #tpu.memory_space<hbm>>
    tpu.wait_indirect_dma semaphore(%arg11 : memref<!tpu.dma_semaphore, #tpu.memory_space<semaphore_mem>>) src(%dma_wait3A_25 : memref<2048x256xi32, #tpu.memory_space<hbm>>) dst(%arg8 : memref<112x256xi32, #tpu.memory_space<vmem>>)
    %scan3A = arith.constant 0 : i32
    %scan3A_26 = arith.constant 0 : i32
    %scan3A_27 = arith.constant 16 : i32
    %scan3A_28 = arith.addi %scan3A_26, %scan3A_27 : i32
    %scan3A_29 = arith.constant 1 : i32
    scf.for %scan3A_90 = %scan3A_26 to %scan3A_28 step %scan3A_29  : i32 {
      %mul3A_91 = arith.constant 7 : i32
      %mul3A_92 = arith.muli %scan3A_90, %mul3A_91 : i32
      %add3A_93 = arith.constant 0 : i32
      %add3A_94 = arith.addi %add3A_93, %mul3A_92 : i32
      %add3A_95 = arith.constant 0 : i32
      %add3A_96 = arith.addi %add3A_94, %add3A_95 : i32
      %broadcast_in_dim3A = vector.broadcast %add3A_96 : i32 to vector<16xi32>
      %gather3A = tpu.vector_load_idx %arg7[%broadcast_in_dim3A] : memref<224xf32, #tpu.memory_space<vmem>>[vector<16xi32>], vector<16xf32>,
      %mul3A_97 = arith.constant 7 : i32
      %mul3A_98 = arith.muli %scan3A_90, %mul3A_97 : i32
      %add3A_99 = arith.constant 0 : i32
      %add3A_100 = arith.addi %add3A_99, %mul3A_98 : i32
      %add3A_101 = arith.constant 1 : i32
      %add3A_102 = arith.addi %add3A_100, %add3A_101 : i32
      %broadcast_in_dim3A_103 = vector.broadcast %add3A_102 : i32 to vector<16xi32>
      %gather3A_104 = tpu.vector_load_idx %arg7[%broadcast_in_dim3A_103] : memref<224xf32, #tpu.memory_space<vmem>>[vector<16xi32>], vector<16xf32>,
      %mul3A_105 = arith.constant 7 : i32
      %mul3A_106 = arith.muli %scan3A_90, %mul3A_105 : i32
      %add3A_107 = arith.constant 0 : i32
      %add3A_108 = arith.addi %add3A_107, %mul3A_106 : i32
      %add3A_109 = arith.constant 2 : i32
      %add3A_110 = arith.addi %add3A_108, %add3A_109 : i32
      %broadcast_in_dim3A_111 = vector.broadcast %add3A_110 : i32 to vector<16xi32>
      %gather3A_112 = tpu.vector_load_idx %arg7[%broadcast_in_dim3A_111] : memref<224xf32, #tpu.memory_space<vmem>>[vector<16xi32>], vector<16xf32>,
      %mul3A_113 = arith.constant 7 : i32
      %mul3A_114 = arith.muli %scan3A_90, %mul3A_113 : i32
      %add3A_115 = arith.constant 0 : i32
      %add3A_116 = arith.addi %add3A_115, %mul3A_114 : i32
      %add3A_117 = arith.constant 3 : i32
      %add3A_118 = arith.addi %add3A_116, %add3A_117 : i32
      %broadcast_in_dim3A_119 = vector.broadcast %add3A_118 : i32 to vector<16xi32>
      %gather3A_120 = tpu.vector_load_idx %arg7[%broadcast_in_dim3A_119] : memref<224xf32, #tpu.memory_space<vmem>>[vector<16xi32>], vector<16xf32>,
      %mul3A_121 = arith.constant 7 : i32
      %mul3A_122 = arith.muli %scan3A_90, %mul3A_121 : i32
      %add3A_123 = arith.constant 0 : i32
      %add3A_124 = arith.addi %add3A_123, %mul3A_122 : i32
      %add3A_125 = arith.constant 4 : i32
      %add3A_126 = arith.addi %add3A_124, %add3A_125 : i32
      %broadcast_in_dim3A_127 = vector.broadcast %add3A_126 : i32 to vector<16xi32>
      %gather3A_128 = tpu.vector_load_idx %arg7[%broadcast_in_dim3A_127] : memref<224xf32, #tpu.memory_space<vmem>>[vector<16xi32>], vector<16xf32>,
      %mul3A_129 = arith.constant 7 : i32
      %mul3A_130 = arith.muli %scan3A_90, %mul3A_129 : i32
      %add3A_131 = arith.constant 0 : i32
      %add3A_132 = arith.addi %add3A_131, %mul3A_130 : i32
      %add3A_133 = arith.constant 5 : i32
      %add3A_134 = arith.addi %add3A_132, %add3A_133 : i32
      %broadcast_in_dim3A_135 = vector.broadcast %add3A_134 : i32 to vector<16xi32>
      %gather3A_136 = tpu.vector_load_idx %arg7[%broadcast_in_dim3A_135] : memref<224xf32, #tpu.memory_space<vmem>>[vector<16xi32>], vector<16xf32>,
      %mul3A_137 = arith.constant 7 : i32
      %mul3A_138 = arith.muli %scan3A_90, %mul3A_137 : i32
      %add3A_139 = arith.constant 0 : i32
      %add3A_140 = arith.addi %add3A_139, %mul3A_138 : i32
      %add3A_141 = arith.constant 6 : i32
      %add3A_142 = arith.addi %add3A_140, %add3A_141 : i32
      %broadcast_in_dim3A_143 = vector.broadcast %add3A_142 : i32 to vector<16xi32>
      %gather3A_144 = tpu.vector_load_idx %arg7[%broadcast_in_dim3A_143] : memref<224xf32, #tpu.memory_space<vmem>>[vector<16xi32>], vector<16xf32>,
      %add3A_145 = arith.constant 0 : i32
      %add3A_146 = arith.addi %add3A_145, %scan3A_90 : i32
      %parallel_loop3A = arith.constant 0 : i32
      %parallel_loop3A_147 = arith.constant 256 : i32
      %parallel_loop3A_148 = arith.constant 16 : i32
      scf.for %parallel_loop3A_149 = %parallel_loop3A to %parallel_loop3A_147 step %parallel_loop3A_148  : i32 {
        %parallel_loop3A_150 = arith.constant 7 : i32
        %parallel_loop3A_151 = arith.muli %scan3A_90, %parallel_loop3A_150 : i32
        %parallel_loop3A_152 = arith.constant 0 : i32
        %parallel_loop3A_153 = arith.addi %parallel_loop3A_151, %parallel_loop3A_152 : i32
        %parallel_loop3A_154 = arith.index_cast %parallel_loop3A_153 : i32 to index
        %parallel_loop3A_155 = arith.index_cast %parallel_loop3A_149 : i32 to index
        %parallel_loop3A_156 = tpu.vector_load %arg8[%parallel_loop3A_154, %parallel_loop3A_155] {strides = array<i32>} : memref<112x256xi32, #tpu.memory_space<vmem>>, vector<16xi32>,
        %parallel_loop3A_157 = arith.constant 16 : i32
        %parallel_loop3A_158 = vector.broadcast %parallel_loop3A_157 : i32 to vector<16xi32>
        %parallel_loop3A_159 = arith.shli %parallel_loop3A_156, %parallel_loop3A_158 : vector<16xi32>
        %parallel_loop3A_160 = vector.bitcast %parallel_loop3A_159 : vector<16xi32> to vector<16xf32>
        %parallel_loop3A_161 = vector.bitcast %parallel_loop3A_156 : vector<16xi32> to vector<16xf32>
        %parallel_loop3A_162 = arith.mulf %gather3A, %parallel_loop3A_160 : vector<16xf32>
        %parallel_loop3A_163 = arith.mulf %gather3A, %parallel_loop3A_161 : vector<16xf32>
        %parallel_loop3A_164 = arith.constant 7 : i32
        %parallel_loop3A_165 = arith.muli %scan3A_90, %parallel_loop3A_164 : i32
        %parallel_loop3A_166 = arith.constant 1 : i32
        %parallel_loop3A_167 = arith.addi %parallel_loop3A_165, %parallel_loop3A_166 : i32
        %parallel_loop3A_168 = arith.index_cast %parallel_loop3A_167 : i32 to index
        %parallel_loop3A_169 = arith.index_cast %parallel_loop3A_149 : i32 to index
        %parallel_loop3A_170 = tpu.vector_load %arg8[%parallel_loop3A_168, %parallel_loop3A_169] {strides = array<i32>} : memref<112x256xi32, #tpu.memory_space<vmem>>, vector<16xi32>,
        %parallel_loop3A_171 = arith.constant 16 : i32
        %parallel_loop3A_172 = vector.broadcast %parallel_loop3A_171 : i32 to vector<16xi32>
        %parallel_loop3A_173 = arith.shli %parallel_loop3A_170, %parallel_loop3A_172 : vector<16xi32>
        %parallel_loop3A_174 = vector.bitcast %parallel_loop3A_173 : vector<16xi32> to vector<16xf32>
        %parallel_loop3A_175 = vector.bitcast %parallel_loop3A_170 : vector<16xi32> to vector<16xf32>
        %parallel_loop3A_176 = arith.mulf %gather3A_104, %parallel_loop3A_174 : vector<16xf32>
        %parallel_loop3A_177 = arith.mulf %gather3A_104, %parallel_loop3A_175 : vector<16xf32>
        %parallel_loop3A_178 = arith.constant 7 : i32
        %parallel_loop3A_179 = arith.muli %scan3A_90, %parallel_loop3A_178 : i32
        %parallel_loop3A_180 = arith.constant 2 : i32
        %parallel_loop3A_181 = arith.addi %parallel_loop3A_179, %parallel_loop3A_180 : i32
        %parallel_loop3A_182 = arith.index_cast %parallel_loop3A_181 : i32 to index
        %parallel_loop3A_183 = arith.index_cast %parallel_loop3A_149 : i32 to index
        %parallel_loop3A_184 = tpu.vector_load %arg8[%parallel_loop3A_182, %parallel_loop3A_183] {strides = array<i32>} : memref<112x256xi32, #tpu.memory_space<vmem>>, vector<16xi32>,
        %parallel_loop3A_185 = arith.constant 16 : i32
        %parallel_loop3A_186 = vector.broadcast %parallel_loop3A_185 : i32 to vector<16xi32>
        %parallel_loop3A_187 = arith.shli %parallel_loop3A_184, %parallel_loop3A_186 : vector<16xi32>
        %parallel_loop3A_188 = vector.bitcast %parallel_loop3A_187 : vector<16xi32> to vector<16xf32>
        %parallel_loop3A_189 = vector.bitcast %parallel_loop3A_184 : vector<16xi32> to vector<16xf32>
        %parallel_loop3A_190 = arith.mulf %gather3A_112, %parallel_loop3A_188 : vector<16xf32>
        %parallel_loop3A_191 = arith.mulf %gather3A_112, %parallel_loop3A_189 : vector<16xf32>
        %parallel_loop3A_192 = arith.constant 7 : i32
        %parallel_loop3A_193 = arith.muli %scan3A_90, %parallel_loop3A_192 : i32
        %parallel_loop3A_194 = arith.constant 3 : i32
        %parallel_loop3A_195 = arith.addi %parallel_loop3A_193, %parallel_loop3A_194 : i32
        %parallel_loop3A_196 = arith.index_cast %parallel_loop3A_195 : i32 to index
        %parallel_loop3A_197 = arith.index_cast %parallel_loop3A_149 : i32 to index
        %parallel_loop3A_198 = tpu.vector_load %arg8[%parallel_loop3A_196, %parallel_loop3A_197] {strides = array<i32>} : memref<112x256xi32, #tpu.memory_space<vmem>>, vector<16xi32>,
        %parallel_loop3A_199 = arith.constant 16 : i32
        %parallel_loop3A_200 = vector.broadcast %parallel_loop3A_199 : i32 to vector<16xi32>
        %parallel_loop3A_201 = arith.shli %parallel_loop3A_198, %parallel_loop3A_200 : vector<16xi32>
        %parallel_loop3A_202 = vector.bitcast %parallel_loop3A_201 : vector<16xi32> to vector<16xf32>
        %parallel_loop3A_203 = vector.bitcast %parallel_loop3A_198 : vector<16xi32> to vector<16xf32>
        %parallel_loop3A_204 = arith.mulf %gather3A_120, %parallel_loop3A_202 : vector<16xf32>
        %parallel_loop3A_205 = arith.mulf %gather3A_120, %parallel_loop3A_203 : vector<16xf32>
        %parallel_loop3A_206 = arith.constant 7 : i32
        %parallel_loop3A_207 = arith.muli %scan3A_90, %parallel_loop3A_206 : i32
        %parallel_loop3A_208 = arith.constant 4 : i32
        %parallel_loop3A_209 = arith.addi %parallel_loop3A_207, %parallel_loop3A_208 : i32
        %parallel_loop3A_210 = arith.index_cast %parallel_loop3A_209 : i32 to index
        %parallel_loop3A_211 = arith.index_cast %parallel_loop3A_149 : i32 to index
        %parallel_loop3A_212 = tpu.vector_load %arg8[%parallel_loop3A_210, %parallel_loop3A_211] {strides = array<i32>} : memref<112x256xi32, #tpu.memory_space<vmem>>, vector<16xi32>,
        %parallel_loop3A_213 = arith.constant 16 : i32
        %parallel_loop3A_214 = vector.broadcast %parallel_loop3A_213 : i32 to vector<16xi32>
        %parallel_loop3A_215 = arith.shli %parallel_loop3A_212, %parallel_loop3A_214 : vector<16xi32>
        %parallel_loop3A_216 = vector.bitcast %parallel_loop3A_215 : vector<16xi32> to vector<16xf32>
        %parallel_loop3A_217 = vector.bitcast %parallel_loop3A_212 : vector<16xi32> to vector<16xf32>
        %parallel_loop3A_218 = arith.mulf %gather3A_128, %parallel_loop3A_216 : vector<16xf32>
        %parallel_loop3A_219 = arith.mulf %gather3A_128, %parallel_loop3A_217 : vector<16xf32>
        %parallel_loop3A_220 = arith.constant 7 : i32
        %parallel_loop3A_221 = arith.muli %scan3A_90, %parallel_loop3A_220 : i32
        %parallel_loop3A_222 = arith.constant 5 : i32
        %parallel_loop3A_223 = arith.addi %parallel_loop3A_221, %parallel_loop3A_222 : i32
        %parallel_loop3A_224 = arith.index_cast %parallel_loop3A_223 : i32 to index
        %parallel_loop3A_225 = arith.index_cast %parallel_loop3A_149 : i32 to index
        %parallel_loop3A_226 = tpu.vector_load %arg8[%parallel_loop3A_224, %parallel_loop3A_225] {strides = array<i32>} : memref<112x256xi32, #tpu.memory_space<vmem>>, vector<16xi32>,
        %parallel_loop3A_227 = arith.constant 16 : i32
        %parallel_loop3A_228 = vector.broadcast %parallel_loop3A_227 : i32 to vector<16xi32>
        %parallel_loop3A_229 = arith.shli %parallel_loop3A_226, %parallel_loop3A_228 : vector<16xi32>
        %parallel_loop3A_230 = vector.bitcast %parallel_loop3A_229 : vector<16xi32> to vector<16xf32>
        %parallel_loop3A_231 = vector.bitcast %parallel_loop3A_226 : vector<16xi32> to vector<16xf32>
        %parallel_loop3A_232 = arith.mulf %gather3A_136, %parallel_loop3A_230 : vector<16xf32>
        %parallel_loop3A_233 = arith.mulf %gather3A_136, %parallel_loop3A_231 : vector<16xf32>
        %parallel_loop3A_234 = arith.constant 7 : i32
        %parallel_loop3A_235 = arith.muli %scan3A_90, %parallel_loop3A_234 : i32
        %parallel_loop3A_236 = arith.constant 6 : i32
        %parallel_loop3A_237 = arith.addi %parallel_loop3A_235, %parallel_loop3A_236 : i32
        %parallel_loop3A_238 = arith.index_cast %parallel_loop3A_237 : i32 to index
        %parallel_loop3A_239 = arith.index_cast %parallel_loop3A_149 : i32 to index
        %parallel_loop3A_240 = tpu.vector_load %arg8[%parallel_loop3A_238, %parallel_loop3A_239] {strides = array<i32>} : memref<112x256xi32, #tpu.memory_space<vmem>>, vector<16xi32>,
        %parallel_loop3A_241 = arith.constant 16 : i32
        %parallel_loop3A_242 = vector.broadcast %parallel_loop3A_241 : i32 to vector<16xi32>
        %parallel_loop3A_243 = arith.shli %parallel_loop3A_240, %parallel_loop3A_242 : vector<16xi32>
        %parallel_loop3A_244 = vector.bitcast %parallel_loop3A_243 : vector<16xi32> to vector<16xf32>
        %parallel_loop3A_245 = vector.bitcast %parallel_loop3A_240 : vector<16xi32> to vector<16xf32>
        %parallel_loop3A_246 = arith.mulf %gather3A_144, %parallel_loop3A_244 : vector<16xf32>
        %parallel_loop3A_247 = arith.mulf %gather3A_144, %parallel_loop3A_245 : vector<16xf32>
        %parallel_loop3A_248 = arith.addf %parallel_loop3A_162, %parallel_loop3A_176 : vector<16xf32>
        %parallel_loop3A_249 = arith.addf %parallel_loop3A_190, %parallel_loop3A_204 : vector<16xf32>
        %parallel_loop3A_250 = arith.addf %parallel_loop3A_218, %parallel_loop3A_232 : vector<16xf32>
        %parallel_loop3A_251 = arith.addf %parallel_loop3A_248, %parallel_loop3A_249 : vector<16xf32>
        %parallel_loop3A_252 = arith.addf %parallel_loop3A_250, %parallel_loop3A_246 : vector<16xf32>
        %parallel_loop3A_253 = arith.addf %parallel_loop3A_251, %parallel_loop3A_252 : vector<16xf32>
        %parallel_loop3A_254 = arith.addf %parallel_loop3A_163, %parallel_loop3A_177 : vector<16xf32>
        %parallel_loop3A_255 = arith.addf %parallel_loop3A_191, %parallel_loop3A_205 : vector<16xf32>
        %parallel_loop3A_256 = arith.addf %parallel_loop3A_219, %parallel_loop3A_233 : vector<16xf32>
        %parallel_loop3A_257 = arith.addf %parallel_loop3A_254, %parallel_loop3A_255 : vector<16xf32>
        %parallel_loop3A_258 = arith.addf %parallel_loop3A_256, %parallel_loop3A_247 : vector<16xf32>
        %parallel_loop3A_259 = arith.addf %parallel_loop3A_257, %parallel_loop3A_258 : vector<16xf32>
        %parallel_loop3A_260 = arith.index_cast %add3A_146 : i32 to index
        %parallel_loop3A_261 = arith.index_cast %parallel_loop3A_149 : i32 to index
        %parallel_loop3A_262 = tpu.vector_load %arg10[%parallel_loop3A_260, %parallel_loop3A_261] {strides = array<i32>} : memref<32x512xf32, #tpu.memory_space<vmem>>, vector<16xf32>,
        tpu.vector_store %arg10[%parallel_loop3A_260, %parallel_loop3A_261], %parallel_loop3A_253 {strides = array<i32>} : memref<32x512xf32, #tpu.memory_space<vmem>>, vector<16xf32>,
        %parallel_loop3A_263 = arith.constant 256 : i32
        %parallel_loop3A_264 = arith.addi %parallel_loop3A_149, %parallel_loop3A_263 : i32
        %parallel_loop3A_265 = arith.index_cast %add3A_146 : i32 to index
        %parallel_loop3A_266 = arith.index_cast %parallel_loop3A_264 : i32 to index
        %parallel_loop3A_267 = tpu.vector_load %arg10[%parallel_loop3A_265, %parallel_loop3A_266] {strides = array<i32>} : memref<32x512xf32, #tpu.memory_space<vmem>>, vector<16xf32>,
        tpu.vector_store %arg10[%parallel_loop3A_265, %parallel_loop3A_266], %parallel_loop3A_259 {strides = array<i32>} : memref<32x512xf32, #tpu.memory_space<vmem>>, vector<16xf32>,
      } {sc.loop_unroll_factor = 8 : i64, sc.parallel_access}
    }
    %scan3A_30 = arith.constant 16 : i32
    %add3A_31 = arith.constant 0 : i32
    %add3A_32 = arith.addi %mul3A_4, %add3A_31 : i32
    %dma_start3A_33 = arith.constant 0 : i32
    %dma_start3A_34 = arith.constant 0 : i32
    %dma_start3A_35 = tpu.memref_slice %arg10[%dma_start3A_33, %dma_start3A_34] : memref<32x512xf32, #tpu.memory_space<vmem>> -> memref<16x512xf32, #tpu.memory_space<vmem>>
    %dma_start3A_36 = arith.constant 0 : i32
    %dma_start3A_37 = tpu.memref_slice %arg5[%add3A_32, %dma_start3A_36] : memref<1024x512xf32, #tpu.memory_space<hbm>> -> memref<16x512xf32, #tpu.memory_space<hbm>>
    %dma_start3A_38 = arith.constant 0 : i32
    %dma_start3A_39 = tpu.memref_slice %arg5[%add3A_32, %dma_start3A_38] : memref<1024x512xf32, #tpu.memory_space<hbm>> -> memref<16x512xf32, #tpu.memory_space<hbm>>
    %dma_start3A_40 = arith.constant 0 : i32
    %dma_start3A_41 = arith.constant 0 : i32
    %dma_start3A_42 = tpu.memref_slice %arg10[%dma_start3A_40, %dma_start3A_41] : memref<32x512xf32, #tpu.memory_space<vmem>> -> memref<16x512xf32, #tpu.memory_space<vmem>>
    tpu.enqueue_dma source(%dma_start3A_42 : memref<16x512xf32, #tpu.memory_space<vmem>>) target(%dma_start3A_39 : memref<16x512xf32, #tpu.memory_space<hbm>>) target_semaphore(%arg13 : memref<!tpu.dma_semaphore, #tpu.memory_space<semaphore_mem>>)
    %dma_wait3A_43 = arith.constant 112 : i32
    %dma_wait3A_44 = tpu.memref_slice %arg6[%dma_wait3A_43] : memref<224xi32, #tpu.memory_space<vmem>> -> memref<112xi32, #tpu.memory_space<vmem>>
    %dma_wait3A_45 = arith.constant 0 : i32
    %dma_wait3A_46 = arith.constant 0 : i32
    %dma_wait3A_47 = tpu.memref_slice %arg2[%dma_wait3A_45, %dma_wait3A_46] : memref<2048x256xi32, #tpu.memory_space<hbm>> -> memref<2048x256xi32, #tpu.memory_space<hbm>>
    tpu.wait_indirect_dma semaphore(%arg12 : memref<!tpu.dma_semaphore, #tpu.memory_space<semaphore_mem>>) src(%dma_wait3A_47 : memref<2048x256xi32, #tpu.memory_space<hbm>>) dst(%arg9 : memref<112x256xi32, #tpu.memory_space<vmem>>)
    %scan3A_48 = arith.constant 0 : i32
    %scan3A_49 = arith.constant 0 : i32
    %scan3A_50 = arith.constant 16 : i32
    %scan3A_51 = arith.addi %scan3A_49, %scan3A_50 : i32
    %scan3A_52 = arith.constant 1 : i32
    scf.for %scan3A_90 = %scan3A_49 to %scan3A_51 step %scan3A_52  : i32 {
      %mul3A_91 = arith.constant 7 : i32
      %mul3A_92 = arith.muli %scan3A_90, %mul3A_91 : i32
      %add3A_93 = arith.constant 112 : i32
      %add3A_94 = arith.addi %add3A_93, %mul3A_92 : i32
      %add3A_95 = arith.constant 0 : i32
      %add3A_96 = arith.addi %add3A_94, %add3A_95 : i32
      %broadcast_in_dim3A = vector.broadcast %add3A_96 : i32 to vector<16xi32>
      %gather3A = tpu.vector_load_idx %arg7[%broadcast_in_dim3A] : memref<224xf32, #tpu.memory_space<vmem>>[vector<16xi32>], vector<16xf32>,
      %mul3A_97 = arith.constant 7 : i32
      %mul3A_98 = arith.muli %scan3A_90, %mul3A_97 : i32
      %add3A_99 = arith.constant 112 : i32
      %add3A_100 = arith.addi %add3A_99, %mul3A_98 : i32
      %add3A_101 = arith.constant 1 : i32
      %add3A_102 = arith.addi %add3A_100, %add3A_101 : i32
      %broadcast_in_dim3A_103 = vector.broadcast %add3A_102 : i32 to vector<16xi32>
      %gather3A_104 = tpu.vector_load_idx %arg7[%broadcast_in_dim3A_103] : memref<224xf32, #tpu.memory_space<vmem>>[vector<16xi32>], vector<16xf32>,
      %mul3A_105 = arith.constant 7 : i32
      %mul3A_106 = arith.muli %scan3A_90, %mul3A_105 : i32
      %add3A_107 = arith.constant 112 : i32
      %add3A_108 = arith.addi %add3A_107, %mul3A_106 : i32
      %add3A_109 = arith.constant 2 : i32
      %add3A_110 = arith.addi %add3A_108, %add3A_109 : i32
      %broadcast_in_dim3A_111 = vector.broadcast %add3A_110 : i32 to vector<16xi32>
      %gather3A_112 = tpu.vector_load_idx %arg7[%broadcast_in_dim3A_111] : memref<224xf32, #tpu.memory_space<vmem>>[vector<16xi32>], vector<16xf32>,
      %mul3A_113 = arith.constant 7 : i32
      %mul3A_114 = arith.muli %scan3A_90, %mul3A_113 : i32
      %add3A_115 = arith.constant 112 : i32
      %add3A_116 = arith.addi %add3A_115, %mul3A_114 : i32
      %add3A_117 = arith.constant 3 : i32
      %add3A_118 = arith.addi %add3A_116, %add3A_117 : i32
      %broadcast_in_dim3A_119 = vector.broadcast %add3A_118 : i32 to vector<16xi32>
      %gather3A_120 = tpu.vector_load_idx %arg7[%broadcast_in_dim3A_119] : memref<224xf32, #tpu.memory_space<vmem>>[vector<16xi32>], vector<16xf32>,
      %mul3A_121 = arith.constant 7 : i32
      %mul3A_122 = arith.muli %scan3A_90, %mul3A_121 : i32
      %add3A_123 = arith.constant 112 : i32
      %add3A_124 = arith.addi %add3A_123, %mul3A_122 : i32
      %add3A_125 = arith.constant 4 : i32
      %add3A_126 = arith.addi %add3A_124, %add3A_125 : i32
      %broadcast_in_dim3A_127 = vector.broadcast %add3A_126 : i32 to vector<16xi32>
      %gather3A_128 = tpu.vector_load_idx %arg7[%broadcast_in_dim3A_127] : memref<224xf32, #tpu.memory_space<vmem>>[vector<16xi32>], vector<16xf32>,
      %mul3A_129 = arith.constant 7 : i32
      %mul3A_130 = arith.muli %scan3A_90, %mul3A_129 : i32
      %add3A_131 = arith.constant 112 : i32
      %add3A_132 = arith.addi %add3A_131, %mul3A_130 : i32
      %add3A_133 = arith.constant 5 : i32
      %add3A_134 = arith.addi %add3A_132, %add3A_133 : i32
      %broadcast_in_dim3A_135 = vector.broadcast %add3A_134 : i32 to vector<16xi32>
      %gather3A_136 = tpu.vector_load_idx %arg7[%broadcast_in_dim3A_135] : memref<224xf32, #tpu.memory_space<vmem>>[vector<16xi32>], vector<16xf32>,
      %mul3A_137 = arith.constant 7 : i32
      %mul3A_138 = arith.muli %scan3A_90, %mul3A_137 : i32
      %add3A_139 = arith.constant 112 : i32
      %add3A_140 = arith.addi %add3A_139, %mul3A_138 : i32
      %add3A_141 = arith.constant 6 : i32
      %add3A_142 = arith.addi %add3A_140, %add3A_141 : i32
      %broadcast_in_dim3A_143 = vector.broadcast %add3A_142 : i32 to vector<16xi32>
      %gather3A_144 = tpu.vector_load_idx %arg7[%broadcast_in_dim3A_143] : memref<224xf32, #tpu.memory_space<vmem>>[vector<16xi32>], vector<16xf32>,
      %add3A_145 = arith.constant 16 : i32
      %add3A_146 = arith.addi %add3A_145, %scan3A_90 : i32
      %parallel_loop3A = arith.constant 0 : i32
      %parallel_loop3A_147 = arith.constant 256 : i32
      %parallel_loop3A_148 = arith.constant 16 : i32
      scf.for %parallel_loop3A_149 = %parallel_loop3A to %parallel_loop3A_147 step %parallel_loop3A_148  : i32 {
        %parallel_loop3A_150 = arith.constant 7 : i32
        %parallel_loop3A_151 = arith.muli %scan3A_90, %parallel_loop3A_150 : i32
        %parallel_loop3A_152 = arith.constant 0 : i32
        %parallel_loop3A_153 = arith.addi %parallel_loop3A_151, %parallel_loop3A_152 : i32
        %parallel_loop3A_154 = arith.index_cast %parallel_loop3A_153 : i32 to index
        %parallel_loop3A_155 = arith.index_cast %parallel_loop3A_149 : i32 to index
        %parallel_loop3A_156 = tpu.vector_load %arg9[%parallel_loop3A_154, %parallel_loop3A_155] {strides = array<i32>} : memref<112x256xi32, #tpu.memory_space<vmem>>, vector<16xi32>,
        %parallel_loop3A_157 = arith.constant 16 : i32
        %parallel_loop3A_158 = vector.broadcast %parallel_loop3A_157 : i32 to vector<16xi32>
        %parallel_loop3A_159 = arith.shli %parallel_loop3A_156, %parallel_loop3A_158 : vector<16xi32>
        %parallel_loop3A_160 = vector.bitcast %parallel_loop3A_159 : vector<16xi32> to vector<16xf32>
        %parallel_loop3A_161 = vector.bitcast %parallel_loop3A_156 : vector<16xi32> to vector<16xf32>
        %parallel_loop3A_162 = arith.mulf %gather3A, %parallel_loop3A_160 : vector<16xf32>
        %parallel_loop3A_163 = arith.mulf %gather3A, %parallel_loop3A_161 : vector<16xf32>
        %parallel_loop3A_164 = arith.constant 7 : i32
        %parallel_loop3A_165 = arith.muli %scan3A_90, %parallel_loop3A_164 : i32
        %parallel_loop3A_166 = arith.constant 1 : i32
        %parallel_loop3A_167 = arith.addi %parallel_loop3A_165, %parallel_loop3A_166 : i32
        %parallel_loop3A_168 = arith.index_cast %parallel_loop3A_167 : i32 to index
        %parallel_loop3A_169 = arith.index_cast %parallel_loop3A_149 : i32 to index
        %parallel_loop3A_170 = tpu.vector_load %arg9[%parallel_loop3A_168, %parallel_loop3A_169] {strides = array<i32>} : memref<112x256xi32, #tpu.memory_space<vmem>>, vector<16xi32>,
        %parallel_loop3A_171 = arith.constant 16 : i32
        %parallel_loop3A_172 = vector.broadcast %parallel_loop3A_171 : i32 to vector<16xi32>
        %parallel_loop3A_173 = arith.shli %parallel_loop3A_170, %parallel_loop3A_172 : vector<16xi32>
        %parallel_loop3A_174 = vector.bitcast %parallel_loop3A_173 : vector<16xi32> to vector<16xf32>
        %parallel_loop3A_175 = vector.bitcast %parallel_loop3A_170 : vector<16xi32> to vector<16xf32>
        %parallel_loop3A_176 = arith.mulf %gather3A_104, %parallel_loop3A_174 : vector<16xf32>
        %parallel_loop3A_177 = arith.mulf %gather3A_104, %parallel_loop3A_175 : vector<16xf32>
        %parallel_loop3A_178 = arith.constant 7 : i32
        %parallel_loop3A_179 = arith.muli %scan3A_90, %parallel_loop3A_178 : i32
        %parallel_loop3A_180 = arith.constant 2 : i32
        %parallel_loop3A_181 = arith.addi %parallel_loop3A_179, %parallel_loop3A_180 : i32
        %parallel_loop3A_182 = arith.index_cast %parallel_loop3A_181 : i32 to index
        %parallel_loop3A_183 = arith.index_cast %parallel_loop3A_149 : i32 to index
        %parallel_loop3A_184 = tpu.vector_load %arg9[%parallel_loop3A_182, %parallel_loop3A_183] {strides = array<i32>} : memref<112x256xi32, #tpu.memory_space<vmem>>, vector<16xi32>,
        %parallel_loop3A_185 = arith.constant 16 : i32
        %parallel_loop3A_186 = vector.broadcast %parallel_loop3A_185 : i32 to vector<16xi32>
        %parallel_loop3A_187 = arith.shli %parallel_loop3A_184, %parallel_loop3A_186 : vector<16xi32>
        %parallel_loop3A_188 = vector.bitcast %parallel_loop3A_187 : vector<16xi32> to vector<16xf32>
        %parallel_loop3A_189 = vector.bitcast %parallel_loop3A_184 : vector<16xi32> to vector<16xf32>
        %parallel_loop3A_190 = arith.mulf %gather3A_112, %parallel_loop3A_188 : vector<16xf32>
        %parallel_loop3A_191 = arith.mulf %gather3A_112, %parallel_loop3A_189 : vector<16xf32>
        %parallel_loop3A_192 = arith.constant 7 : i32
        %parallel_loop3A_193 = arith.muli %scan3A_90, %parallel_loop3A_192 : i32
        %parallel_loop3A_194 = arith.constant 3 : i32
        %parallel_loop3A_195 = arith.addi %parallel_loop3A_193, %parallel_loop3A_194 : i32
        %parallel_loop3A_196 = arith.index_cast %parallel_loop3A_195 : i32 to index
        %parallel_loop3A_197 = arith.index_cast %parallel_loop3A_149 : i32 to index
        %parallel_loop3A_198 = tpu.vector_load %arg9[%parallel_loop3A_196, %parallel_loop3A_197] {strides = array<i32>} : memref<112x256xi32, #tpu.memory_space<vmem>>, vector<16xi32>,
        %parallel_loop3A_199 = arith.constant 16 : i32
        %parallel_loop3A_200 = vector.broadcast %parallel_loop3A_199 : i32 to vector<16xi32>
        %parallel_loop3A_201 = arith.shli %parallel_loop3A_198, %parallel_loop3A_200 : vector<16xi32>
        %parallel_loop3A_202 = vector.bitcast %parallel_loop3A_201 : vector<16xi32> to vector<16xf32>
        %parallel_loop3A_203 = vector.bitcast %parallel_loop3A_198 : vector<16xi32> to vector<16xf32>
        %parallel_loop3A_204 = arith.mulf %gather3A_120, %parallel_loop3A_202 : vector<16xf32>
        %parallel_loop3A_205 = arith.mulf %gather3A_120, %parallel_loop3A_203 : vector<16xf32>
        %parallel_loop3A_206 = arith.constant 7 : i32
        %parallel_loop3A_207 = arith.muli %scan3A_90, %parallel_loop3A_206 : i32
        %parallel_loop3A_208 = arith.constant 4 : i32
        %parallel_loop3A_209 = arith.addi %parallel_loop3A_207, %parallel_loop3A_208 : i32
        %parallel_loop3A_210 = arith.index_cast %parallel_loop3A_209 : i32 to index
        %parallel_loop3A_211 = arith.index_cast %parallel_loop3A_149 : i32 to index
        %parallel_loop3A_212 = tpu.vector_load %arg9[%parallel_loop3A_210, %parallel_loop3A_211] {strides = array<i32>} : memref<112x256xi32, #tpu.memory_space<vmem>>, vector<16xi32>,
        %parallel_loop3A_213 = arith.constant 16 : i32
        %parallel_loop3A_214 = vector.broadcast %parallel_loop3A_213 : i32 to vector<16xi32>
        %parallel_loop3A_215 = arith.shli %parallel_loop3A_212, %parallel_loop3A_214 : vector<16xi32>
        %parallel_loop3A_216 = vector.bitcast %parallel_loop3A_215 : vector<16xi32> to vector<16xf32>
        %parallel_loop3A_217 = vector.bitcast %parallel_loop3A_212 : vector<16xi32> to vector<16xf32>
        %parallel_loop3A_218 = arith.mulf %gather3A_128, %parallel_loop3A_216 : vector<16xf32>
        %parallel_loop3A_219 = arith.mulf %gather3A_128, %parallel_loop3A_217 : vector<16xf32>
        %parallel_loop3A_220 = arith.constant 7 : i32
        %parallel_loop3A_221 = arith.muli %scan3A_90, %parallel_loop3A_220 : i32
        %parallel_loop3A_222 = arith.constant 5 : i32
        %parallel_loop3A_223 = arith.addi %parallel_loop3A_221, %parallel_loop3A_222 : i32
        %parallel_loop3A_224 = arith.index_cast %parallel_loop3A_223 : i32 to index
        %parallel_loop3A_225 = arith.index_cast %parallel_loop3A_149 : i32 to index
        %parallel_loop3A_226 = tpu.vector_load %arg9[%parallel_loop3A_224, %parallel_loop3A_225] {strides = array<i32>} : memref<112x256xi32, #tpu.memory_space<vmem>>, vector<16xi32>,
        %parallel_loop3A_227 = arith.constant 16 : i32
        %parallel_loop3A_228 = vector.broadcast %parallel_loop3A_227 : i32 to vector<16xi32>
        %parallel_loop3A_229 = arith.shli %parallel_loop3A_226, %parallel_loop3A_228 : vector<16xi32>
        %parallel_loop3A_230 = vector.bitcast %parallel_loop3A_229 : vector<16xi32> to vector<16xf32>
        %parallel_loop3A_231 = vector.bitcast %parallel_loop3A_226 : vector<16xi32> to vector<16xf32>
        %parallel_loop3A_232 = arith.mulf %gather3A_136, %parallel_loop3A_230 : vector<16xf32>
        %parallel_loop3A_233 = arith.mulf %gather3A_136, %parallel_loop3A_231 : vector<16xf32>
        %parallel_loop3A_234 = arith.constant 7 : i32
        %parallel_loop3A_235 = arith.muli %scan3A_90, %parallel_loop3A_234 : i32
        %parallel_loop3A_236 = arith.constant 6 : i32
        %parallel_loop3A_237 = arith.addi %parallel_loop3A_235, %parallel_loop3A_236 : i32
        %parallel_loop3A_238 = arith.index_cast %parallel_loop3A_237 : i32 to index
        %parallel_loop3A_239 = arith.index_cast %parallel_loop3A_149 : i32 to index
        %parallel_loop3A_240 = tpu.vector_load %arg9[%parallel_loop3A_238, %parallel_loop3A_239] {strides = array<i32>} : memref<112x256xi32, #tpu.memory_space<vmem>>, vector<16xi32>,
        %parallel_loop3A_241 = arith.constant 16 : i32
        %parallel_loop3A_242 = vector.broadcast %parallel_loop3A_241 : i32 to vector<16xi32>
        %parallel_loop3A_243 = arith.shli %parallel_loop3A_240, %parallel_loop3A_242 : vector<16xi32>
        %parallel_loop3A_244 = vector.bitcast %parallel_loop3A_243 : vector<16xi32> to vector<16xf32>
        %parallel_loop3A_245 = vector.bitcast %parallel_loop3A_240 : vector<16xi32> to vector<16xf32>
        %parallel_loop3A_246 = arith.mulf %gather3A_144, %parallel_loop3A_244 : vector<16xf32>
        %parallel_loop3A_247 = arith.mulf %gather3A_144, %parallel_loop3A_245 : vector<16xf32>
        %parallel_loop3A_248 = arith.addf %parallel_loop3A_162, %parallel_loop3A_176 : vector<16xf32>
        %parallel_loop3A_249 = arith.addf %parallel_loop3A_190, %parallel_loop3A_204 : vector<16xf32>
        %parallel_loop3A_250 = arith.addf %parallel_loop3A_218, %parallel_loop3A_232 : vector<16xf32>
        %parallel_loop3A_251 = arith.addf %parallel_loop3A_248, %parallel_loop3A_249 : vector<16xf32>
        %parallel_loop3A_252 = arith.addf %parallel_loop3A_250, %parallel_loop3A_246 : vector<16xf32>
        %parallel_loop3A_253 = arith.addf %parallel_loop3A_251, %parallel_loop3A_252 : vector<16xf32>
        %parallel_loop3A_254 = arith.addf %parallel_loop3A_163, %parallel_loop3A_177 : vector<16xf32>
        %parallel_loop3A_255 = arith.addf %parallel_loop3A_191, %parallel_loop3A_205 : vector<16xf32>
        %parallel_loop3A_256 = arith.addf %parallel_loop3A_219, %parallel_loop3A_233 : vector<16xf32>
        %parallel_loop3A_257 = arith.addf %parallel_loop3A_254, %parallel_loop3A_255 : vector<16xf32>
        %parallel_loop3A_258 = arith.addf %parallel_loop3A_256, %parallel_loop3A_247 : vector<16xf32>
        %parallel_loop3A_259 = arith.addf %parallel_loop3A_257, %parallel_loop3A_258 : vector<16xf32>
        %parallel_loop3A_260 = arith.index_cast %add3A_146 : i32 to index
        %parallel_loop3A_261 = arith.index_cast %parallel_loop3A_149 : i32 to index
        %parallel_loop3A_262 = tpu.vector_load %arg10[%parallel_loop3A_260, %parallel_loop3A_261] {strides = array<i32>} : memref<32x512xf32, #tpu.memory_space<vmem>>, vector<16xf32>,
        tpu.vector_store %arg10[%parallel_loop3A_260, %parallel_loop3A_261], %parallel_loop3A_253 {strides = array<i32>} : memref<32x512xf32, #tpu.memory_space<vmem>>, vector<16xf32>,
        %parallel_loop3A_263 = arith.constant 256 : i32
        %parallel_loop3A_264 = arith.addi %parallel_loop3A_149, %parallel_loop3A_263 : i32
        %parallel_loop3A_265 = arith.index_cast %add3A_146 : i32 to index
        %parallel_loop3A_266 = arith.index_cast %parallel_loop3A_264 : i32 to index
        %parallel_loop3A_267 = tpu.vector_load %arg10[%parallel_loop3A_265, %parallel_loop3A_266] {strides = array<i32>} : memref<32x512xf32, #tpu.memory_space<vmem>>, vector<16xf32>,
        tpu.vector_store %arg10[%parallel_loop3A_265, %parallel_loop3A_266], %parallel_loop3A_259 {strides = array<i32>} : memref<32x512xf32, #tpu.memory_space<vmem>>, vector<16xf32>,
      } {sc.loop_unroll_factor = 8 : i64, sc.parallel_access}
    }
    %scan3A_53 = arith.constant 16 : i32
    %add3A_54 = arith.constant 16 : i32
    %add3A_55 = arith.addi %mul3A_4, %add3A_54 : i32
    %dma_start3A_56 = arith.constant 16 : i32
    %dma_start3A_57 = arith.constant 0 : i32
    %dma_start3A_58 = tpu.memref_slice %arg10[%dma_start3A_56, %dma_start3A_57] : memref<32x512xf32, #tpu.memory_space<vmem>> -> memref<16x512xf32, #tpu.memory_space<vmem>>
    %dma_start3A_59 = arith.constant 0 : i32
    %dma_start3A_60 = tpu.memref_slice %arg5[%add3A_55, %dma_start3A_59] : memref<1024x512xf32, #tpu.memory_space<hbm>> -> memref<16x512xf32, #tpu.memory_space<hbm>>
    %dma_start3A_61 = arith.constant 0 : i32
    %dma_start3A_62 = tpu.memref_slice %arg5[%add3A_55, %dma_start3A_61] : memref<1024x512xf32, #tpu.memory_space<hbm>> -> memref<16x512xf32, #tpu.memory_space<hbm>>
    %dma_start3A_63 = arith.constant 16 : i32
    %dma_start3A_64 = arith.constant 0 : i32
    %dma_start3A_65 = tpu.memref_slice %arg10[%dma_start3A_63, %dma_start3A_64] : memref<32x512xf32, #tpu.memory_space<vmem>> -> memref<16x512xf32, #tpu.memory_space<vmem>>
    tpu.enqueue_dma source(%dma_start3A_65 : memref<16x512xf32, #tpu.memory_space<vmem>>) target(%dma_start3A_62 : memref<16x512xf32, #tpu.memory_space<hbm>>) target_semaphore(%arg13 : memref<!tpu.dma_semaphore, #tpu.memory_space<semaphore_mem>>)
    %add3A_66 = arith.constant 0 : i32
    %add3A_67 = arith.addi %mul3A_4, %add3A_66 : i32
    %dma_wait3A_68 = arith.constant 0 : i32
    %dma_wait3A_69 = arith.constant 0 : i32
    %dma_wait3A_70 = tpu.memref_slice %arg10[%dma_wait3A_68, %dma_wait3A_69] : memref<32x512xf32, #tpu.memory_space<vmem>> -> memref<16x512xf32, #tpu.memory_space<vmem>>
    %dma_wait3A_71 = arith.constant 0 : i32
    %dma_wait3A_72 = tpu.memref_slice %arg5[%add3A_67, %dma_wait3A_71] : memref<1024x512xf32, #tpu.memory_space<hbm>> -> memref<16x512xf32, #tpu.memory_space<hbm>>
    %dma_wait3A_73 = arith.constant 0 : i32
    %dma_wait3A_74 = tpu.memref_slice %arg5[%add3A_67, %dma_wait3A_73] : memref<1024x512xf32, #tpu.memory_space<hbm>> -> memref<16x512xf32, #tpu.memory_space<hbm>>
    %dma_wait3A_75 = arith.constant 0 : i32
    %dma_wait3A_76 = arith.constant 0 : i32
    %dma_wait3A_77 = tpu.memref_slice %arg10[%dma_wait3A_75, %dma_wait3A_76] : memref<32x512xf32, #tpu.memory_space<vmem>> -> memref<16x512xf32, #tpu.memory_space<vmem>>
    tpu.wait_dma2 semaphore(%arg13 : memref<!tpu.dma_semaphore, #tpu.memory_space<semaphore_mem>>) src(%dma_wait3A_77 : memref<16x512xf32, #tpu.memory_space<vmem>>) dst(%dma_wait3A_74 : memref<16x512xf32, #tpu.memory_space<hbm>>)
    %add3A_78 = arith.constant 16 : i32
    %add3A_79 = arith.addi %mul3A_4, %add3A_78 : i32
    %dma_wait3A_80 = arith.constant 16 : i32
    %dma_wait3A_81 = arith.constant 0 : i32
    %dma_wait3A_82 = tpu.memref_slice %arg10[%dma_wait3A_80, %dma_wait3A_81] : memref<32x512xf32, #tpu.memory_space<vmem>> -> memref<16x512xf32, #tpu.memory_space<vmem>>
    %dma_wait3A_83 = arith.constant 0 : i32
    %dma_wait3A_84 = tpu.memref_slice %arg5[%add3A_79, %dma_wait3A_83] : memref<1024x512xf32, #tpu.memory_space<hbm>> -> memref<16x512xf32, #tpu.memory_space<hbm>>
    %dma_wait3A_85 = arith.constant 0 : i32
    %dma_wait3A_86 = tpu.memref_slice %arg5[%add3A_79, %dma_wait3A_85] : memref<1024x512xf32, #tpu.memory_space<hbm>> -> memref<16x512xf32, #tpu.memory_space<hbm>>
    %dma_wait3A_87 = arith.constant 16 : i32
    %dma_wait3A_88 = arith.constant 0 : i32
    %dma_wait3A_89 = tpu.memref_slice %arg10[%dma_wait3A_87, %dma_wait3A_88] : memref<32x512xf32, #tpu.memory_space<vmem>> -> memref<16x512xf32, #tpu.memory_space<vmem>>
    tpu.wait_dma2 semaphore(%arg13 : memref<!tpu.dma_semaphore, #tpu.memory_space<semaphore_mem>>) src(%dma_wait3A_89 : memref<16x512xf32, #tpu.memory_space<vmem>>) dst(%dma_wait3A_86 : memref<16x512xf32, #tpu.memory_space<hbm>>)
    return
  }
}

module attributes {stable_mosaic.version = 14 : i64} {
  func.func @body(%arg0: memref<2048x1xf32, #tpu.memory_space<vmem>>, %arg1: memref<2048x1xf32, #tpu.memory_space<vmem>>, %arg2: memref<512x1024xf32, #tpu.memory_space<vmem>>, %arg3: memref<1x512xf32, #tpu.memory_space<vmem>>, %arg4: memref<1x512xf32, #tpu.memory_space<vmem>>, %arg5: memref<1x512xf32, #tpu.memory_space<vmem>>, %arg6: memref<2048x256xi32, #tpu.memory_space<vmem>>) attributes {dimension_semantics = [], scalar_prefetch = 0 : i64, scratch_operands = 0 : i64, tpu.core_type = #tpu.core_type<tc>} {
    %get3A = arith.constant 0 : index
    %get3A_0 = arith.constant 0 : index
    %get3A_1 = vector.load %arg2[%get3A, %get3A_0] : memref<512x1024xf32, #tpu.memory_space<vmem>>, vector<512x512xf32>
    %get3A_2 = arith.constant 0 : index
    %get3A_3 = arith.constant 0 : index
    %get3A_4 = vector.load %arg3[%get3A_2, %get3A_3] : memref<1x512xf32, #tpu.memory_space<vmem>>, vector<1x512xf32>
    %dot_general3A = arith.constant dense<0.000000e+00> : vector<1x512xf32>
    %dot_general3A_5 = tpu.matmul %get3A_4, %get3A_1, %dot_general3A {dimension_numbers = #tpu.dot_dimension_numbers<[1], [1], [0], [0], [0, 0, 1, 0], [], []>, transpose_lhs_hint = false} : vector<1x512xf32>, vector<512x512xf32>, vector<1x512xf32> -> vector<1x512xf32>
    %get3A_6 = arith.constant 0 : index
    %get3A_7 = arith.constant 0 : index
    %get3A_8 = vector.load %arg4[%get3A_6, %get3A_7] : memref<1x512xf32, #tpu.memory_space<vmem>>, vector<1x512xf32>
    %dot_general3A_9 = arith.constant dense<0.000000e+00> : vector<1x512xf32>
    %dot_general3A_10 = tpu.matmul %get3A_8, %get3A_1, %dot_general3A_9 {dimension_numbers = #tpu.dot_dimension_numbers<[1], [1], [0], [0], [0, 0, 1, 0], [], []>, transpose_lhs_hint = false} : vector<1x512xf32>, vector<512x512xf32>, vector<1x512xf32> -> vector<1x512xf32>
    %get3A_11 = arith.constant 0 : index
    %get3A_12 = arith.constant 0 : index
    %get3A_13 = vector.load %arg0[%get3A_11, %get3A_12] : memref<2048x1xf32, #tpu.memory_space<vmem>>, vector<2048x1xf32>
    %mul3A = vector.broadcast %get3A_13 : vector<2048x1xf32> to vector<2048x512xf32>
    %mul3A_14 = vector.broadcast %dot_general3A_5 : vector<1x512xf32> to vector<2048x512xf32>
    %mul3A_15 = arith.mulf %mul3A, %mul3A_14 : vector<2048x512xf32>
    %get3A_16 = arith.constant 0 : index
    %get3A_17 = arith.constant 0 : index
    %get3A_18 = vector.load %arg1[%get3A_16, %get3A_17] : memref<2048x1xf32, #tpu.memory_space<vmem>>, vector<2048x1xf32>
    %mul3A_19 = vector.broadcast %get3A_18 : vector<2048x1xf32> to vector<2048x512xf32>
    %mul3A_20 = vector.broadcast %dot_general3A_10 : vector<1x512xf32> to vector<2048x512xf32>
    %mul3A_21 = arith.mulf %mul3A_19, %mul3A_20 : vector<2048x512xf32>
    %add3A = arith.addf %mul3A_15, %mul3A_21 : vector<2048x512xf32>
    %get3A_22 = arith.constant 0 : index
    %get3A_23 = arith.constant 0 : index
    %get3A_24 = vector.load %arg5[%get3A_22, %get3A_23] : memref<1x512xf32, #tpu.memory_space<vmem>>, vector<1x512xf32>
    %add3A_25 = vector.broadcast %get3A_24 : vector<1x512xf32> to vector<2048x512xf32>
    %add3A_26 = arith.addf %add3A, %add3A_25 : vector<2048x512xf32>
    %ge3A = arith.constant 0.000000e+00 : f32
    %ge3A_27 = vector.broadcast %ge3A : f32 to vector<2048x512xf32>
    %ge3A_28 = arith.cmpf oge, %add3A_26, %ge3A_27 : vector<2048x512xf32>
    %mul3A_29 = arith.constant 0.00999999977 : f32
    %mul3A_30 = vector.broadcast %mul3A_29 : f32 to vector<2048x512xf32>
    %mul3A_31 = arith.mulf %mul3A_30, %add3A_26 : vector<2048x512xf32>
    %select_n3A = arith.select %ge3A_28, %add3A_26, %mul3A_31 : vector<2048x512xi1>, vector<2048x512xf32>
    %convert_element_type3A = arith.truncf %select_n3A : vector<2048x512xf32> to vector<2048x512xbf16>
    %slice3A = vector.extract_strided_slice %convert_element_type3A {offsets = [0, 0], sizes = [2048, 256], strides = [1, 1]} : vector<2048x512xbf16> to vector<2048x256xbf16>
    %bitcast_convert_type3A = tpu.bitcast %slice3A : vector<2048x256xbf16> -> vector<2048x256xi16>
    %convert_element_type3A_32 = arith.extui %bitcast_convert_type3A : vector<2048x256xi16> to vector<2048x256xi32>
    %slice3A_33 = vector.extract_strided_slice %convert_element_type3A {offsets = [0, 256], sizes = [2048, 256], strides = [1, 1]} : vector<2048x512xbf16> to vector<2048x256xbf16>
    %bitcast_convert_type3A_34 = tpu.bitcast %slice3A_33 : vector<2048x256xbf16> -> vector<2048x256xi16>
    %convert_element_type3A_35 = arith.extui %bitcast_convert_type3A_34 : vector<2048x256xi16> to vector<2048x256xi32>
    %shift_left3A = arith.constant 16 : i32
    %shift_left3A_36 = vector.broadcast %shift_left3A : i32 to vector<2048x256xi32>
    %shift_left3A_37 = arith.shli %convert_element_type3A_35, %shift_left3A_36 : vector<2048x256xi32>
    %or3A = arith.ori %convert_element_type3A_32, %shift_left3A_37 : vector<2048x256xi32>
    %bitcast_convert_type3A_38 = tpu.bitcast %or3A : vector<2048x256xi32> -> vector<2048x256xi32>
    %swap3A = arith.constant 0 : index
    %swap3A_39 = arith.constant 0 : index
    %swap3A_40 = vector.load %arg6[%swap3A, %swap3A_39] : memref<2048x256xi32, #tpu.memory_space<vmem>>, vector<2048x256xi32>
    tpu.vector_store %arg6[%swap3A, %swap3A_39], %bitcast_convert_type3A_38 {strides = array<i32>} : memref<2048x256xi32, #tpu.memory_space<vmem>>, vector<2048x256xi32>,
    return
  }
}

module attributes {stable_mosaic.version = 14 : i64} {
  func.func @body(%arg0: memref<1024x512xf32, #tpu.memory_space<vmem>>, %arg1: memref<512x1024xf32, #tpu.memory_space<vmem>>, %arg2: memref<1x512xf32, #tpu.memory_space<vmem>>, %arg3: memref<1x512xf32, #tpu.memory_space<vmem>>, %arg4: memref<1x1xf32, #tpu.memory_space<vmem>>, %arg5: memref<1xi32, #tpu.memory_space<smem>>, %arg6: memref<1x1xf32, #tpu.memory_space<vmem>>, %arg7: memref<1x1xf32, #tpu.memory_space<vmem>>) attributes {dimension_semantics = [], scalar_prefetch = 0 : i64, scratch_operands = 0 : i64, tpu.core_type = #tpu.core_type<tc>} {
    %get3A = arith.constant 0 : index
    %get3A_0 = arith.constant 0 : index
    %get3A_1 = vector.load %arg0[%get3A, %get3A_0] : memref<1024x512xf32, #tpu.memory_space<vmem>>, vector<1024x512xf32>
    %get3A_2 = arith.constant 0 : index
    %get3A_3 = arith.constant 0 : index
    %get3A_4 = vector.load %arg1[%get3A_2, %get3A_3] : memref<512x1024xf32, #tpu.memory_space<vmem>>, vector<512x512xf32>
    %dot_general3A = arith.constant dense<0.000000e+00> : vector<1024x512xf32>
    %dot_general3A_5 = tpu.matmul %get3A_1, %get3A_4, %dot_general3A {dimension_numbers = #tpu.dot_dimension_numbers<[1], [1], [0], [0], [0, 0, 1, 0], [], []>, transpose_lhs_hint = false} : vector<1024x512xf32>, vector<512x512xf32>, vector<1024x512xf32> -> vector<1024x512xf32>
    %get3A_6 = arith.constant 0 : index
    %get3A_7 = arith.constant 0 : index
    %get3A_8 = vector.load %arg2[%get3A_6, %get3A_7] : memref<1x512xf32, #tpu.memory_space<vmem>>, vector<1x512xf32>
    %add3A = vector.broadcast %get3A_8 : vector<1x512xf32> to vector<1024x512xf32>
    %add3A_9 = arith.addf %dot_general3A_5, %add3A : vector<1024x512xf32>
    %ge3A = arith.constant 0.000000e+00 : f32
    %ge3A_10 = vector.broadcast %ge3A : f32 to vector<1024x512xf32>
    %ge3A_11 = arith.cmpf oge, %add3A_9, %ge3A_10 : vector<1024x512xf32>
    %mul3A = arith.constant 0.00999999977 : f32
    %mul3A_12 = vector.broadcast %mul3A : f32 to vector<1024x512xf32>
    %mul3A_13 = arith.mulf %mul3A_12, %add3A_9 : vector<1024x512xf32>
    %select_n3A = arith.select %ge3A_11, %add3A_9, %mul3A_13 : vector<1024x512xi1>, vector<1024x512xf32>
    %get3A_14 = arith.constant 0 : index
    %get3A_15 = arith.constant 0 : index
    %get3A_16 = vector.load %arg3[%get3A_14, %get3A_15] : memref<1x512xf32, #tpu.memory_space<vmem>>, vector<1x512xf32>
    %dot_general3A_17 = arith.constant dense<0.000000e+00> : vector<1x1024xf32>
    %dot_general3A_18 = tpu.matmul %get3A_16, %select_n3A, %dot_general3A_17 {dimension_numbers = #tpu.dot_dimension_numbers<[1], [1], [0], [0], [0, 0, 1, 0], [], []>, transpose_lhs_hint = false} : vector<1x512xf32>, vector<1024x512xf32>, vector<1x1024xf32> -> vector<1x1024xf32>
    %get3A_19 = arith.constant 0 : index
    %get3A_20 = arith.constant 0 : index
    %get3A_21 = vector.load %arg4[%get3A_19, %get3A_20] : memref<1x1xf32, #tpu.memory_space<vmem>>, vector<1x1xf32>
    %get3A_22 = vector.extract %get3A_21[0, 0] : f32 from vector<1x1xf32>
    %add3A_23 = vector.broadcast %get3A_22 : f32 to vector<1x1024xf32>
    %add3A_24 = arith.addf %dot_general3A_18, %add3A_23 : vector<1x1024xf32>
    %iota3A = tpu.iota {dimensions = array<i32: 1>} : vector<1x1024xi32>
    %lt3A = arith.constant 1000 : i32
    %lt3A_25 = vector.broadcast %lt3A : i32 to vector<1x1024xi32>
    %lt3A_26 = arith.cmpi slt, %iota3A, %lt3A_25 : vector<1x1024xi32>
    %jit3A = arith.constant -1.000000e+30 : f32
    %broadcast_in_dim3A = vector.broadcast %jit3A : f32 to vector<1x1024xf32>
    %select_n3A_27 = arith.select %lt3A_26, %add3A_24, %broadcast_in_dim3A : vector<1x1024xi1>, vector<1x1024xf32>
    %reduce_max3A = vector.shape_cast %select_n3A_27 : vector<1x1024xf32> to vector<1x1x1024xf32>
    %reduce_max3A_28 = arith.constant dense<0xFF800000> : vector<1xf32>
    %reduce_max3A_29 = vector.multi_reduction <maximumf>, %reduce_max3A, %reduce_max3A_28 [1, 2] : vector<1x1x1024xf32> to vector<1xf32>
    %reduce_max3A_30 = vector.shape_cast %reduce_max3A_29 : vector<1xf32> to vector<1x1x1xf32>
    %reduce_max3A_31 = vector.extract %reduce_max3A_30[0, 0, 0] : f32 from vector<1x1x1xf32>
    %sub3A = vector.broadcast %reduce_max3A_31 : f32 to vector<1x1024xf32>
    %sub3A_32 = arith.subf %select_n3A_27, %sub3A : vector<1x1024xf32>
    %exp3A = math.exp %sub3A_32 : vector<1x1024xf32>
    %reduce_sum3A = vector.shape_cast %exp3A : vector<1x1024xf32> to vector<1x1x1024xf32>
    %reduce_sum3A_33 = arith.constant dense<0.000000e+00> : vector<1xf32>
    %reduce_sum3A_34 = vector.multi_reduction <add>, %reduce_sum3A, %reduce_sum3A_33 [1, 2] : vector<1x1x1024xf32> to vector<1xf32>
    %reduce_sum3A_35 = vector.shape_cast %reduce_sum3A_34 : vector<1xf32> to vector<1x1x1xf32>
    %reduce_sum3A_36 = vector.extract %reduce_sum3A_35[0, 0, 0] : f32 from vector<1x1x1xf32>
    %log3A = math.log %reduce_sum3A_36 : f32
    %add3A_37 = arith.addf %log3A, %reduce_max3A_31 : f32
    %get3A_38 = arith.constant 0 : index
    %get3A_39 = memref.load %arg5[%get3A_38] : memref<1xi32, #tpu.memory_space<smem>>
    %eq3A = vector.broadcast %get3A_39 : i32 to vector<1x1024xi32>
    %eq3A_40 = arith.cmpi eq, %iota3A, %eq3A : vector<1x1024xi32>
    %jit3A_41 = arith.constant 0.000000e+00 : f32
    %broadcast_in_dim3A_42 = vector.broadcast %jit3A_41 : f32 to vector<1x1024xf32>
    %select_n3A_43 = arith.select %eq3A_40, %add3A_24, %broadcast_in_dim3A_42 : vector<1x1024xi1>, vector<1x1024xf32>
    %reduce_sum3A_44 = vector.shape_cast %select_n3A_43 : vector<1x1024xf32> to vector<1x1x1024xf32>
    %reduce_sum3A_45 = arith.constant dense<0.000000e+00> : vector<1xf32>
    %reduce_sum3A_46 = vector.multi_reduction <add>, %reduce_sum3A_44, %reduce_sum3A_45 [1, 2] : vector<1x1x1024xf32> to vector<1xf32>
    %reduce_sum3A_47 = vector.shape_cast %reduce_sum3A_46 : vector<1xf32> to vector<1x1x1xf32>
    %reduce_sum3A_48 = vector.extract %reduce_sum3A_47[0, 0, 0] : f32 from vector<1x1x1xf32>
    %sub3A_49 = arith.subf %add3A_37, %reduce_sum3A_48 : f32
    %broadcast_in_dim3A_50 = vector.broadcast %sub3A_49 : f32 to vector<1x1xf32>
    %swap3A = arith.constant 0 : index
    %swap3A_51 = arith.constant 0 : index
    %swap3A_52 = vector.load %arg6[%swap3A, %swap3A_51] : memref<1x1xf32, #tpu.memory_space<vmem>>, vector<1x1xf32>
    tpu.vector_store %arg6[%swap3A, %swap3A_51], %broadcast_in_dim3A_50 {strides = array<i32>} : memref<1x1xf32, #tpu.memory_space<vmem>>, vector<1x1xf32>,
    %ge3A_53 = arith.cmpf oge, %reduce_sum3A_48, %reduce_max3A_31 : f32
    %convert_element_type3A = arith.extui %ge3A_53 : i1 to i32
    %convert_element_type3A_54 = arith.sitofp %convert_element_type3A : i32 to f32
    %broadcast_in_dim3A_55 = vector.broadcast %convert_element_type3A_54 : f32 to vector<1x1xf32>
    %swap3A_56 = arith.constant 0 : index
    %swap3A_57 = arith.constant 0 : index
    %swap3A_58 = vector.load %arg7[%swap3A_56, %swap3A_57] : memref<1x1xf32, #tpu.memory_space<vmem>>, vector<1x1xf32>
    tpu.vector_store %arg7[%swap3A_56, %swap3A_57], %broadcast_in_dim3A_55 {strides = array<i32>} : memref<1x1xf32, #tpu.memory_space<vmem>>, vector<1x1xf32>,
    return
  }
}

module attributes {stable_mosaic.version = 14 : i64} {
  func.func @body(%arg0: memref<2048x512xf32, #tpu.memory_space<vmem>>, %arg1: memref<512x1024xf32, #tpu.memory_space<vmem>>, %arg2: memref<1x512xf32, #tpu.memory_space<vmem>>, %arg3: memref<2048x256xi32, #tpu.memory_space<vmem>>) attributes {dimension_semantics = [], scalar_prefetch = 0 : i64, scratch_operands = 0 : i64, tpu.core_type = #tpu.core_type<tc>} {
    %get3A = arith.constant 0 : index
    %get3A_0 = arith.constant 0 : index
    %get3A_1 = vector.load %arg0[%get3A, %get3A_0] : memref<2048x512xf32, #tpu.memory_space<vmem>>, vector<2048x512xf32>
    %get3A_2 = arith.constant 0 : index
    %get3A_3 = arith.constant 0 : index
    %get3A_4 = vector.load %arg1[%get3A_2, %get3A_3] : memref<512x1024xf32, #tpu.memory_space<vmem>>, vector<512x512xf32>
    %dot_general3A = arith.constant dense<0.000000e+00> : vector<2048x512xf32>
    %dot_general3A_5 = tpu.matmul %get3A_1, %get3A_4, %dot_general3A {dimension_numbers = #tpu.dot_dimension_numbers<[1], [1], [0], [0], [0, 0, 1, 0], [], []>, transpose_lhs_hint = false} : vector<2048x512xf32>, vector<512x512xf32>, vector<2048x512xf32> -> vector<2048x512xf32>
    %get3A_6 = arith.constant 0 : index
    %get3A_7 = arith.constant 0 : index
    %get3A_8 = vector.load %arg2[%get3A_6, %get3A_7] : memref<1x512xf32, #tpu.memory_space<vmem>>, vector<1x512xf32>
    %add3A = vector.broadcast %get3A_8 : vector<1x512xf32> to vector<2048x512xf32>
    %add3A_9 = arith.addf %dot_general3A_5, %add3A : vector<2048x512xf32>
    %ge3A = arith.constant 0.000000e+00 : f32
    %ge3A_10 = vector.broadcast %ge3A : f32 to vector<2048x512xf32>
    %ge3A_11 = arith.cmpf oge, %add3A_9, %ge3A_10 : vector<2048x512xf32>
    %mul3A = arith.constant 0.00999999977 : f32
    %mul3A_12 = vector.broadcast %mul3A : f32 to vector<2048x512xf32>
    %mul3A_13 = arith.mulf %mul3A_12, %add3A_9 : vector<2048x512xf32>
    %select_n3A = arith.select %ge3A_11, %add3A_9, %mul3A_13 : vector<2048x512xi1>, vector<2048x512xf32>
    %convert_element_type3A = arith.truncf %select_n3A : vector<2048x512xf32> to vector<2048x512xbf16>
    %slice3A = vector.extract_strided_slice %convert_element_type3A {offsets = [0, 0], sizes = [2048, 256], strides = [1, 1]} : vector<2048x512xbf16> to vector<2048x256xbf16>
    %bitcast_convert_type3A = tpu.bitcast %slice3A : vector<2048x256xbf16> -> vector<2048x256xi16>
    %convert_element_type3A_14 = arith.extui %bitcast_convert_type3A : vector<2048x256xi16> to vector<2048x256xi32>
    %slice3A_15 = vector.extract_strided_slice %convert_element_type3A {offsets = [0, 256], sizes = [2048, 256], strides = [1, 1]} : vector<2048x512xbf16> to vector<2048x256xbf16>
    %bitcast_convert_type3A_16 = tpu.bitcast %slice3A_15 : vector<2048x256xbf16> -> vector<2048x256xi16>
    %convert_element_type3A_17 = arith.extui %bitcast_convert_type3A_16 : vector<2048x256xi16> to vector<2048x256xi32>
    %shift_left3A = arith.constant 16 : i32
    %shift_left3A_18 = vector.broadcast %shift_left3A : i32 to vector<2048x256xi32>
    %shift_left3A_19 = arith.shli %convert_element_type3A_17, %shift_left3A_18 : vector<2048x256xi32>
    %or3A = arith.ori %convert_element_type3A_14, %shift_left3A_19 : vector<2048x256xi32>
    %bitcast_convert_type3A_20 = tpu.bitcast %or3A : vector<2048x256xi32> -> vector<2048x256xi32>
    %swap3A = arith.constant 0 : index
    %swap3A_21 = arith.constant 0 : index
    %swap3A_22 = vector.load %arg3[%swap3A, %swap3A_21] : memref<2048x256xi32, #tpu.memory_space<vmem>>, vector<2048x256xi32>
    tpu.vector_store %arg3[%swap3A, %swap3A_21], %bitcast_convert_type3A_20 {strides = array<i32>} : memref<2048x256xi32, #tpu.memory_space<vmem>>, vector<2048x256xi32>,
    return
  }
}

</mosaic_0001>

<sc_bundles>
// kernel: kernel.11.cloned.1.call-start
scs
__scs_entry_jumppad:
0x0: {  	(pc) =	sbr.rel $0x88, $3  }
0x1: {  	(tag) =	ssettag $0x0;
	lr =	simm.s32 $0x1  }
0x2: {  	[smem:$0x3F93] =	sst lr;
	_ =	strace $0xD0000000  }
0x3: {  	_ = 	snop  }
0x4: {  	_ = 	snop  }
0x5: {  	_ = 	snop  }
0x6: {  	_ = 	snop  }
0x7: {  	_ = 	snop  }
__scs_overlays_trampoline_lowered:
0x8: {  	[smem:$0x3FA2] =	sst s0  }
0x9: {  	[smem:$0x3FA3] =	sst s1  }
0xa: {  	[smem:$0x3FA4] =	sst s2  }
0xb: {  	[smem:$0x3FA5] =	sst s3  }
0xc: {  	[smem:$0x3FA6] =	sst s4  }
0xd: {  	[smem:$0x3FA7] =	sst s5  }
0xe: {  	[smem:$0x3FA8] =	sst s6  }
0xf: {  	[smem:$0x3FA9] =	sst s7  }
0x10: {  	[smem:$0x3FAA] =	sst s8  }
0x11: {  	[smem:$0x3FAB] =	sst s9;
	s0 =	simm.s32 @!p0 $0x0  }
0x12: {  	s1 =	sld [smem:$0x3F91];
	s0 =	simm.s32 @p0 $0x1  }
0x13: {  	[smem:$0x3FAC] =	sst s0;
	s0 =	simm.s32 @!p1 $0x0  }
0x14: {  	s2 =	sld [smem:$0x3F90];
	s0 =	simm.s32 @p1 $0x1  }
0x15: {  	[smem:$0x3FAD] =	sst s0;
	s0 =	simm.s32 @!p2 $0x0  }
0x16: {  	s3 =	sld [smem:$0x3FDB];
	s0 =	simm.s32 @p2 $0x1  }
0x17: {  	s4 =	simm.s32 $0x1BF5;
	[smem:$0x3FAF] =	sst s0  }
0x18: {  	s0 =	sld [smem:$0x3F92];
	_ =	swait.ge [sflag:s4], $0x0  }
0x19: {  	s7 =	sld [smem:$0x3F93]  }
0x1a: {  	s8 =	sadd.s32 $0xFFFFE003, lr  }
0x1b: {  	s9 =	sadd.s32 $0xFFFFFEF7, lr;
	s5 =	simm.s32 $0xFFFFFFFF;
	p2 =	slt.u32 s8, $0xFFFFF086  }
0x1c: {  	p1 =	slt.u32 s9, $0xF7A;
	s5 =	simm.s32 @!p2 $0x0  }
0x1d: {  	s5 =	simm.s32 @p1 $0x1;
	p0 =	seq.s32 s7, s2  }
0x1e: {  	s7 =	smul.u32 @!p0 $0xF7A, s2;
	p2 =	seq.s32 @!p0 s5, $0x0  }
0x1f: {  	s9 =	smul.u32 $0xF7A, s1;
	s8 =	simm.s32 @!p0 $0x1BF5;
	p2 =	por !p2, p0  }
0x20: {  	[sflag:s8] =	ssyncset.s32 @!p0 $0xFFFFF086;
	s6 =	sadd.s32 @!p0 s3, s7;
	s7 =	simm.s32 @!p0 $0x108  }
0x21: {  	s3 =	sadd.s32 s3, s9;
	s6 =	sadd.s32 @!p0 $0x88, s6;
	s7 =	simm.s32 @p2 $0x1082  }
0x22: {  	[simem:s7], [sflag:s8] =	dma.local @!p0 [hbm:s6], $0xF7A  }
0x23: {  	s9 =	sor.u32 $0xD0000000, s2;
	s6 =	simm.s32 $0x108;
	_ =	swait.ge @!p0 [sflag:s8], $0x0  }
0x24: {  	s3 =	sadd.s32 $0x88, s3;
	s6 =	simm.s32 @!p1 $0x1082;
	[sflag:s4] =	ssyncset.s32 $0xFFFFF086  }
0x25: {  	[simem:s6], [sflag:s4] =	dma.local [hbm:s3], $0xF7A  }
0x26: {  	[smem:$0x3F93] =	sst s1;
	(tag) =	ssettag s2;
	_ =	strace s9  }
0x27: {  	s1 =	sld [smem:$0x3FA3]  }
0x28: {  	s2 =	sld [smem:$0x3FA4]  }
0x29: {  	s4 =	sld [smem:$0x3FA6]  }
0x2a: {  	p0 =	seq.s32 s5, $0x0;
	s5 =	sld [smem:$0x3FA7]  }
0x2b: {  	s6 =	sld [smem:$0x3FA8]  }
0x2c: {  	s7 =	sld [smem:$0x3FA9]  }
0x2d: {  	s3 =	simm.s32 $0x108;
	s8 =	sld [smem:$0x3FAA]  }
0x2e: {  	s3 =	simm.s32 @!p0 $0x1082;
	s9 =	sld [smem:$0x3FAB]  }
0x2f: {  	lr =	sadd.s32 s0, s3;
	s0 =	sld [smem:$0x3FA2]  }
0x30: {  	s3 =	sld [smem:$0x3FA5]  }
0x31: {  	[smem:$0x3FAE] =	sst s10  }
0x32: {  	s10 =	sld [smem:$0x3FAC];
	_ =	sdelay $0x3  }
0x33: {  	p0 =	seq.s32 s10, $0x1;
	s10 =	sld [smem:$0x3FAE];
	_ =	sdelay $0x3  }
0x34: {  	[smem:$0x3FAE] =	sst s10  }
0x35: {  	s10 =	sld [smem:$0x3FAD];
	_ =	sdelay $0x3  }
0x36: {  	p1 =	seq.s32 s10, $0x1;
	s10 =	sld [smem:$0x3FAE];
	_ =	sdelay $0x3  }
0x37: {  	[smem:$0x3FAE] =	sst s10  }
0x38: {  	s10 =	sld [smem:$0x3FAF]  }
0x39: {  	_ = 	snop;
	(pc) =	sbr.ind lr, $3  }
0x3a: {  	_ = 	snop  }
0x3b: {  	_ = 	snop  }
0x3c: {  	p2 =	seq.s32 s10, $0x1;
	s10 =	sld [smem:$0x3FAE]  }
0x3d: {  	_ =	shalt  }
0x3e: {  	_ =	shalt  }
0x3f: {  	_ =	shalt  }
0x40: {  	_ =	shalt  }
0x41: {  	_ =	shalt  }
0x42: {  	_ =	shalt  }
0x43: {  	_ =	shalt  }
0x44: {  	_ =	shalt  }
0x45: {  	_ =	shalt  }
0x46: {  	_ =	shalt  }
0x47: {  	_ =	shalt  }
0x48: {  	_ =	shalt  }
0x49: {  	_ =	shalt  }
0x4a: {  	_ =	shalt  }
0x4b: {  	_ =	shalt  }
0x4c: {  	_ =	shalt  }
0x4d: {  	_ =	shalt  }
0x4e: {  	_ =	shalt  }
0x4f: {  	_ =	shalt  }
0x50: {  	_ =	shalt  }
0x51: {  	_ =	shalt  }
0x52: {  	_ =	shalt  }
0x53: {  	_ =	shalt  }
0x54: {  	_ =	shalt  }
0x55: {  	_ =	shalt  }
0x56: {  	_ =	shalt  }
0x57: {  	_ =	shalt  }
0x58: {  	_ =	shalt  }
0x59: {  	_ =	shalt  }
0x5a: {  	_ =	shalt  }
0x5b: {  	_ =	shalt  }
0x5c: {  	_ =	shalt  }
0x5d: {  	_ =	shalt  }
0x5e: {  	_ =	shalt  }
0x5f: {  	_ =	shalt  }
0x60: {  	_ =	shalt  }
0x61: {  	_ =	shalt  }
0x62: {  	_ =	shalt  }
0x63: {  	_ =	shalt  }
0x64: {  	_ =	shalt  }
0x65: {  	_ =	shalt  }
0x66: {  	_ =	shalt  }
0x67: {  	_ =	shalt  }
0x68: {  	_ =	shalt  }
0x69: {  	_ =	shalt  }
0x6a: {  	_ =	shalt  }
0x6b: {  	_ =	shalt  }
0x6c: {  	_ =	shalt  }
0x6d: {  	_ =	shalt  }
0x6e: {  	_ =	shalt  }
0x6f: {  	_ =	shalt  }
0x70: {  	_ =	shalt  }
0x71: {  	_ =	shalt  }
0x72: {  	_ =	shalt  }
0x73: {  	_ =	shalt  }
0x74: {  	_ =	shalt  }
0x75: {  	_ =	shalt  }
0x76: {  	_ =	shalt  }
0x77: {  	_ =	shalt  }
0x78: {  	_ =	shalt  }
0x79: {  	_ =	shalt  }
0x7a: {  	_ =	shalt  }
0x7b: {  	_ =	shalt  }
0x7c: {  	_ =	shalt  }
0x7d: {  	_ =	shalt  }
0x7e: {  	_ =	shalt  }
0x7f: {  	_ =	shalt  }
0x80: {  	_ =	shalt  }
0x81: {  	_ =	shalt  }
0x82: {  	_ =	shalt  }
0x83: {  	_ =	shalt  }
0x84: {  	_ =	shalt  }
0x85: {  	_ =	shalt  }
0x86: {  	_ =	shalt  }
0x87: {  	_ =	shalt  }
.Lfunc_end0:
.L_simem_size_0:
called_computation.1_lowered:
.L_overlay_start_0:
0x88: {  	s2 =	sld [smem:$0x3FD9]  }
0x89: {  	s3 =	sld [smem:$0x3FFE];
	_ =	sdelay $0x1  }
0x8a: {  	s1 =	srdreg.scid  }
0x8b: {  	s0 =	sand.u32 $0x1, s1  }
0x8c: {  	s17 =	sshll.u32 s0, $0xA;
	s2 =	sadd.s32 s3, s2  }
0x8d: {  	s2 =	sadd.s32 s2, s17  }
0x8e: {  	[smem:$0x3FBA] =	sst s2  }
0x8f: {  	_ = 	snop  }
0x90: {  	s2 =	sld [smem:$0x3FBF]  }
0x91: {  	s18 =	sld [smem:$0x3FBE];
	(tm) =	ssettm $0x1  }
0x92: {  	s4 =	sld [smem:$0x3FFB];
	_ =	sdelay $0x3  }
0x93: {  	_ =	strace s4  }
0x94: {  	s4 =	sld [smem:$0x3FFC];
	_ =	sdelay $0x3  }
0x95: {  	_ =	strace s4  }
0x96: {  	s4 =	sld [smem:$0x3FFD];
	_ =	sdelay $0x3  }
0x97: {  	_ =	strace s4  }
0x98: {  	_ =	strace $0x8FFFFFFF  }
0x99: {  	s19 =	sld [smem:$0x3FDB];
	_ =	sdelay $0x1  }
0x9a: {  	s5 =	simm.s32 $_scs_section_size  }
0x9b: {  	s6 =	simm.s32 $_size__tile_overlayer_lowered;
	s7 =	simm.s32 $_tile_overlayer_lowered  }
0x9c: {  	s22 =	simm.s32 $0x1BFF;
	s21 =	sshll.u32 s7, $0x1;
	s4 =	sadd.s32 s5, s19  }
0x9d: {  	s8 =	simm.s32 $0x0;
	s20 =	sshll.u32 s6, $0x1;
	s6 =	sadd.s32 s21, s4  }
0x9e: {  	[timem:s8], [sflag:s22] =	dma.local [hbm:s6], s20  }
0x9f: {  	_ =	swait.ge [sflag:s22], s20  }
0xa0: {  	s5 =	ssub.s32 $0x0, s20;
	[sflag:s22] =	ssyncset.done $0x0  }
0xa1: {  	[sflag:s22] =	ssyncadd.s32 s5;
	_ =	sdelay $0x1  }
0xa2: {  	s23 =	simm.s32 $0x1B8B  }
0xa3: {  	_ =	swait.ge [sflag:s23], $0x1  }
0xa4: {  	[sflag:s23] =	ssyncset.done $0x0  }
0xa5: {  	s25 =	simm.s32 $0x1B8E;
	s24 =	sld [smem:$0x3FFE];
	[sflag:s23] =	ssyncadd.s32 $0xFFFFFFFF  }
0xa6: {  	s26 =	simm.s32 $execute0_lowered;
	[smem:$0x3FD2] =	sst s25  }
0xa7: {  	s6 =	sshll.u32 s26, $0x1;
	_ =	strace $0x80000049;
	[dreg:$0x1] =	wrdreg $0xFFFFFFFF  }
0xa8: {  	s28 =	simm.s32 $_size_execute0_lowered;
	s4 =	sadd.s32 s4, s6;
	[dreg:$0x0] =	wrdreg $0x0  }
0xa9: {  	s6 =	sshll.u32 s28, $0x1;
	[dreg:$0x2] =	wrdreg s4  }
0xaa: {  	[dreg:$0x3] =	wrdreg s6  }
0xab: {  	[dreg:$0x4] =	wrdreg $0xC0  }
0xac: {  	_ =	task [dreg:s8], $0x5FFFF  }
0xad: {  	[dreg:$0x1] =	wrdreg $0xFFFFFFFF  }
0xae: {  	[dreg:$0x0] =	wrdreg $0x60  }
0xaf: {  	[dreg:$0x2] =	wrdreg s24  }
0xb0: {  	[dreg:$0x3] =	wrdreg s2  }
0xb1: {  	[dreg:$0x4] =	wrdreg s18  }
0xb2: {  	[dreg:$0x5] =	wrdreg $0x9  }
0xb3: {  	_ =	task.clear_ibuf [dreg:s8], $0x6FFFF;
	_ =	strace $0x90000049  }
0xb4: {  	s29 =	simm.s32 $0x9;
	_ =	strace $0x8000004B  }
0xb5: {  	_ =	swait.ge [sflag:s29], $0x1  }
0xb6: {  	[sflag:s29] =	ssyncadd.s32 $0xFFFFFFFF  }
0xb7: {  	_ =	strace $0x9000004B  }
0xb8: {  	_ =	sfence  }
0xb9: {  	s30 =	sld [smem:$0x0];
	_ =	sdelay $0x2  }
0xba: {  	s31 =	sshll.u32 s1, $0xD;
	s1 =	sshrl.u32 s1, $0x2  }
0xbb: {  	s3 =	sand.u32 $0x4000, s31;
	s1 =	sadd.s32 s1, s30  }
0xbc: {  	s0 =	sor.u32 s3, s0;
	s1 =	sshll.u32 s1, $0x11  }
0xbd: {  	s0 =	sor.u32 s1, s0  }
0xbe: {  	s0 =	sadd.s32 $0x8F2B, s0  }
0xbf: {  	[sflag:s0] =	ssyncadd.remote.s32 $0x1  }
0xc0: {  	_ =	sfence.sel $0xFFFF  }
0xc1: {  	[dreg:$0x0] =	wrdreg $0xFFFFFFFF;
	(pc) =	sbr.abs _section_cstart, $3  }
0xc2: {  	[dreg:$0x1] =	wrdreg $0xFFFFFFFF  }
0xc3: {  	_ =	task.clear_ibuf [dreg:s8], $0x2FFFF;
	_ =	strace $0x9FFFFFFF  }
0xc4: {  	(tm) =	ssettm $0x7FFFFFFF  }
0xc5: {  	_ =	shalt  }
tec
execute0_lowered:
.L_overlay_start_1:
0x0: {  	(tag) =	ssettag $0x1  }
0x1: {  	s0 =	rddreg [dreg:$0x0]  }
0x2: {  	s1 =	rddreg [dreg:$0x1]  }
0x3: {  	s5 =	rddreg [dreg:$0x2];
	s2 =	simm.s32 $0x0  }
0x4: {  	s3 =	srdreg.scid;
	s4 =	stileid.u32;
	s11 =	simm.s32 $0x200  }
0x5: {  	s12 =	simm.s32 $0x3;
	s16 =	simm.s32 $0xC00;
	s17 =	simm.s32 $0xC400  }
0x6: {  	s18 =	simm.s32 $0xCC00;
	s19 =	simm.s32 $0xD400;
	s20 =	simm.s32 $0xDC00  }
0x7: {  	s21 =	simm.s32 $0x1;
	s22 =	simm.s32 $0x2;
	s23 =	simm.s32 $0x0  }
0x8: {  	[smem:$0x7FF] =	sst s2;
	s3 =	sand.u32 $0x1, s3;
	s4 =	sshll.u32 s4, $0x1  }
0x9: {  	_ =	strace $0x8000004A;
	s4 =	sor.u32 s3, s4;
	s7 =	ssub.s32 $0x2, s3  }
0xa: {  	s3 =	sadd.s32 $0x2800, s0;
	s6 =	sshll.u32 s4, $0xC;
	s8 =	smul.u32 $0x38, s4  }
0xb: {  	s31 =	sshrl.u32 s7, $0x1;
	s4 =	simm.s32 $0x400;
	s0 =	sadd.s32 s6, s0  }
0xc: {  	v2 =	vlaneseq.u32;
	s10 =	ssub.s32 s7, s31;
	s1 =	sadd.s32 s1, s8;
	s5 =	sadd.s32 s5, s8  }
0xd: {  	vm0 =	vmmov $0xffff;
	v1 =	vshrl.u32 v2, $0x3;
	s6 =	sadd.s32 $0x12800, s0;
	s7 =	sadd.s32 $0x12C00, s0;
	s8 =	sadd.s32 $0x13000, s0  }
0xe: {  	v0 =	vand.u32 $0x7, v2;
	v2 =	vor.u32 $0x8, v2;
	v1 =	vmul.u32 $0x8, v1;
	s9 =	sadd.s32 $0x13400, s0;
	s10 =	smax.u32 s10, $0x1;
	[dreg:$0x4] =	wrdreg s1  }
.LBB2_1:
0xf: {  	s0 =	rddreg [dreg:$0x4]  }
0x10: {  	[tilespmem:s2], [sflag:$0x3] =	stream.linear.gather [hbm4b:s0+s2], $0x1C0, $0x38;
	[tilespmem:$0x16400] =	vst v63  }
0x11: {  	_ = 	snop  }
0x12: {  	[tilespmem:s11], [sflag:$0x3] =	stream.linear.gather [hbm4b:s5+s2], $0x1C0, $0x38;
	[tilespmem:$0x16400] =	vst v63  }
0x13: {  	_ =	swait.ge [sflag:s12], $0x1C0  }
0x14: {  	[sflag:s12] =	ssyncset.done $0x0  }
0x15: {  	[sflag:s12] =	ssyncadd.s32 $0xFFFFFE40  }
0x16: {  	_ =	swait.ge [sflag:s12], $0x1C0  }
0x17: {  	[sflag:s12] =	ssyncset.done $0x0  }
0x18: {  	[sflag:s12] =	ssyncadd.s32 $0xFFFFFE40  }
0x19: {  	v3 =	vld [tilespmem:$0x0];
	_ =	sdelay $0x4  }
0x1a: {  	v4 =	vshll.u32 v3, $0x1  }
0x1b: {  	v3 =	vand.u32 $0x7, v3;
	v4 =	vand.u32 $0xFFFFFFF0, v4  }
0x1c: {  	v3 =	vor.u32 v3, v4  }
0x1d: {  	v4 =	vperm.xlane v3, v0;
	_ =	sdelay $0x1  }
0x1e: {  	v3 =	vperm.xlane v3, v2;
	v4 =	vadd.s32 v1, v4;
	_ =	sdelay $0x1  }
0x1f: {  	v3 =	vadd.s32 v1, v3;
	_ =	sdelay $0x2  }
0x20: {  	[tilespmem:s4], [sflag:$0x1] =	stream.indirect_vreg.gather [hbm4b:s3+s2], $0x80, v4, vm0, $0xb8;
	[tilespmem:$0x16400] =	vst v63  }
0x21: {  	_ = 	snop  }
0x22: {  	[tilespmem:s16], [sflag:$0x1] =	stream.indirect_vreg.gather [hbm4b:s3+s2], $0x80, v3, vm0, $0xb8;
	[tilespmem:$0x16400] =	vst v63  }
0x23: {  	v3 =	vld [tilespmem:$0x10];
	_ =	sdelay $0x4  }
0x24: {  	v51 =	vshll.u32 v3, $0x1  }
0x25: {  	v3 =	vand.u32 $0x7, v3;
	v4 =	vand.u32 $0xFFFFFFF0, v51  }
0x26: {  	v3 =	vor.u32 v3, v4  }
0x27: {  	v4 =	vperm.xlane v3, v0;
	_ =	sdelay $0x1  }
0x28: {  	v3 =	vperm.xlane v3, v2;
	v4 =	vadd.s32 v1, v4;
	_ =	sdelay $0x1  }
0x29: {  	v3 =	vadd.s32 v1, v3;
	_ =	sdelay $0x1  }
0x2a: {  	s1 =	simm.s32 $0x1400  }
0x2b: {  	[tilespmem:s1], [sflag:$0x1] =	stream.indirect_vreg.gather [hbm4b:s3+s2], $0x80, v4, vm0, $0xb8;
	[tilespmem:$0x16400] =	vst v63  }
0x2c: {  	s13 =	simm.s32 $0x1C00  }
0x2d: {  	[tilespmem:s13], [sflag:$0x1] =	stream.indirect_vreg.gather [hbm4b:s3+s2], $0x80, v3, vm0, $0xb8;
	[tilespmem:$0x16400] =	vst v63  }
0x2e: {  	v3 =	vld [tilespmem:$0x20];
	_ =	sdelay $0x4  }
0x2f: {  	v52 =	vshll.u32 v3, $0x1  }
0x30: {  	v3 =	vand.u32 $0x7, v3;
	v4 =	vand.u32 $0xFFFFFFF0, v52  }
0x31: {  	v3 =	vor.u32 v3, v4  }
0x32: {  	v4 =	vperm.xlane v3, v0;
	_ =	sdelay $0x1  }
0x33: {  	v3 =	vperm.xlane v3, v2;
	v4 =	vadd.s32 v1, v4;
	_ =	sdelay $0x1  }
0x34: {  	v3 =	vadd.s32 v1, v3;
	_ =	sdelay $0x1  }
0x35: {  	s14 =	simm.s32 $0x2400  }
0x36: {  	[tilespmem:s14], [sflag:$0x1] =	stream.indirect_vreg.gather [hbm4b:s3+s2], $0x80, v4, vm0, $0xb8;
	[tilespmem:$0x16400] =	vst v63  }
0x37: {  	s15 =	simm.s32 $0x2C00  }
0x38: {  	[tilespmem:s15], [sflag:$0x1] =	stream.indirect_vreg.gather [hbm4b:s3+s2], $0x80, v3, vm0, $0xb8;
	[tilespmem:$0x16400] =	vst v63  }
0x39: {  	v3 =	vld [tilespmem:$0x30];
	_ =	sdelay $0x4  }
0x3a: {  	v53 =	vshll.u32 v3, $0x1  }
0x3b: {  	v3 =	vand.u32 $0x7, v3;
	v4 =	vand.u32 $0xFFFFFFF0, v53  }
0x3c: {  	v3 =	vor.u32 v3, v4  }
0x3d: {  	v4 =	vperm.xlane v3, v0;
	_ =	sdelay $0x1  }
0x3e: {  	v3 =	vperm.xlane v3, v2;
	v4 =	vadd.s32 v1, v4;
	_ =	sdelay $0x1  }
0x3f: {  	v3 =	vadd.s32 v1, v3;
	_ =	sdelay $0x1  }
0x40: {  	s24 =	simm.s32 $0x3400  }
0x41: {  	[tilespmem:s24], [sflag:$0x1] =	stream.indirect_vreg.gather [hbm4b:s3+s2], $0x80, v4, vm0, $0xb8;
	[tilespmem:$0x16400] =	vst v63  }
0x42: {  	s25 =	simm.s32 $0x3C00  }
0x43: {  	[tilespmem:s25], [sflag:$0x1] =	stream.indirect_vreg.gather [hbm4b:s3+s2], $0x80, v3, vm0, $0xb8;
	[tilespmem:$0x16400] =	vst v63  }
0x44: {  	v3 =	vld [tilespmem:$0x40];
	_ =	sdelay $0x4  }
0x45: {  	v54 =	vshll.u32 v3, $0x1  }
0x46: {  	v3 =	vand.u32 $0x7, v3;
	v4 =	vand.u32 $0xFFFFFFF0, v54  }
0x47: {  	v3 =	vor.u32 v3, v4  }
0x48: {  	v4 =	vperm.xlane v3, v0;
	_ =	sdelay $0x1  }
0x49: {  	v3 =	vperm.xlane v3, v2;
	v4 =	vadd.s32 v1, v4;
	_ =	sdelay $0x1  }
0x4a: {  	v3 =	vadd.s32 v1, v3;
	_ =	sdelay $0x1  }
0x4b: {  	s26 =	simm.s32 $0x4400  }
0x4c: {  	[tilespmem:s26], [sflag:$0x1] =	stream.indirect_vreg.gather [hbm4b:s3+s2], $0x80, v4, vm0, $0xb8;
	[tilespmem:$0x16400] =	vst v63  }
0x4d: {  	s28 =	simm.s32 $0x4C00  }
0x4e: {  	[tilespmem:s28], [sflag:$0x1] =	stream.indirect_vreg.gather [hbm4b:s3+s2], $0x80, v3, vm0, $0xb8;
	[tilespmem:$0x16400] =	vst v63  }
0x4f: {  	v3 =	vld [tilespmem:$0x50];
	_ =	sdelay $0x4  }
0x50: {  	v55 =	vshll.u32 v3, $0x1  }
0x51: {  	v3 =	vand.u32 $0x7, v3;
	v4 =	vand.u32 $0xFFFFFFF0, v55  }
0x52: {  	v3 =	vor.u32 v3, v4  }
0x53: {  	v4 =	vperm.xlane v3, v0;
	_ =	sdelay $0x1  }
0x54: {  	v3 =	vperm.xlane v3, v2;
	v4 =	vadd.s32 v1, v4;
	_ =	sdelay $0x1  }
0x55: {  	v3 =	vadd.s32 v1, v3;
	_ =	sdelay $0x1  }
0x56: {  	s29 =	simm.s32 $0x5400  }
0x57: {  	[tilespmem:s29], [sflag:$0x1] =	stream.indirect_vreg.gather [hbm4b:s3+s2], $0x80, v4, vm0, $0xb8;
	[tilespmem:$0x16400] =	vst v63  }
0x58: {  	s30 =	simm.s32 $0x5C00  }
0x59: {  	[tilespmem:s30], [sflag:$0x1] =	stream.indirect_vreg.gather [hbm4b:s3+s2], $0x80, v3, vm0, $0xb8;
	[tilespmem:$0x16400] =	vst v63  }
0x5a: {  	v3 =	vld [tilespmem:$0x60];
	_ =	sdelay $0x4  }
0x5b: {  	v56 =	vshll.u32 v3, $0x1  }
0x5c: {  	v3 =	vand.u32 $0x7, v3;
	v4 =	vand.u32 $0xFFFFFFF0, v56  }
0x5d: {  	v3 =	vor.u32 v3, v4  }
0x5e: {  	v4 =	vperm.xlane v3, v0;
	_ =	sdelay $0x1  }
0x5f: {  	v3 =	vperm.xlane v3, v2;
	v4 =	vadd.s32 v1, v4;
	_ =	sdelay $0x1  }
0x60: {  	v3 =	vadd.s32 v1, v3;
	_ =	sdelay $0x1  }
0x61: {  	s31 =	simm.s32 $0x6400  }
0x62: {  	[tilespmem:s31], [sflag:$0x1] =	stream.indirect_vreg.gather [hbm4b:s3+s2], $0x80, v4, vm0, $0xb8;
	[tilespmem:$0x16400] =	vst v63  }
0x63: {  	s1 =	simm.s32 $0x6C00  }
0x64: {  	[tilespmem:s1], [sflag:$0x1] =	stream.indirect_vreg.gather [hbm4b:s3+s2], $0x80, v3, vm0, $0xb8;
	[tilespmem:$0x16400] =	vst v63  }
0x65: {  	v3 =	vld [tilespmem:$0x70];
	_ =	sdelay $0x4  }
0x66: {  	v57 =	vshll.u32 v3, $0x1  }
0x67: {  	v3 =	vand.u32 $0x7, v3;
	v4 =	vand.u32 $0xFFFFFFF0, v57  }
0x68: {  	v3 =	vor.u32 v3, v4  }
0x69: {  	v4 =	vperm.xlane v3, v0;
	_ =	sdelay $0x1  }
0x6a: {  	v3 =	vperm.xlane v3, v2;
	v4 =	vadd.s32 v1, v4;
	_ =	sdelay $0x1  }
0x6b: {  	v3 =	vadd.s32 v1, v3;
	_ =	sdelay $0x1  }
0x6c: {  	s13 =	simm.s32 $0x7400  }
0x6d: {  	[tilespmem:s13], [sflag:$0x2] =	stream.indirect_vreg.gather [hbm4b:s3+s2], $0x80, v4, vm0, $0xb8;
	[tilespmem:$0x16400] =	vst v63  }
0x6e: {  	s14 =	simm.s32 $0x7C00  }
0x6f: {  	[tilespmem:s14], [sflag:$0x2] =	stream.indirect_vreg.gather [hbm4b:s3+s2], $0x80, v3, vm0, $0xb8;
	[tilespmem:$0x16400] =	vst v63  }
0x70: {  	v3 =	vld [tilespmem:$0x80];
	_ =	sdelay $0x4  }
0x71: {  	v58 =	vshll.u32 v3, $0x1  }
0x72: {  	v3 =	vand.u32 $0x7, v3;
	v4 =	vand.u32 $0xFFFFFFF0, v58  }
0x73: {  	v3 =	vor.u32 v3, v4  }
0x74: {  	v4 =	vperm.xlane v3, v0;
	_ =	sdelay $0x1  }
0x75: {  	v3 =	vperm.xlane v3, v2;
	v4 =	vadd.s32 v1, v4;
	_ =	sdelay $0x1  }
0x76: {  	v3 =	vadd.s32 v1, v3;
	_ =	sdelay $0x1  }
0x77: {  	s15 =	simm.s32 $0x8400  }
0x78: {  	[tilespmem:s15], [sflag:$0x2] =	stream.indirect_vreg.gather [hbm4b:s3+s2], $0x80, v4, vm0, $0xb8;
	[tilespmem:$0x16400] =	vst v63  }
0x79: {  	s24 =	simm.s32 $0x8C00  }
0x7a: {  	[tilespmem:s24], [sflag:$0x2] =	stream.indirect_vreg.gather [hbm4b:s3+s2], $0x80, v3, vm0, $0xb8;
	[tilespmem:$0x16400] =	vst v63  }
0x7b: {  	v3 =	vld [tilespmem:$0x90];
	_ =	sdelay $0x4  }
0x7c: {  	v59 =	vshll.u32 v3, $0x1  }
0x7d: {  	v3 =	vand.u32 $0x7, v3;
	v4 =	vand.u32 $0xFFFFFFF0, v59  }
0x7e: {  	v3 =	vor.u32 v3, v4  }
0x7f: {  	v4 =	vperm.xlane v3, v0;
	_ =	sdelay $0x1  }
0x80: {  	v3 =	vperm.xlane v3, v2;
	v4 =	vadd.s32 v1, v4;
	_ =	sdelay $0x1  }
0x81: {  	v3 =	vadd.s32 v1, v3;
	_ =	sdelay $0x1  }
0x82: {  	s25 =	simm.s32 $0x9400  }
0x83: {  	[tilespmem:s25], [sflag:$0x2] =	stream.indirect_vreg.gather [hbm4b:s3+s2], $0x80, v4, vm0, $0xb8;
	[tilespmem:$0x16400] =	vst v63  }
0x84: {  	s26 =	simm.s32 $0x9C00  }
0x85: {  	[tilespmem:s26], [sflag:$0x2] =	stream.indirect_vreg.gather [hbm4b:s3+s2], $0x80, v3, vm0, $0xb8;
	[tilespmem:$0x16400] =	vst v63  }
0x86: {  	v3 =	vld [tilespmem:$0xA0];
	_ =	sdelay $0x4  }
0x87: {  	v60 =	vshll.u32 v3, $0x1  }
0x88: {  	v3 =	vand.u32 $0x7, v3;
	v4 =	vand.u32 $0xFFFFFFF0, v60  }
0x89: {  	v3 =	vor.u32 v3, v4  }
0x8a: {  	v4 =	vperm.xlane v3, v0;
	_ =	sdelay $0x1  }
0x8b: {  	v3 =	vperm.xlane v3, v2;
	v4 =	vadd.s32 v1, v4;
	_ =	sdelay $0x1  }
0x8c: {  	v3 =	vadd.s32 v1, v3;
	_ =	sdelay $0x1  }
0x8d: {  	s28 =	simm.s32 $0xA400  }
0x8e: {  	[tilespmem:s28], [sflag:$0x2] =	stream.indirect_vreg.gather [hbm4b:s3+s2], $0x80, v4, vm0, $0xb8;
	[tilespmem:$0x16400] =	vst v63  }
0x8f: {  	s29 =	simm.s32 $0xAC00  }
0x90: {  	[tilespmem:s29], [sflag:$0x2] =	stream.indirect_vreg.gather [hbm4b:s3+s2], $0x80, v3, vm0, $0xb8;
	[tilespmem:$0x16400] =	vst v63  }
0x91: {  	v3 =	vld [tilespmem:$0xB0];
	_ =	sdelay $0x4  }
0x92: {  	v61 =	vshll.u32 v3, $0x1  }
0x93: {  	v3 =	vand.u32 $0x7, v3;
	v4 =	vand.u32 $0xFFFFFFF0, v61  }
0x94: {  	v3 =	vor.u32 v3, v4  }
0x95: {  	v4 =	vperm.xlane v3, v0;
	_ =	sdelay $0x1  }
0x96: {  	v3 =	vperm.xlane v3, v2;
	v4 =	vadd.s32 v1, v4;
	_ =	sdelay $0x1  }
0x97: {  	v3 =	vadd.s32 v1, v3;
	_ =	sdelay $0x1  }
0x98: {  	s30 =	simm.s32 $0xB400  }
0x99: {  	[tilespmem:s30], [sflag:$0x2] =	stream.indirect_vreg.gather [hbm4b:s3+s2], $0x80, v4, vm0, $0xb8;
	[tilespmem:$0x16400] =	vst v63  }
0x9a: {  	s31 =	simm.s32 $0xBC00  }
0x9b: {  	[tilespmem:s31], [sflag:$0x2] =	stream.indirect_vreg.gather [hbm4b:s3+s2], $0x80, v3, vm0, $0xb8;
	[tilespmem:$0x16400] =	vst v63  }
0x9c: {  	v3 =	vld [tilespmem:$0xC0];
	_ =	sdelay $0x4  }
0x9d: {  	v62 =	vshll.u32 v3, $0x1  }
0x9e: {  	v3 =	vand.u32 $0x7, v3;
	v4 =	vand.u32 $0xFFFFFFF0, v62  }
0x9f: {  	v3 =	vor.u32 v3, v4  }
0xa0: {  	v4 =	vperm.xlane v3, v0;
	_ =	sdelay $0x1  }
0xa1: {  	v3 =	vperm.xlane v3, v2;
	v4 =	vadd.s32 v1, v4;
	_ =	sdelay $0x1  }
0xa2: {  	v3 =	vadd.s32 v1, v3;
	_ =	sdelay $0x2  }
0xa3: {  	[tilespmem:s17], [sflag:$0x2] =	stream.indirect_vreg.gather [hbm4b:s3+s2], $0x80, v4, vm0, $0xb8;
	[tilespmem:$0x16400] =	vst v63  }
0xa4: {  	_ = 	snop  }
0xa5: {  	[tilespmem:s18], [sflag:$0x2] =	stream.indirect_vreg.gather [hbm4b:s3+s2], $0x80, v3, vm0, $0xb8;
	[tilespmem:$0x16400] =	vst v63  }
0xa6: {  	v3 =	vld [tilespmem:$0xD0];
	_ =	sdelay $0x4  }
0xa7: {  	v63 =	vshll.u32 v3, $0x1  }
0xa8: {  	v3 =	vand.u32 $0x7, v3;
	v4 =	vand.u32 $0xFFFFFFF0, v63  }
0xa9: {  	v3 =	vor.u32 v3, v4  }
0xaa: {  	v4 =	vperm.xlane v3, v0;
	_ =	sdelay $0x1  }
0xab: {  	v3 =	vperm.xlane v3, v2;
	v4 =	vadd.s32 v1, v4;
	_ =	sdelay $0x1  }
0xac: {  	v3 =	vadd.s32 v1, v3;
	_ =	sdelay $0x2  }
0xad: {  	[tilespmem:s19], [sflag:$0x2] =	stream.indirect_vreg.gather [hbm4b:s3+s2], $0x80, v4, vm0, $0xb8;
	[tilespmem:$0x16400] =	vst v63  }
0xae: {  	_ = 	snop  }
0xaf: {  	[tilespmem:s20], [sflag:$0x2] =	stream.indirect_vreg.gather [hbm4b:s3+s2], $0x80, v3, vm0, $0xb8;
	[tilespmem:$0x16400] =	vst v63  }
0xb0: {  	_ =	swait.ge [sflag:s21], $0x7000  }
0xb1: {  	[sflag:s21] =	ssyncset.done $0x0  }
0xb2: {  	s24 =	simm.s32 $0x0;
	[sflag:s21] =	ssyncadd.s32 $0xFFFF9000  }
.LBB2_2:
0xb3: {  	s25 =	smul.u32 $0x7, s24  }
0xb4: {  	s26 =	smul.u32 $0x700, s24  }
0xb5: {  	s30 =	smul.u32 $0x380, s24;
	s28 =	sadd.s32 $0x1, s25;
	s29 =	sadd.s32 $0x2, s25  }
0xb6: {  	s31 =	sadd.s32 $0x3, s25;
	s0 =	sadd.s32 $0x4, s25;
	s1 =	sadd.s32 $0x5, s25  }
0xb7: {  	s13 =	sadd.s32 $0x6, s25;
	s26 =	sand.u32 $0x7800, s26;
	s30 =	sand.u32 $0x380, s30  }
0xb8: {  	s26 =	sor.u32 s30, s26;
	s15 =	sshll.u32 s28, $0x8;
	s14 =	sshll.u32 s28, $0x7  }
0xb9: {  	v3 =	vmov s25;
	s25 =	sshll.u32 s31, $0x8;
	s26 =	sor.u32 $0x400, s26;
	s30 =	sand.u32 $0xF800, s15  }
0xba: {  	s14 =	sand.u32 $0x380, s14;
	s15 =	sshll.u32 s29, $0x7;
	s25 =	sand.u32 $0xF800, s25  }
0xbb: {  	s14 =	sor.u32 s14, s30;
	s30 =	sshll.u32 s29, $0x8;
	s15 =	sand.u32 $0x380, s15  }
0xbc: {  	v5 =	vmov s29;
	s29 =	sshll.u32 s0, $0x7;
	s14 =	sor.u32 $0x400, s14;
	s30 =	sand.u32 $0xF800, s30  }
0xbd: {  	v4 =	vmov s28;
	v6 =	vmov s31;
	s15 =	sor.u32 s15, s30;
	s30 =	sshll.u32 s31, $0x7;
	s31 =	sshll.u32 s1, $0x7  }
0xbe: {  	s28 =	sand.u32 $0x380, s30;
	s30 =	sshll.u32 s0, $0x8;
	s15 =	sor.u32 $0x400, s15  }
0xbf: {  	s25 =	sor.u32 s28, s25;
	s28 =	sand.u32 $0xF800, s30;
	s30 =	sshll.u32 s1, $0x8  }
0xc0: {  	v7 =	vmov s0;
	s0 =	sand.u32 $0x380, s29;
	s31 =	sand.u32 $0x380, s31;
	s29 =	sand.u32 $0xF800, s30  }
0xc1: {  	v11 =	vmov s1;
	v3 =	vld.idx.msk [tilespmem:v3+s11+$0x0], $0xffff;
	s1 =	sor.u32 $0x400, s25;
	s0 =	sor.u32 s0, s28;
	s30 =	sshll.u32 s24, $0x9  }
0xc2: {  	v15 =	vmov s13;
	v4 =	vld.idx.msk [tilespmem:v4+s11+$0x0], $0xffff;
	s28 =	sor.u32 s31, s29;
	s0 =	sor.u32 $0x400, s0;
	s29 =	sshll.u32 s13, $0x8  }
0xc3: {  	v5 =	vld.idx.msk [tilespmem:v5+s11+$0x0], $0xffff;
	s13 =	sshll.u32 s13, $0x7;
	s31 =	sshll.u32 s24, $0x7;
	s28 =	sor.u32 $0x400, s28  }
0xc4: {  	v8 =	vmov s26;
	v6 =	vld.idx.msk [tilespmem:v6+s11+$0x0], $0xffff;
	s25 =	sand.u32 $0xF800, s29;
	s13 =	sand.u32 $0x380, s13;
	s29 =	sand.u32 $0x1000, s30  }
0xc5: {  	v9 =	vmov s14;
	v7 =	vld.idx.msk [tilespmem:v7+s11+$0x0], $0xffff;
	v10 =	vmov s15;
	s30 =	sand.u32 $0x380, s31;
	s13 =	sor.u32 s13, s25;
	s25 =	sor.u32 $0xE400, s29  }
0xc6: {  	v11 =	vld.idx.msk [tilespmem:v11+s11+$0x0], $0xffff;
	v12 =	vmov s1;
	v13 =	vmov s0;
	v14 =	vmov s28;
	s13 =	sor.u32 $0x400, s13;
	s31 =	sor.u32 s30, s25  }
0xc7: {  	p0 =	por $0x1, $0x1;
	s26 =	simm.s32 $0x0;
	v15 =	vld.idx.msk [tilespmem:v15+s11+$0x0], $0xffff;
	v18 =	vmov s30;
	v16 =	vmov s13;
	v17 =	vmov s31  }
.LBB2_3:
0xc8: {  	s26 =	sshll.u32 s26, $0x3  }
0xc9: {  	v19 =	vld.idx.msk [tilespmem:v8+s26+$0x0 ss:$0x1], $0xffff  }
0xca: {  	v20 =	vld.idx.msk [tilespmem:v9+s26+$0x0 ss:$0x1], $0xffff  }
0xcb: {  	v21 =	vld.idx.msk [tilespmem:v10+s26+$0x0 ss:$0x1], $0xffff  }
0xcc: {  	v22 =	vld.idx.msk [tilespmem:v12+s26+$0x0 ss:$0x1], $0xffff  }
0xcd: {  	v23 =	vld.idx.msk [tilespmem:v13+s26+$0x0 ss:$0x1], $0xffff  }
0xce: {  	v24 =	vld.idx.msk [tilespmem:v14+s26+$0x0 ss:$0x1], $0xffff  }
0xcf: {  	v26 =	vld.idx.msk [tilespmem:v16+s26+$0x0 ss:$0x1], $0xffff  }
0xd0: {  	v32 =	vld.idx.msk [tilespmem:v8+s26+$0x10 ss:$0x1], $0xffff  }
0xd1: {  	v62 =	vld.idx.msk [tilespmem:v10+s26+$0x10 ss:$0x1], $0xffff  }
0xd2: {  	v63 =	vld.idx.msk [tilespmem:v12+s26+$0x10 ss:$0x1], $0xffff  }
0xd3: {  	v41 =	vld.idx.msk [tilespmem:v14+s26+$0x10 ss:$0x1], $0xffff;
	v25 =	vshll.u32 v19, $0x10;
	v27 =	vmul.f32 v19, v3;
	v19 =	vshll.u32 v20, $0x10  }
0xd4: {  	v51 =	vld.idx.msk [tilespmem:v8+s26+$0x20 ss:$0x1], $0xffff;
	v28 =	vshll.u32 v21, $0x10;
	v29 =	vshll.u32 v22, $0x10;
	v20 =	vmul.f32 v20, v4  }
0xd5: {  	v60 =	vld.idx.msk [tilespmem:v9+s26+$0x10 ss:$0x1], $0xffff;
	v30 =	vshll.u32 v23, $0x10;
	v21 =	vmul.f32 v21, v5;
	v22 =	vmul.f32 v22, v6  }
0xd6: {  	v31 =	vshll.u32 v24, $0x10;
	v23 =	vmul.f32 v23, v7;
	v24 =	vmul.f32 v24, v11  }
0xd7: {  	v40 =	vld.idx.msk [tilespmem:v13+s26+$0x10 ss:$0x1], $0xffff;
	v33 =	vshll.u32 v26, $0x10;
	v26 =	vmul.f32 v26, v15;
	v46 =	vmul.f32 v32, v3  }
0xd8: {  	v42 =	vshll.u32 v32, $0x10;
	v54 =	vmul.f32 v62, v5;
	v55 =	vmul.f32 v63, v6  }
0xd9: {  	v45 =	vld.idx.msk [tilespmem:v16+s26+$0x10 ss:$0x1], $0xffff;
	v34 =	vshll.u32 v63, $0x10;
	v58 =	vmul.f32 v41, v11;
	v63 =	vmul.f32 v51, v3  }
0xda: {  	v53 =	vld.idx.msk [tilespmem:v10+s26+$0x20 ss:$0x1], $0xffff;
	v47 =	vshll.u32 v60, $0x10;
	v25 =	vmul.f32 v25, v3;
	v19 =	vmul.f32 v19, v4  }
0xdb: {  	v59 =	vld.idx.msk [tilespmem:v14+s26+$0x20 ss:$0x1], $0xffff;
	v48 =	vshll.u32 v62, $0x10;
	v28 =	vmul.f32 v28, v5;
	v29 =	vmul.f32 v29, v6  }
0xdc: {  	v56 =	vld.idx.msk [tilespmem:v12+s26+$0x20 ss:$0x1], $0xffff;
	v35 =	vshll.u32 v40, $0x10;
	v30 =	vmul.f32 v30, v7;
	v31 =	vmul.f32 v31, v11  }
0xdd: {  	v36 =	vshll.u32 v41, $0x10;
	v33 =	vmul.f32 v33, v15;
	v44 =	vmul.f32 v42, v3  }
0xde: {  	v37 =	vshll.u32 v45, $0x10;
	v32 =	vmul.f32 v48, v5;
	v34 =	vmul.f32 v34, v6  }
0xdf: {  	v41 =	vshll.u32 v53, $0x10;
	v49 =	vmul.f32 v35, v7;
	v50 =	vmul.f32 v36, v11  }
0xe0: {  	v52 =	vld.idx.msk [tilespmem:v9+s26+$0x20 ss:$0x1], $0xffff;
	v38 =	vshll.u32 v59, $0x10;
	v37 =	vmul.f32 v37, v15;
	v35 =	vmul.f32 v41, v5  }
0xe1: {  	v42 =	vshll.u32 v56, $0x10;
	v20 =	vadd.f32 v20, v27;
	v21 =	vadd.f32 v22, v21  }
0xe2: {  	v57 =	vld.idx.msk [tilespmem:v13+s26+$0x20 ss:$0x1], $0xffff;
	v43 =	vadd.f32 v24, v23;
	v24 =	vmul.f32 v45, v15;
	v36 =	vmul.f32 v42, v6  }
0xe3: {  	v45 =	vmul.f32 v38, v11;
	v19 =	vadd.f32 v19, v25;
	v28 =	vadd.f32 v29, v28  }
0xe4: {  	v61 =	vadd.f32 v31, v30;
	v25 =	vmul.f32 v60, v4;
	v32 =	vadd.f32 v34, v32  }
0xe5: {  	v29 =	vmul.f32 v40, v7;
	v40 =	vshll.u32 v52, $0x10;
	v20 =	vadd.f32 v21, v20  }
0xe6: {  	v62 =	vld.idx.msk [tilespmem:v16+s26+$0x20 ss:$0x1], $0xffff;
	v31 =	vmul.f32 v56, v6;
	v21 =	vadd.f32 v50, v49;
	v22 =	vadd.f32 v26, v43  }
0xe7: {  	v48 =	vld.idx.msk [tilespmem:v10+s26+$0x30 ss:$0x1], $0xffff;
	v26 =	vadd.f32 v55, v54;
	v30 =	vmul.f32 v40, v4;
	v43 =	vshll.u32 v57, $0x10  }
0xe8: {  	v35 =	vadd.f32 v36, v35;
	v49 =	vmul.f32 v53, v5;
	v19 =	vadd.f32 v28, v19  }
0xe9: {  	v39 =	vadd.f32 v33, v61;
	v28 =	vmul.f32 v47, v4;
	v60 =	vadd.f32 v25, v46  }
0xea: {  	v56 =	vld.idx.msk [tilespmem:v16+s26+$0x30 ss:$0x1], $0xffff;
	v61 =	vshll.u32 v51, $0x10;
	v33 =	vmul.f32 v59, v11;
	v21 =	vadd.f32 v37, v21  }
0xeb: {  	v50 =	vld.idx.msk [tilespmem:v12+s26+$0x30 ss:$0x1], $0xffff;
	v27 =	vmul.f32 v62, v15;
	v20 =	vadd.f32 v22, v20;
	v22 =	vadd.f32 v58, v29  }
0xec: {  	v46 =	vld.idx.msk [tilespmem:v8+s26+$0x30 ss:$0x1], $0xffff;
	v25 =	vmul.f32 v61, v3;
	v59 =	vshll.u32 v48, $0x10;
	v19 =	vadd.f32 v39, v19  }
0xed: {  	v47 =	vld.idx.msk [tilespmem:v9+s26+$0x30 ss:$0x1], $0xffff;
	v23 =	vadd.f32 v28, v44;
	v44 =	vmul.f32 v43, v7;
	v39 =	vshll.u32 v62, $0x10  }
0xee: {  	v51 =	vld.idx.msk [tilespmem:v13+s26+$0x30 ss:$0x1], $0xffff;
	v28 =	vmul.f32 v52, v4;
	v25 =	vadd.f32 v30, v25;
	v39 =	vmul.f32 v39, v15  }
0xef: {  	v22 =	vadd.f32 v24, v22;
	v24 =	vadd.f32 v31, v49;
	v41 =	vshll.u32 v56, $0x10  }
0xf0: {  	v29 =	vmul.f32 v56, v15;
	v23 =	vadd.f32 v32, v23;
	v32 =	vmul.f32 v57, v7  }
0xf1: {  	v53 =	vadd.f32 v28, v63;
	v41 =	vmul.f32 v41, v15;
	v34 =	vmul.f32 v50, v6  }
0xf2: {  	v52 =	vld.idx.msk [tilespmem:v14+s26+$0x30 ss:$0x1], $0xffff;
	v25 =	vadd.f32 v35, v25;
	v54 =	vshll.u32 v46, $0x10;
	v57 =	vmul.f32 v46, v3  }
0xf3: {  	v58 =	vshll.u32 v47, $0x10;
	v61 =	vshll.u32 v51, $0x10;
	v30 =	vmul.f32 v47, v4  }
0xf4: {  	v46 =	vmul.f32 v48, v5;
	v21 =	vadd.f32 v21, v23;
	v23 =	vadd.f32 v26, v60  }
0xf5: {  	v49 =	vld.idx.msk [tilespmem:v13+s26+$0x40 ss:$0x1], $0xffff;
	v35 =	vmul.f32 v51, v7;
	v26 =	vadd.f32 v45, v44;
	v55 =	vadd.f32 v33, v32  }
0xf6: {  	v32 =	vmul.f32 v58, v4;
	v33 =	vmul.f32 v59, v5;
	v60 =	vshll.u32 v50, $0x10  }
0xf7: {  	v47 =	vld.idx.msk [tilespmem:v12+s26+$0x40 ss:$0x1], $0xffff;
	v24 =	vadd.f32 v24, v53;
	v62 =	vmul.f32 v61, v7;
	v40 =	vshll.u32 v52, $0x10  }
0xf8: {  	v51 =	vld.idx.msk [tilespmem:v14+s26+$0x40 ss:$0x1], $0xffff;
	v50 =	vmul.f32 v52, v11;
	v52 =	vadd.f32 v30, v57;
	v28 =	vadd.f32 v34, v46  }
0xf9: {  	v44 =	vld.idx.msk [tilespmem:v8+s26+$0x40 ss:$0x1], $0xffff;
	v38 =	vmul.f32 v60, v6;
	v26 =	vadd.f32 v39, v26;
	v22 =	vadd.f32 v22, v23  }
0xfa: {  	v45 =	vld.idx.msk [tilespmem:v9+s26+$0x40 ss:$0x1], $0xffff;
	v63 =	vmul.f32 v40, v11;
	v27 =	vadd.f32 v27, v55;
	v59 =	vshll.u32 v49, $0x10  }
0xfb: {  	v39 =	vmul.f32 v49, v7;
	v33 =	vadd.f32 v38, v33;
	v60 =	vmul.f32 v59, v7  }
0xfc: {  	v23 =	vadd.f32 v26, v25;
	v26 =	vmul.f32 v54, v3;
	v25 =	vadd.f32 v63, v62  }
0xfd: {  	v49 =	vld.idx.msk [tilespmem:v14+s26+$0x50 ss:$0x1], $0xffff;
	v58 =	vshll.u32 v47, $0x10;
	v42 =	vshll.u32 v51, $0x10;
	v36 =	vmul.f32 v47, v6  }
0xfe: {  	v38 =	vld.idx.msk [tilespmem:v10+s26+$0x40 ss:$0x1], $0xffff;
	v37 =	vmul.f32 v51, v11;
	v53 =	vshll.u32 v44, $0x10;
	v55 =	vmul.f32 v44, v3  }
0xff: {  	v54 =	vld.idx.msk [tilespmem:v16+s26+$0x40 ss:$0x1], $0xffff;
	v56 =	vshll.u32 v45, $0x10;
	v40 =	vmul.f32 v58, v6;
	v26 =	vadd.f32 v32, v26  }
0x100: {  	v62 =	vld.idx.msk [tilespmem:v8+s26+$0x50 ss:$0x1], $0xffff;
	v61 =	vmul.f32 v42, v11;
	v48 =	vadd.f32 v41, v25;
	v25 =	vadd.f32 v27, v24  }
0x101: {  	v63 =	vld.idx.msk [tilespmem:v9+s26+$0x50 ss:$0x1], $0xffff;
	v27 =	vadd.f32 v50, v35;
	v30 =	vmul.f32 v53, v3;
	v34 =	vmul.f32 v56, v4  }
0x102: {  	v47 =	vld.idx.msk [tilespmem:v12+s26+$0x50 ss:$0x1], $0xffff;
	v32 =	vmul.f32 v45, v4;
	v51 =	vadd.f32 v37, v39;
	v58 =	vshll.u32 v49, $0x10  }
0x103: {  	v26 =	vadd.f32 v33, v26;
	v57 =	vshll.u32 v38, $0x10;
	v30 =	vadd.f32 v34, v30  }
0x104: {  	v27 =	vadd.f32 v29, v27;
	v46 =	vmul.f32 v38, v5;
	v32 =	vadd.f32 v32, v55  }
0x105: {  	v33 =	vmul.f32 v49, v11;
	v35 =	vmul.f32 v57, v5;
	v43 =	vshll.u32 v54, $0x10  }
0x106: {  	v45 =	vld.idx.msk [tilespmem:v10+s26+$0x50 ss:$0x1], $0xffff;
	v50 =	vmul.f32 v54, v15;
	v54 =	vshll.u32 v63, $0x10;
	v42 =	vmul.f32 v62, v3  }
0x107: {  	v53 =	vld.idx.msk [tilespmem:v16+s26+$0x50 ss:$0x1], $0xffff;
	v56 =	vshll.u32 v47, $0x10;
	v34 =	vmul.f32 v63, v4;
	v38 =	vmul.f32 v47, v6  }
0x108: {  	s0 =	sand.u32 $0x3FFFFFF8, s26;
	v44 =	vld.idx.msk [tilespmem:v9+s26+$0x60 ss:$0x1], $0xffff;
	v24 =	vadd.f32 v48, v26;
	v26 =	vadd.f32 v28, v52;
	v43 =	vmul.f32 v43, v15  }
0x109: {  	s28 =	sadd.s32 s0, s25;
	v28 =	vadd.f32 v61, v60;
	v29 =	vadd.f32 v36, v46;
	v36 =	vmul.f32 v54, v4  }
0x10a: {  	[tilespmem:v18+s28+$0x810 ss:$0x1] =	vst.idx.msk $0xffff, v22;
	v52 =	vshll.u32 v62, $0x10;
	v39 =	vmul.f32 v56, v6;
	v60 =	vmul.f32 v58, v11  }
0x10b: {  	v41 =	vld.idx.msk [tilespmem:v12+s26+$0x70 ss:$0x1], $0xffff;
	v35 =	vadd.f32 v40, v35;
	v31 =	vmul.f32 v52, v3;
	v55 =	vshll.u32 v45, $0x10  }
0x10c: {  	v48 =	vld.idx.msk [tilespmem:v13+s26+$0x50 ss:$0x1], $0xffff;
	v61 =	vshll.u32 v53, $0x10;
	v63 =	vmul.f32 v45, v5;
	v34 =	vadd.f32 v34, v42  }
0x10d: {  	v62 =	vld.idx.msk [tilespmem:v8+s26+$0x60 ss:$0x1], $0xffff;
	v47 =	vmul.f32 v53, v15;
	v52 =	vshll.u32 v44, $0x10;
	v28 =	vadd.f32 v43, v28  }
0x10e: {  	v46 =	vld.idx.msk [tilespmem:v12+s26+$0x60 ss:$0x1], $0xffff;
	v26 =	vadd.f32 v27, v26;
	v29 =	vadd.f32 v29, v32;
	v37 =	vmul.f32 v55, v5  }
0x10f: {  	v54 =	vld.idx.msk [tilespmem:v16+s26+$0x60 ss:$0x1], $0xffff;
	v40 =	vmul.f32 v44, v4;
	v27 =	vadd.f32 v50, v51;
	v30 =	vadd.f32 v35, v30  }
0x110: {  	v45 =	vld.idx.msk [tilespmem:v10+s26+$0x60 ss:$0x1], $0xffff;
	v22 =	vmul.f32 v41, v6;
	v31 =	vadd.f32 v36, v31;
	v37 =	vadd.f32 v39, v37  }
0x111: {  	v39 =	vmul.f32 v61, v15;
	v27 =	vadd.f32 v27, v29;
	v28 =	vadd.f32 v28, v30  }
0x112: {  	v50 =	vld.idx.msk [tilespmem:v14+s26+$0x60 ss:$0x1], $0xffff;
	v57 =	vshll.u32 v48, $0x10;
	v35 =	vmul.f32 v48, v7;
	v30 =	vadd.f32 v38, v63  }
0x113: {  	v43 =	vld.idx.msk [tilespmem:v13+s26+$0x70 ss:$0x1], $0xffff;
	v49 =	vshll.u32 v62, $0x10;
	v51 =	vmul.f32 v62, v3;
	v38 =	vmul.f32 v46, v6  }
0x114: {  	[tilespmem:v18+s28+$0x800 ss:$0x1] =	vst.idx.msk $0xffff, v20;
	v55 =	vshll.u32 v46, $0x10;
	v63 =	vmul.f32 v54, v15;
	v59 =	vmul.f32 v57, v7  }
0x115: {  	[tilespmem:v17+s26+$0x0 ss:$0x1] =	vst.idx.msk $0xffff, v19;
	v31 =	vadd.f32 v37, v31;
	v53 =	vshll.u32 v45, $0x10;
	v37 =	vmul.f32 v45, v5  }
0x116: {  	v20 =	vmul.f32 v55, v6;
	v33 =	vadd.f32 v33, v35;
	v30 =	vadd.f32 v30, v34  }
0x117: {  	v48 =	vld.idx.msk [tilespmem:v13+s26+$0x60 ss:$0x1], $0xffff;
	v34 =	vmul.f32 v49, v3;
	v19 =	vmul.f32 v53, v5;
	v58 =	vshll.u32 v50, $0x10  }
0x118: {  	[tilespmem:v17+s26+$0x10 ss:$0x1] =	vst.idx.msk $0xffff, v21;
	v62 =	vld.idx.msk [tilespmem:v9+s26+$0x70 ss:$0x1], $0xffff;
	v35 =	vmul.f32 v50, v11;
	v50 =	vshll.u32 v41, $0x10;
	v53 =	vshll.u32 v43, $0x10  }
0x119: {  	[tilespmem:v17+s26+$0x20 ss:$0x1] =	vst.idx.msk $0xffff, v23;
	v36 =	vadd.f32 v60, v59;
	v59 =	vmul.f32 v58, v11;
	v60 =	vshll.u32 v54, $0x10  }
0x11a: {  	v45 =	vld.idx.msk [tilespmem:v14+s26+$0x70 ss:$0x1], $0xffff;
	v37 =	vadd.f32 v38, v37;
	v54 =	vmul.f32 v53, v7;
	v29 =	vadd.f32 v47, v33  }
0x11b: {  	v19 =	vadd.f32 v20, v19;
	v61 =	vmul.f32 v60, v15;
	v36 =	vadd.f32 v39, v36  }
0x11c: {  	[tilespmem:v18+s28+$0x820 ss:$0x1] =	vst.idx.msk $0xffff, v25;
	v39 =	vmul.f32 v52, v4;
	v56 =	vshll.u32 v48, $0x10;
	v32 =	vmul.f32 v48, v7  }
0x11d: {  	[tilespmem:v17+s26+$0x30 ss:$0x1] =	vst.idx.msk $0xffff, v24;
	v46 =	vshll.u32 v62, $0x10;
	v49 =	vmul.f32 v62, v4;
	v52 =	vmul.f32 v50, v6  }
0x11e: {  	v20 =	vld.idx.msk [tilespmem:v8+s26+$0x70 ss:$0x1], $0xffff;
	v57 =	vmul.f32 v56, v7;
	v29 =	vadd.f32 v29, v30;
	v25 =	vmul.f32 v46, v4  }
0x11f: {  	v48 =	vld.idx.msk [tilespmem:v16+s26+$0x70 ss:$0x1], $0xffff;
	v55 =	vshll.u32 v45, $0x10;
	v31 =	vadd.f32 v36, v31;
	v34 =	vadd.f32 v39, v34  }
0x120: {  	v56 =	vmul.f32 v43, v7;
	v36 =	vadd.f32 v40, v51;
	v40 =	vld.idx.msk [tilespmem:v10+s26+$0x70 ss:$0x1], $0xffff;
	v21 =	vadd.f32 v59, v57  }
0x121: {  	v58 =	vmul.f32 v45, v11;
	v32 =	vadd.f32 v35, v32;
	v19 =	vadd.f32 v19, v34  }
0x122: {  	v57 =	vmul.f32 v55, v11;
	v42 =	vadd.f32 v37, v36;
	v21 =	vadd.f32 v61, v21  }
0x123: {  	[tilespmem:v18+s28+$0x830 ss:$0x1] =	vst.idx.msk $0xffff, v26;
	v32 =	vadd.f32 v63, v32;
	v44 =	vshll.u32 v20, $0x10;
	v20 =	vmul.f32 v20, v3  }
0x124: {  	[tilespmem:v18+s28+$0x840 ss:$0x1] =	vst.idx.msk $0xffff, v27;
	v60 =	vshll.u32 v48, $0x10;
	v19 =	vadd.f32 v21, v19;
	v21 =	vmul.f32 v44, v3  }
0x125: {  	[tilespmem:v17+s26+$0x40 ss:$0x1] =	vst.idx.msk $0xffff, v28;
	v23 =	vadd.f32 v32, v42;
	v47 =	vshll.u32 v40, $0x10;
	v51 =	vmul.f32 v40, v5  }
0x126: {  	v20 =	vadd.f32 v49, v20;
	v32 =	vmul.f32 v47, v5;
	v21 =	vadd.f32 v25, v21  }
0x127: {  	v62 =	vmul.f32 v48, v15;
	v22 =	vadd.f32 v22, v51;
	v25 =	vadd.f32 v58, v56  }
0x128: {  	v28 =	vadd.f32 v57, v54;
	v61 =	vmul.f32 v60, v15;
	v59 =	vadd.f32 v52, v32  }
0x129: {  	p1 =	por p0, p0;
	[tilespmem:v18+s28+$0x850 ss:$0x1] =	vst.idx.msk $0xffff, v29;
	v20 =	vadd.f32 v22, v20;
	v63 =	vadd.f32 v62, v25  }
.Ltmp0:
0x12a: {  	[tilespmem:v17+s26+$0x50 ss:$0x1] =	vst.idx.msk $0xffff, v31;
	v24 =	vadd.f32 v61, v28;
	v21 =	vadd.f32 v59, v21;
	(pc) =	sbr.rel @p1 .LBB2_3-.Ltmp0, $4  }
0x12b: {  	[tilespmem:v18+s28+$0x860 ss:$0x1] =	vst.idx.msk $0xffff, v23;
	v20 =	vadd.f32 v63, v20  }
0x12c: {  	[tilespmem:v17+s26+$0x60 ss:$0x1] =	vst.idx.msk $0xffff, v19;
	v19 =	vadd.f32 v24, v21  }
0x12d: {  	[tilespmem:v18+s28+$0x870 ss:$0x1] =	vst.idx.msk $0xffff, v20  }
0x12e: {  	p0 =	por $0x0, $0x0;
	[tilespmem:v17+s26+$0x70 ss:$0x1] =	vst.idx.msk $0xffff, v19;
	s26 =	simm.s32 $0x80  }
0x12f: {  	s24 =	sadd.s32 $0x1, s24  }
0x130: {  	p0 =	sne.s32 s24, $0x10  }
.Ltmp1:
0x131: {  	_ = 	snop;
	(pc) =	sbr.rel @p0 .LBB2_2-.Ltmp1, $1  }
0x132: {  	_ =	sdelay $0x3  }
0x133: {  	s24 =	simm.s32 $0x0;
	s0 =	simm.s32 $0xE400  }
0x134: {  	[hbm4b:s6+s24] =	stream.linear.scatter [tilespmem:s0], [sflag:$0x3], $0x2000, $0x38;
	[tilespmem:$0x16400] =	vst v63  }
0x135: {  	v3 =	vld [tilespmem:$0xE0];
	_ =	sdelay $0x4  }
0x136: {  	v4 =	vshll.u32 v3, $0x1  }
0x137: {  	v3 =	vand.u32 $0x7, v3;
	v4 =	vand.u32 $0xFFFFFFF0, v4  }
0x138: {  	v3 =	vor.u32 v3, v4  }
0x139: {  	v4 =	vperm.xlane v3, v0;
	_ =	sdelay $0x1  }
0x13a: {  	v3 =	vperm.xlane v3, v2;
	v4 =	vadd.s32 v1, v4;
	_ =	sdelay $0x1  }
0x13b: {  	v3 =	vadd.s32 v1, v3;
	_ =	sdelay $0x2  }
0x13c: {  	[tilespmem:s4], [sflag:$0x1] =	stream.indirect_vreg.gather [hbm4b:s3+s24], $0x80, v4, vm0, $0xb8;
	[tilespmem:$0x16400] =	vst v63  }
0x13d: {  	_ = 	snop  }
0x13e: {  	[tilespmem:s16], [sflag:$0x1] =	stream.indirect_vreg.gather [hbm4b:s3+s24], $0x80, v3, vm0, $0xb8;
	[tilespmem:$0x16400] =	vst v63  }
0x13f: {  	v3 =	vld [tilespmem:$0xF0];
	_ =	sdelay $0x4  }
0x140: {  	v58 =	vshll.u32 v3, $0x1  }
0x141: {  	v3 =	vand.u32 $0x7, v3;
	v4 =	vand.u32 $0xFFFFFFF0, v58  }
0x142: {  	v3 =	vor.u32 v3, v4  }
0x143: {  	v4 =	vperm.xlane v3, v0;
	_ =	sdelay $0x1  }
0x144: {  	v3 =	vperm.xlane v3, v2;
	v4 =	vadd.s32 v1, v4;
	_ =	sdelay $0x1  }
0x145: {  	v3 =	vadd.s32 v1, v3;
	_ =	sdelay $0x1  }
0x146: {  	s1 =	simm.s32 $0x1400  }
0x147: {  	[tilespmem:s1], [sflag:$0x1] =	stream.indirect_vreg.gather [hbm4b:s3+s24], $0x80, v4, vm0, $0xb8;
	[tilespmem:$0x16400] =	vst v63  }
0x148: {  	s4 =	simm.s32 $0x1C00  }
0x149: {  	[tilespmem:s4], [sflag:$0x1] =	stream.indirect_vreg.gather [hbm4b:s3+s24], $0x80, v3, vm0, $0xb8;
	[tilespmem:$0x16400] =	vst v63  }
0x14a: {  	v3 =	vld [tilespmem:$0x100];
	_ =	sdelay $0x4  }
0x14b: {  	v59 =	vshll.u32 v3, $0x1  }
0x14c: {  	v3 =	vand.u32 $0x7, v3;
	v4 =	vand.u32 $0xFFFFFFF0, v59  }
0x14d: {  	v3 =	vor.u32 v3, v4  }
0x14e: {  	v4 =	vperm.xlane v3, v0;
	_ =	sdelay $0x1  }
0x14f: {  	v3 =	vperm.xlane v3, v2;
	v4 =	vadd.s32 v1, v4;
	_ =	sdelay $0x1  }
0x150: {  	v3 =	vadd.s32 v1, v3;
	_ =	sdelay $0x1  }
0x151: {  	s13 =	simm.s32 $0x2400  }
0x152: {  	[tilespmem:s13], [sflag:$0x1] =	stream.indirect_vreg.gather [hbm4b:s3+s24], $0x80, v4, vm0, $0xb8;
	[tilespmem:$0x16400] =	vst v63  }
0x153: {  	s14 =	simm.s32 $0x2C00  }
0x154: {  	[tilespmem:s14], [sflag:$0x1] =	stream.indirect_vreg.gather [hbm4b:s3+s24], $0x80, v3, vm0, $0xb8;
	[tilespmem:$0x16400] =	vst v63  }
0x155: {  	v3 =	vld [tilespmem:$0x110];
	_ =	sdelay $0x4  }
0x156: {  	v60 =	vshll.u32 v3, $0x1  }
0x157: {  	v3 =	vand.u32 $0x7, v3;
	v4 =	vand.u32 $0xFFFFFFF0, v60  }
0x158: {  	v3 =	vor.u32 v3, v4  }
0x159: {  	v4 =	vperm.xlane v3, v0;
	_ =	sdelay $0x1  }
0x15a: {  	v3 =	vperm.xlane v3, v2;
	v4 =	vadd.s32 v1, v4;
	_ =	sdelay $0x1  }
0x15b: {  	v3 =	vadd.s32 v1, v3;
	_ =	sdelay $0x1  }
0x15c: {  	s15 =	simm.s32 $0x3400  }
0x15d: {  	[tilespmem:s15], [sflag:$0x1] =	stream.indirect_vreg.gather [hbm4b:s3+s24], $0x80, v4, vm0, $0xb8;
	[tilespmem:$0x16400] =	vst v63  }
0x15e: {  	s16 =	simm.s32 $0x3C00  }
0x15f: {  	[tilespmem:s16], [sflag:$0x1] =	stream.indirect_vreg.gather [hbm4b:s3+s24], $0x80, v3, vm0, $0xb8;
	[tilespmem:$0x16400] =	vst v63  }
0x160: {  	v3 =	vld [tilespmem:$0x120];
	_ =	sdelay $0x4  }
0x161: {  	v61 =	vshll.u32 v3, $0x1  }
0x162: {  	v3 =	vand.u32 $0x7, v3;
	v4 =	vand.u32 $0xFFFFFFF0, v61  }
0x163: {  	v3 =	vor.u32 v3, v4  }
0x164: {  	v4 =	vperm.xlane v3, v0;
	_ =	sdelay $0x1  }
0x165: {  	v3 =	vperm.xlane v3, v2;
	v4 =	vadd.s32 v1, v4;
	_ =	sdelay $0x1  }
0x166: {  	v3 =	vadd.s32 v1, v3;
	_ =	sdelay $0x1  }
0x167: {  	s25 =	simm.s32 $0x4400  }
0x168: {  	[tilespmem:s25], [sflag:$0x1] =	stream.indirect_vreg.gather [hbm4b:s3+s24], $0x80, v4, vm0, $0xb8;
	[tilespmem:$0x16400] =	vst v63  }
0x169: {  	s26 =	simm.s32 $0x4C00  }
0x16a: {  	[tilespmem:s26], [sflag:$0x1] =	stream.indirect_vreg.gather [hbm4b:s3+s24], $0x80, v3, vm0, $0xb8;
	[tilespmem:$0x16400] =	vst v63  }
0x16b: {  	v3 =	vld [tilespmem:$0x130];
	_ =	sdelay $0x4  }
0x16c: {  	v62 =	vshll.u32 v3, $0x1  }
0x16d: {  	v3 =	vand.u32 $0x7, v3;
	v4 =	vand.u32 $0xFFFFFFF0, v62  }
0x16e: {  	v3 =	vor.u32 v3, v4  }
0x16f: {  	v4 =	vperm.xlane v3, v0;
	_ =	sdelay $0x1  }
0x170: {  	v3 =	vperm.xlane v3, v2;
	v4 =	vadd.s32 v1, v4;
	_ =	sdelay $0x1  }
0x171: {  	v3 =	vadd.s32 v1, v3;
	_ =	sdelay $0x1  }
0x172: {  	s28 =	simm.s32 $0x5400  }
0x173: {  	[tilespmem:s28], [sflag:$0x1] =	stream.indirect_vreg.gather [hbm4b:s3+s24], $0x80, v4, vm0, $0xb8;
	[tilespmem:$0x16400] =	vst v63  }
0x174: {  	s29 =	simm.s32 $0x5C00  }
0x175: {  	[tilespmem:s29], [sflag:$0x1] =	stream.indirect_vreg.gather [hbm4b:s3+s24], $0x80, v3, vm0, $0xb8;
	[tilespmem:$0x16400] =	vst v63  }
0x176: {  	v3 =	vld [tilespmem:$0x140];
	_ =	sdelay $0x4  }
0x177: {  	v63 =	vshll.u32 v3, $0x1  }
0x178: {  	v3 =	vand.u32 $0x7, v3;
	v4 =	vand.u32 $0xFFFFFFF0, v63  }
0x179: {  	v3 =	vor.u32 v3, v4  }
0x17a: {  	v4 =	vperm.xlane v3, v0;
	_ =	sdelay $0x1  }
0x17b: {  	v3 =	vperm.xlane v3, v2;
	v4 =	vadd.s32 v1, v4;
	_ =	sdelay $0x1  }
0x17c: {  	v3 =	vadd.s32 v1, v3;
	_ =	sdelay $0x1  }
0x17d: {  	s30 =	simm.s32 $0x6400  }
0x17e: {  	[tilespmem:s30], [sflag:$0x1] =	stream.indirect_vreg.gather [hbm4b:s3+s24], $0x80, v4, vm0, $0xb8;
	[tilespmem:$0x16400] =	vst v63  }
0x17f: {  	s31 =	simm.s32 $0x6C00  }
0x180: {  	[tilespmem:s31], [sflag:$0x1] =	stream.indirect_vreg.gather [hbm4b:s3+s24], $0x80, v3, vm0, $0xb8;
	[tilespmem:$0x16400] =	vst v63  }
0x181: {  	_ =	swait.ge [sflag:s22], $0x7000  }
0x182: {  	[sflag:s22] =	ssyncset.done $0x0  }
0x183: {  	[sflag:s22] =	ssyncadd.s32 $0xFFFF9000  }
.LBB2_6:
0x184: {  	s0 =	smul.u32 $0x7, s24  }
0x185: {  	s25 =	smul.u32 $0x700, s24  }
0x186: {  	s29 =	smul.u32 $0x380, s24;
	s1 =	sadd.s32 $0x70, s0;
	s13 =	sadd.s32 $0x71, s0  }
0x187: {  	s14 =	sadd.s32 $0x72, s0;
	s15 =	sadd.s32 $0x73, s0;
	s26 =	sadd.s32 $0x74, s0  }
0x188: {  	s28 =	sadd.s32 $0x75, s0;
	s30 =	sadd.s32 $0x76, s0;
	s31 =	sadd.s32 $0x1, s0  }
0x189: {  	s25 =	sand.u32 $0x7800, s25;
	s29 =	sand.u32 $0x380, s29;
	s16 =	sshll.u32 s31, $0x8  }
0x18a: {  	s31 =	sshll.u32 s31, $0x7;
	s25 =	sor.u32 s29, s25;
	v5 =	vmov s14;
	s14 =	sadd.s32 $0x5, s0  }
0x18b: {  	v11 =	vmov s28;
	s28 =	sshll.u32 s24, $0x9;
	s16 =	sand.u32 $0xF800, s16;
	s4 =	sand.u32 $0x380, s31  }
0x18c: {  	s31 =	sadd.s32 $0x7400, s25;
	s25 =	sadd.s32 $0x2, s0;
	s16 =	sor.u32 s4, s16  }
0x18d: {  	s4 =	sshll.u32 s25, $0x8;
	s25 =	sshll.u32 s25, $0x7;
	s16 =	sadd.s32 $0x7400, s16  }
0x18e: {  	s29 =	sand.u32 $0xF800, s4;
	s25 =	sand.u32 $0x380, s25;
	s4 =	sadd.s32 $0x3, s0  }
0x18f: {  	v3 =	vmov s1;
	s25 =	sor.u32 s25, s29;
	s29 =	sshll.u32 s4, $0x8;
	s4 =	sshll.u32 s4, $0x7  }
0x190: {  	v4 =	vmov s13;
	s1 =	sand.u32 $0xF800, s29;
	s4 =	sand.u32 $0x380, s4;
	s29 =	sadd.s32 $0x4, s0  }
0x191: {  	s13 =	sadd.s32 $0x7400, s25;
	s0 =	sadd.s32 $0x6, s0;
	s1 =	sor.u32 s4, s1  }
0x192: {  	v6 =	vmov s15;
	v7 =	vmov s26;
	s25 =	sshll.u32 s29, $0x8;
	s26 =	sshll.u32 s0, $0x8;
	s0 =	sshll.u32 s0, $0x7  }
0x193: {  	s1 =	sadd.s32 $0x7400, s1;
	s4 =	sand.u32 $0xF800, s25;
	s25 =	sshll.u32 s29, $0x7  }
0x194: {  	v3 =	vld.idx.msk [tilespmem:v3+s11+$0x0], $0xffff;
	s29 =	sshll.u32 s14, $0x8;
	s14 =	sshll.u32 s14, $0x7;
	s0 =	sand.u32 $0x380, s0  }
0x195: {  	v15 =	vmov s30;
	v4 =	vld.idx.msk [tilespmem:v4+s11+$0x0], $0xffff;
	s15 =	sand.u32 $0x380, s25;
	s25 =	sand.u32 $0xF800, s29;
	s14 =	sand.u32 $0x380, s14  }
0x196: {  	v5 =	vld.idx.msk [tilespmem:v5+s11+$0x0], $0xffff;
	s29 =	sshll.u32 s24, $0x7;
	s4 =	sor.u32 s15, s4;
	s14 =	sor.u32 s14, s25  }
0x197: {  	v8 =	vmov s31;
	v6 =	vld.idx.msk [tilespmem:v6+s11+$0x0], $0xffff;
	s15 =	sand.u32 $0xF800, s26;
	s25 =	sand.u32 $0x1000, s28;
	s30 =	sand.u32 $0x380, s29  }
0x198: {  	v9 =	vmov s16;
	v7 =	vld.idx.msk [tilespmem:v7+s11+$0x0], $0xffff;
	v10 =	vmov s13;
	s4 =	sadd.s32 $0x7400, s4;
	s0 =	sor.u32 s0, s15;
	s25 =	sor.u32 $0x10400, s25  }
0x199: {  	v11 =	vld.idx.msk [tilespmem:v11+s11+$0x0], $0xffff;
	v12 =	vmov s1;
	s14 =	sadd.s32 $0x7400, s14;
	v18 =	vmov s30;
	s0 =	sadd.s32 $0x7400, s0;
	s31 =	sor.u32 s30, s25;
	v13 =	vmov s4  }
0x19a: {  	p0 =	por $0x1, $0x1;
	v15 =	vld.idx.msk [tilespmem:v15+s11+$0x0], $0xffff;
	s26 =	simm.s32 $0x0;
	v14 =	vmov s14;
	v16 =	vmov s0;
	v17 =	vmov s31  }
.LBB2_7:
0x19b: {  	s26 =	sshll.u32 s26, $0x3  }
0x19c: {  	v19 =	vld.idx.msk [tilespmem:v8+s26+$0x0 ss:$0x1], $0xffff  }
0x19d: {  	v20 =	vld.idx.msk [tilespmem:v9+s26+$0x0 ss:$0x1], $0xffff  }
0x19e: {  	v21 =	vld.idx.msk [tilespmem:v10+s26+$0x0 ss:$0x1], $0xffff  }
0x19f: {  	v22 =	vld.idx.msk [tilespmem:v12+s26+$0x0 ss:$0x1], $0xffff  }
0x1a0: {  	v23 =	vld.idx.msk [tilespmem:v13+s26+$0x0 ss:$0x1], $0xffff  }
0x1a1: {  	v24 =	vld.idx.msk [tilespmem:v14+s26+$0x0 ss:$0x1], $0xffff  }
0x1a2: {  	v26 =	vld.idx.msk [tilespmem:v16+s26+$0x0 ss:$0x1], $0xffff  }
0x1a3: {  	v32 =	vld.idx.msk [tilespmem:v8+s26+$0x10 ss:$0x1], $0xffff  }
0x1a4: {  	v62 =	vld.idx.msk [tilespmem:v10+s26+$0x10 ss:$0x1], $0xffff  }
0x1a5: {  	v63 =	vld.idx.msk [tilespmem:v12+s26+$0x10 ss:$0x1], $0xffff  }
0x1a6: {  	v41 =	vld.idx.msk [tilespmem:v14+s26+$0x10 ss:$0x1], $0xffff;
	v25 =	vshll.u32 v19, $0x10;
	v27 =	vmul.f32 v19, v3;
	v19 =	vshll.u32 v20, $0x10  }
0x1a7: {  	v51 =	vld.idx.msk [tilespmem:v8+s26+$0x20 ss:$0x1], $0xffff;
	v28 =	vshll.u32 v21, $0x10;
	v29 =	vshll.u32 v22, $0x10;
	v20 =	vmul.f32 v20, v4  }
0x1a8: {  	v60 =	vld.idx.msk [tilespmem:v9+s26+$0x10 ss:$0x1], $0xffff;
	v30 =	vshll.u32 v23, $0x10;
	v21 =	vmul.f32 v21, v5;
	v22 =	vmul.f32 v22, v6  }
0x1a9: {  	v31 =	vshll.u32 v24, $0x10;
	v23 =	vmul.f32 v23, v7;
	v24 =	vmul.f32 v24, v11  }
0x1aa: {  	v40 =	vld.idx.msk [tilespmem:v13+s26+$0x10 ss:$0x1], $0xffff;
	v33 =	vshll.u32 v26, $0x10;
	v26 =	vmul.f32 v26, v15;
	v46 =	vmul.f32 v32, v3  }
0x1ab: {  	v42 =	vshll.u32 v32, $0x10;
	v54 =	vmul.f32 v62, v5;
	v55 =	vmul.f32 v63, v6  }
0x1ac: {  	v45 =	vld.idx.msk [tilespmem:v16+s26+$0x10 ss:$0x1], $0xffff;
	v34 =	vshll.u32 v63, $0x10;
	v58 =	vmul.f32 v41, v11;
	v63 =	vmul.f32 v51, v3  }
0x1ad: {  	v53 =	vld.idx.msk [tilespmem:v10+s26+$0x20 ss:$0x1], $0xffff;
	v47 =	vshll.u32 v60, $0x10;
	v25 =	vmul.f32 v25, v3;
	v19 =	vmul.f32 v19, v4  }
0x1ae: {  	v59 =	vld.idx.msk [tilespmem:v14+s26+$0x20 ss:$0x1], $0xffff;
	v48 =	vshll.u32 v62, $0x10;
	v28 =	vmul.f32 v28, v5;
	v29 =	vmul.f32 v29, v6  }
0x1af: {  	v56 =	vld.idx.msk [tilespmem:v12+s26+$0x20 ss:$0x1], $0xffff;
	v35 =	vshll.u32 v40, $0x10;
	v30 =	vmul.f32 v30, v7;
	v31 =	vmul.f32 v31, v11  }
0x1b0: {  	v36 =	vshll.u32 v41, $0x10;
	v33 =	vmul.f32 v33, v15;
	v44 =	vmul.f32 v42, v3  }
0x1b1: {  	v37 =	vshll.u32 v45, $0x10;
	v32 =	vmul.f32 v48, v5;
	v34 =	vmul.f32 v34, v6  }
0x1b2: {  	v41 =	vshll.u32 v53, $0x10;
	v49 =	vmul.f32 v35, v7;
	v50 =	vmul.f32 v36, v11  }
0x1b3: {  	v52 =	vld.idx.msk [tilespmem:v9+s26+$0x20 ss:$0x1], $0xffff;
	v38 =	vshll.u32 v59, $0x10;
	v37 =	vmul.f32 v37, v15;
	v35 =	vmul.f32 v41, v5  }
0x1b4: {  	v42 =	vshll.u32 v56, $0x10;
	v20 =	vadd.f32 v20, v27;
	v21 =	vadd.f32 v22, v21  }
0x1b5: {  	v57 =	vld.idx.msk [tilespmem:v13+s26+$0x20 ss:$0x1], $0xffff;
	v43 =	vadd.f32 v24, v23;
	v24 =	vmul.f32 v45, v15;
	v36 =	vmul.f32 v42, v6  }
0x1b6: {  	v45 =	vmul.f32 v38, v11;
	v19 =	vadd.f32 v19, v25;
	v28 =	vadd.f32 v29, v28  }
0x1b7: {  	v61 =	vadd.f32 v31, v30;
	v25 =	vmul.f32 v60, v4;
	v32 =	vadd.f32 v34, v32  }
0x1b8: {  	v29 =	vmul.f32 v40, v7;
	v40 =	vshll.u32 v52, $0x10;
	v20 =	vadd.f32 v21, v20  }
0x1b9: {  	v62 =	vld.idx.msk [tilespmem:v16+s26+$0x20 ss:$0x1], $0xffff;
	v31 =	vmul.f32 v56, v6;
	v21 =	vadd.f32 v50, v49;
	v22 =	vadd.f32 v26, v43  }
0x1ba: {  	v48 =	vld.idx.msk [tilespmem:v10+s26+$0x30 ss:$0x1], $0xffff;
	v26 =	vadd.f32 v55, v54;
	v30 =	vmul.f32 v40, v4;
	v43 =	vshll.u32 v57, $0x10  }
0x1bb: {  	v35 =	vadd.f32 v36, v35;
	v49 =	vmul.f32 v53, v5;
	v19 =	vadd.f32 v28, v19  }
0x1bc: {  	v39 =	vadd.f32 v33, v61;
	v28 =	vmul.f32 v47, v4;
	v60 =	vadd.f32 v25, v46  }
0x1bd: {  	v56 =	vld.idx.msk [tilespmem:v16+s26+$0x30 ss:$0x1], $0xffff;
	v61 =	vshll.u32 v51, $0x10;
	v33 =	vmul.f32 v59, v11;
	v21 =	vadd.f32 v37, v21  }
0x1be: {  	v50 =	vld.idx.msk [tilespmem:v12+s26+$0x30 ss:$0x1], $0xffff;
	v27 =	vmul.f32 v62, v15;
	v20 =	vadd.f32 v22, v20;
	v22 =	vadd.f32 v58, v29  }
0x1bf: {  	v46 =	vld.idx.msk [tilespmem:v8+s26+$0x30 ss:$0x1], $0xffff;
	v25 =	vmul.f32 v61, v3;
	v59 =	vshll.u32 v48, $0x10;
	v19 =	vadd.f32 v39, v19  }
0x1c0: {  	v47 =	vld.idx.msk [tilespmem:v9+s26+$0x30 ss:$0x1], $0xffff;
	v23 =	vadd.f32 v28, v44;
	v44 =	vmul.f32 v43, v7;
	v39 =	vshll.u32 v62, $0x10  }
0x1c1: {  	v51 =	vld.idx.msk [tilespmem:v13+s26+$0x30 ss:$0x1], $0xffff;
	v28 =	vmul.f32 v52, v4;
	v25 =	vadd.f32 v30, v25;
	v39 =	vmul.f32 v39, v15  }
0x1c2: {  	v22 =	vadd.f32 v24, v22;
	v24 =	vadd.f32 v31, v49;
	v41 =	vshll.u32 v56, $0x10  }
0x1c3: {  	v29 =	vmul.f32 v56, v15;
	v23 =	vadd.f32 v32, v23;
	v32 =	vmul.f32 v57, v7  }
0x1c4: {  	v53 =	vadd.f32 v28, v63;
	v41 =	vmul.f32 v41, v15;
	v34 =	vmul.f32 v50, v6  }
0x1c5: {  	v52 =	vld.idx.msk [tilespmem:v14+s26+$0x30 ss:$0x1], $0xffff;
	v25 =	vadd.f32 v35, v25;
	v54 =	vshll.u32 v46, $0x10;
	v57 =	vmul.f32 v46, v3  }
0x1c6: {  	v58 =	vshll.u32 v47, $0x10;
	v61 =	vshll.u32 v51, $0x10;
	v30 =	vmul.f32 v47, v4  }
0x1c7: {  	v46 =	vmul.f32 v48, v5;
	v21 =	vadd.f32 v21, v23;
	v23 =	vadd.f32 v26, v60  }
0x1c8: {  	v49 =	vld.idx.msk [tilespmem:v13+s26+$0x40 ss:$0x1], $0xffff;
	v35 =	vmul.f32 v51, v7;
	v26 =	vadd.f32 v45, v44;
	v55 =	vadd.f32 v33, v32  }
0x1c9: {  	v32 =	vmul.f32 v58, v4;
	v33 =	vmul.f32 v59, v5;
	v60 =	vshll.u32 v50, $0x10  }
0x1ca: {  	v47 =	vld.idx.msk [tilespmem:v12+s26+$0x40 ss:$0x1], $0xffff;
	v24 =	vadd.f32 v24, v53;
	v62 =	vmul.f32 v61, v7;
	v40 =	vshll.u32 v52, $0x10  }
0x1cb: {  	v51 =	vld.idx.msk [tilespmem:v14+s26+$0x40 ss:$0x1], $0xffff;
	v50 =	vmul.f32 v52, v11;
	v52 =	vadd.f32 v30, v57;
	v28 =	vadd.f32 v34, v46  }
0x1cc: {  	v44 =	vld.idx.msk [tilespmem:v8+s26+$0x40 ss:$0x1], $0xffff;
	v38 =	vmul.f32 v60, v6;
	v26 =	vadd.f32 v39, v26;
	v22 =	vadd.f32 v22, v23  }
0x1cd: {  	v45 =	vld.idx.msk [tilespmem:v9+s26+$0x40 ss:$0x1], $0xffff;
	v63 =	vmul.f32 v40, v11;
	v27 =	vadd.f32 v27, v55;
	v59 =	vshll.u32 v49, $0x10  }
0x1ce: {  	v39 =	vmul.f32 v49, v7;
	v33 =	vadd.f32 v38, v33;
	v60 =	vmul.f32 v59, v7  }
0x1cf: {  	v23 =	vadd.f32 v26, v25;
	v26 =	vmul.f32 v54, v3;
	v25 =	vadd.f32 v63, v62  }
0x1d0: {  	v49 =	vld.idx.msk [tilespmem:v14+s26+$0x50 ss:$0x1], $0xffff;
	v58 =	vshll.u32 v47, $0x10;
	v42 =	vshll.u32 v51, $0x10;
	v36 =	vmul.f32 v47, v6  }
0x1d1: {  	v38 =	vld.idx.msk [tilespmem:v10+s26+$0x40 ss:$0x1], $0xffff;
	v37 =	vmul.f32 v51, v11;
	v53 =	vshll.u32 v44, $0x10;
	v55 =	vmul.f32 v44, v3  }
0x1d2: {  	v54 =	vld.idx.msk [tilespmem:v16+s26+$0x40 ss:$0x1], $0xffff;
	v56 =	vshll.u32 v45, $0x10;
	v40 =	vmul.f32 v58, v6;
	v26 =	vadd.f32 v32, v26  }
0x1d3: {  	v62 =	vld.idx.msk [tilespmem:v8+s26+$0x50 ss:$0x1], $0xffff;
	v61 =	vmul.f32 v42, v11;
	v48 =	vadd.f32 v41, v25;
	v25 =	vadd.f32 v27, v24  }
0x1d4: {  	v63 =	vld.idx.msk [tilespmem:v9+s26+$0x50 ss:$0x1], $0xffff;
	v27 =	vadd.f32 v50, v35;
	v30 =	vmul.f32 v53, v3;
	v34 =	vmul.f32 v56, v4  }
0x1d5: {  	v47 =	vld.idx.msk [tilespmem:v12+s26+$0x50 ss:$0x1], $0xffff;
	v32 =	vmul.f32 v45, v4;
	v51 =	vadd.f32 v37, v39;
	v58 =	vshll.u32 v49, $0x10  }
0x1d6: {  	v26 =	vadd.f32 v33, v26;
	v57 =	vshll.u32 v38, $0x10;
	v30 =	vadd.f32 v34, v30  }
0x1d7: {  	v27 =	vadd.f32 v29, v27;
	v46 =	vmul.f32 v38, v5;
	v32 =	vadd.f32 v32, v55  }
0x1d8: {  	v33 =	vmul.f32 v49, v11;
	v35 =	vmul.f32 v57, v5;
	v43 =	vshll.u32 v54, $0x10  }
0x1d9: {  	v45 =	vld.idx.msk [tilespmem:v10+s26+$0x50 ss:$0x1], $0xffff;
	v50 =	vmul.f32 v54, v15;
	v54 =	vshll.u32 v63, $0x10;
	v42 =	vmul.f32 v62, v3  }
0x1da: {  	v53 =	vld.idx.msk [tilespmem:v16+s26+$0x50 ss:$0x1], $0xffff;
	v56 =	vshll.u32 v47, $0x10;
	v34 =	vmul.f32 v63, v4;
	v38 =	vmul.f32 v47, v6  }
0x1db: {  	s0 =	sand.u32 $0x3FFFFFF8, s26;
	v44 =	vld.idx.msk [tilespmem:v9+s26+$0x60 ss:$0x1], $0xffff;
	v24 =	vadd.f32 v48, v26;
	v26 =	vadd.f32 v28, v52;
	v43 =	vmul.f32 v43, v15  }
0x1dc: {  	s28 =	sadd.s32 s0, s25;
	v28 =	vadd.f32 v61, v60;
	v29 =	vadd.f32 v36, v46;
	v36 =	vmul.f32 v54, v4  }
0x1dd: {  	[tilespmem:v18+s28+$0x810 ss:$0x1] =	vst.idx.msk $0xffff, v22;
	v52 =	vshll.u32 v62, $0x10;
	v39 =	vmul.f32 v56, v6;
	v60 =	vmul.f32 v58, v11  }
0x1de: {  	v41 =	vld.idx.msk [tilespmem:v12+s26+$0x70 ss:$0x1], $0xffff;
	v35 =	vadd.f32 v40, v35;
	v31 =	vmul.f32 v52, v3;
	v55 =	vshll.u32 v45, $0x10  }
0x1df: {  	v48 =	vld.idx.msk [tilespmem:v13+s26+$0x50 ss:$0x1], $0xffff;
	v61 =	vshll.u32 v53, $0x10;
	v63 =	vmul.f32 v45, v5;
	v34 =	vadd.f32 v34, v42  }
0x1e0: {  	v62 =	vld.idx.msk [tilespmem:v8+s26+$0x60 ss:$0x1], $0xffff;
	v47 =	vmul.f32 v53, v15;
	v52 =	vshll.u32 v44, $0x10;
	v28 =	vadd.f32 v43, v28  }
0x1e1: {  	v46 =	vld.idx.msk [tilespmem:v12+s26+$0x60 ss:$0x1], $0xffff;
	v26 =	vadd.f32 v27, v26;
	v29 =	vadd.f32 v29, v32;
	v37 =	vmul.f32 v55, v5  }
0x1e2: {  	v54 =	vld.idx.msk [tilespmem:v16+s26+$0x60 ss:$0x1], $0xffff;
	v40 =	vmul.f32 v44, v4;
	v27 =	vadd.f32 v50, v51;
	v30 =	vadd.f32 v35, v30  }
0x1e3: {  	v45 =	vld.idx.msk [tilespmem:v10+s26+$0x60 ss:$0x1], $0xffff;
	v22 =	vmul.f32 v41, v6;
	v31 =	vadd.f32 v36, v31;
	v37 =	vadd.f32 v39, v37  }
0x1e4: {  	v39 =	vmul.f32 v61, v15;
	v27 =	vadd.f32 v27, v29;
	v28 =	vadd.f32 v28, v30  }
0x1e5: {  	v50 =	vld.idx.msk [tilespmem:v14+s26+$0x60 ss:$0x1], $0xffff;
	v57 =	vshll.u32 v48, $0x10;
	v35 =	vmul.f32 v48, v7;
	v30 =	vadd.f32 v38, v63  }
0x1e6: {  	v43 =	vld.idx.msk [tilespmem:v13+s26+$0x70 ss:$0x1], $0xffff;
	v49 =	vshll.u32 v62, $0x10;
	v51 =	vmul.f32 v62, v3;
	v38 =	vmul.f32 v46, v6  }
0x1e7: {  	[tilespmem:v18+s28+$0x800 ss:$0x1] =	vst.idx.msk $0xffff, v20;
	v55 =	vshll.u32 v46, $0x10;
	v63 =	vmul.f32 v54, v15;
	v59 =	vmul.f32 v57, v7  }
0x1e8: {  	[tilespmem:v17+s26+$0x0 ss:$0x1] =	vst.idx.msk $0xffff, v19;
	v31 =	vadd.f32 v37, v31;
	v53 =	vshll.u32 v45, $0x10;
	v37 =	vmul.f32 v45, v5  }
0x1e9: {  	v20 =	vmul.f32 v55, v6;
	v33 =	vadd.f32 v33, v35;
	v30 =	vadd.f32 v30, v34  }
0x1ea: {  	v48 =	vld.idx.msk [tilespmem:v13+s26+$0x60 ss:$0x1], $0xffff;
	v34 =	vmul.f32 v49, v3;
	v19 =	vmul.f32 v53, v5;
	v58 =	vshll.u32 v50, $0x10  }
0x1eb: {  	[tilespmem:v17+s26+$0x10 ss:$0x1] =	vst.idx.msk $0xffff, v21;
	v62 =	vld.idx.msk [tilespmem:v9+s26+$0x70 ss:$0x1], $0xffff;
	v35 =	vmul.f32 v50, v11;
	v50 =	vshll.u32 v41, $0x10;
	v53 =	vshll.u32 v43, $0x10  }
0x1ec: {  	[tilespmem:v17+s26+$0x20 ss:$0x1] =	vst.idx.msk $0xffff, v23;
	v36 =	vadd.f32 v60, v59;
	v59 =	vmul.f32 v58, v11;
	v60 =	vshll.u32 v54, $0x10  }
0x1ed: {  	v45 =	vld.idx.msk [tilespmem:v14+s26+$0x70 ss:$0x1], $0xffff;
	v37 =	vadd.f32 v38, v37;
	v54 =	vmul.f32 v53, v7;
	v29 =	vadd.f32 v47, v33  }
0x1ee: {  	v19 =	vadd.f32 v20, v19;
	v61 =	vmul.f32 v60, v15;
	v36 =	vadd.f32 v39, v36  }
0x1ef: {  	[tilespmem:v18+s28+$0x820 ss:$0x1] =	vst.idx.msk $0xffff, v25;
	v39 =	vmul.f32 v52, v4;
	v56 =	vshll.u32 v48, $0x10;
	v32 =	vmul.f32 v48, v7  }
0x1f0: {  	[tilespmem:v17+s26+$0x30 ss:$0x1] =	vst.idx.msk $0xffff, v24;
	v46 =	vshll.u32 v62, $0x10;
	v49 =	vmul.f32 v62, v4;
	v52 =	vmul.f32 v50, v6  }
0x1f1: {  	v20 =	vld.idx.msk [tilespmem:v8+s26+$0x70 ss:$0x1], $0xffff;
	v57 =	vmul.f32 v56, v7;
	v29 =	vadd.f32 v29, v30;
	v25 =	vmul.f32 v46, v4  }
0x1f2: {  	v48 =	vld.idx.msk [tilespmem:v16+s26+$0x70 ss:$0x1], $0xffff;
	v55 =	vshll.u32 v45, $0x10;
	v31 =	vadd.f32 v36, v31;
	v34 =	vadd.f32 v39, v34  }
0x1f3: {  	v56 =	vmul.f32 v43, v7;
	v36 =	vadd.f32 v40, v51;
	v40 =	vld.idx.msk [tilespmem:v10+s26+$0x70 ss:$0x1], $0xffff;
	v21 =	vadd.f32 v59, v57  }
0x1f4: {  	v58 =	vmul.f32 v45, v11;
	v32 =	vadd.f32 v35, v32;
	v19 =	vadd.f32 v19, v34  }
0x1f5: {  	v57 =	vmul.f32 v55, v11;
	v42 =	vadd.f32 v37, v36;
	v21 =	vadd.f32 v61, v21  }
0x1f6: {  	[tilespmem:v18+s28+$0x830 ss:$0x1] =	vst.idx.msk $0xffff, v26;
	v32 =	vadd.f32 v63, v32;
	v44 =	vshll.u32 v20, $0x10;
	v20 =	vmul.f32 v20, v3  }
0x1f7: {  	[tilespmem:v18+s28+$0x840 ss:$0x1] =	vst.idx.msk $0xffff, v27;
	v60 =	vshll.u32 v48, $0x10;
	v19 =	vadd.f32 v21, v19;
	v21 =	vmul.f32 v44, v3  }
0x1f8: {  	[tilespmem:v17+s26+$0x40 ss:$0x1] =	vst.idx.msk $0xffff, v28;
	v23 =	vadd.f32 v32, v42;
	v47 =	vshll.u32 v40, $0x10;
	v51 =	vmul.f32 v40, v5  }
0x1f9: {  	v20 =	vadd.f32 v49, v20;
	v32 =	vmul.f32 v47, v5;
	v21 =	vadd.f32 v25, v21  }
0x1fa: {  	v62 =	vmul.f32 v48, v15;
	v22 =	vadd.f32 v22, v51;
	v25 =	vadd.f32 v58, v56  }
0x1fb: {  	v28 =	vadd.f32 v57, v54;
	v61 =	vmul.f32 v60, v15;
	v59 =	vadd.f32 v52, v32  }
0x1fc: {  	p1 =	por p0, p0;
	[tilespmem:v18+s28+$0x850 ss:$0x1] =	vst.idx.msk $0xffff, v29;
	v20 =	vadd.f32 v22, v20;
	v63 =	vadd.f32 v62, v25  }
.Ltmp2:
0x1fd: {  	[tilespmem:v17+s26+$0x50 ss:$0x1] =	vst.idx.msk $0xffff, v31;
	v24 =	vadd.f32 v61, v28;
	v21 =	vadd.f32 v59, v21;
	(pc) =	sbr.rel @p1 .LBB2_7-.Ltmp2, $4  }
0x1fe: {  	[tilespmem:v18+s28+$0x860 ss:$0x1] =	vst.idx.msk $0xffff, v23;
	v20 =	vadd.f32 v63, v20  }
0x1ff: {  	[tilespmem:v17+s26+$0x60 ss:$0x1] =	vst.idx.msk $0xffff, v19;
	v19 =	vadd.f32 v24, v21  }
0x200: {  	[tilespmem:v18+s28+$0x870 ss:$0x1] =	vst.idx.msk $0xffff, v20  }
0x201: {  	p0 =	por $0x0, $0x0;
	[tilespmem:v17+s26+$0x70 ss:$0x1] =	vst.idx.msk $0xffff, v19;
	s26 =	simm.s32 $0x80  }
0x202: {  	s24 =	sadd.s32 $0x1, s24  }
0x203: {  	p0 =	sne.s32 s24, $0x10  }
.Ltmp3:
0x204: {  	_ = 	snop;
	(pc) =	sbr.rel @p0 .LBB2_6-.Ltmp3, $1  }
0x205: {  	_ =	sdelay $0x3  }
0x206: {  	s24 =	simm.s32 $0x0;
	s0 =	simm.s32 $0x10400  }
0x207: {  	[hbm4b:s7+s24] =	stream.linear.scatter [tilespmem:s0], [sflag:$0x3], $0x2000, $0x38;
	[tilespmem:$0x16400] =	vst v63  }
0x208: {  	v3 =	vld [tilespmem:$0x150];
	_ =	sdelay $0x4  }
0x209: {  	v4 =	vshll.u32 v3, $0x1  }
0x20a: {  	v3 =	vand.u32 $0x7, v3;
	v4 =	vand.u32 $0xFFFFFFF0, v4  }
0x20b: {  	v3 =	vor.u32 v3, v4  }
0x20c: {  	v4 =	vperm.xlane v3, v0;
	_ =	sdelay $0x1  }
0x20d: {  	v3 =	vperm.xlane v3, v2;
	v4 =	vadd.s32 v1, v4;
	_ =	sdelay $0x1  }
0x20e: {  	v3 =	vadd.s32 v1, v3;
	_ =	sdelay $0x1  }
0x20f: {  	s13 =	simm.s32 $0x7400  }
0x210: {  	[tilespmem:s13], [sflag:$0x2] =	stream.indirect_vreg.gather [hbm4b:s3+s24], $0x80, v4, vm0, $0xb8;
	[tilespmem:$0x16400] =	vst v63  }
0x211: {  	s14 =	simm.s32 $0x7C00  }
0x212: {  	[tilespmem:s14], [sflag:$0x2] =	stream.indirect_vreg.gather [hbm4b:s3+s24], $0x80, v3, vm0, $0xb8;
	[tilespmem:$0x16400] =	vst v63  }
0x213: {  	v3 =	vld [tilespmem:$0x160];
	_ =	sdelay $0x4  }
0x214: {  	v58 =	vshll.u32 v3, $0x1  }
0x215: {  	v3 =	vand.u32 $0x7, v3;
	v4 =	vand.u32 $0xFFFFFFF0, v58  }
0x216: {  	v3 =	vor.u32 v3, v4  }
0x217: {  	v4 =	vperm.xlane v3, v0;
	_ =	sdelay $0x1  }
0x218: {  	v3 =	vperm.xlane v3, v2;
	v4 =	vadd.s32 v1, v4;
	_ =	sdelay $0x1  }
0x219: {  	v3 =	vadd.s32 v1, v3;
	_ =	sdelay $0x1  }
0x21a: {  	s15 =	simm.s32 $0x8400  }
0x21b: {  	[tilespmem:s15], [sflag:$0x2] =	stream.indirect_vreg.gather [hbm4b:s3+s24], $0x80, v4, vm0, $0xb8;
	[tilespmem:$0x16400] =	vst v63  }
0x21c: {  	s16 =	simm.s32 $0x8C00  }
0x21d: {  	[tilespmem:s16], [sflag:$0x2] =	stream.indirect_vreg.gather [hbm4b:s3+s24], $0x80, v3, vm0, $0xb8;
	[tilespmem:$0x16400] =	vst v63  }
0x21e: {  	v3 =	vld [tilespmem:$0x170];
	_ =	sdelay $0x4  }
0x21f: {  	v59 =	vshll.u32 v3, $0x1  }
0x220: {  	v3 =	vand.u32 $0x7, v3;
	v4 =	vand.u32 $0xFFFFFFF0, v59  }
0x221: {  	v3 =	vor.u32 v3, v4  }
0x222: {  	v4 =	vperm.xlane v3, v0;
	_ =	sdelay $0x1  }
0x223: {  	v3 =	vperm.xlane v3, v2;
	v4 =	vadd.s32 v1, v4;
	_ =	sdelay $0x1  }
0x224: {  	v3 =	vadd.s32 v1, v3;
	_ =	sdelay $0x1  }
0x225: {  	s25 =	simm.s32 $0x9400  }
0x226: {  	[tilespmem:s25], [sflag:$0x2] =	stream.indirect_vreg.gather [hbm4b:s3+s24], $0x80, v4, vm0, $0xb8;
	[tilespmem:$0x16400] =	vst v63  }
0x227: {  	s26 =	simm.s32 $0x9C00  }
0x228: {  	[tilespmem:s26], [sflag:$0x2] =	stream.indirect_vreg.gather [hbm4b:s3+s24], $0x80, v3, vm0, $0xb8;
	[tilespmem:$0x16400] =	vst v63  }
0x229: {  	v3 =	vld [tilespmem:$0x180];
	_ =	sdelay $0x4  }
0x22a: {  	v60 =	vshll.u32 v3, $0x1  }
0x22b: {  	v3 =	vand.u32 $0x7, v3;
	v4 =	vand.u32 $0xFFFFFFF0, v60  }
0x22c: {  	v3 =	vor.u32 v3, v4  }
0x22d: {  	v4 =	vperm.xlane v3, v0;
	_ =	sdelay $0x1  }
0x22e: {  	v3 =	vperm.xlane v3, v2;
	v4 =	vadd.s32 v1, v4;
	_ =	sdelay $0x1  }
0x22f: {  	v3 =	vadd.s32 v1, v3;
	_ =	sdelay $0x1  }
0x230: {  	s28 =	simm.s32 $0xA400  }
0x231: {  	[tilespmem:s28], [sflag:$0x2] =	stream.indirect_vreg.gather [hbm4b:s3+s24], $0x80, v4, vm0, $0xb8;
	[tilespmem:$0x16400] =	vst v63  }
0x232: {  	s29 =	simm.s32 $0xAC00  }
0x233: {  	[tilespmem:s29], [sflag:$0x2] =	stream.indirect_vreg.gather [hbm4b:s3+s24], $0x80, v3, vm0, $0xb8;
	[tilespmem:$0x16400] =	vst v63  }
0x234: {  	v3 =	vld [tilespmem:$0x190];
	_ =	sdelay $0x4  }
0x235: {  	v61 =	vshll.u32 v3, $0x1  }
0x236: {  	v3 =	vand.u32 $0x7, v3;
	v4 =	vand.u32 $0xFFFFFFF0, v61  }
0x237: {  	v3 =	vor.u32 v3, v4  }
0x238: {  	v4 =	vperm.xlane v3, v0;
	_ =	sdelay $0x1  }
0x239: {  	v3 =	vperm.xlane v3, v2;
	v4 =	vadd.s32 v1, v4;
	_ =	sdelay $0x1  }
0x23a: {  	v3 =	vadd.s32 v1, v3;
	_ =	sdelay $0x1  }
0x23b: {  	s30 =	simm.s32 $0xB400  }
0x23c: {  	[tilespmem:s30], [sflag:$0x2] =	stream.indirect_vreg.gather [hbm4b:s3+s24], $0x80, v4, vm0, $0xb8;
	[tilespmem:$0x16400] =	vst v63  }
0x23d: {  	s31 =	simm.s32 $0xBC00  }
0x23e: {  	[tilespmem:s31], [sflag:$0x2] =	stream.indirect_vreg.gather [hbm4b:s3+s24], $0x80, v3, vm0, $0xb8;
	[tilespmem:$0x16400] =	vst v63  }
0x23f: {  	v3 =	vld [tilespmem:$0x1A0];
	_ =	sdelay $0x4  }
0x240: {  	v62 =	vshll.u32 v3, $0x1  }
0x241: {  	v3 =	vand.u32 $0x7, v3;
	v4 =	vand.u32 $0xFFFFFFF0, v62  }
0x242: {  	v3 =	vor.u32 v3, v4  }
0x243: {  	v4 =	vperm.xlane v3, v0;
	_ =	sdelay $0x1  }
0x244: {  	v3 =	vperm.xlane v3, v2;
	v4 =	vadd.s32 v1, v4;
	_ =	sdelay $0x1  }
0x245: {  	v3 =	vadd.s32 v1, v3;
	_ =	sdelay $0x2  }
0x246: {  	[tilespmem:s17], [sflag:$0x2] =	stream.indirect_vreg.gather [hbm4b:s3+s24], $0x80, v4, vm0, $0xb8;
	[tilespmem:$0x16400] =	vst v63  }
0x247: {  	_ = 	snop  }
0x248: {  	[tilespmem:s18], [sflag:$0x2] =	stream.indirect_vreg.gather [hbm4b:s3+s24], $0x80, v3, vm0, $0xb8;
	[tilespmem:$0x16400] =	vst v63  }
0x249: {  	v3 =	vld [tilespmem:$0x1B0];
	_ =	sdelay $0x4  }
0x24a: {  	v63 =	vshll.u32 v3, $0x1  }
0x24b: {  	v3 =	vand.u32 $0x7, v3;
	v4 =	vand.u32 $0xFFFFFFF0, v63  }
0x24c: {  	v3 =	vor.u32 v3, v4  }
0x24d: {  	v4 =	vperm.xlane v3, v0;
	_ =	sdelay $0x1  }
0x24e: {  	v3 =	vperm.xlane v3, v2;
	v4 =	vadd.s32 v1, v4;
	_ =	sdelay $0x1  }
0x24f: {  	v3 =	vadd.s32 v1, v3;
	_ =	sdelay $0x2  }
0x250: {  	[tilespmem:s19], [sflag:$0x2] =	stream.indirect_vreg.gather [hbm4b:s3+s24], $0x80, v4, vm0, $0xb8;
	[tilespmem:$0x16400] =	vst v63  }
0x251: {  	_ = 	snop  }
0x252: {  	[tilespmem:s20], [sflag:$0x2] =	stream.indirect_vreg.gather [hbm4b:s3+s24], $0x80, v3, vm0, $0xb8;
	[tilespmem:$0x16400] =	vst v63  }
0x253: {  	_ =	swait.ge [sflag:s21], $0x7000  }
0x254: {  	[sflag:s21] =	ssyncset.done $0x0  }
0x255: {  	[sflag:s21] =	ssyncadd.s32 $0xFFFF9000  }
.LBB2_10:
0x256: {  	s0 =	smul.u32 $0x7, s24  }
0x257: {  	s15 =	smul.u32 $0x700, s24  }
0x258: {  	s26 =	smul.u32 $0x380, s24  }
0x259: {  	s1 =	sadd.s32 $0xE0, s0;
	s4 =	sadd.s32 $0xE1, s0;
	s13 =	sadd.s32 $0xE2, s0  }
0x25a: {  	s14 =	sadd.s32 $0xE3, s0;
	s16 =	sadd.s32 $0xE4, s0;
	s25 =	sadd.s32 $0xE5, s0  }
0x25b: {  	s28 =	sadd.s32 $0xE6, s0;
	s15 =	sand.u32 $0x7800, s15;
	s29 =	sadd.s32 $0x1, s0  }
0x25c: {  	s26 =	sand.u32 $0x380, s26;
	s30 =	sshll.u32 s29, $0x8;
	s29 =	sshll.u32 s29, $0x7  }
0x25d: {  	s15 =	sor.u32 s26, s15;
	s30 =	sand.u32 $0xF800, s30;
	s29 =	sand.u32 $0x380, s29  }
0x25e: {  	v15 =	vmov s28;
	s28 =	sshll.u32 s24, $0x9;
	s26 =	sor.u32 s29, s30;
	s29 =	sadd.s32 $0x2, s0  }
0x25f: {  	s15 =	sor.u32 $0x400, s15;
	s31 =	sshll.u32 s29, $0x8;
	s29 =	sshll.u32 s29, $0x7  }
0x260: {  	s30 =	sand.u32 $0xF800, s31;
	s29 =	sand.u32 $0x380, s29;
	s31 =	sadd.s32 $0x3, s0  }
0x261: {  	s29 =	sor.u32 s29, s30;
	s30 =	sshll.u32 s31, $0x8;
	s31 =	sshll.u32 s31, $0x7  }
0x262: {  	v3 =	vmov s1;
	s26 =	sor.u32 $0x400, s26;
	s1 =	sand.u32 $0xF800, s30;
	s30 =	sand.u32 $0x380, s31  }
0x263: {  	v4 =	vmov s4;
	s31 =	sadd.s32 $0x4, s0;
	s4 =	sor.u32 $0x400, s29;
	s29 =	sadd.s32 $0x5, s0  }
0x264: {  	v5 =	vmov s13;
	s0 =	sadd.s32 $0x6, s0;
	s1 =	sor.u32 s30, s1;
	s30 =	sshll.u32 s31, $0x8  }
0x265: {  	v6 =	vmov s14;
	s14 =	sshll.u32 s31, $0x7;
	s31 =	sshll.u32 s29, $0x8;
	s29 =	sshll.u32 s29, $0x7  }
0x266: {  	v7 =	vmov s16;
	v11 =	vmov s25;
	s25 =	sshll.u32 s0, $0x8;
	s0 =	sshll.u32 s0, $0x7;
	s1 =	sor.u32 $0x400, s1  }
0x267: {  	v3 =	vld.idx.msk [tilespmem:v3+s11+$0x0], $0xffff;
	s13 =	sand.u32 $0xF800, s30;
	s14 =	sand.u32 $0x380, s14;
	s31 =	sand.u32 $0xF800, s31  }
0x268: {  	v4 =	vld.idx.msk [tilespmem:v4+s11+$0x0], $0xffff;
	s29 =	sand.u32 $0x380, s29;
	s0 =	sand.u32 $0x380, s0;
	s13 =	sor.u32 s14, s13  }
0x269: {  	v5 =	vld.idx.msk [tilespmem:v5+s11+$0x0], $0xffff;
	s16 =	sor.u32 s29, s31;
	s29 =	sshll.u32 s24, $0x7;
	s13 =	sor.u32 $0x400, s13  }
0x26a: {  	v8 =	vmov s15;
	v6 =	vld.idx.msk [tilespmem:v6+s11+$0x0], $0xffff;
	s14 =	sor.u32 $0x400, s16;
	s16 =	sand.u32 $0xF800, s25;
	s25 =	sand.u32 $0x1000, s28  }
0x26b: {  	v9 =	vmov s26;
	v7 =	vld.idx.msk [tilespmem:v7+s11+$0x0], $0xffff;
	v10 =	vmov s4;
	s30 =	sand.u32 $0x380, s29;
	s0 =	sor.u32 s0, s16;
	s25 =	sor.u32 $0x12400, s25  }
0x26c: {  	v11 =	vld.idx.msk [tilespmem:v11+s11+$0x0], $0xffff;
	v12 =	vmov s1;
	v13 =	vmov s13;
	v14 =	vmov s14;
	s0 =	sor.u32 $0x400, s0;
	s31 =	sor.u32 s30, s25  }
0x26d: {  	p0 =	por $0x1, $0x1;
	s26 =	simm.s32 $0x0;
	v15 =	vld.idx.msk [tilespmem:v15+s11+$0x0], $0xffff;
	v18 =	vmov s30;
	v16 =	vmov s0;
	v17 =	vmov s31  }
.LBB2_11:
0x26e: {  	s26 =	sshll.u32 s26, $0x3  }
0x26f: {  	v19 =	vld.idx.msk [tilespmem:v8+s26+$0x0 ss:$0x1], $0xffff  }
0x270: {  	v20 =	vld.idx.msk [tilespmem:v9+s26+$0x0 ss:$0x1], $0xffff  }
0x271: {  	v21 =	vld.idx.msk [tilespmem:v10+s26+$0x0 ss:$0x1], $0xffff  }
0x272: {  	v22 =	vld.idx.msk [tilespmem:v12+s26+$0x0 ss:$0x1], $0xffff  }
0x273: {  	v23 =	vld.idx.msk [tilespmem:v13+s26+$0x0 ss:$0x1], $0xffff  }
0x274: {  	v24 =	vld.idx.msk [tilespmem:v14+s26+$0x0 ss:$0x1], $0xffff  }
0x275: {  	v26 =	vld.idx.msk [tilespmem:v16+s26+$0x0 ss:$0x1], $0xffff  }
0x276: {  	v32 =	vld.idx.msk [tilespmem:v8+s26+$0x10 ss:$0x1], $0xffff  }
0x277: {  	v62 =	vld.idx.msk [tilespmem:v10+s26+$0x10 ss:$0x1], $0xffff  }
0x278: {  	v63 =	vld.idx.msk [tilespmem:v12+s26+$0x10 ss:$0x1], $0xffff  }
0x279: {  	v41 =	vld.idx.msk [tilespmem:v14+s26+$0x10 ss:$0x1], $0xffff;
	v25 =	vshll.u32 v19, $0x10;
	v27 =	vmul.f32 v19, v3;
	v19 =	vshll.u32 v20, $0x10  }
0x27a: {  	v51 =	vld.idx.msk [tilespmem:v8+s26+$0x20 ss:$0x1], $0xffff;
	v28 =	vshll.u32 v21, $0x10;
	v29 =	vshll.u32 v22, $0x10;
	v20 =	vmul.f32 v20, v4  }
0x27b: {  	v60 =	vld.idx.msk [tilespmem:v9+s26+$0x10 ss:$0x1], $0xffff;
	v30 =	vshll.u32 v23, $0x10;
	v21 =	vmul.f32 v21, v5;
	v22 =	vmul.f32 v22, v6  }
0x27c: {  	v31 =	vshll.u32 v24, $0x10;
	v23 =	vmul.f32 v23, v7;
	v24 =	vmul.f32 v24, v11  }
0x27d: {  	v40 =	vld.idx.msk [tilespmem:v13+s26+$0x10 ss:$0x1], $0xffff;
	v33 =	vshll.u32 v26, $0x10;
	v26 =	vmul.f32 v26, v15;
	v46 =	vmul.f32 v32, v3  }
0x27e: {  	v42 =	vshll.u32 v32, $0x10;
	v54 =	vmul.f32 v62, v5;
	v55 =	vmul.f32 v63, v6  }
0x27f: {  	v45 =	vld.idx.msk [tilespmem:v16+s26+$0x10 ss:$0x1], $0xffff;
	v34 =	vshll.u32 v63, $0x10;
	v58 =	vmul.f32 v41, v11;
	v63 =	vmul.f32 v51, v3  }
0x280: {  	v53 =	vld.idx.msk [tilespmem:v10+s26+$0x20 ss:$0x1], $0xffff;
	v47 =	vshll.u32 v60, $0x10;
	v25 =	vmul.f32 v25, v3;
	v19 =	vmul.f32 v19, v4  }
0x281: {  	v59 =	vld.idx.msk [tilespmem:v14+s26+$0x20 ss:$0x1], $0xffff;
	v48 =	vshll.u32 v62, $0x10;
	v28 =	vmul.f32 v28, v5;
	v29 =	vmul.f32 v29, v6  }
0x282: {  	v56 =	vld.idx.msk [tilespmem:v12+s26+$0x20 ss:$0x1], $0xffff;
	v35 =	vshll.u32 v40, $0x10;
	v30 =	vmul.f32 v30, v7;
	v31 =	vmul.f32 v31, v11  }
0x283: {  	v36 =	vshll.u32 v41, $0x10;
	v33 =	vmul.f32 v33, v15;
	v44 =	vmul.f32 v42, v3  }
0x284: {  	v37 =	vshll.u32 v45, $0x10;
	v32 =	vmul.f32 v48, v5;
	v34 =	vmul.f32 v34, v6  }
0x285: {  	v41 =	vshll.u32 v53, $0x10;
	v49 =	vmul.f32 v35, v7;
	v50 =	vmul.f32 v36, v11  }
0x286: {  	v52 =	vld.idx.msk [tilespmem:v9+s26+$0x20 ss:$0x1], $0xffff;
	v38 =	vshll.u32 v59, $0x10;
	v37 =	vmul.f32 v37, v15;
	v35 =	vmul.f32 v41, v5  }
0x287: {  	v42 =	vshll.u32 v56, $0x10;
	v20 =	vadd.f32 v20, v27;
	v21 =	vadd.f32 v22, v21  }
0x288: {  	v57 =	vld.idx.msk [tilespmem:v13+s26+$0x20 ss:$0x1], $0xffff;
	v43 =	vadd.f32 v24, v23;
	v24 =	vmul.f32 v45, v15;
	v36 =	vmul.f32 v42, v6  }
0x289: {  	v45 =	vmul.f32 v38, v11;
	v19 =	vadd.f32 v19, v25;
	v28 =	vadd.f32 v29, v28  }
0x28a: {  	v61 =	vadd.f32 v31, v30;
	v25 =	vmul.f32 v60, v4;
	v32 =	vadd.f32 v34, v32  }
0x28b: {  	v29 =	vmul.f32 v40, v7;
	v40 =	vshll.u32 v52, $0x10;
	v20 =	vadd.f32 v21, v20  }
0x28c: {  	v62 =	vld.idx.msk [tilespmem:v16+s26+$0x20 ss:$0x1], $0xffff;
	v31 =	vmul.f32 v56, v6;
	v21 =	vadd.f32 v50, v49;
	v22 =	vadd.f32 v26, v43  }
0x28d: {  	v48 =	vld.idx.msk [tilespmem:v10+s26+$0x30 ss:$0x1], $0xffff;
	v26 =	vadd.f32 v55, v54;
	v30 =	vmul.f32 v40, v4;
	v43 =	vshll.u32 v57, $0x10  }
0x28e: {  	v35 =	vadd.f32 v36, v35;
	v49 =	vmul.f32 v53, v5;
	v19 =	vadd.f32 v28, v19  }
0x28f: {  	v39 =	vadd.f32 v33, v61;
	v28 =	vmul.f32 v47, v4;
	v60 =	vadd.f32 v25, v46  }
0x290: {  	v56 =	vld.idx.msk [tilespmem:v16+s26+$0x30 ss:$0x1], $0xffff;
	v61 =	vshll.u32 v51, $0x10;
	v33 =	vmul.f32 v59, v11;
	v21 =	vadd.f32 v37, v21  }
0x291: {  	v50 =	vld.idx.msk [tilespmem:v12+s26+$0x30 ss:$0x1], $0xffff;
	v27 =	vmul.f32 v62, v15;
	v20 =	vadd.f32 v22, v20;
	v22 =	vadd.f32 v58, v29  }
0x292: {  	v46 =	vld.idx.msk [tilespmem:v8+s26+$0x30 ss:$0x1], $0xffff;
	v25 =	vmul.f32 v61, v3;
	v59 =	vshll.u32 v48, $0x10;
	v19 =	vadd.f32 v39, v19  }
0x293: {  	v47 =	vld.idx.msk [tilespmem:v9+s26+$0x30 ss:$0x1], $0xffff;
	v23 =	vadd.f32 v28, v44;
	v44 =	vmul.f32 v43, v7;
	v39 =	vshll.u32 v62, $0x10  }
0x294: {  	v51 =	vld.idx.msk [tilespmem:v13+s26+$0x30 ss:$0x1], $0xffff;
	v28 =	vmul.f32 v52, v4;
	v25 =	vadd.f32 v30, v25;
	v39 =	vmul.f32 v39, v15  }
0x295: {  	v22 =	vadd.f32 v24, v22;
	v24 =	vadd.f32 v31, v49;
	v41 =	vshll.u32 v56, $0x10  }
0x296: {  	v29 =	vmul.f32 v56, v15;
	v23 =	vadd.f32 v32, v23;
	v32 =	vmul.f32 v57, v7  }
0x297: {  	v53 =	vadd.f32 v28, v63;
	v41 =	vmul.f32 v41, v15;
	v34 =	vmul.f32 v50, v6  }
0x298: {  	v52 =	vld.idx.msk [tilespmem:v14+s26+$0x30 ss:$0x1], $0xffff;
	v25 =	vadd.f32 v35, v25;
	v54 =	vshll.u32 v46, $0x10;
	v57 =	vmul.f32 v46, v3  }
0x299: {  	v58 =	vshll.u32 v47, $0x10;
	v61 =	vshll.u32 v51, $0x10;
	v30 =	vmul.f32 v47, v4  }
0x29a: {  	v46 =	vmul.f32 v48, v5;
	v21 =	vadd.f32 v21, v23;
	v23 =	vadd.f32 v26, v60  }
0x29b: {  	v49 =	vld.idx.msk [tilespmem:v13+s26+$0x40 ss:$0x1], $0xffff;
	v35 =	vmul.f32 v51, v7;
	v26 =	vadd.f32 v45, v44;
	v55 =	vadd.f32 v33, v32  }
0x29c: {  	v32 =	vmul.f32 v58, v4;
	v33 =	vmul.f32 v59, v5;
	v60 =	vshll.u32 v50, $0x10  }
0x29d: {  	v47 =	vld.idx.msk [tilespmem:v12+s26+$0x40 ss:$0x1], $0xffff;
	v24 =	vadd.f32 v24, v53;
	v62 =	vmul.f32 v61, v7;
	v40 =	vshll.u32 v52, $0x10  }
0x29e: {  	v51 =	vld.idx.msk [tilespmem:v14+s26+$0x40 ss:$0x1], $0xffff;
	v50 =	vmul.f32 v52, v11;
	v52 =	vadd.f32 v30, v57;
	v28 =	vadd.f32 v34, v46  }
0x29f: {  	v44 =	vld.idx.msk [tilespmem:v8+s26+$0x40 ss:$0x1], $0xffff;
	v38 =	vmul.f32 v60, v6;
	v26 =	vadd.f32 v39, v26;
	v22 =	vadd.f32 v22, v23  }
0x2a0: {  	v45 =	vld.idx.msk [tilespmem:v9+s26+$0x40 ss:$0x1], $0xffff;
	v63 =	vmul.f32 v40, v11;
	v27 =	vadd.f32 v27, v55;
	v59 =	vshll.u32 v49, $0x10  }
0x2a1: {  	v39 =	vmul.f32 v49, v7;
	v33 =	vadd.f32 v38, v33;
	v60 =	vmul.f32 v59, v7  }
0x2a2: {  	v23 =	vadd.f32 v26, v25;
	v26 =	vmul.f32 v54, v3;
	v25 =	vadd.f32 v63, v62  }
0x2a3: {  	v49 =	vld.idx.msk [tilespmem:v14+s26+$0x50 ss:$0x1], $0xffff;
	v58 =	vshll.u32 v47, $0x10;
	v42 =	vshll.u32 v51, $0x10;
	v36 =	vmul.f32 v47, v6  }
0x2a4: {  	v38 =	vld.idx.msk [tilespmem:v10+s26+$0x40 ss:$0x1], $0xffff;
	v37 =	vmul.f32 v51, v11;
	v53 =	vshll.u32 v44, $0x10;
	v55 =	vmul.f32 v44, v3  }
0x2a5: {  	v54 =	vld.idx.msk [tilespmem:v16+s26+$0x40 ss:$0x1], $0xffff;
	v56 =	vshll.u32 v45, $0x10;
	v40 =	vmul.f32 v58, v6;
	v26 =	vadd.f32 v32, v26  }
0x2a6: {  	v62 =	vld.idx.msk [tilespmem:v8+s26+$0x50 ss:$0x1], $0xffff;
	v61 =	vmul.f32 v42, v11;
	v48 =	vadd.f32 v41, v25;
	v25 =	vadd.f32 v27, v24  }
0x2a7: {  	v63 =	vld.idx.msk [tilespmem:v9+s26+$0x50 ss:$0x1], $0xffff;
	v27 =	vadd.f32 v50, v35;
	v30 =	vmul.f32 v53, v3;
	v34 =	vmul.f32 v56, v4  }
0x2a8: {  	v47 =	vld.idx.msk [tilespmem:v12+s26+$0x50 ss:$0x1], $0xffff;
	v32 =	vmul.f32 v45, v4;
	v51 =	vadd.f32 v37, v39;
	v58 =	vshll.u32 v49, $0x10  }
0x2a9: {  	v26 =	vadd.f32 v33, v26;
	v57 =	vshll.u32 v38, $0x10;
	v30 =	vadd.f32 v34, v30  }
0x2aa: {  	v27 =	vadd.f32 v29, v27;
	v46 =	vmul.f32 v38, v5;
	v32 =	vadd.f32 v32, v55  }
0x2ab: {  	v33 =	vmul.f32 v49, v11;
	v35 =	vmul.f32 v57, v5;
	v43 =	vshll.u32 v54, $0x10  }
0x2ac: {  	v45 =	vld.idx.msk [tilespmem:v10+s26+$0x50 ss:$0x1], $0xffff;
	v50 =	vmul.f32 v54, v15;
	v54 =	vshll.u32 v63, $0x10;
	v42 =	vmul.f32 v62, v3  }
0x2ad: {  	v53 =	vld.idx.msk [tilespmem:v16+s26+$0x50 ss:$0x1], $0xffff;
	v56 =	vshll.u32 v47, $0x10;
	v34 =	vmul.f32 v63, v4;
	v38 =	vmul.f32 v47, v6  }
0x2ae: {  	s0 =	sand.u32 $0x3FFFFFF8, s26;
	v44 =	vld.idx.msk [tilespmem:v9+s26+$0x60 ss:$0x1], $0xffff;
	v24 =	vadd.f32 v48, v26;
	v26 =	vadd.f32 v28, v52;
	v43 =	vmul.f32 v43, v15  }
0x2af: {  	s28 =	sadd.s32 s0, s25;
	v28 =	vadd.f32 v61, v60;
	v29 =	vadd.f32 v36, v46;
	v36 =	vmul.f32 v54, v4  }
0x2b0: {  	[tilespmem:v18+s28+$0x810 ss:$0x1] =	vst.idx.msk $0xffff, v22;
	v52 =	vshll.u32 v62, $0x10;
	v39 =	vmul.f32 v56, v6;
	v60 =	vmul.f32 v58, v11  }
0x2b1: {  	v41 =	vld.idx.msk [tilespmem:v12+s26+$0x70 ss:$0x1], $0xffff;
	v35 =	vadd.f32 v40, v35;
	v31 =	vmul.f32 v52, v3;
	v55 =	vshll.u32 v45, $0x10  }
0x2b2: {  	v48 =	vld.idx.msk [tilespmem:v13+s26+$0x50 ss:$0x1], $0xffff;
	v61 =	vshll.u32 v53, $0x10;
	v63 =	vmul.f32 v45, v5;
	v34 =	vadd.f32 v34, v42  }
0x2b3: {  	v62 =	vld.idx.msk [tilespmem:v8+s26+$0x60 ss:$0x1], $0xffff;
	v47 =	vmul.f32 v53, v15;
	v52 =	vshll.u32 v44, $0x10;
	v28 =	vadd.f32 v43, v28  }
0x2b4: {  	v46 =	vld.idx.msk [tilespmem:v12+s26+$0x60 ss:$0x1], $0xffff;
	v26 =	vadd.f32 v27, v26;
	v29 =	vadd.f32 v29, v32;
	v37 =	vmul.f32 v55, v5  }
0x2b5: {  	v54 =	vld.idx.msk [tilespmem:v16+s26+$0x60 ss:$0x1], $0xffff;
	v40 =	vmul.f32 v44, v4;
	v27 =	vadd.f32 v50, v51;
	v30 =	vadd.f32 v35, v30  }
0x2b6: {  	v45 =	vld.idx.msk [tilespmem:v10+s26+$0x60 ss:$0x1], $0xffff;
	v22 =	vmul.f32 v41, v6;
	v31 =	vadd.f32 v36, v31;
	v37 =	vadd.f32 v39, v37  }
0x2b7: {  	v39 =	vmul.f32 v61, v15;
	v27 =	vadd.f32 v27, v29;
	v28 =	vadd.f32 v28, v30  }
0x2b8: {  	v50 =	vld.idx.msk [tilespmem:v14+s26+$0x60 ss:$0x1], $0xffff;
	v57 =	vshll.u32 v48, $0x10;
	v35 =	vmul.f32 v48, v7;
	v30 =	vadd.f32 v38, v63  }
0x2b9: {  	v43 =	vld.idx.msk [tilespmem:v13+s26+$0x70 ss:$0x1], $0xffff;
	v49 =	vshll.u32 v62, $0x10;
	v51 =	vmul.f32 v62, v3;
	v38 =	vmul.f32 v46, v6  }
0x2ba: {  	[tilespmem:v18+s28+$0x800 ss:$0x1] =	vst.idx.msk $0xffff, v20;
	v55 =	vshll.u32 v46, $0x10;
	v63 =	vmul.f32 v54, v15;
	v59 =	vmul.f32 v57, v7  }
0x2bb: {  	[tilespmem:v17+s26+$0x0 ss:$0x1] =	vst.idx.msk $0xffff, v19;
	v31 =	vadd.f32 v37, v31;
	v53 =	vshll.u32 v45, $0x10;
	v37 =	vmul.f32 v45, v5  }
0x2bc: {  	v20 =	vmul.f32 v55, v6;
	v33 =	vadd.f32 v33, v35;
	v30 =	vadd.f32 v30, v34  }
0x2bd: {  	v48 =	vld.idx.msk [tilespmem:v13+s26+$0x60 ss:$0x1], $0xffff;
	v34 =	vmul.f32 v49, v3;
	v19 =	vmul.f32 v53, v5;
	v58 =	vshll.u32 v50, $0x10  }
0x2be: {  	[tilespmem:v17+s26+$0x10 ss:$0x1] =	vst.idx.msk $0xffff, v21;
	v62 =	vld.idx.msk [tilespmem:v9+s26+$0x70 ss:$0x1], $0xffff;
	v35 =	vmul.f32 v50, v11;
	v50 =	vshll.u32 v41, $0x10;
	v53 =	vshll.u32 v43, $0x10  }
0x2bf: {  	[tilespmem:v17+s26+$0x20 ss:$0x1] =	vst.idx.msk $0xffff, v23;
	v36 =	vadd.f32 v60, v59;
	v59 =	vmul.f32 v58, v11;
	v60 =	vshll.u32 v54, $0x10  }
0x2c0: {  	v45 =	vld.idx.msk [tilespmem:v14+s26+$0x70 ss:$0x1], $0xffff;
	v37 =	vadd.f32 v38, v37;
	v54 =	vmul.f32 v53, v7;
	v29 =	vadd.f32 v47, v33  }
0x2c1: {  	v19 =	vadd.f32 v20, v19;
	v61 =	vmul.f32 v60, v15;
	v36 =	vadd.f32 v39, v36  }
0x2c2: {  	[tilespmem:v18+s28+$0x820 ss:$0x1] =	vst.idx.msk $0xffff, v25;
	v39 =	vmul.f32 v52, v4;
	v56 =	vshll.u32 v48, $0x10;
	v32 =	vmul.f32 v48, v7  }
0x2c3: {  	[tilespmem:v17+s26+$0x30 ss:$0x1] =	vst.idx.msk $0xffff, v24;
	v46 =	vshll.u32 v62, $0x10;
	v49 =	vmul.f32 v62, v4;
	v52 =	vmul.f32 v50, v6  }
0x2c4: {  	v20 =	vld.idx.msk [tilespmem:v8+s26+$0x70 ss:$0x1], $0xffff;
	v57 =	vmul.f32 v56, v7;
	v29 =	vadd.f32 v29, v30;
	v25 =	vmul.f32 v46, v4  }
0x2c5: {  	v48 =	vld.idx.msk [tilespmem:v16+s26+$0x70 ss:$0x1], $0xffff;
	v55 =	vshll.u32 v45, $0x10;
	v31 =	vadd.f32 v36, v31;
	v34 =	vadd.f32 v39, v34  }
0x2c6: {  	v56 =	vmul.f32 v43, v7;
	v36 =	vadd.f32 v40, v51;
	v40 =	vld.idx.msk [tilespmem:v10+s26+$0x70 ss:$0x1], $0xffff;
	v21 =	vadd.f32 v59, v57  }
0x2c7: {  	v58 =	vmul.f32 v45, v11;
	v32 =	vadd.f32 v35, v32;
	v19 =	vadd.f32 v19, v34  }
0x2c8: {  	v57 =	vmul.f32 v55, v11;
	v42 =	vadd.f32 v37, v36;
	v21 =	vadd.f32 v61, v21  }
0x2c9: {  	[tilespmem:v18+s28+$0x830 ss:$0x1] =	vst.idx.msk $0xffff, v26;
	v32 =	vadd.f32 v63, v32;
	v44 =	vshll.u32 v20, $0x10;
	v20 =	vmul.f32 v20, v3  }
0x2ca: {  	[tilespmem:v18+s28+$0x840 ss:$0x1] =	vst.idx.msk $0xffff, v27;
	v60 =	vshll.u32 v48, $0x10;
	v19 =	vadd.f32 v21, v19;
	v21 =	vmul.f32 v44, v3  }
0x2cb: {  	[tilespmem:v17+s26+$0x40 ss:$0x1] =	vst.idx.msk $0xffff, v28;
	v23 =	vadd.f32 v32, v42;
	v47 =	vshll.u32 v40, $0x10;
	v51 =	vmul.f32 v40, v5  }
0x2cc: {  	v20 =	vadd.f32 v49, v20;
	v32 =	vmul.f32 v47, v5;
	v21 =	vadd.f32 v25, v21  }
0x2cd: {  	v62 =	vmul.f32 v48, v15;
	v22 =	vadd.f32 v22, v51;
	v25 =	vadd.f32 v58, v56  }
0x2ce: {  	v28 =	vadd.f32 v57, v54;
	v61 =	vmul.f32 v60, v15;
	v59 =	vadd.f32 v52, v32  }
0x2cf: {  	p1 =	por p0, p0;
	[tilespmem:v18+s28+$0x850 ss:$0x1] =	vst.idx.msk $0xffff, v29;
	v20 =	vadd.f32 v22, v20;
	v63 =	vadd.f32 v62, v25  }
.Ltmp4:
0x2d0: {  	[tilespmem:v17+s26+$0x50 ss:$0x1] =	vst.idx.msk $0xffff, v31;
	v24 =	vadd.f32 v61, v28;
	v21 =	vadd.f32 v59, v21;
	(pc) =	sbr.rel @p1 .LBB2_11-.Ltmp4, $4  }
0x2d1: {  	[tilespmem:v18+s28+$0x860 ss:$0x1] =	vst.idx.msk $0xffff, v23;
	v20 =	vadd.f32 v63, v20  }
0x2d2: {  	[tilespmem:v17+s26+$0x60 ss:$0x1] =	vst.idx.msk $0xffff, v19;
	v19 =	vadd.f32 v24, v21  }
0x2d3: {  	[tilespmem:v18+s28+$0x870 ss:$0x1] =	vst.idx.msk $0xffff, v20  }
0x2d4: {  	p0 =	por $0x0, $0x0;
	[tilespmem:v17+s26+$0x70 ss:$0x1] =	vst.idx.msk $0xffff, v19;
	s26 =	simm.s32 $0x80  }
0x2d5: {  	s24 =	sadd.s32 $0x1, s24  }
0x2d6: {  	p0 =	sne.s32 s24, $0x10  }
.Ltmp5:
0x2d7: {  	_ = 	snop;
	(pc) =	sbr.rel @p0 .LBB2_10-.Ltmp5, $1  }
0x2d8: {  	_ =	sdelay $0x3  }
0x2d9: {  	s24 =	simm.s32 $0x0;
	s0 =	simm.s32 $0x12400  }
0x2da: {  	[hbm4b:s8+s24] =	stream.linear.scatter [tilespmem:s0], [sflag:$0x3], $0x2000, $0x38;
	[tilespmem:$0x16400] =	vst v63  }
0x2db: {  	_ =	swait.ge [sflag:s22], $0x7000  }
0x2dc: {  	[sflag:s22] =	ssyncset.done $0x0  }
0x2dd: {  	[sflag:s22] =	ssyncadd.s32 $0xFFFF9000  }
.LBB2_14:
0x2de: {  	s0 =	smul.u32 $0x7, s24  }
0x2df: {  	s15 =	smul.u32 $0x700, s24  }
0x2e0: {  	s26 =	smul.u32 $0x380, s24  }
0x2e1: {  	s1 =	sadd.s32 $0x150, s0;
	s4 =	sadd.s32 $0x151, s0;
	s13 =	sadd.s32 $0x152, s0  }
0x2e2: {  	s14 =	sadd.s32 $0x153, s0;
	s16 =	sadd.s32 $0x154, s0;
	s25 =	sadd.s32 $0x155, s0  }
0x2e3: {  	s28 =	sadd.s32 $0x156, s0;
	s15 =	sand.u32 $0x7800, s15;
	s29 =	sadd.s32 $0x1, s0  }
0x2e4: {  	s26 =	sand.u32 $0x380, s26;
	s30 =	sshll.u32 s29, $0x8;
	s29 =	sshll.u32 s29, $0x7  }
0x2e5: {  	s15 =	sor.u32 s26, s15;
	s30 =	sand.u32 $0xF800, s30;
	s29 =	sand.u32 $0x380, s29  }
0x2e6: {  	v15 =	vmov s28;
	s28 =	sshll.u32 s24, $0x9;
	s26 =	sor.u32 s29, s30;
	s29 =	sadd.s32 $0x2, s0  }
0x2e7: {  	s15 =	sadd.s32 $0x7400, s15;
	s31 =	sshll.u32 s29, $0x8;
	s29 =	sshll.u32 s29, $0x7  }
0x2e8: {  	s30 =	sand.u32 $0xF800, s31;
	s29 =	sand.u32 $0x380, s29;
	s31 =	sadd.s32 $0x3, s0  }
0x2e9: {  	s29 =	sor.u32 s29, s30;
	s30 =	sshll.u32 s31, $0x8;
	s31 =	sshll.u32 s31, $0x7  }
0x2ea: {  	v3 =	vmov s1;
	s26 =	sadd.s32 $0x7400, s26;
	s1 =	sand.u32 $0xF800, s30;
	s30 =	sand.u32 $0x380, s31  }
0x2eb: {  	v4 =	vmov s4;
	s31 =	sadd.s32 $0x4, s0;
	s4 =	sadd.s32 $0x7400, s29;
	s29 =	sadd.s32 $0x5, s0  }
0x2ec: {  	v5 =	vmov s13;
	s0 =	sadd.s32 $0x6, s0;
	s1 =	sor.u32 s30, s1;
	s30 =	sshll.u32 s31, $0x8  }
0x2ed: {  	v6 =	vmov s14;
	s14 =	sshll.u32 s31, $0x7;
	s31 =	sshll.u32 s29, $0x8;
	s29 =	sshll.u32 s29, $0x7  }
0x2ee: {  	v7 =	vmov s16;
	v11 =	vmov s25;
	s25 =	sshll.u32 s0, $0x8;
	s0 =	sshll.u32 s0, $0x7;
	s1 =	sadd.s32 $0x7400, s1  }
0x2ef: {  	v3 =	vld.idx.msk [tilespmem:v3+s11+$0x0], $0xffff;
	s13 =	sand.u32 $0xF800, s30;
	s14 =	sand.u32 $0x380, s14;
	s31 =	sand.u32 $0xF800, s31  }
0x2f0: {  	v4 =	vld.idx.msk [tilespmem:v4+s11+$0x0], $0xffff;
	s29 =	sand.u32 $0x380, s29;
	s0 =	sand.u32 $0x380, s0;
	s13 =	sor.u32 s14, s13  }
0x2f1: {  	v5 =	vld.idx.msk [tilespmem:v5+s11+$0x0], $0xffff;
	s16 =	sor.u32 s29, s31;
	s29 =	sshll.u32 s24, $0x7;
	s13 =	sadd.s32 $0x7400, s13  }
0x2f2: {  	v8 =	vmov s15;
	v6 =	vld.idx.msk [tilespmem:v6+s11+$0x0], $0xffff;
	s14 =	sadd.s32 $0x7400, s16;
	s16 =	sand.u32 $0xF800, s25;
	s25 =	sand.u32 $0x1000, s28  }
0x2f3: {  	v9 =	vmov s26;
	v7 =	vld.idx.msk [tilespmem:v7+s11+$0x0], $0xffff;
	v10 =	vmov s4;
	s30 =	sand.u32 $0x380, s29;
	s0 =	sor.u32 s0, s16;
	s25 =	sor.u32 $0x14400, s25  }
0x2f4: {  	v11 =	vld.idx.msk [tilespmem:v11+s11+$0x0], $0xffff;
	v12 =	vmov s1;
	v13 =	vmov s13;
	v14 =	vmov s14;
	s0 =	sadd.s32 $0x7400, s0;
	s31 =	sor.u32 s30, s25  }
0x2f5: {  	p0 =	por $0x1, $0x1;
	s26 =	simm.s32 $0x0;
	v15 =	vld.idx.msk [tilespmem:v15+s11+$0x0], $0xffff;
	v18 =	vmov s30;
	v16 =	vmov s0;
	v17 =	vmov s31  }
.LBB2_15:
0x2f6: {  	s26 =	sshll.u32 s26, $0x3  }
0x2f7: {  	v19 =	vld.idx.msk [tilespmem:v8+s26+$0x0 ss:$0x1], $0xffff  }
0x2f8: {  	v20 =	vld.idx.msk [tilespmem:v9+s26+$0x0 ss:$0x1], $0xffff  }
0x2f9: {  	v21 =	vld.idx.msk [tilespmem:v10+s26+$0x0 ss:$0x1], $0xffff  }
0x2fa: {  	v22 =	vld.idx.msk [tilespmem:v12+s26+$0x0 ss:$0x1], $0xffff  }
0x2fb: {  	v23 =	vld.idx.msk [tilespmem:v13+s26+$0x0 ss:$0x1], $0xffff  }
0x2fc: {  	v24 =	vld.idx.msk [tilespmem:v14+s26+$0x0 ss:$0x1], $0xffff  }
0x2fd: {  	v26 =	vld.idx.msk [tilespmem:v16+s26+$0x0 ss:$0x1], $0xffff  }
0x2fe: {  	v32 =	vld.idx.msk [tilespmem:v8+s26+$0x10 ss:$0x1], $0xffff  }
0x2ff: {  	v62 =	vld.idx.msk [tilespmem:v10+s26+$0x10 ss:$0x1], $0xffff  }
0x300: {  	v63 =	vld.idx.msk [tilespmem:v12+s26+$0x10 ss:$0x1], $0xffff  }
0x301: {  	v41 =	vld.idx.msk [tilespmem:v14+s26+$0x10 ss:$0x1], $0xffff;
	v25 =	vshll.u32 v19, $0x10;
	v27 =	vmul.f32 v19, v3;
	v19 =	vshll.u32 v20, $0x10  }
0x302: {  	v51 =	vld.idx.msk [tilespmem:v8+s26+$0x20 ss:$0x1], $0xffff;
	v28 =	vshll.u32 v21, $0x10;
	v29 =	vshll.u32 v22, $0x10;
	v20 =	vmul.f32 v20, v4  }
0x303: {  	v60 =	vld.idx.msk [tilespmem:v9+s26+$0x10 ss:$0x1], $0xffff;
	v30 =	vshll.u32 v23, $0x10;
	v21 =	vmul.f32 v21, v5;
	v22 =	vmul.f32 v22, v6  }
0x304: {  	v31 =	vshll.u32 v24, $0x10;
	v23 =	vmul.f32 v23, v7;
	v24 =	vmul.f32 v24, v11  }
0x305: {  	v40 =	vld.idx.msk [tilespmem:v13+s26+$0x10 ss:$0x1], $0xffff;
	v33 =	vshll.u32 v26, $0x10;
	v26 =	vmul.f32 v26, v15;
	v46 =	vmul.f32 v32, v3  }
0x306: {  	v42 =	vshll.u32 v32, $0x10;
	v54 =	vmul.f32 v62, v5;
	v55 =	vmul.f32 v63, v6  }
0x307: {  	v45 =	vld.idx.msk [tilespmem:v16+s26+$0x10 ss:$0x1], $0xffff;
	v34 =	vshll.u32 v63, $0x10;
	v58 =	vmul.f32 v41, v11;
	v63 =	vmul.f32 v51, v3  }
0x308: {  	v53 =	vld.idx.msk [tilespmem:v10+s26+$0x20 ss:$0x1], $0xffff;
	v47 =	vshll.u32 v60, $0x10;
	v25 =	vmul.f32 v25, v3;
	v19 =	vmul.f32 v19, v4  }
0x309: {  	v59 =	vld.idx.msk [tilespmem:v14+s26+$0x20 ss:$0x1], $0xffff;
	v48 =	vshll.u32 v62, $0x10;
	v28 =	vmul.f32 v28, v5;
	v29 =	vmul.f32 v29, v6  }
0x30a: {  	v56 =	vld.idx.msk [tilespmem:v12+s26+$0x20 ss:$0x1], $0xffff;
	v35 =	vshll.u32 v40, $0x10;
	v30 =	vmul.f32 v30, v7;
	v31 =	vmul.f32 v31, v11  }
0x30b: {  	v36 =	vshll.u32 v41, $0x10;
	v33 =	vmul.f32 v33, v15;
	v44 =	vmul.f32 v42, v3  }
0x30c: {  	v37 =	vshll.u32 v45, $0x10;
	v32 =	vmul.f32 v48, v5;
	v34 =	vmul.f32 v34, v6  }
0x30d: {  	v41 =	vshll.u32 v53, $0x10;
	v49 =	vmul.f32 v35, v7;
	v50 =	vmul.f32 v36, v11  }
0x30e: {  	v52 =	vld.idx.msk [tilespmem:v9+s26+$0x20 ss:$0x1], $0xffff;
	v38 =	vshll.u32 v59, $0x10;
	v37 =	vmul.f32 v37, v15;
	v35 =	vmul.f32 v41, v5  }
0x30f: {  	v42 =	vshll.u32 v56, $0x10;
	v20 =	vadd.f32 v20, v27;
	v21 =	vadd.f32 v22, v21  }
0x310: {  	v57 =	vld.idx.msk [tilespmem:v13+s26+$0x20 ss:$0x1], $0xffff;
	v43 =	vadd.f32 v24, v23;
	v24 =	vmul.f32 v45, v15;
	v36 =	vmul.f32 v42, v6  }
0x311: {  	v45 =	vmul.f32 v38, v11;
	v19 =	vadd.f32 v19, v25;
	v28 =	vadd.f32 v29, v28  }
0x312: {  	v61 =	vadd.f32 v31, v30;
	v25 =	vmul.f32 v60, v4;
	v32 =	vadd.f32 v34, v32  }
0x313: {  	v29 =	vmul.f32 v40, v7;
	v40 =	vshll.u32 v52, $0x10;
	v20 =	vadd.f32 v21, v20  }
0x314: {  	v62 =	vld.idx.msk [tilespmem:v16+s26+$0x20 ss:$0x1], $0xffff;
	v31 =	vmul.f32 v56, v6;
	v21 =	vadd.f32 v50, v49;
	v22 =	vadd.f32 v26, v43  }
0x315: {  	v48 =	vld.idx.msk [tilespmem:v10+s26+$0x30 ss:$0x1], $0xffff;
	v26 =	vadd.f32 v55, v54;
	v30 =	vmul.f32 v40, v4;
	v43 =	vshll.u32 v57, $0x10  }
0x316: {  	v35 =	vadd.f32 v36, v35;
	v49 =	vmul.f32 v53, v5;
	v19 =	vadd.f32 v28, v19  }
0x317: {  	v39 =	vadd.f32 v33, v61;
	v28 =	vmul.f32 v47, v4;
	v60 =	vadd.f32 v25, v46  }
0x318: {  	v56 =	vld.idx.msk [tilespmem:v16+s26+$0x30 ss:$0x1], $0xffff;
	v61 =	vshll.u32 v51, $0x10;
	v33 =	vmul.f32 v59, v11;
	v21 =	vadd.f32 v37, v21  }
0x319: {  	v50 =	vld.idx.msk [tilespmem:v12+s26+$0x30 ss:$0x1], $0xffff;
	v27 =	vmul.f32 v62, v15;
	v20 =	vadd.f32 v22, v20;
	v22 =	vadd.f32 v58, v29  }
0x31a: {  	v46 =	vld.idx.msk [tilespmem:v8+s26+$0x30 ss:$0x1], $0xffff;
	v25 =	vmul.f32 v61, v3;
	v59 =	vshll.u32 v48, $0x10;
	v19 =	vadd.f32 v39, v19  }
0x31b: {  	v47 =	vld.idx.msk [tilespmem:v9+s26+$0x30 ss:$0x1], $0xffff;
	v23 =	vadd.f32 v28, v44;
	v44 =	vmul.f32 v43, v7;
	v39 =	vshll.u32 v62, $0x10  }
0x31c: {  	v51 =	vld.idx.msk [tilespmem:v13+s26+$0x30 ss:$0x1], $0xffff;
	v28 =	vmul.f32 v52, v4;
	v25 =	vadd.f32 v30, v25;
	v39 =	vmul.f32 v39, v15  }
0x31d: {  	v22 =	vadd.f32 v24, v22;
	v24 =	vadd.f32 v31, v49;
	v41 =	vshll.u32 v56, $0x10  }
0x31e: {  	v29 =	vmul.f32 v56, v15;
	v23 =	vadd.f32 v32, v23;
	v32 =	vmul.f32 v57, v7  }
0x31f: {  	v53 =	vadd.f32 v28, v63;
	v41 =	vmul.f32 v41, v15;
	v34 =	vmul.f32 v50, v6  }
0x320: {  	v52 =	vld.idx.msk [tilespmem:v14+s26+$0x30 ss:$0x1], $0xffff;
	v25 =	vadd.f32 v35, v25;
	v54 =	vshll.u32 v46, $0x10;
	v57 =	vmul.f32 v46, v3  }
0x321: {  	v58 =	vshll.u32 v47, $0x10;
	v61 =	vshll.u32 v51, $0x10;
	v30 =	vmul.f32 v47, v4  }
0x322: {  	v46 =	vmul.f32 v48, v5;
	v21 =	vadd.f32 v21, v23;
	v23 =	vadd.f32 v26, v60  }
0x323: {  	v49 =	vld.idx.msk [tilespmem:v13+s26+$0x40 ss:$0x1], $0xffff;
	v35 =	vmul.f32 v51, v7;
	v26 =	vadd.f32 v45, v44;
	v55 =	vadd.f32 v33, v32  }
0x324: {  	v32 =	vmul.f32 v58, v4;
	v33 =	vmul.f32 v59, v5;
	v60 =	vshll.u32 v50, $0x10  }
0x325: {  	v47 =	vld.idx.msk [tilespmem:v12+s26+$0x40 ss:$0x1], $0xffff;
	v24 =	vadd.f32 v24, v53;
	v62 =	vmul.f32 v61, v7;
	v40 =	vshll.u32 v52, $0x10  }
0x326: {  	v51 =	vld.idx.msk [tilespmem:v14+s26+$0x40 ss:$0x1], $0xffff;
	v50 =	vmul.f32 v52, v11;
	v52 =	vadd.f32 v30, v57;
	v28 =	vadd.f32 v34, v46  }
0x327: {  	v44 =	vld.idx.msk [tilespmem:v8+s26+$0x40 ss:$0x1], $0xffff;
	v38 =	vmul.f32 v60, v6;
	v26 =	vadd.f32 v39, v26;
	v22 =	vadd.f32 v22, v23  }
0x328: {  	v45 =	vld.idx.msk [tilespmem:v9+s26+$0x40 ss:$0x1], $0xffff;
	v63 =	vmul.f32 v40, v11;
	v27 =	vadd.f32 v27, v55;
	v59 =	vshll.u32 v49, $0x10  }
0x329: {  	v39 =	vmul.f32 v49, v7;
	v33 =	vadd.f32 v38, v33;
	v60 =	vmul.f32 v59, v7  }
0x32a: {  	v23 =	vadd.f32 v26, v25;
	v26 =	vmul.f32 v54, v3;
	v25 =	vadd.f32 v63, v62  }
0x32b: {  	v49 =	vld.idx.msk [tilespmem:v14+s26+$0x50 ss:$0x1], $0xffff;
	v58 =	vshll.u32 v47, $0x10;
	v42 =	vshll.u32 v51, $0x10;
	v36 =	vmul.f32 v47, v6  }
0x32c: {  	v38 =	vld.idx.msk [tilespmem:v10+s26+$0x40 ss:$0x1], $0xffff;
	v37 =	vmul.f32 v51, v11;
	v53 =	vshll.u32 v44, $0x10;
	v55 =	vmul.f32 v44, v3  }
0x32d: {  	v54 =	vld.idx.msk [tilespmem:v16+s26+$0x40 ss:$0x1], $0xffff;
	v56 =	vshll.u32 v45, $0x10;
	v40 =	vmul.f32 v58, v6;
	v26 =	vadd.f32 v32, v26  }
0x32e: {  	v62 =	vld.idx.msk [tilespmem:v8+s26+$0x50 ss:$0x1], $0xffff;
	v61 =	vmul.f32 v42, v11;
	v48 =	vadd.f32 v41, v25;
	v25 =	vadd.f32 v27, v24  }
0x32f: {  	v63 =	vld.idx.msk [tilespmem:v9+s26+$0x50 ss:$0x1], $0xffff;
	v27 =	vadd.f32 v50, v35;
	v30 =	vmul.f32 v53, v3;
	v34 =	vmul.f32 v56, v4  }
0x330: {  	v47 =	vld.idx.msk [tilespmem:v12+s26+$0x50 ss:$0x1], $0xffff;
	v32 =	vmul.f32 v45, v4;
	v51 =	vadd.f32 v37, v39;
	v58 =	vshll.u32 v49, $0x10  }
0x331: {  	v26 =	vadd.f32 v33, v26;
	v57 =	vshll.u32 v38, $0x10;
	v30 =	vadd.f32 v34, v30  }
0x332: {  	v27 =	vadd.f32 v29, v27;
	v46 =	vmul.f32 v38, v5;
	v32 =	vadd.f32 v32, v55  }
0x333: {  	v33 =	vmul.f32 v49, v11;
	v35 =	vmul.f32 v57, v5;
	v43 =	vshll.u32 v54, $0x10  }
0x334: {  	v45 =	vld.idx.msk [tilespmem:v10+s26+$0x50 ss:$0x1], $0xffff;
	v50 =	vmul.f32 v54, v15;
	v54 =	vshll.u32 v63, $0x10;
	v42 =	vmul.f32 v62, v3  }
0x335: {  	v53 =	vld.idx.msk [tilespmem:v16+s26+$0x50 ss:$0x1], $0xffff;
	v56 =	vshll.u32 v47, $0x10;
	v34 =	vmul.f32 v63, v4;
	v38 =	vmul.f32 v47, v6  }
0x336: {  	s0 =	sand.u32 $0x3FFFFFF8, s26;
	v44 =	vld.idx.msk [tilespmem:v9+s26+$0x60 ss:$0x1], $0xffff;
	v24 =	vadd.f32 v48, v26;
	v26 =	vadd.f32 v28, v52;
	v43 =	vmul.f32 v43, v15  }
0x337: {  	s28 =	sadd.s32 s0, s25;
	v28 =	vadd.f32 v61, v60;
	v29 =	vadd.f32 v36, v46;
	v36 =	vmul.f32 v54, v4  }
0x338: {  	[tilespmem:v18+s28+$0x810 ss:$0x1] =	vst.idx.msk $0xffff, v22;
	v52 =	vshll.u32 v62, $0x10;
	v39 =	vmul.f32 v56, v6;
	v60 =	vmul.f32 v58, v11  }
0x339: {  	v41 =	vld.idx.msk [tilespmem:v12+s26+$0x70 ss:$0x1], $0xffff;
	v35 =	vadd.f32 v40, v35;
	v31 =	vmul.f32 v52, v3;
	v55 =	vshll.u32 v45, $0x10  }
0x33a: {  	v48 =	vld.idx.msk [tilespmem:v13+s26+$0x50 ss:$0x1], $0xffff;
	v61 =	vshll.u32 v53, $0x10;
	v63 =	vmul.f32 v45, v5;
	v34 =	vadd.f32 v34, v42  }
0x33b: {  	v62 =	vld.idx.msk [tilespmem:v8+s26+$0x60 ss:$0x1], $0xffff;
	v47 =	vmul.f32 v53, v15;
	v52 =	vshll.u32 v44, $0x10;
	v28 =	vadd.f32 v43, v28  }
0x33c: {  	v46 =	vld.idx.msk [tilespmem:v12+s26+$0x60 ss:$0x1], $0xffff;
	v26 =	vadd.f32 v27, v26;
	v29 =	vadd.f32 v29, v32;
	v37 =	vmul.f32 v55, v5  }
0x33d: {  	v54 =	vld.idx.msk [tilespmem:v16+s26+$0x60 ss:$0x1], $0xffff;
	v40 =	vmul.f32 v44, v4;
	v27 =	vadd.f32 v50, v51;
	v30 =	vadd.f32 v35, v30  }
0x33e: {  	v45 =	vld.idx.msk [tilespmem:v10+s26+$0x60 ss:$0x1], $0xffff;
	v22 =	vmul.f32 v41, v6;
	v31 =	vadd.f32 v36, v31;
	v37 =	vadd.f32 v39, v37  }
0x33f: {  	v39 =	vmul.f32 v61, v15;
	v27 =	vadd.f32 v27, v29;
	v28 =	vadd.f32 v28, v30  }
0x340: {  	v50 =	vld.idx.msk [tilespmem:v14+s26+$0x60 ss:$0x1], $0xffff;
	v57 =	vshll.u32 v48, $0x10;
	v35 =	vmul.f32 v48, v7;
	v30 =	vadd.f32 v38, v63  }
0x341: {  	v43 =	vld.idx.msk [tilespmem:v13+s26+$0x70 ss:$0x1], $0xffff;
	v49 =	vshll.u32 v62, $0x10;
	v51 =	vmul.f32 v62, v3;
	v38 =	vmul.f32 v46, v6  }
0x342: {  	[tilespmem:v18+s28+$0x800 ss:$0x1] =	vst.idx.msk $0xffff, v20;
	v55 =	vshll.u32 v46, $0x10;
	v63 =	vmul.f32 v54, v15;
	v59 =	vmul.f32 v57, v7  }
0x343: {  	[tilespmem:v17+s26+$0x0 ss:$0x1] =	vst.idx.msk $0xffff, v19;
	v31 =	vadd.f32 v37, v31;
	v53 =	vshll.u32 v45, $0x10;
	v37 =	vmul.f32 v45, v5  }
0x344: {  	v20 =	vmul.f32 v55, v6;
	v33 =	vadd.f32 v33, v35;
	v30 =	vadd.f32 v30, v34  }
0x345: {  	v48 =	vld.idx.msk [tilespmem:v13+s26+$0x60 ss:$0x1], $0xffff;
	v34 =	vmul.f32 v49, v3;
	v19 =	vmul.f32 v53, v5;
	v58 =	vshll.u32 v50, $0x10  }
0x346: {  	[tilespmem:v17+s26+$0x10 ss:$0x1] =	vst.idx.msk $0xffff, v21;
	v62 =	vld.idx.msk [tilespmem:v9+s26+$0x70 ss:$0x1], $0xffff;
	v35 =	vmul.f32 v50, v11;
	v50 =	vshll.u32 v41, $0x10;
	v53 =	vshll.u32 v43, $0x10  }
0x347: {  	[tilespmem:v17+s26+$0x20 ss:$0x1] =	vst.idx.msk $0xffff, v23;
	v36 =	vadd.f32 v60, v59;
	v59 =	vmul.f32 v58, v11;
	v60 =	vshll.u32 v54, $0x10  }
0x348: {  	v45 =	vld.idx.msk [tilespmem:v14+s26+$0x70 ss:$0x1], $0xffff;
	v37 =	vadd.f32 v38, v37;
	v54 =	vmul.f32 v53, v7;
	v29 =	vadd.f32 v47, v33  }
0x349: {  	v19 =	vadd.f32 v20, v19;
	v61 =	vmul.f32 v60, v15;
	v36 =	vadd.f32 v39, v36  }
0x34a: {  	[tilespmem:v18+s28+$0x820 ss:$0x1] =	vst.idx.msk $0xffff, v25;
	v39 =	vmul.f32 v52, v4;
	v56 =	vshll.u32 v48, $0x10;
	v32 =	vmul.f32 v48, v7  }
0x34b: {  	[tilespmem:v17+s26+$0x30 ss:$0x1] =	vst.idx.msk $0xffff, v24;
	v46 =	vshll.u32 v62, $0x10;
	v49 =	vmul.f32 v62, v4;
	v52 =	vmul.f32 v50, v6  }
0x34c: {  	v20 =	vld.idx.msk [tilespmem:v8+s26+$0x70 ss:$0x1], $0xffff;
	v57 =	vmul.f32 v56, v7;
	v29 =	vadd.f32 v29, v30;
	v25 =	vmul.f32 v46, v4  }
0x34d: {  	v48 =	vld.idx.msk [tilespmem:v16+s26+$0x70 ss:$0x1], $0xffff;
	v55 =	vshll.u32 v45, $0x10;
	v31 =	vadd.f32 v36, v31;
	v34 =	vadd.f32 v39, v34  }
0x34e: {  	v56 =	vmul.f32 v43, v7;
	v36 =	vadd.f32 v40, v51;
	v40 =	vld.idx.msk [tilespmem:v10+s26+$0x70 ss:$0x1], $0xffff;
	v21 =	vadd.f32 v59, v57  }
0x34f: {  	v58 =	vmul.f32 v45, v11;
	v32 =	vadd.f32 v35, v32;
	v19 =	vadd.f32 v19, v34  }
0x350: {  	v57 =	vmul.f32 v55, v11;
	v42 =	vadd.f32 v37, v36;
	v21 =	vadd.f32 v61, v21  }
0x351: {  	[tilespmem:v18+s28+$0x830 ss:$0x1] =	vst.idx.msk $0xffff, v26;
	v32 =	vadd.f32 v63, v32;
	v44 =	vshll.u32 v20, $0x10;
	v20 =	vmul.f32 v20, v3  }
0x352: {  	[tilespmem:v18+s28+$0x840 ss:$0x1] =	vst.idx.msk $0xffff, v27;
	v60 =	vshll.u32 v48, $0x10;
	v19 =	vadd.f32 v21, v19;
	v21 =	vmul.f32 v44, v3  }
0x353: {  	[tilespmem:v17+s26+$0x40 ss:$0x1] =	vst.idx.msk $0xffff, v28;
	v23 =	vadd.f32 v32, v42;
	v47 =	vshll.u32 v40, $0x10;
	v51 =	vmul.f32 v40, v5  }
0x354: {  	v20 =	vadd.f32 v49, v20;
	v32 =	vmul.f32 v47, v5;
	v21 =	vadd.f32 v25, v21  }
0x355: {  	v62 =	vmul.f32 v48, v15;
	v22 =	vadd.f32 v22, v51;
	v25 =	vadd.f32 v58, v56  }
0x356: {  	v28 =	vadd.f32 v57, v54;
	v61 =	vmul.f32 v60, v15;
	v59 =	vadd.f32 v52, v32  }
0x357: {  	p1 =	por p0, p0;
	[tilespmem:v18+s28+$0x850 ss:$0x1] =	vst.idx.msk $0xffff, v29;
	v20 =	vadd.f32 v22, v20;
	v63 =	vadd.f32 v62, v25  }
.Ltmp6:
0x358: {  	[tilespmem:v17+s26+$0x50 ss:$0x1] =	vst.idx.msk $0xffff, v31;
	v24 =	vadd.f32 v61, v28;
	v21 =	vadd.f32 v59, v21;
	(pc) =	sbr.rel @p1 .LBB2_15-.Ltmp6, $4  }
0x359: {  	[tilespmem:v18+s28+$0x860 ss:$0x1] =	vst.idx.msk $0xffff, v23;
	v20 =	vadd.f32 v63, v20  }
0x35a: {  	[tilespmem:v17+s26+$0x60 ss:$0x1] =	vst.idx.msk $0xffff, v19;
	v19 =	vadd.f32 v24, v21  }
0x35b: {  	[tilespmem:v18+s28+$0x870 ss:$0x1] =	vst.idx.msk $0xffff, v20  }
0x35c: {  	p0 =	por $0x0, $0x0;
	[tilespmem:v17+s26+$0x70 ss:$0x1] =	vst.idx.msk $0xffff, v19;
	s26 =	simm.s32 $0x80  }
0x35d: {  	s24 =	sadd.s32 $0x1, s24  }
0x35e: {  	p0 =	sne.s32 s24, $0x10  }
.Ltmp7:
0x35f: {  	_ = 	snop;
	(pc) =	sbr.rel @p0 .LBB2_14-.Ltmp7, $1  }
0x360: {  	_ =	sdelay $0x3  }
0x361: {  	s0 =	simm.s32 $0x14400  }
0x362: {  	[hbm4b:s9+s2] =	stream.linear.scatter [tilespmem:s0], [sflag:$0x3], $0x2000, $0x38;
	[tilespmem:$0x16400] =	vst v63  }
0x363: {  	_ =	swait.ge [sflag:s12], $0x2000  }
0x364: {  	[sflag:s12] =	ssyncset.done $0x0  }
0x365: {  	[sflag:s12] =	ssyncadd.s32 $0xFFFFE000  }
0x366: {  	_ =	swait.ge [sflag:s12], $0x2000  }
0x367: {  	[sflag:s12] =	ssyncset.done $0x0  }
0x368: {  	s23 =	sadd.s32 $0x1, s23;
	[sflag:s12] =	ssyncadd.s32 $0xFFFFE000  }
0x369: {  	p0 =	sne.s32 s23, s10;
	_ =	swait.ge [sflag:s12], $0x2000  }
.Ltmp8:
0x36a: {  	[sflag:s12] =	ssyncset.done $0x0;
	(pc) =	sbr.rel @p0 .LBB2_1-.Ltmp8, $4  }
0x36b: {  	[sflag:s12] =	ssyncadd.s32 $0xFFFFE000  }
0x36c: {  	_ =	swait.ge [sflag:s12], $0x2000  }
0x36d: {  	[sflag:s12] =	ssyncset.done $0x0  }
0x36e: {  	s4 =	simm.s32 $0x400;
	s16 =	simm.s32 $0xC00;
	[sflag:s12] =	ssyncadd.s32 $0xFFFFE000  }
0x36f: {  	_ =	sfence.sel $0x180000  }
0x370: {  	[bflag:$0x0] =	sbarrier.arrive $0xFFFF  }
0x371: {  	_ =	strace $0x9000004A  }
0x372: {  	s0 =	stileid.u32;
	[bflag:$0x2] =	sbarrier.arrive $0xFFFF  }
0x373: {  	p0 =	sne.s32 s0, $0x0;
	s0 =	rddreg [dreg:$0x3]  }
0x374: {  	s0 =	sadd.s32 @!p0 $0x100000, s0  }
0x375: {  	[sflag:s0] =	ssyncadd.tile.s32 @!p0 $0x1;
	_ =	shalt  }
.Lfunc_end2:
_tile_overlayer_lowered:
.L_overlay_start_2:
0x376: {  	(tag) =	ssettag $0x2  }
0x377: {  	s0 =	rddreg [dreg:$0x0];
	s2 =	stileid.u32  }
0x378: {  	s1 =	rddreg [dreg:$0x1];
	p0 =	sne.s32 s2, $0x0  }
0x379: {  	s3 =	rddreg [dreg:$0x2];
	[bflag:$0x3] =	sbarrier.arrive $0xFFFF;
	s2 =	simm.s32 @!p0 $0x1C04  }
0x37a: {  	[timem:s3], [sflag:s2] =	dma.local @!p0 [hbm:s0], s1  }
0x37b: {  	s0 =	simm.s32 @!p0 $0x4  }
0x37c: {  	_ =	swait.ge @!p0 [sflag:s0], s1  }
0x37d: {  	s1 =	ssub.s32 @!p0 $0x0, s1;
	[sflag:s0] =	ssyncset.done @!p0 $0x0  }
0x37e: {  	[sflag:s0] =	ssyncadd.s32 @!p0 s1  }
0x37f: {  	[bflag:$0x3] =	sbarrier.arrive $0xFFFF  }
0x380: {  	_ =	shalt  }

// kernel: kernel.14.cloned.1.call-start
scs
__scs_entry_jumppad:
0x0: {  	(pc) =	sbr.rel $0x88, $3  }
0x1: {  	(tag) =	ssettag $0x0;
	lr =	simm.s32 $0x1  }
0x2: {  	[smem:$0x3F93] =	sst lr;
	_ =	strace $0xD0000000  }
0x3: {  	_ = 	snop  }
0x4: {  	_ = 	snop  }
0x5: {  	_ = 	snop  }
0x6: {  	_ = 	snop  }
0x7: {  	_ = 	snop  }
__scs_overlays_trampoline_lowered:
0x8: {  	[smem:$0x3FA2] =	sst s0  }
0x9: {  	[smem:$0x3FA3] =	sst s1  }
0xa: {  	[smem:$0x3FA4] =	sst s2  }
0xb: {  	[smem:$0x3FA5] =	sst s3  }
0xc: {  	[smem:$0x3FA6] =	sst s4  }
0xd: {  	[smem:$0x3FA7] =	sst s5  }
0xe: {  	[smem:$0x3FA8] =	sst s6  }
0xf: {  	[smem:$0x3FA9] =	sst s7  }
0x10: {  	[smem:$0x3FAA] =	sst s8  }
0x11: {  	[smem:$0x3FAB] =	sst s9;
	s0 =	simm.s32 @!p0 $0x0  }
0x12: {  	s1 =	sld [smem:$0x3F91];
	s0 =	simm.s32 @p0 $0x1  }
0x13: {  	[smem:$0x3FAC] =	sst s0;
	s0 =	simm.s32 @!p1 $0x0  }
0x14: {  	s2 =	sld [smem:$0x3F90];
	s0 =	simm.s32 @p1 $0x1  }
0x15: {  	[smem:$0x3FAD] =	sst s0;
	s0 =	simm.s32 @!p2 $0x0  }
0x16: {  	s3 =	sld [smem:$0x3FDB];
	s0 =	simm.s32 @p2 $0x1  }
0x17: {  	s4 =	simm.s32 $0x1BF5;
	[smem:$0x3FAF] =	sst s0  }
0x18: {  	s0 =	sld [smem:$0x3F92];
	_ =	swait.ge [sflag:s4], $0x0  }
0x19: {  	s7 =	sld [smem:$0x3F93]  }
0x1a: {  	s8 =	sadd.s32 $0xFFFFE003, lr  }
0x1b: {  	s9 =	sadd.s32 $0xFFFFFEF7, lr;
	s5 =	simm.s32 $0xFFFFFFFF;
	p2 =	slt.u32 s8, $0xFFFFF086  }
0x1c: {  	p1 =	slt.u32 s9, $0xF7A;
	s5 =	simm.s32 @!p2 $0x0  }
0x1d: {  	s5 =	simm.s32 @p1 $0x1;
	p0 =	seq.s32 s7, s2  }
0x1e: {  	s7 =	smul.u32 @!p0 $0xF7A, s2;
	p2 =	seq.s32 @!p0 s5, $0x0  }
0x1f: {  	s9 =	smul.u32 $0xF7A, s1;
	s8 =	simm.s32 @!p0 $0x1BF5;
	p2 =	por !p2, p0  }
0x20: {  	[sflag:s8] =	ssyncset.s32 @!p0 $0xFFFFF086;
	s6 =	sadd.s32 @!p0 s3, s7;
	s7 =	simm.s32 @!p0 $0x108  }
0x21: {  	s3 =	sadd.s32 s3, s9;
	s6 =	sadd.s32 @!p0 $0x88, s6;
	s7 =	simm.s32 @p2 $0x1082  }
0x22: {  	[simem:s7], [sflag:s8] =	dma.local @!p0 [hbm:s6], $0xF7A  }
0x23: {  	s9 =	sor.u32 $0xD0000000, s2;
	s6 =	simm.s32 $0x108;
	_ =	swait.ge @!p0 [sflag:s8], $0x0  }
0x24: {  	s3 =	sadd.s32 $0x88, s3;
	s6 =	simm.s32 @!p1 $0x1082;
	[sflag:s4] =	ssyncset.s32 $0xFFFFF086  }
0x25: {  	[simem:s6], [sflag:s4] =	dma.local [hbm:s3], $0xF7A  }
0x26: {  	[smem:$0x3F93] =	sst s1;
	(tag) =	ssettag s2;
	_ =	strace s9  }
0x27: {  	s1 =	sld [smem:$0x3FA3]  }
0x28: {  	s2 =	sld [smem:$0x3FA4]  }
0x29: {  	s4 =	sld [smem:$0x3FA6]  }
0x2a: {  	p0 =	seq.s32 s5, $0x0;
	s5 =	sld [smem:$0x3FA7]  }
0x2b: {  	s6 =	sld [smem:$0x3FA8]  }
0x2c: {  	s7 =	sld [smem:$0x3FA9]  }
0x2d: {  	s3 =	simm.s32 $0x108;
	s8 =	sld [smem:$0x3FAA]  }
0x2e: {  	s3 =	simm.s32 @!p0 $0x1082;
	s9 =	sld [smem:$0x3FAB]  }
0x2f: {  	lr =	sadd.s32 s0, s3;
	s0 =	sld [smem:$0x3FA2]  }
0x30: {  	s3 =	sld [smem:$0x3FA5]  }
0x31: {  	[smem:$0x3FAE] =	sst s10  }
0x32: {  	s10 =	sld [smem:$0x3FAC];
	_ =	sdelay $0x3  }
0x33: {  	p0 =	seq.s32 s10, $0x1;
	s10 =	sld [smem:$0x3FAE];
	_ =	sdelay $0x3  }
0x34: {  	[smem:$0x3FAE] =	sst s10  }
0x35: {  	s10 =	sld [smem:$0x3FAD];
	_ =	sdelay $0x3  }
0x36: {  	p1 =	seq.s32 s10, $0x1;
	s10 =	sld [smem:$0x3FAE];
	_ =	sdelay $0x3  }
0x37: {  	[smem:$0x3FAE] =	sst s10  }
0x38: {  	s10 =	sld [smem:$0x3FAF]  }
0x39: {  	_ = 	snop;
	(pc) =	sbr.ind lr, $3  }
0x3a: {  	_ = 	snop  }
0x3b: {  	_ = 	snop  }
0x3c: {  	p2 =	seq.s32 s10, $0x1;
	s10 =	sld [smem:$0x3FAE]  }
0x3d: {  	_ =	shalt  }
0x3e: {  	_ =	shalt  }
0x3f: {  	_ =	shalt  }
0x40: {  	_ =	shalt  }
0x41: {  	_ =	shalt  }
0x42: {  	_ =	shalt  }
0x43: {  	_ =	shalt  }
0x44: {  	_ =	shalt  }
0x45: {  	_ =	shalt  }
0x46: {  	_ =	shalt  }
0x47: {  	_ =	shalt  }
0x48: {  	_ =	shalt  }
0x49: {  	_ =	shalt  }
0x4a: {  	_ =	shalt  }
0x4b: {  	_ =	shalt  }
0x4c: {  	_ =	shalt  }
0x4d: {  	_ =	shalt  }
0x4e: {  	_ =	shalt  }
0x4f: {  	_ =	shalt  }
0x50: {  	_ =	shalt  }
0x51: {  	_ =	shalt  }
0x52: {  	_ =	shalt  }
0x53: {  	_ =	shalt  }
0x54: {  	_ =	shalt  }
0x55: {  	_ =	shalt  }
0x56: {  	_ =	shalt  }
0x57: {  	_ =	shalt  }
0x58: {  	_ =	shalt  }
0x59: {  	_ =	shalt  }
0x5a: {  	_ =	shalt  }
0x5b: {  	_ =	shalt  }
0x5c: {  	_ =	shalt  }
0x5d: {  	_ =	shalt  }
0x5e: {  	_ =	shalt  }
0x5f: {  	_ =	shalt  }
0x60: {  	_ =	shalt  }
0x61: {  	_ =	shalt  }
0x62: {  	_ =	shalt  }
0x63: {  	_ =	shalt  }
0x64: {  	_ =	shalt  }
0x65: {  	_ =	shalt  }
0x66: {  	_ =	shalt  }
0x67: {  	_ =	shalt  }
0x68: {  	_ =	shalt  }
0x69: {  	_ =	shalt  }
0x6a: {  	_ =	shalt  }
0x6b: {  	_ =	shalt  }
0x6c: {  	_ =	shalt  }
0x6d: {  	_ =	shalt  }
0x6e: {  	_ =	shalt  }
0x6f: {  	_ =	shalt  }
0x70: {  	_ =	shalt  }
0x71: {  	_ =	shalt  }
0x72: {  	_ =	shalt  }
0x73: {  	_ =	shalt  }
0x74: {  	_ =	shalt  }
0x75: {  	_ =	shalt  }
0x76: {  	_ =	shalt  }
0x77: {  	_ =	shalt  }
0x78: {  	_ =	shalt  }
0x79: {  	_ =	shalt  }
0x7a: {  	_ =	shalt  }
0x7b: {  	_ =	shalt  }
0x7c: {  	_ =	shalt  }
0x7d: {  	_ =	shalt  }
0x7e: {  	_ =	shalt  }
0x7f: {  	_ =	shalt  }
0x80: {  	_ =	shalt  }
0x81: {  	_ =	shalt  }
0x82: {  	_ =	shalt  }
0x83: {  	_ =	shalt  }
0x84: {  	_ =	shalt  }
0x85: {  	_ =	shalt  }
0x86: {  	_ =	shalt  }
0x87: {  	_ =	shalt  }
.Lfunc_end0:
.L_simem_size_0:
called_computation.2_lowered:
.L_overlay_start_0:
0x88: {  	s2 =	sld [smem:$0x3FD9]  }
0x89: {  	s3 =	sld [smem:$0x3FFE];
	_ =	sdelay $0x1  }
0x8a: {  	s1 =	srdreg.scid  }
0x8b: {  	s0 =	sand.u32 $0x1, s1  }
0x8c: {  	s16 =	sshll.u32 s0, $0xA;
	s2 =	sadd.s32 s3, s2  }
0x8d: {  	s2 =	sadd.s32 s2, s16  }
0x8e: {  	[smem:$0x3FBA] =	sst s2  }
0x8f: {  	_ = 	snop  }
0x90: {  	(tm) =	ssettm $0x1  }
0x91: {  	s17 =	sld [smem:$0x3FFB];
	_ =	sdelay $0x3  }
0x92: {  	_ =	strace s17  }
0x93: {  	s2 =	sld [smem:$0x3FFC];
	_ =	sdelay $0x3  }
0x94: {  	_ =	strace s2  }
0x95: {  	s2 =	sld [smem:$0x3FFD];
	_ =	sdelay $0x3  }
0x96: {  	_ =	strace s2  }
0x97: {  	_ =	strace $0x8FFFFFFF  }
0x98: {  	s18 =	sld [smem:$0x3FDB];
	_ =	sdelay $0x1  }
0x99: {  	s19 =	simm.s32 $_scs_section_size  }
0x9a: {  	s4 =	simm.s32 $_size__tile_overlayer_lowered;
	s5 =	simm.s32 $_tile_overlayer_lowered  }
0x9b: {  	s22 =	simm.s32 $0x1BFF;
	s21 =	sshll.u32 s5, $0x1;
	s2 =	sadd.s32 s19, s18  }
0x9c: {  	s6 =	simm.s32 $0x0;
	s20 =	sshll.u32 s4, $0x1;
	s4 =	sadd.s32 s21, s2  }
0x9d: {  	[timem:s6], [sflag:s22] =	dma.local [hbm:s4], s20  }
0x9e: {  	_ =	swait.ge [sflag:s22], s20  }
0x9f: {  	s3 =	ssub.s32 $0x0, s20;
	[sflag:s22] =	ssyncset.done $0x0  }
0xa0: {  	[sflag:s22] =	ssyncadd.s32 s3;
	_ =	sdelay $0x1  }
0xa1: {  	s23 =	simm.s32 $0x1B8B  }
0xa2: {  	_ =	swait.ge [sflag:s23], $0x1  }
0xa3: {  	[sflag:s23] =	ssyncset.done $0x0  }
0xa4: {  	s25 =	simm.s32 $0x1B8E;
	s24 =	sld [smem:$0x3FFE];
	[sflag:s23] =	ssyncadd.s32 $0xFFFFFFFF  }
0xa5: {  	s26 =	simm.s32 $execute0_lowered;
	[smem:$0x3FD2] =	sst s25  }
0xa6: {  	s4 =	sshll.u32 s26, $0x1;
	_ =	strace $0x8000004C;
	[dreg:$0x1] =	wrdreg $0xFFFFFFFF  }
0xa7: {  	s28 =	simm.s32 $_size_execute0_lowered;
	s2 =	sadd.s32 s2, s4;
	[dreg:$0x0] =	wrdreg $0x0  }
0xa8: {  	s4 =	sshll.u32 s28, $0x1;
	[dreg:$0x2] =	wrdreg s2  }
0xa9: {  	[dreg:$0x3] =	wrdreg s4  }
0xaa: {  	[dreg:$0x4] =	wrdreg $0xC0  }
0xab: {  	_ =	task [dreg:s6], $0x5FFFF  }
0xac: {  	[dreg:$0x1] =	wrdreg $0xFFFFFFFF  }
0xad: {  	[dreg:$0x0] =	wrdreg $0x60  }
0xae: {  	[dreg:$0x2] =	wrdreg s24  }
0xaf: {  	[dreg:$0x3] =	wrdreg $0x9  }
0xb0: {  	_ =	task.clear_ibuf [dreg:s6], $0x4FFFF;
	_ =	strace $0x9000004C  }
0xb1: {  	s29 =	simm.s32 $0x9;
	_ =	strace $0x8000004E  }
0xb2: {  	_ =	swait.ge [sflag:s29], $0x1  }
0xb3: {  	[sflag:s29] =	ssyncadd.s32 $0xFFFFFFFF  }
0xb4: {  	_ =	strace $0x9000004E  }
0xb5: {  	_ =	sfence  }
0xb6: {  	s30 =	sld [smem:$0x0];
	_ =	sdelay $0x2  }
0xb7: {  	s31 =	sshll.u32 s1, $0xD;
	s1 =	sshrl.u32 s1, $0x2  }
0xb8: {  	s3 =	sand.u32 $0x4000, s31;
	s1 =	sadd.s32 s1, s30  }
0xb9: {  	s0 =	sor.u32 s3, s0;
	s1 =	sshll.u32 s1, $0x11  }
0xba: {  	s0 =	sor.u32 s1, s0  }
0xbb: {  	s0 =	sadd.s32 $0x8F2B, s0  }
0xbc: {  	[sflag:s0] =	ssyncadd.remote.s32 $0x1  }
0xbd: {  	_ =	sfence.sel $0xFFFF  }
0xbe: {  	[dreg:$0x0] =	wrdreg $0xFFFFFFFF;
	(pc) =	sbr.abs _section_cstart, $3  }
0xbf: {  	[dreg:$0x1] =	wrdreg $0xFFFFFFFF  }
0xc0: {  	_ =	task.clear_ibuf [dreg:s6], $0x2FFFF;
	_ =	strace $0x9FFFFFFF  }
0xc1: {  	(tm) =	ssettm $0x7FFFFFFF  }
tec
execute0_lowered:
.L_overlay_start_1:
0x0: {  	(tag) =	ssettag $0x1  }
0x1: {  	s0 =	srdreg.scid;
	s2 =	stileid.u32  }
0x2: {  	s1 =	rddreg [dreg:$0x0];
	s9 =	simm.s32 $0x100;
	s10 =	simm.s32 $0x3  }
0x3: {  	s14 =	simm.s32 $0xCA00;
	s15 =	simm.s32 $0xD200;
	s16 =	simm.s32 $0xDA00  }
0x4: {  	s17 =	simm.s32 $0x1;
	s18 =	simm.s32 $0xE200;
	s19 =	simm.s32 $0x2  }
0x5: {  	s20 =	simm.s32 $0x10200;
	s0 =	sand.u32 $0x1, s0;
	s3 =	sshll.u32 s2, $0x1  }
0x6: {  	s21 =	simm.s32 $0x0;
	s2 =	simm.s32 $0x0;
	s4 =	sor.u32 s0, s3  }
0x7: {  	[smem:$0x7FF] =	sst s2;
	s0 =	ssub.s32 $0x2, s0;
	s5 =	smul.u32 $0x1C, s4  }
0x8: {  	s3 =	sadd.s32 $0x2800, s1;
	_ =	strace $0x8000004D;
	s6 =	sshrl.u32 s0, $0x1  }
0x9: {  	v2 =	vlaneseq.u32;
	s4 =	sshll.u32 s4, $0xB;
	s0 =	ssub.s32 s0, s6;
	s5 =	sadd.s32 s5, s1  }
0xa: {  	vm0 =	vmmov $0xffff;
	v1 =	vshrl.u32 v2, $0x3;
	s1 =	sadd.s32 s4, s1;
	s8 =	smax.u32 s0, $0x1;
	s4 =	sadd.s32 $0x32800, s5  }
0xb: {  	v0 =	vand.u32 $0x7, v2;
	v2 =	vor.u32 $0x8, v2;
	v1 =	vmul.u32 $0x8, v1;
	s5 =	sadd.s32 $0x32C00, s5;
	s6 =	sadd.s32 $0x12800, s1;
	s7 =	sadd.s32 $0x12C00, s1  }
.LBB2_1:
0xc: {  	[tilespmem:s2], [sflag:$0x3] =	stream.linear.gather [hbm4b:s4+s2], $0xE0, $0x38;
	[tilespmem:$0x12200] =	vst v63  }
0xd: {  	_ = 	snop  }
0xe: {  	[tilespmem:s9], [sflag:$0x3] =	stream.linear.gather [hbm4b:s5+s2], $0xE0, $0x38;
	[tilespmem:$0x12200] =	vst v63  }
0xf: {  	_ =	swait.ge [sflag:s10], $0xE0  }
0x10: {  	[sflag:s10] =	ssyncset.done $0x0  }
0x11: {  	[sflag:s10] =	ssyncadd.s32 $0xFFFFFF20  }
0x12: {  	_ =	swait.ge [sflag:s10], $0xE0  }
0x13: {  	[sflag:s10] =	ssyncset.done $0x0  }
0x14: {  	[sflag:s10] =	ssyncadd.s32 $0xFFFFFF20  }
0x15: {  	v3 =	vld [tilespmem:$0x0];
	_ =	sdelay $0x4  }
0x16: {  	v4 =	vshll.u32 v3, $0x1  }
0x17: {  	v3 =	vand.u32 $0x7, v3;
	v4 =	vand.u32 $0xFFFFFFF0, v4  }
0x18: {  	v3 =	vor.u32 v3, v4  }
0x19: {  	v4 =	vperm.xlane v3, v0;
	_ =	sdelay $0x1  }
0x1a: {  	v3 =	vperm.xlane v3, v2;
	v4 =	vadd.s32 v1, v4;
	_ =	sdelay $0x1  }
0x1b: {  	v3 =	vadd.s32 v1, v3;
	_ =	sdelay $0x1  }
0x1c: {  	s0 =	simm.s32 $0x200  }
0x1d: {  	[tilespmem:s0], [sflag:$0x1] =	stream.indirect_vreg.gather [hbm4b:s3+s2], $0x80, v4, vm0, $0xb8;
	[tilespmem:$0x12200] =	vst v63  }
0x1e: {  	s12 =	simm.s32 $0xA00  }
0x1f: {  	[tilespmem:s12], [sflag:$0x1] =	stream.indirect_vreg.gather [hbm4b:s3+s2], $0x80, v3, vm0, $0xb8;
	[tilespmem:$0x12200] =	vst v63  }
0x20: {  	v3 =	vld [tilespmem:$0x10];
	_ =	sdelay $0x4  }
0x21: {  	v51 =	vshll.u32 v3, $0x1  }
0x22: {  	v3 =	vand.u32 $0x7, v3;
	v4 =	vand.u32 $0xFFFFFFF0, v51  }
0x23: {  	v3 =	vor.u32 v3, v4  }
0x24: {  	v4 =	vperm.xlane v3, v0;
	_ =	sdelay $0x1  }
0x25: {  	v3 =	vperm.xlane v3, v2;
	v4 =	vadd.s32 v1, v4;
	_ =	sdelay $0x1  }
0x26: {  	v3 =	vadd.s32 v1, v3;
	_ =	sdelay $0x1  }
0x27: {  	s13 =	simm.s32 $0x1200  }
0x28: {  	[tilespmem:s13], [sflag:$0x1] =	stream.indirect_vreg.gather [hbm4b:s3+s2], $0x80, v4, vm0, $0xb8;
	[tilespmem:$0x12200] =	vst v63  }
0x29: {  	s22 =	simm.s32 $0x1A00  }
0x2a: {  	[tilespmem:s22], [sflag:$0x1] =	stream.indirect_vreg.gather [hbm4b:s3+s2], $0x80, v3, vm0, $0xb8;
	[tilespmem:$0x12200] =	vst v63  }
0x2b: {  	v3 =	vld [tilespmem:$0x20];
	_ =	sdelay $0x4  }
0x2c: {  	v52 =	vshll.u32 v3, $0x1  }
0x2d: {  	v3 =	vand.u32 $0x7, v3;
	v4 =	vand.u32 $0xFFFFFFF0, v52  }
0x2e: {  	v3 =	vor.u32 v3, v4  }
0x2f: {  	v4 =	vperm.xlane v3, v0;
	_ =	sdelay $0x1  }
0x30: {  	v3 =	vperm.xlane v3, v2;
	v4 =	vadd.s32 v1, v4;
	_ =	sdelay $0x1  }
0x31: {  	v3 =	vadd.s32 v1, v3;
	_ =	sdelay $0x1  }
0x32: {  	s23 =	simm.s32 $0x2200  }
0x33: {  	[tilespmem:s23], [sflag:$0x1] =	stream.indirect_vreg.gather [hbm4b:s3+s2], $0x80, v4, vm0, $0xb8;
	[tilespmem:$0x12200] =	vst v63  }
0x34: {  	s24 =	simm.s32 $0x2A00  }
0x35: {  	[tilespmem:s24], [sflag:$0x1] =	stream.indirect_vreg.gather [hbm4b:s3+s2], $0x80, v3, vm0, $0xb8;
	[tilespmem:$0x12200] =	vst v63  }
0x36: {  	v3 =	vld [tilespmem:$0x30];
	_ =	sdelay $0x4  }
0x37: {  	v53 =	vshll.u32 v3, $0x1  }
0x38: {  	v3 =	vand.u32 $0x7, v3;
	v4 =	vand.u32 $0xFFFFFFF0, v53  }
0x39: {  	v3 =	vor.u32 v3, v4  }
0x3a: {  	v4 =	vperm.xlane v3, v0;
	_ =	sdelay $0x1  }
0x3b: {  	v3 =	vperm.xlane v3, v2;
	v4 =	vadd.s32 v1, v4;
	_ =	sdelay $0x1  }
0x3c: {  	v3 =	vadd.s32 v1, v3;
	_ =	sdelay $0x1  }
0x3d: {  	s25 =	simm.s32 $0x3200  }
0x3e: {  	[tilespmem:s25], [sflag:$0x1] =	stream.indirect_vreg.gather [hbm4b:s3+s2], $0x80, v4, vm0, $0xb8;
	[tilespmem:$0x12200] =	vst v63  }
0x3f: {  	s26 =	simm.s32 $0x3A00  }
0x40: {  	[tilespmem:s26], [sflag:$0x1] =	stream.indirect_vreg.gather [hbm4b:s3+s2], $0x80, v3, vm0, $0xb8;
	[tilespmem:$0x12200] =	vst v63  }
0x41: {  	v3 =	vld [tilespmem:$0x40];
	_ =	sdelay $0x4  }
0x42: {  	v54 =	vshll.u32 v3, $0x1  }
0x43: {  	v3 =	vand.u32 $0x7, v3;
	v4 =	vand.u32 $0xFFFFFFF0, v54  }
0x44: {  	v3 =	vor.u32 v3, v4  }
0x45: {  	v4 =	vperm.xlane v3, v0;
	_ =	sdelay $0x1  }
0x46: {  	v3 =	vperm.xlane v3, v2;
	v4 =	vadd.s32 v1, v4;
	_ =	sdelay $0x1  }
0x47: {  	v3 =	vadd.s32 v1, v3;
	_ =	sdelay $0x1  }
0x48: {  	s28 =	simm.s32 $0x4200  }
0x49: {  	[tilespmem:s28], [sflag:$0x1] =	stream.indirect_vreg.gather [hbm4b:s3+s2], $0x80, v4, vm0, $0xb8;
	[tilespmem:$0x12200] =	vst v63  }
0x4a: {  	s29 =	simm.s32 $0x4A00  }
0x4b: {  	[tilespmem:s29], [sflag:$0x1] =	stream.indirect_vreg.gather [hbm4b:s3+s2], $0x80, v3, vm0, $0xb8;
	[tilespmem:$0x12200] =	vst v63  }
0x4c: {  	v3 =	vld [tilespmem:$0x50];
	_ =	sdelay $0x4  }
0x4d: {  	v55 =	vshll.u32 v3, $0x1  }
0x4e: {  	v3 =	vand.u32 $0x7, v3;
	v4 =	vand.u32 $0xFFFFFFF0, v55  }
0x4f: {  	v3 =	vor.u32 v3, v4  }
0x50: {  	v4 =	vperm.xlane v3, v0;
	_ =	sdelay $0x1  }
0x51: {  	v3 =	vperm.xlane v3, v2;
	v4 =	vadd.s32 v1, v4;
	_ =	sdelay $0x1  }
0x52: {  	v3 =	vadd.s32 v1, v3;
	_ =	sdelay $0x1  }
0x53: {  	s30 =	simm.s32 $0x5200  }
0x54: {  	[tilespmem:s30], [sflag:$0x1] =	stream.indirect_vreg.gather [hbm4b:s3+s2], $0x80, v4, vm0, $0xb8;
	[tilespmem:$0x12200] =	vst v63  }
0x55: {  	s31 =	simm.s32 $0x5A00  }
0x56: {  	[tilespmem:s31], [sflag:$0x1] =	stream.indirect_vreg.gather [hbm4b:s3+s2], $0x80, v3, vm0, $0xb8;
	[tilespmem:$0x12200] =	vst v63  }
0x57: {  	v3 =	vld [tilespmem:$0x60];
	_ =	sdelay $0x4  }
0x58: {  	v56 =	vshll.u32 v3, $0x1  }
0x59: {  	v3 =	vand.u32 $0x7, v3;
	v4 =	vand.u32 $0xFFFFFFF0, v56  }
0x5a: {  	v3 =	vor.u32 v3, v4  }
0x5b: {  	v4 =	vperm.xlane v3, v0;
	_ =	sdelay $0x1  }
0x5c: {  	v3 =	vperm.xlane v3, v2;
	v4 =	vadd.s32 v1, v4;
	_ =	sdelay $0x1  }
0x5d: {  	v3 =	vadd.s32 v1, v3;
	_ =	sdelay $0x1  }
0x5e: {  	s1 =	simm.s32 $0x6200  }
0x5f: {  	[tilespmem:s1], [sflag:$0x1] =	stream.indirect_vreg.gather [hbm4b:s3+s2], $0x80, v4, vm0, $0xb8;
	[tilespmem:$0x12200] =	vst v63  }
0x60: {  	s11 =	simm.s32 $0x6A00  }
0x61: {  	[tilespmem:s11], [sflag:$0x1] =	stream.indirect_vreg.gather [hbm4b:s3+s2], $0x80, v3, vm0, $0xb8;
	[tilespmem:$0x12200] =	vst v63  }
0x62: {  	v3 =	vld [tilespmem:$0x70];
	_ =	sdelay $0x4  }
0x63: {  	v57 =	vshll.u32 v3, $0x1  }
0x64: {  	v3 =	vand.u32 $0x7, v3;
	v4 =	vand.u32 $0xFFFFFFF0, v57  }
0x65: {  	v3 =	vor.u32 v3, v4  }
0x66: {  	v4 =	vperm.xlane v3, v0;
	_ =	sdelay $0x1  }
0x67: {  	v3 =	vperm.xlane v3, v2;
	v4 =	vadd.s32 v1, v4;
	_ =	sdelay $0x1  }
0x68: {  	v3 =	vadd.s32 v1, v3;
	_ =	sdelay $0x1  }
0x69: {  	s12 =	simm.s32 $0x7200  }
0x6a: {  	[tilespmem:s12], [sflag:$0x2] =	stream.indirect_vreg.gather [hbm4b:s3+s2], $0x80, v4, vm0, $0xb8;
	[tilespmem:$0x12200] =	vst v63  }
0x6b: {  	s13 =	simm.s32 $0x7A00  }
0x6c: {  	[tilespmem:s13], [sflag:$0x2] =	stream.indirect_vreg.gather [hbm4b:s3+s2], $0x80, v3, vm0, $0xb8;
	[tilespmem:$0x12200] =	vst v63  }
0x6d: {  	v3 =	vld [tilespmem:$0x80];
	_ =	sdelay $0x4  }
0x6e: {  	v58 =	vshll.u32 v3, $0x1  }
0x6f: {  	v3 =	vand.u32 $0x7, v3;
	v4 =	vand.u32 $0xFFFFFFF0, v58  }
0x70: {  	v3 =	vor.u32 v3, v4  }
0x71: {  	v4 =	vperm.xlane v3, v0;
	_ =	sdelay $0x1  }
0x72: {  	v3 =	vperm.xlane v3, v2;
	v4 =	vadd.s32 v1, v4;
	_ =	sdelay $0x1  }
0x73: {  	v3 =	vadd.s32 v1, v3;
	_ =	sdelay $0x1  }
0x74: {  	s22 =	simm.s32 $0x8200  }
0x75: {  	[tilespmem:s22], [sflag:$0x2] =	stream.indirect_vreg.gather [hbm4b:s3+s2], $0x80, v4, vm0, $0xb8;
	[tilespmem:$0x12200] =	vst v63  }
0x76: {  	s23 =	simm.s32 $0x8A00  }
0x77: {  	[tilespmem:s23], [sflag:$0x2] =	stream.indirect_vreg.gather [hbm4b:s3+s2], $0x80, v3, vm0, $0xb8;
	[tilespmem:$0x12200] =	vst v63  }
0x78: {  	v3 =	vld [tilespmem:$0x90];
	_ =	sdelay $0x4  }
0x79: {  	v59 =	vshll.u32 v3, $0x1  }
0x7a: {  	v3 =	vand.u32 $0x7, v3;
	v4 =	vand.u32 $0xFFFFFFF0, v59  }
0x7b: {  	v3 =	vor.u32 v3, v4  }
0x7c: {  	v4 =	vperm.xlane v3, v0;
	_ =	sdelay $0x1  }
0x7d: {  	v3 =	vperm.xlane v3, v2;
	v4 =	vadd.s32 v1, v4;
	_ =	sdelay $0x1  }
0x7e: {  	v3 =	vadd.s32 v1, v3;
	_ =	sdelay $0x1  }
0x7f: {  	s24 =	simm.s32 $0x9200  }
0x80: {  	[tilespmem:s24], [sflag:$0x2] =	stream.indirect_vreg.gather [hbm4b:s3+s2], $0x80, v4, vm0, $0xb8;
	[tilespmem:$0x12200] =	vst v63  }
0x81: {  	s25 =	simm.s32 $0x9A00  }
0x82: {  	[tilespmem:s25], [sflag:$0x2] =	stream.indirect_vreg.gather [hbm4b:s3+s2], $0x80, v3, vm0, $0xb8;
	[tilespmem:$0x12200] =	vst v63  }
0x83: {  	v3 =	vld [tilespmem:$0xA0];
	_ =	sdelay $0x4  }
0x84: {  	v60 =	vshll.u32 v3, $0x1  }
0x85: {  	v3 =	vand.u32 $0x7, v3;
	v4 =	vand.u32 $0xFFFFFFF0, v60  }
0x86: {  	v3 =	vor.u32 v3, v4  }
0x87: {  	v4 =	vperm.xlane v3, v0;
	_ =	sdelay $0x1  }
0x88: {  	v3 =	vperm.xlane v3, v2;
	v4 =	vadd.s32 v1, v4;
	_ =	sdelay $0x1  }
0x89: {  	v3 =	vadd.s32 v1, v3;
	_ =	sdelay $0x1  }
0x8a: {  	s26 =	simm.s32 $0xA200  }
0x8b: {  	[tilespmem:s26], [sflag:$0x2] =	stream.indirect_vreg.gather [hbm4b:s3+s2], $0x80, v4, vm0, $0xb8;
	[tilespmem:$0x12200] =	vst v63  }
0x8c: {  	s28 =	simm.s32 $0xAA00  }
0x8d: {  	[tilespmem:s28], [sflag:$0x2] =	stream.indirect_vreg.gather [hbm4b:s3+s2], $0x80, v3, vm0, $0xb8;
	[tilespmem:$0x12200] =	vst v63  }
0x8e: {  	v3 =	vld [tilespmem:$0xB0];
	_ =	sdelay $0x4  }
0x8f: {  	v61 =	vshll.u32 v3, $0x1  }
0x90: {  	v3 =	vand.u32 $0x7, v3;
	v4 =	vand.u32 $0xFFFFFFF0, v61  }
0x91: {  	v3 =	vor.u32 v3, v4  }
0x92: {  	v4 =	vperm.xlane v3, v0;
	_ =	sdelay $0x1  }
0x93: {  	v3 =	vperm.xlane v3, v2;
	v4 =	vadd.s32 v1, v4;
	_ =	sdelay $0x1  }
0x94: {  	v3 =	vadd.s32 v1, v3;
	_ =	sdelay $0x1  }
0x95: {  	s29 =	simm.s32 $0xB200  }
0x96: {  	[tilespmem:s29], [sflag:$0x2] =	stream.indirect_vreg.gather [hbm4b:s3+s2], $0x80, v4, vm0, $0xb8;
	[tilespmem:$0x12200] =	vst v63  }
0x97: {  	s30 =	simm.s32 $0xBA00  }
0x98: {  	[tilespmem:s30], [sflag:$0x2] =	stream.indirect_vreg.gather [hbm4b:s3+s2], $0x80, v3, vm0, $0xb8;
	[tilespmem:$0x12200] =	vst v63  }
0x99: {  	v3 =	vld [tilespmem:$0xC0];
	_ =	sdelay $0x4  }
0x9a: {  	v62 =	vshll.u32 v3, $0x1  }
0x9b: {  	v3 =	vand.u32 $0x7, v3;
	v4 =	vand.u32 $0xFFFFFFF0, v62  }
0x9c: {  	v3 =	vor.u32 v3, v4  }
0x9d: {  	v4 =	vperm.xlane v3, v0;
	_ =	sdelay $0x1  }
0x9e: {  	v3 =	vperm.xlane v3, v2;
	v4 =	vadd.s32 v1, v4;
	_ =	sdelay $0x1  }
0x9f: {  	v3 =	vadd.s32 v1, v3;
	_ =	sdelay $0x1  }
0xa0: {  	s31 =	simm.s32 $0xC200  }
0xa1: {  	[tilespmem:s31], [sflag:$0x2] =	stream.indirect_vreg.gather [hbm4b:s3+s2], $0x80, v4, vm0, $0xb8;
	[tilespmem:$0x12200] =	vst v63  }
0xa2: {  	_ = 	snop  }
0xa3: {  	[tilespmem:s14], [sflag:$0x2] =	stream.indirect_vreg.gather [hbm4b:s3+s2], $0x80, v3, vm0, $0xb8;
	[tilespmem:$0x12200] =	vst v63  }
0xa4: {  	v3 =	vld [tilespmem:$0xD0];
	_ =	sdelay $0x4  }
0xa5: {  	v63 =	vshll.u32 v3, $0x1  }
0xa6: {  	v3 =	vand.u32 $0x7, v3;
	v4 =	vand.u32 $0xFFFFFFF0, v63  }
0xa7: {  	v3 =	vor.u32 v3, v4  }
0xa8: {  	v4 =	vperm.xlane v3, v0;
	_ =	sdelay $0x1  }
0xa9: {  	v3 =	vperm.xlane v3, v2;
	v4 =	vadd.s32 v1, v4;
	_ =	sdelay $0x1  }
0xaa: {  	v3 =	vadd.s32 v1, v3;
	_ =	sdelay $0x2  }
0xab: {  	[tilespmem:s15], [sflag:$0x2] =	stream.indirect_vreg.gather [hbm4b:s3+s2], $0x80, v4, vm0, $0xb8;
	[tilespmem:$0x12200] =	vst v63  }
0xac: {  	_ = 	snop  }
0xad: {  	[tilespmem:s16], [sflag:$0x2] =	stream.indirect_vreg.gather [hbm4b:s3+s2], $0x80, v3, vm0, $0xb8;
	[tilespmem:$0x12200] =	vst v63  }
0xae: {  	_ =	swait.ge [sflag:s17], $0x7000  }
0xaf: {  	[sflag:s17] =	ssyncset.done $0x0  }
0xb0: {  	s22 =	simm.s32 $0x0;
	[sflag:s17] =	ssyncadd.s32 $0xFFFF9000  }
.LBB2_2:
0xb1: {  	s23 =	smul.u32 $0x7, s22  }
0xb2: {  	s24 =	smul.u32 $0x700, s22  }
0xb3: {  	s28 =	smul.u32 $0x380, s22;
	s25 =	sadd.s32 $0x1, s23;
	s26 =	sadd.s32 $0x2, s23  }
0xb4: {  	s29 =	sadd.s32 $0x3, s23;
	s30 =	sadd.s32 $0x4, s23;
	s31 =	sadd.s32 $0x5, s23  }
0xb5: {  	s1 =	sadd.s32 $0x6, s23;
	s24 =	sand.u32 $0x7800, s24;
	s28 =	sand.u32 $0x380, s28  }
0xb6: {  	s24 =	sor.u32 s28, s24;
	s12 =	sshll.u32 s25, $0x8;
	s0 =	sshll.u32 s25, $0x7  }
0xb7: {  	s13 =	sshll.u32 s26, $0x8;
	s11 =	sshll.u32 s26, $0x7;
	v5 =	vmov s26;
	s26 =	sshll.u32 s30, $0x7  }
0xb8: {  	s24 =	sadd.s32 $0x200, s24;
	s28 =	sand.u32 $0xF800, s12;
	s0 =	sand.u32 $0x380, s0  }
0xb9: {  	s11 =	sand.u32 $0x380, s11;
	s12 =	sshll.u32 s29, $0x8;
	s26 =	sand.u32 $0x380, s26  }
0xba: {  	v3 =	vmov s23;
	s0 =	sor.u32 s0, s28;
	s28 =	sand.u32 $0xF800, s13;
	s13 =	sshll.u32 s29, $0x7  }
0xbb: {  	v4 =	vmov s25;
	s23 =	sand.u32 $0xF800, s12;
	s0 =	sadd.s32 $0x200, s0;
	s11 =	sor.u32 s11, s28  }
0xbc: {  	s12 =	sand.u32 $0x380, s13;
	s13 =	sshll.u32 s30, $0x8;
	s11 =	sadd.s32 $0x200, s11  }
0xbd: {  	v6 =	vmov s29;
	s23 =	sor.u32 s12, s23;
	s25 =	sand.u32 $0xF800, s13;
	s12 =	sshll.u32 s31, $0x8  }
0xbe: {  	v7 =	vmov s30;
	v11 =	vmov s31;
	v15 =	vmov s1;
	s13 =	sshll.u32 s31, $0x7;
	s31 =	sshll.u32 s1, $0x8;
	s1 =	sshll.u32 s1, $0x7  }
0xbf: {  	v3 =	vld.idx.msk [tilespmem:v3+s9+$0x0], $0xffff;
	s28 =	sand.u32 $0xF800, s12;
	s29 =	sand.u32 $0x380, s13;
	s30 =	sadd.s32 $0x200, s23  }
0xc0: {  	s26 =	sor.u32 s26, s25;
	v4 =	vld.idx.msk [tilespmem:v4+s9+$0x0], $0xffff;
	s23 =	sand.u32 $0xF800, s31;
	s12 =	sshll.u32 s22, $0x9  }
0xc1: {  	v5 =	vld.idx.msk [tilespmem:v5+s9+$0x0], $0xffff;
	s1 =	sand.u32 $0x380, s1;
	s13 =	sshll.u32 s22, $0x7;
	s29 =	sor.u32 s29, s28  }
0xc2: {  	v8 =	vmov s24;
	v6 =	vld.idx.msk [tilespmem:v6+s9+$0x0], $0xffff;
	s26 =	sadd.s32 $0x200, s26;
	s28 =	sand.u32 $0x1000, s12;
	s1 =	sor.u32 s1, s23  }
0xc3: {  	v9 =	vmov s0;
	v7 =	vld.idx.msk [tilespmem:v7+s9+$0x0], $0xffff;
	v10 =	vmov s11;
	s25 =	sadd.s32 $0x200, s29;
	s29 =	sand.u32 $0x380, s13;
	s23 =	sor.u32 $0xE200, s28  }
0xc4: {  	v11 =	vld.idx.msk [tilespmem:v11+s9+$0x0], $0xffff;
	v12 =	vmov s30;
	s28 =	sadd.s32 $0x200, s1;
	v13 =	vmov s26;
	s31 =	sadd.s32 s29, s23;
	v14 =	vmov s25  }
0xc5: {  	p0 =	por $0x1, $0x1;
	s24 =	simm.s32 $0x0;
	v15 =	vld.idx.msk [tilespmem:v15+s9+$0x0], $0xffff;
	v16 =	vmov s28;
	v18 =	vmov s29;
	v17 =	vmov s31  }
.LBB2_3:
0xc6: {  	s24 =	sshll.u32 s24, $0x3  }
0xc7: {  	v19 =	vld.idx.msk [tilespmem:v8+s24+$0x0 ss:$0x1], $0xffff  }
0xc8: {  	v20 =	vld.idx.msk [tilespmem:v9+s24+$0x0 ss:$0x1], $0xffff  }
0xc9: {  	v21 =	vld.idx.msk [tilespmem:v10+s24+$0x0 ss:$0x1], $0xffff  }
0xca: {  	v22 =	vld.idx.msk [tilespmem:v12+s24+$0x0 ss:$0x1], $0xffff  }
0xcb: {  	v23 =	vld.idx.msk [tilespmem:v13+s24+$0x0 ss:$0x1], $0xffff  }
0xcc: {  	v24 =	vld.idx.msk [tilespmem:v14+s24+$0x0 ss:$0x1], $0xffff  }
0xcd: {  	v26 =	vld.idx.msk [tilespmem:v16+s24+$0x0 ss:$0x1], $0xffff  }
0xce: {  	v32 =	vld.idx.msk [tilespmem:v8+s24+$0x10 ss:$0x1], $0xffff  }
0xcf: {  	v62 =	vld.idx.msk [tilespmem:v10+s24+$0x10 ss:$0x1], $0xffff  }
0xd0: {  	v63 =	vld.idx.msk [tilespmem:v12+s24+$0x10 ss:$0x1], $0xffff  }
0xd1: {  	v41 =	vld.idx.msk [tilespmem:v14+s24+$0x10 ss:$0x1], $0xffff;
	v25 =	vshll.u32 v19, $0x10;
	v27 =	vmul.f32 v19, v3;
	v19 =	vshll.u32 v20, $0x10  }
0xd2: {  	v51 =	vld.idx.msk [tilespmem:v8+s24+$0x20 ss:$0x1], $0xffff;
	v28 =	vshll.u32 v21, $0x10;
	v29 =	vshll.u32 v22, $0x10;
	v20 =	vmul.f32 v20, v4  }
0xd3: {  	v60 =	vld.idx.msk [tilespmem:v9+s24+$0x10 ss:$0x1], $0xffff;
	v30 =	vshll.u32 v23, $0x10;
	v21 =	vmul.f32 v21, v5;
	v22 =	vmul.f32 v22, v6  }
0xd4: {  	v31 =	vshll.u32 v24, $0x10;
	v23 =	vmul.f32 v23, v7;
	v24 =	vmul.f32 v24, v11  }
0xd5: {  	v40 =	vld.idx.msk [tilespmem:v13+s24+$0x10 ss:$0x1], $0xffff;
	v33 =	vshll.u32 v26, $0x10;
	v26 =	vmul.f32 v26, v15;
	v46 =	vmul.f32 v32, v3  }
0xd6: {  	v42 =	vshll.u32 v32, $0x10;
	v54 =	vmul.f32 v62, v5;
	v55 =	vmul.f32 v63, v6  }
0xd7: {  	v45 =	vld.idx.msk [tilespmem:v16+s24+$0x10 ss:$0x1], $0xffff;
	v34 =	vshll.u32 v63, $0x10;
	v58 =	vmul.f32 v41, v11;
	v63 =	vmul.f32 v51, v3  }
0xd8: {  	v53 =	vld.idx.msk [tilespmem:v10+s24+$0x20 ss:$0x1], $0xffff;
	v47 =	vshll.u32 v60, $0x10;
	v25 =	vmul.f32 v25, v3;
	v19 =	vmul.f32 v19, v4  }
0xd9: {  	v59 =	vld.idx.msk [tilespmem:v14+s24+$0x20 ss:$0x1], $0xffff;
	v48 =	vshll.u32 v62, $0x10;
	v28 =	vmul.f32 v28, v5;
	v29 =	vmul.f32 v29, v6  }
0xda: {  	v56 =	vld.idx.msk [tilespmem:v12+s24+$0x20 ss:$0x1], $0xffff;
	v35 =	vshll.u32 v40, $0x10;
	v30 =	vmul.f32 v30, v7;
	v31 =	vmul.f32 v31, v11  }
0xdb: {  	v36 =	vshll.u32 v41, $0x10;
	v33 =	vmul.f32 v33, v15;
	v44 =	vmul.f32 v42, v3  }
0xdc: {  	v37 =	vshll.u32 v45, $0x10;
	v32 =	vmul.f32 v48, v5;
	v34 =	vmul.f32 v34, v6  }
0xdd: {  	v41 =	vshll.u32 v53, $0x10;
	v49 =	vmul.f32 v35, v7;
	v50 =	vmul.f32 v36, v11  }
0xde: {  	v52 =	vld.idx.msk [tilespmem:v9+s24+$0x20 ss:$0x1], $0xffff;
	v38 =	vshll.u32 v59, $0x10;
	v37 =	vmul.f32 v37, v15;
	v35 =	vmul.f32 v41, v5  }
0xdf: {  	v42 =	vshll.u32 v56, $0x10;
	v20 =	vadd.f32 v20, v27;
	v21 =	vadd.f32 v22, v21  }
0xe0: {  	v57 =	vld.idx.msk [tilespmem:v13+s24+$0x20 ss:$0x1], $0xffff;
	v43 =	vadd.f32 v24, v23;
	v24 =	vmul.f32 v45, v15;
	v36 =	vmul.f32 v42, v6  }
0xe1: {  	v45 =	vmul.f32 v38, v11;
	v19 =	vadd.f32 v19, v25;
	v28 =	vadd.f32 v29, v28  }
0xe2: {  	v61 =	vadd.f32 v31, v30;
	v25 =	vmul.f32 v60, v4;
	v32 =	vadd.f32 v34, v32  }
0xe3: {  	v29 =	vmul.f32 v40, v7;
	v40 =	vshll.u32 v52, $0x10;
	v20 =	vadd.f32 v21, v20  }
0xe4: {  	v62 =	vld.idx.msk [tilespmem:v16+s24+$0x20 ss:$0x1], $0xffff;
	v31 =	vmul.f32 v56, v6;
	v21 =	vadd.f32 v50, v49;
	v22 =	vadd.f32 v26, v43  }
0xe5: {  	v48 =	vld.idx.msk [tilespmem:v10+s24+$0x30 ss:$0x1], $0xffff;
	v26 =	vadd.f32 v55, v54;
	v30 =	vmul.f32 v40, v4;
	v43 =	vshll.u32 v57, $0x10  }
0xe6: {  	v35 =	vadd.f32 v36, v35;
	v49 =	vmul.f32 v53, v5;
	v19 =	vadd.f32 v28, v19  }
0xe7: {  	v39 =	vadd.f32 v33, v61;
	v28 =	vmul.f32 v47, v4;
	v60 =	vadd.f32 v25, v46  }
0xe8: {  	v56 =	vld.idx.msk [tilespmem:v16+s24+$0x30 ss:$0x1], $0xffff;
	v61 =	vshll.u32 v51, $0x10;
	v33 =	vmul.f32 v59, v11;
	v21 =	vadd.f32 v37, v21  }
0xe9: {  	v50 =	vld.idx.msk [tilespmem:v12+s24+$0x30 ss:$0x1], $0xffff;
	v27 =	vmul.f32 v62, v15;
	v20 =	vadd.f32 v22, v20;
	v22 =	vadd.f32 v58, v29  }
0xea: {  	v46 =	vld.idx.msk [tilespmem:v8+s24+$0x30 ss:$0x1], $0xffff;
	v25 =	vmul.f32 v61, v3;
	v59 =	vshll.u32 v48, $0x10;
	v19 =	vadd.f32 v39, v19  }
0xeb: {  	v47 =	vld.idx.msk [tilespmem:v9+s24+$0x30 ss:$0x1], $0xffff;
	v23 =	vadd.f32 v28, v44;
	v44 =	vmul.f32 v43, v7;
	v39 =	vshll.u32 v62, $0x10  }
0xec: {  	v51 =	vld.idx.msk [tilespmem:v13+s24+$0x30 ss:$0x1], $0xffff;
	v28 =	vmul.f32 v52, v4;
	v25 =	vadd.f32 v30, v25;
	v39 =	vmul.f32 v39, v15  }
0xed: {  	v22 =	vadd.f32 v24, v22;
	v24 =	vadd.f32 v31, v49;
	v41 =	vshll.u32 v56, $0x10  }
0xee: {  	v29 =	vmul.f32 v56, v15;
	v23 =	vadd.f32 v32, v23;
	v32 =	vmul.f32 v57, v7  }
0xef: {  	v53 =	vadd.f32 v28, v63;
	v41 =	vmul.f32 v41, v15;
	v34 =	vmul.f32 v50, v6  }
0xf0: {  	v52 =	vld.idx.msk [tilespmem:v14+s24+$0x30 ss:$0x1], $0xffff;
	v25 =	vadd.f32 v35, v25;
	v54 =	vshll.u32 v46, $0x10;
	v57 =	vmul.f32 v46, v3  }
0xf1: {  	v58 =	vshll.u32 v47, $0x10;
	v61 =	vshll.u32 v51, $0x10;
	v30 =	vmul.f32 v47, v4  }
0xf2: {  	v46 =	vmul.f32 v48, v5;
	v21 =	vadd.f32 v21, v23;
	v23 =	vadd.f32 v26, v60  }
0xf3: {  	v49 =	vld.idx.msk [tilespmem:v13+s24+$0x40 ss:$0x1], $0xffff;
	v35 =	vmul.f32 v51, v7;
	v26 =	vadd.f32 v45, v44;
	v55 =	vadd.f32 v33, v32  }
0xf4: {  	v32 =	vmul.f32 v58, v4;
	v33 =	vmul.f32 v59, v5;
	v60 =	vshll.u32 v50, $0x10  }
0xf5: {  	v47 =	vld.idx.msk [tilespmem:v12+s24+$0x40 ss:$0x1], $0xffff;
	v24 =	vadd.f32 v24, v53;
	v62 =	vmul.f32 v61, v7;
	v40 =	vshll.u32 v52, $0x10  }
0xf6: {  	v51 =	vld.idx.msk [tilespmem:v14+s24+$0x40 ss:$0x1], $0xffff;
	v50 =	vmul.f32 v52, v11;
	v52 =	vadd.f32 v30, v57;
	v28 =	vadd.f32 v34, v46  }
0xf7: {  	v44 =	vld.idx.msk [tilespmem:v8+s24+$0x40 ss:$0x1], $0xffff;
	v38 =	vmul.f32 v60, v6;
	v26 =	vadd.f32 v39, v26;
	v22 =	vadd.f32 v22, v23  }
0xf8: {  	v45 =	vld.idx.msk [tilespmem:v9+s24+$0x40 ss:$0x1], $0xffff;
	v63 =	vmul.f32 v40, v11;
	v27 =	vadd.f32 v27, v55;
	v59 =	vshll.u32 v49, $0x10  }
0xf9: {  	v39 =	vmul.f32 v49, v7;
	v33 =	vadd.f32 v38, v33;
	v60 =	vmul.f32 v59, v7  }
0xfa: {  	v23 =	vadd.f32 v26, v25;
	v26 =	vmul.f32 v54, v3;
	v25 =	vadd.f32 v63, v62  }
0xfb: {  	v49 =	vld.idx.msk [tilespmem:v14+s24+$0x50 ss:$0x1], $0xffff;
	v58 =	vshll.u32 v47, $0x10;
	v42 =	vshll.u32 v51, $0x10;
	v36 =	vmul.f32 v47, v6  }
0xfc: {  	v38 =	vld.idx.msk [tilespmem:v10+s24+$0x40 ss:$0x1], $0xffff;
	v37 =	vmul.f32 v51, v11;
	v53 =	vshll.u32 v44, $0x10;
	v55 =	vmul.f32 v44, v3  }
0xfd: {  	v54 =	vld.idx.msk [tilespmem:v16+s24+$0x40 ss:$0x1], $0xffff;
	v56 =	vshll.u32 v45, $0x10;
	v40 =	vmul.f32 v58, v6;
	v26 =	vadd.f32 v32, v26  }
0xfe: {  	v62 =	vld.idx.msk [tilespmem:v8+s24+$0x50 ss:$0x1], $0xffff;
	v61 =	vmul.f32 v42, v11;
	v48 =	vadd.f32 v41, v25;
	v25 =	vadd.f32 v27, v24  }
0xff: {  	v63 =	vld.idx.msk [tilespmem:v9+s24+$0x50 ss:$0x1], $0xffff;
	v27 =	vadd.f32 v50, v35;
	v30 =	vmul.f32 v53, v3;
	v34 =	vmul.f32 v56, v4  }
0x100: {  	v47 =	vld.idx.msk [tilespmem:v12+s24+$0x50 ss:$0x1], $0xffff;
	v32 =	vmul.f32 v45, v4;
	v51 =	vadd.f32 v37, v39;
	v58 =	vshll.u32 v49, $0x10  }
0x101: {  	v26 =	vadd.f32 v33, v26;
	v57 =	vshll.u32 v38, $0x10;
	v30 =	vadd.f32 v34, v30  }
0x102: {  	v27 =	vadd.f32 v29, v27;
	v46 =	vmul.f32 v38, v5;
	v32 =	vadd.f32 v32, v55  }
0x103: {  	v33 =	vmul.f32 v49, v11;
	v35 =	vmul.f32 v57, v5;
	v43 =	vshll.u32 v54, $0x10  }
0x104: {  	v45 =	vld.idx.msk [tilespmem:v10+s24+$0x50 ss:$0x1], $0xffff;
	v50 =	vmul.f32 v54, v15;
	v54 =	vshll.u32 v63, $0x10;
	v42 =	vmul.f32 v62, v3  }
0x105: {  	v53 =	vld.idx.msk [tilespmem:v16+s24+$0x50 ss:$0x1], $0xffff;
	v56 =	vshll.u32 v47, $0x10;
	v34 =	vmul.f32 v63, v4;
	v38 =	vmul.f32 v47, v6  }
0x106: {  	s0 =	sand.u32 $0x3FFFFFF8, s24;
	v44 =	vld.idx.msk [tilespmem:v9+s24+$0x60 ss:$0x1], $0xffff;
	v24 =	vadd.f32 v48, v26;
	v26 =	vadd.f32 v28, v52;
	v43 =	vmul.f32 v43, v15  }
0x107: {  	s25 =	sadd.s32 s0, s23;
	v28 =	vadd.f32 v61, v60;
	v29 =	vadd.f32 v36, v46;
	v36 =	vmul.f32 v54, v4  }
0x108: {  	[tilespmem:v18+s25+$0x810 ss:$0x1] =	vst.idx.msk $0xffff, v22;
	v52 =	vshll.u32 v62, $0x10;
	v39 =	vmul.f32 v56, v6;
	v60 =	vmul.f32 v58, v11  }
0x109: {  	v41 =	vld.idx.msk [tilespmem:v12+s24+$0x70 ss:$0x1], $0xffff;
	v35 =	vadd.f32 v40, v35;
	v31 =	vmul.f32 v52, v3;
	v55 =	vshll.u32 v45, $0x10  }
0x10a: {  	v48 =	vld.idx.msk [tilespmem:v13+s24+$0x50 ss:$0x1], $0xffff;
	v61 =	vshll.u32 v53, $0x10;
	v63 =	vmul.f32 v45, v5;
	v34 =	vadd.f32 v34, v42  }
0x10b: {  	v62 =	vld.idx.msk [tilespmem:v8+s24+$0x60 ss:$0x1], $0xffff;
	v47 =	vmul.f32 v53, v15;
	v52 =	vshll.u32 v44, $0x10;
	v28 =	vadd.f32 v43, v28  }
0x10c: {  	v46 =	vld.idx.msk [tilespmem:v12+s24+$0x60 ss:$0x1], $0xffff;
	v26 =	vadd.f32 v27, v26;
	v29 =	vadd.f32 v29, v32;
	v37 =	vmul.f32 v55, v5  }
0x10d: {  	v54 =	vld.idx.msk [tilespmem:v16+s24+$0x60 ss:$0x1], $0xffff;
	v40 =	vmul.f32 v44, v4;
	v27 =	vadd.f32 v50, v51;
	v30 =	vadd.f32 v35, v30  }
0x10e: {  	v45 =	vld.idx.msk [tilespmem:v10+s24+$0x60 ss:$0x1], $0xffff;
	v22 =	vmul.f32 v41, v6;
	v31 =	vadd.f32 v36, v31;
	v37 =	vadd.f32 v39, v37  }
0x10f: {  	v39 =	vmul.f32 v61, v15;
	v27 =	vadd.f32 v27, v29;
	v28 =	vadd.f32 v28, v30  }
0x110: {  	v50 =	vld.idx.msk [tilespmem:v14+s24+$0x60 ss:$0x1], $0xffff;
	v57 =	vshll.u32 v48, $0x10;
	v35 =	vmul.f32 v48, v7;
	v30 =	vadd.f32 v38, v63  }
0x111: {  	v43 =	vld.idx.msk [tilespmem:v13+s24+$0x70 ss:$0x1], $0xffff;
	v49 =	vshll.u32 v62, $0x10;
	v51 =	vmul.f32 v62, v3;
	v38 =	vmul.f32 v46, v6  }
0x112: {  	[tilespmem:v18+s25+$0x800 ss:$0x1] =	vst.idx.msk $0xffff, v20;
	v55 =	vshll.u32 v46, $0x10;
	v63 =	vmul.f32 v54, v15;
	v59 =	vmul.f32 v57, v7  }
0x113: {  	[tilespmem:v17+s24+$0x0 ss:$0x1] =	vst.idx.msk $0xffff, v19;
	v31 =	vadd.f32 v37, v31;
	v53 =	vshll.u32 v45, $0x10;
	v37 =	vmul.f32 v45, v5  }
0x114: {  	v20 =	vmul.f32 v55, v6;
	v33 =	vadd.f32 v33, v35;
	v30 =	vadd.f32 v30, v34  }
0x115: {  	v48 =	vld.idx.msk [tilespmem:v13+s24+$0x60 ss:$0x1], $0xffff;
	v34 =	vmul.f32 v49, v3;
	v19 =	vmul.f32 v53, v5;
	v58 =	vshll.u32 v50, $0x10  }
0x116: {  	[tilespmem:v17+s24+$0x10 ss:$0x1] =	vst.idx.msk $0xffff, v21;
	v62 =	vld.idx.msk [tilespmem:v9+s24+$0x70 ss:$0x1], $0xffff;
	v35 =	vmul.f32 v50, v11;
	v50 =	vshll.u32 v41, $0x10;
	v53 =	vshll.u32 v43, $0x10  }
0x117: {  	[tilespmem:v17+s24+$0x20 ss:$0x1] =	vst.idx.msk $0xffff, v23;
	v36 =	vadd.f32 v60, v59;
	v59 =	vmul.f32 v58, v11;
	v60 =	vshll.u32 v54, $0x10  }
0x118: {  	v45 =	vld.idx.msk [tilespmem:v14+s24+$0x70 ss:$0x1], $0xffff;
	v37 =	vadd.f32 v38, v37;
	v54 =	vmul.f32 v53, v7;
	v29 =	vadd.f32 v47, v33  }
0x119: {  	v19 =	vadd.f32 v20, v19;
	v61 =	vmul.f32 v60, v15;
	v36 =	vadd.f32 v39, v36  }
0x11a: {  	[tilespmem:v18+s25+$0x820 ss:$0x1] =	vst.idx.msk $0xffff, v25;
	v39 =	vmul.f32 v52, v4;
	v56 =	vshll.u32 v48, $0x10;
	v32 =	vmul.f32 v48, v7  }
0x11b: {  	[tilespmem:v17+s24+$0x30 ss:$0x1] =	vst.idx.msk $0xffff, v24;
	v46 =	vshll.u32 v62, $0x10;
	v49 =	vmul.f32 v62, v4;
	v52 =	vmul.f32 v50, v6  }
0x11c: {  	v20 =	vld.idx.msk [tilespmem:v8+s24+$0x70 ss:$0x1], $0xffff;
	v57 =	vmul.f32 v56, v7;
	v29 =	vadd.f32 v29, v30;
	v25 =	vmul.f32 v46, v4  }
0x11d: {  	v48 =	vld.idx.msk [tilespmem:v16+s24+$0x70 ss:$0x1], $0xffff;
	v55 =	vshll.u32 v45, $0x10;
	v31 =	vadd.f32 v36, v31;
	v34 =	vadd.f32 v39, v34  }
0x11e: {  	v56 =	vmul.f32 v43, v7;
	v36 =	vadd.f32 v40, v51;
	v40 =	vld.idx.msk [tilespmem:v10+s24+$0x70 ss:$0x1], $0xffff;
	v21 =	vadd.f32 v59, v57  }
0x11f: {  	v58 =	vmul.f32 v45, v11;
	v32 =	vadd.f32 v35, v32;
	v19 =	vadd.f32 v19, v34  }
0x120: {  	v57 =	vmul.f32 v55, v11;
	v42 =	vadd.f32 v37, v36;
	v21 =	vadd.f32 v61, v21  }
0x121: {  	[tilespmem:v18+s25+$0x830 ss:$0x1] =	vst.idx.msk $0xffff, v26;
	v32 =	vadd.f32 v63, v32;
	v44 =	vshll.u32 v20, $0x10;
	v20 =	vmul.f32 v20, v3  }
0x122: {  	[tilespmem:v18+s25+$0x840 ss:$0x1] =	vst.idx.msk $0xffff, v27;
	v60 =	vshll.u32 v48, $0x10;
	v19 =	vadd.f32 v21, v19;
	v21 =	vmul.f32 v44, v3  }
0x123: {  	[tilespmem:v17+s24+$0x40 ss:$0x1] =	vst.idx.msk $0xffff, v28;
	v23 =	vadd.f32 v32, v42;
	v47 =	vshll.u32 v40, $0x10;
	v51 =	vmul.f32 v40, v5  }
0x124: {  	v20 =	vadd.f32 v49, v20;
	v32 =	vmul.f32 v47, v5;
	v21 =	vadd.f32 v25, v21  }
0x125: {  	v62 =	vmul.f32 v48, v15;
	v22 =	vadd.f32 v22, v51;
	v25 =	vadd.f32 v58, v56  }
0x126: {  	v28 =	vadd.f32 v57, v54;
	v61 =	vmul.f32 v60, v15;
	v59 =	vadd.f32 v52, v32  }
0x127: {  	p1 =	por p0, p0;
	[tilespmem:v18+s25+$0x850 ss:$0x1] =	vst.idx.msk $0xffff, v29;
	v20 =	vadd.f32 v22, v20;
	v63 =	vadd.f32 v62, v25  }
.Ltmp0:
0x128: {  	[tilespmem:v17+s24+$0x50 ss:$0x1] =	vst.idx.msk $0xffff, v31;
	v24 =	vadd.f32 v61, v28;
	v21 =	vadd.f32 v59, v21;
	(pc) =	sbr.rel @p1 .LBB2_3-.Ltmp0, $4  }
0x129: {  	[tilespmem:v18+s25+$0x860 ss:$0x1] =	vst.idx.msk $0xffff, v23;
	v20 =	vadd.f32 v63, v20  }
0x12a: {  	[tilespmem:v17+s24+$0x60 ss:$0x1] =	vst.idx.msk $0xffff, v19;
	v19 =	vadd.f32 v24, v21  }
0x12b: {  	[tilespmem:v18+s25+$0x870 ss:$0x1] =	vst.idx.msk $0xffff, v20  }
0x12c: {  	p0 =	por $0x0, $0x0;
	[tilespmem:v17+s24+$0x70 ss:$0x1] =	vst.idx.msk $0xffff, v19;
	s24 =	simm.s32 $0x80  }
0x12d: {  	s22 =	sadd.s32 $0x1, s22  }
0x12e: {  	p0 =	sne.s32 s22, $0x10  }
.Ltmp1:
0x12f: {  	_ = 	snop;
	(pc) =	sbr.rel @p0 .LBB2_2-.Ltmp1, $1  }
0x130: {  	_ =	sdelay $0x3  }
0x131: {  	s22 =	simm.s32 $0x0  }
0x132: {  	[hbm4b:s6+s22] =	stream.linear.scatter [tilespmem:s18], [sflag:$0x3], $0x2000, $0x38;
	[tilespmem:$0x12200] =	vst v63  }
0x133: {  	_ =	swait.ge [sflag:s19], $0x7000  }
0x134: {  	[sflag:s19] =	ssyncset.done $0x0  }
0x135: {  	[sflag:s19] =	ssyncadd.s32 $0xFFFF9000  }
.LBB2_6:
0x136: {  	s0 =	smul.u32 $0x7, s22  }
0x137: {  	s25 =	smul.u32 $0x700, s22  }
0x138: {  	s29 =	smul.u32 $0x380, s22  }
0x139: {  	s1 =	sadd.s32 $0x70, s0;
	s11 =	sadd.s32 $0x71, s0;
	s23 =	sadd.s32 $0x72, s0  }
0x13a: {  	s24 =	sadd.s32 $0x73, s0;
	s26 =	sadd.s32 $0x74, s0;
	s28 =	sadd.s32 $0x75, s0  }
0x13b: {  	s30 =	sadd.s32 $0x76, s0;
	s25 =	sand.u32 $0x7800, s25;
	s31 =	sadd.s32 $0x1, s0  }
0x13c: {  	s29 =	sand.u32 $0x380, s29;
	s12 =	sshll.u32 s31, $0x8;
	s31 =	sshll.u32 s31, $0x7  }
0x13d: {  	s25 =	sor.u32 s29, s25;
	s29 =	sadd.s32 $0x2, s0;
	v5 =	vmov s23;
	s23 =	sadd.s32 $0x5, s0  }
0x13e: {  	v15 =	vmov s30;
	s30 =	sshll.u32 s22, $0x7;
	s12 =	sand.u32 $0xF800, s12;
	s31 =	sand.u32 $0x380, s31  }
0x13f: {  	s13 =	sshll.u32 s29, $0x8;
	s29 =	sshll.u32 s29, $0x7;
	s12 =	sor.u32 s31, s12  }
0x140: {  	s31 =	sand.u32 $0xF800, s13;
	s29 =	sand.u32 $0x380, s29;
	s13 =	sadd.s32 $0x3, s0  }
0x141: {  	s25 =	sadd.s32 $0x7200, s25;
	s29 =	sor.u32 s29, s31;
	s31 =	sshll.u32 s13, $0x8  }
0x142: {  	v3 =	vmov s1;
	s12 =	sadd.s32 $0x7200, s12;
	s13 =	sshll.u32 s13, $0x7;
	s1 =	sand.u32 $0xF800, s31  }
0x143: {  	v4 =	vmov s11;
	s13 =	sand.u32 $0x380, s13;
	s31 =	sadd.s32 $0x4, s0;
	s11 =	sadd.s32 $0x7200, s29  }
0x144: {  	s0 =	sadd.s32 $0x6, s0;
	s1 =	sor.u32 s13, s1;
	s29 =	sshll.u32 s31, $0x8  }
0x145: {  	v6 =	vmov s24;
	s24 =	sshll.u32 s31, $0x7;
	s31 =	sshll.u32 s23, $0x8;
	s23 =	sshll.u32 s23, $0x7  }
0x146: {  	v7 =	vmov s26;
	v11 =	vmov s28;
	s28 =	sshll.u32 s0, $0x8;
	s0 =	sshll.u32 s0, $0x7;
	s1 =	sadd.s32 $0x7200, s1  }
0x147: {  	v3 =	vld.idx.msk [tilespmem:v3+s9+$0x0], $0xffff;
	s13 =	sand.u32 $0xF800, s29;
	s24 =	sand.u32 $0x380, s24;
	s31 =	sand.u32 $0xF800, s31  }
0x148: {  	v4 =	vld.idx.msk [tilespmem:v4+s9+$0x0], $0xffff;
	s23 =	sand.u32 $0x380, s23;
	s29 =	sshll.u32 s22, $0x9;
	s0 =	sand.u32 $0x380, s0  }
0x149: {  	v5 =	vld.idx.msk [tilespmem:v5+s9+$0x0], $0xffff;
	s13 =	sor.u32 s24, s13;
	s23 =	sor.u32 s23, s31;
	s26 =	sand.u32 $0x1000, s29  }
0x14a: {  	v8 =	vmov s25;
	v6 =	vld.idx.msk [tilespmem:v6+s9+$0x0], $0xffff;
	s13 =	sadd.s32 $0x7200, s13;
	s24 =	sadd.s32 $0x7200, s23;
	s23 =	sand.u32 $0xF800, s28  }
0x14b: {  	v9 =	vmov s12;
	v7 =	vld.idx.msk [tilespmem:v7+s9+$0x0], $0xffff;
	v10 =	vmov s11;
	s28 =	sand.u32 $0x380, s30;
	s0 =	sor.u32 s0, s23;
	s23 =	sor.u32 $0x10200, s26  }
0x14c: {  	v11 =	vld.idx.msk [tilespmem:v11+s9+$0x0], $0xffff;
	v12 =	vmov s1;
	v13 =	vmov s13;
	v14 =	vmov s24;
	s0 =	sadd.s32 $0x7200, s0;
	s31 =	sadd.s32 s28, s23  }
0x14d: {  	p0 =	por $0x1, $0x1;
	v15 =	vld.idx.msk [tilespmem:v15+s9+$0x0], $0xffff;
	v18 =	vmov s28;
	s24 =	simm.s32 $0x0;
	v16 =	vmov s0;
	v17 =	vmov s31  }
.LBB2_7:
0x14e: {  	s24 =	sshll.u32 s24, $0x3  }
0x14f: {  	v19 =	vld.idx.msk [tilespmem:v8+s24+$0x0 ss:$0x1], $0xffff  }
0x150: {  	v20 =	vld.idx.msk [tilespmem:v9+s24+$0x0 ss:$0x1], $0xffff  }
0x151: {  	v21 =	vld.idx.msk [tilespmem:v10+s24+$0x0 ss:$0x1], $0xffff  }
0x152: {  	v22 =	vld.idx.msk [tilespmem:v12+s24+$0x0 ss:$0x1], $0xffff  }
0x153: {  	v23 =	vld.idx.msk [tilespmem:v13+s24+$0x0 ss:$0x1], $0xffff  }
0x154: {  	v24 =	vld.idx.msk [tilespmem:v14+s24+$0x0 ss:$0x1], $0xffff  }
0x155: {  	v26 =	vld.idx.msk [tilespmem:v16+s24+$0x0 ss:$0x1], $0xffff  }
0x156: {  	v32 =	vld.idx.msk [tilespmem:v8+s24+$0x10 ss:$0x1], $0xffff  }
0x157: {  	v62 =	vld.idx.msk [tilespmem:v10+s24+$0x10 ss:$0x1], $0xffff  }
0x158: {  	v63 =	vld.idx.msk [tilespmem:v12+s24+$0x10 ss:$0x1], $0xffff  }
0x159: {  	v41 =	vld.idx.msk [tilespmem:v14+s24+$0x10 ss:$0x1], $0xffff;
	v25 =	vshll.u32 v19, $0x10;
	v27 =	vmul.f32 v19, v3;
	v19 =	vshll.u32 v20, $0x10  }
0x15a: {  	v51 =	vld.idx.msk [tilespmem:v8+s24+$0x20 ss:$0x1], $0xffff;
	v28 =	vshll.u32 v21, $0x10;
	v29 =	vshll.u32 v22, $0x10;
	v20 =	vmul.f32 v20, v4  }
0x15b: {  	v60 =	vld.idx.msk [tilespmem:v9+s24+$0x10 ss:$0x1], $0xffff;
	v30 =	vshll.u32 v23, $0x10;
	v21 =	vmul.f32 v21, v5;
	v22 =	vmul.f32 v22, v6  }
0x15c: {  	v31 =	vshll.u32 v24, $0x10;
	v23 =	vmul.f32 v23, v7;
	v24 =	vmul.f32 v24, v11  }
0x15d: {  	v40 =	vld.idx.msk [tilespmem:v13+s24+$0x10 ss:$0x1], $0xffff;
	v33 =	vshll.u32 v26, $0x10;
	v26 =	vmul.f32 v26, v15;
	v46 =	vmul.f32 v32, v3  }
0x15e: {  	v42 =	vshll.u32 v32, $0x10;
	v54 =	vmul.f32 v62, v5;
	v55 =	vmul.f32 v63, v6  }
0x15f: {  	v45 =	vld.idx.msk [tilespmem:v16+s24+$0x10 ss:$0x1], $0xffff;
	v34 =	vshll.u32 v63, $0x10;
	v58 =	vmul.f32 v41, v11;
	v63 =	vmul.f32 v51, v3  }
0x160: {  	v53 =	vld.idx.msk [tilespmem:v10+s24+$0x20 ss:$0x1], $0xffff;
	v47 =	vshll.u32 v60, $0x10;
	v25 =	vmul.f32 v25, v3;
	v19 =	vmul.f32 v19, v4  }
0x161: {  	v59 =	vld.idx.msk [tilespmem:v14+s24+$0x20 ss:$0x1], $0xffff;
	v48 =	vshll.u32 v62, $0x10;
	v28 =	vmul.f32 v28, v5;
	v29 =	vmul.f32 v29, v6  }
0x162: {  	v56 =	vld.idx.msk [tilespmem:v12+s24+$0x20 ss:$0x1], $0xffff;
	v35 =	vshll.u32 v40, $0x10;
	v30 =	vmul.f32 v30, v7;
	v31 =	vmul.f32 v31, v11  }
0x163: {  	v36 =	vshll.u32 v41, $0x10;
	v33 =	vmul.f32 v33, v15;
	v44 =	vmul.f32 v42, v3  }
0x164: {  	v37 =	vshll.u32 v45, $0x10;
	v32 =	vmul.f32 v48, v5;
	v34 =	vmul.f32 v34, v6  }
0x165: {  	v41 =	vshll.u32 v53, $0x10;
	v49 =	vmul.f32 v35, v7;
	v50 =	vmul.f32 v36, v11  }
0x166: {  	v52 =	vld.idx.msk [tilespmem:v9+s24+$0x20 ss:$0x1], $0xffff;
	v38 =	vshll.u32 v59, $0x10;
	v37 =	vmul.f32 v37, v15;
	v35 =	vmul.f32 v41, v5  }
0x167: {  	v42 =	vshll.u32 v56, $0x10;
	v20 =	vadd.f32 v20, v27;
	v21 =	vadd.f32 v22, v21  }
0x168: {  	v57 =	vld.idx.msk [tilespmem:v13+s24+$0x20 ss:$0x1], $0xffff;
	v43 =	vadd.f32 v24, v23;
	v24 =	vmul.f32 v45, v15;
	v36 =	vmul.f32 v42, v6  }
0x169: {  	v45 =	vmul.f32 v38, v11;
	v19 =	vadd.f32 v19, v25;
	v28 =	vadd.f32 v29, v28  }
0x16a: {  	v61 =	vadd.f32 v31, v30;
	v25 =	vmul.f32 v60, v4;
	v32 =	vadd.f32 v34, v32  }
0x16b: {  	v29 =	vmul.f32 v40, v7;
	v40 =	vshll.u32 v52, $0x10;
	v20 =	vadd.f32 v21, v20  }
0x16c: {  	v62 =	vld.idx.msk [tilespmem:v16+s24+$0x20 ss:$0x1], $0xffff;
	v31 =	vmul.f32 v56, v6;
	v21 =	vadd.f32 v50, v49;
	v22 =	vadd.f32 v26, v43  }
0x16d: {  	v48 =	vld.idx.msk [tilespmem:v10+s24+$0x30 ss:$0x1], $0xffff;
	v26 =	vadd.f32 v55, v54;
	v30 =	vmul.f32 v40, v4;
	v43 =	vshll.u32 v57, $0x10  }
0x16e: {  	v35 =	vadd.f32 v36, v35;
	v49 =	vmul.f32 v53, v5;
	v19 =	vadd.f32 v28, v19  }
0x16f: {  	v39 =	vadd.f32 v33, v61;
	v28 =	vmul.f32 v47, v4;
	v60 =	vadd.f32 v25, v46  }
0x170: {  	v56 =	vld.idx.msk [tilespmem:v16+s24+$0x30 ss:$0x1], $0xffff;
	v61 =	vshll.u32 v51, $0x10;
	v33 =	vmul.f32 v59, v11;
	v21 =	vadd.f32 v37, v21  }
0x171: {  	v50 =	vld.idx.msk [tilespmem:v12+s24+$0x30 ss:$0x1], $0xffff;
	v27 =	vmul.f32 v62, v15;
	v20 =	vadd.f32 v22, v20;
	v22 =	vadd.f32 v58, v29  }
0x172: {  	v46 =	vld.idx.msk [tilespmem:v8+s24+$0x30 ss:$0x1], $0xffff;
	v25 =	vmul.f32 v61, v3;
	v59 =	vshll.u32 v48, $0x10;
	v19 =	vadd.f32 v39, v19  }
0x173: {  	v47 =	vld.idx.msk [tilespmem:v9+s24+$0x30 ss:$0x1], $0xffff;
	v23 =	vadd.f32 v28, v44;
	v44 =	vmul.f32 v43, v7;
	v39 =	vshll.u32 v62, $0x10  }
0x174: {  	v51 =	vld.idx.msk [tilespmem:v13+s24+$0x30 ss:$0x1], $0xffff;
	v28 =	vmul.f32 v52, v4;
	v25 =	vadd.f32 v30, v25;
	v39 =	vmul.f32 v39, v15  }
0x175: {  	v22 =	vadd.f32 v24, v22;
	v24 =	vadd.f32 v31, v49;
	v41 =	vshll.u32 v56, $0x10  }
0x176: {  	v29 =	vmul.f32 v56, v15;
	v23 =	vadd.f32 v32, v23;
	v32 =	vmul.f32 v57, v7  }
0x177: {  	v53 =	vadd.f32 v28, v63;
	v41 =	vmul.f32 v41, v15;
	v34 =	vmul.f32 v50, v6  }
0x178: {  	v52 =	vld.idx.msk [tilespmem:v14+s24+$0x30 ss:$0x1], $0xffff;
	v25 =	vadd.f32 v35, v25;
	v54 =	vshll.u32 v46, $0x10;
	v57 =	vmul.f32 v46, v3  }
0x179: {  	v58 =	vshll.u32 v47, $0x10;
	v61 =	vshll.u32 v51, $0x10;
	v30 =	vmul.f32 v47, v4  }
0x17a: {  	v46 =	vmul.f32 v48, v5;
	v21 =	vadd.f32 v21, v23;
	v23 =	vadd.f32 v26, v60  }
0x17b: {  	v49 =	vld.idx.msk [tilespmem:v13+s24+$0x40 ss:$0x1], $0xffff;
	v35 =	vmul.f32 v51, v7;
	v26 =	vadd.f32 v45, v44;
	v55 =	vadd.f32 v33, v32  }
0x17c: {  	v32 =	vmul.f32 v58, v4;
	v33 =	vmul.f32 v59, v5;
	v60 =	vshll.u32 v50, $0x10  }
0x17d: {  	v47 =	vld.idx.msk [tilespmem:v12+s24+$0x40 ss:$0x1], $0xffff;
	v24 =	vadd.f32 v24, v53;
	v62 =	vmul.f32 v61, v7;
	v40 =	vshll.u32 v52, $0x10  }
0x17e: {  	v51 =	vld.idx.msk [tilespmem:v14+s24+$0x40 ss:$0x1], $0xffff;
	v50 =	vmul.f32 v52, v11;
	v52 =	vadd.f32 v30, v57;
	v28 =	vadd.f32 v34, v46  }
0x17f: {  	v44 =	vld.idx.msk [tilespmem:v8+s24+$0x40 ss:$0x1], $0xffff;
	v38 =	vmul.f32 v60, v6;
	v26 =	vadd.f32 v39, v26;
	v22 =	vadd.f32 v22, v23  }
0x180: {  	v45 =	vld.idx.msk [tilespmem:v9+s24+$0x40 ss:$0x1], $0xffff;
	v63 =	vmul.f32 v40, v11;
	v27 =	vadd.f32 v27, v55;
	v59 =	vshll.u32 v49, $0x10  }
0x181: {  	v39 =	vmul.f32 v49, v7;
	v33 =	vadd.f32 v38, v33;
	v60 =	vmul.f32 v59, v7  }
0x182: {  	v23 =	vadd.f32 v26, v25;
	v26 =	vmul.f32 v54, v3;
	v25 =	vadd.f32 v63, v62  }
0x183: {  	v49 =	vld.idx.msk [tilespmem:v14+s24+$0x50 ss:$0x1], $0xffff;
	v58 =	vshll.u32 v47, $0x10;
	v42 =	vshll.u32 v51, $0x10;
	v36 =	vmul.f32 v47, v6  }
0x184: {  	v38 =	vld.idx.msk [tilespmem:v10+s24+$0x40 ss:$0x1], $0xffff;
	v37 =	vmul.f32 v51, v11;
	v53 =	vshll.u32 v44, $0x10;
	v55 =	vmul.f32 v44, v3  }
0x185: {  	v54 =	vld.idx.msk [tilespmem:v16+s24+$0x40 ss:$0x1], $0xffff;
	v56 =	vshll.u32 v45, $0x10;
	v40 =	vmul.f32 v58, v6;
	v26 =	vadd.f32 v32, v26  }
0x186: {  	v62 =	vld.idx.msk [tilespmem:v8+s24+$0x50 ss:$0x1], $0xffff;
	v61 =	vmul.f32 v42, v11;
	v48 =	vadd.f32 v41, v25;
	v25 =	vadd.f32 v27, v24  }
0x187: {  	v63 =	vld.idx.msk [tilespmem:v9+s24+$0x50 ss:$0x1], $0xffff;
	v27 =	vadd.f32 v50, v35;
	v30 =	vmul.f32 v53, v3;
	v34 =	vmul.f32 v56, v4  }
0x188: {  	v47 =	vld.idx.msk [tilespmem:v12+s24+$0x50 ss:$0x1], $0xffff;
	v32 =	vmul.f32 v45, v4;
	v51 =	vadd.f32 v37, v39;
	v58 =	vshll.u32 v49, $0x10  }
0x189: {  	v26 =	vadd.f32 v33, v26;
	v57 =	vshll.u32 v38, $0x10;
	v30 =	vadd.f32 v34, v30  }
0x18a: {  	v27 =	vadd.f32 v29, v27;
	v46 =	vmul.f32 v38, v5;
	v32 =	vadd.f32 v32, v55  }
0x18b: {  	v33 =	vmul.f32 v49, v11;
	v35 =	vmul.f32 v57, v5;
	v43 =	vshll.u32 v54, $0x10  }
0x18c: {  	v45 =	vld.idx.msk [tilespmem:v10+s24+$0x50 ss:$0x1], $0xffff;
	v50 =	vmul.f32 v54, v15;
	v54 =	vshll.u32 v63, $0x10;
	v42 =	vmul.f32 v62, v3  }
0x18d: {  	v53 =	vld.idx.msk [tilespmem:v16+s24+$0x50 ss:$0x1], $0xffff;
	v56 =	vshll.u32 v47, $0x10;
	v34 =	vmul.f32 v63, v4;
	v38 =	vmul.f32 v47, v6  }
0x18e: {  	s0 =	sand.u32 $0x3FFFFFF8, s24;
	v44 =	vld.idx.msk [tilespmem:v9+s24+$0x60 ss:$0x1], $0xffff;
	v24 =	vadd.f32 v48, v26;
	v26 =	vadd.f32 v28, v52;
	v43 =	vmul.f32 v43, v15  }
0x18f: {  	s25 =	sadd.s32 s0, s23;
	v28 =	vadd.f32 v61, v60;
	v29 =	vadd.f32 v36, v46;
	v36 =	vmul.f32 v54, v4  }
0x190: {  	[tilespmem:v18+s25+$0x810 ss:$0x1] =	vst.idx.msk $0xffff, v22;
	v52 =	vshll.u32 v62, $0x10;
	v39 =	vmul.f32 v56, v6;
	v60 =	vmul.f32 v58, v11  }
0x191: {  	v41 =	vld.idx.msk [tilespmem:v12+s24+$0x70 ss:$0x1], $0xffff;
	v35 =	vadd.f32 v40, v35;
	v31 =	vmul.f32 v52, v3;
	v55 =	vshll.u32 v45, $0x10  }
0x192: {  	v48 =	vld.idx.msk [tilespmem:v13+s24+$0x50 ss:$0x1], $0xffff;
	v61 =	vshll.u32 v53, $0x10;
	v63 =	vmul.f32 v45, v5;
	v34 =	vadd.f32 v34, v42  }
0x193: {  	v62 =	vld.idx.msk [tilespmem:v8+s24+$0x60 ss:$0x1], $0xffff;
	v47 =	vmul.f32 v53, v15;
	v52 =	vshll.u32 v44, $0x10;
	v28 =	vadd.f32 v43, v28  }
0x194: {  	v46 =	vld.idx.msk [tilespmem:v12+s24+$0x60 ss:$0x1], $0xffff;
	v26 =	vadd.f32 v27, v26;
	v29 =	vadd.f32 v29, v32;
	v37 =	vmul.f32 v55, v5  }
0x195: {  	v54 =	vld.idx.msk [tilespmem:v16+s24+$0x60 ss:$0x1], $0xffff;
	v40 =	vmul.f32 v44, v4;
	v27 =	vadd.f32 v50, v51;
	v30 =	vadd.f32 v35, v30  }
0x196: {  	v45 =	vld.idx.msk [tilespmem:v10+s24+$0x60 ss:$0x1], $0xffff;
	v22 =	vmul.f32 v41, v6;
	v31 =	vadd.f32 v36, v31;
	v37 =	vadd.f32 v39, v37  }
0x197: {  	v39 =	vmul.f32 v61, v15;
	v27 =	vadd.f32 v27, v29;
	v28 =	vadd.f32 v28, v30  }
0x198: {  	v50 =	vld.idx.msk [tilespmem:v14+s24+$0x60 ss:$0x1], $0xffff;
	v57 =	vshll.u32 v48, $0x10;
	v35 =	vmul.f32 v48, v7;
	v30 =	vadd.f32 v38, v63  }
0x199: {  	v43 =	vld.idx.msk [tilespmem:v13+s24+$0x70 ss:$0x1], $0xffff;
	v49 =	vshll.u32 v62, $0x10;
	v51 =	vmul.f32 v62, v3;
	v38 =	vmul.f32 v46, v6  }
0x19a: {  	[tilespmem:v18+s25+$0x800 ss:$0x1] =	vst.idx.msk $0xffff, v20;
	v55 =	vshll.u32 v46, $0x10;
	v63 =	vmul.f32 v54, v15;
	v59 =	vmul.f32 v57, v7  }
0x19b: {  	[tilespmem:v17+s24+$0x0 ss:$0x1] =	vst.idx.msk $0xffff, v19;
	v31 =	vadd.f32 v37, v31;
	v53 =	vshll.u32 v45, $0x10;
	v37 =	vmul.f32 v45, v5  }
0x19c: {  	v20 =	vmul.f32 v55, v6;
	v33 =	vadd.f32 v33, v35;
	v30 =	vadd.f32 v30, v34  }
0x19d: {  	v48 =	vld.idx.msk [tilespmem:v13+s24+$0x60 ss:$0x1], $0xffff;
	v34 =	vmul.f32 v49, v3;
	v19 =	vmul.f32 v53, v5;
	v58 =	vshll.u32 v50, $0x10  }
0x19e: {  	[tilespmem:v17+s24+$0x10 ss:$0x1] =	vst.idx.msk $0xffff, v21;
	v62 =	vld.idx.msk [tilespmem:v9+s24+$0x70 ss:$0x1], $0xffff;
	v35 =	vmul.f32 v50, v11;
	v50 =	vshll.u32 v41, $0x10;
	v53 =	vshll.u32 v43, $0x10  }
0x19f: {  	[tilespmem:v17+s24+$0x20 ss:$0x1] =	vst.idx.msk $0xffff, v23;
	v36 =	vadd.f32 v60, v59;
	v59 =	vmul.f32 v58, v11;
	v60 =	vshll.u32 v54, $0x10  }
0x1a0: {  	v45 =	vld.idx.msk [tilespmem:v14+s24+$0x70 ss:$0x1], $0xffff;
	v37 =	vadd.f32 v38, v37;
	v54 =	vmul.f32 v53, v7;
	v29 =	vadd.f32 v47, v33  }
0x1a1: {  	v19 =	vadd.f32 v20, v19;
	v61 =	vmul.f32 v60, v15;
	v36 =	vadd.f32 v39, v36  }
0x1a2: {  	[tilespmem:v18+s25+$0x820 ss:$0x1] =	vst.idx.msk $0xffff, v25;
	v39 =	vmul.f32 v52, v4;
	v56 =	vshll.u32 v48, $0x10;
	v32 =	vmul.f32 v48, v7  }
0x1a3: {  	[tilespmem:v17+s24+$0x30 ss:$0x1] =	vst.idx.msk $0xffff, v24;
	v46 =	vshll.u32 v62, $0x10;
	v49 =	vmul.f32 v62, v4;
	v52 =	vmul.f32 v50, v6  }
0x1a4: {  	v20 =	vld.idx.msk [tilespmem:v8+s24+$0x70 ss:$0x1], $0xffff;
	v57 =	vmul.f32 v56, v7;
	v29 =	vadd.f32 v29, v30;
	v25 =	vmul.f32 v46, v4  }
0x1a5: {  	v48 =	vld.idx.msk [tilespmem:v16+s24+$0x70 ss:$0x1], $0xffff;
	v55 =	vshll.u32 v45, $0x10;
	v31 =	vadd.f32 v36, v31;
	v34 =	vadd.f32 v39, v34  }
0x1a6: {  	v56 =	vmul.f32 v43, v7;
	v36 =	vadd.f32 v40, v51;
	v40 =	vld.idx.msk [tilespmem:v10+s24+$0x70 ss:$0x1], $0xffff;
	v21 =	vadd.f32 v59, v57  }
0x1a7: {  	v58 =	vmul.f32 v45, v11;
	v32 =	vadd.f32 v35, v32;
	v19 =	vadd.f32 v19, v34  }
0x1a8: {  	v57 =	vmul.f32 v55, v11;
	v42 =	vadd.f32 v37, v36;
	v21 =	vadd.f32 v61, v21  }
0x1a9: {  	[tilespmem:v18+s25+$0x830 ss:$0x1] =	vst.idx.msk $0xffff, v26;
	v32 =	vadd.f32 v63, v32;
	v44 =	vshll.u32 v20, $0x10;
	v20 =	vmul.f32 v20, v3  }
0x1aa: {  	[tilespmem:v18+s25+$0x840 ss:$0x1] =	vst.idx.msk $0xffff, v27;
	v60 =	vshll.u32 v48, $0x10;
	v19 =	vadd.f32 v21, v19;
	v21 =	vmul.f32 v44, v3  }
0x1ab: {  	[tilespmem:v17+s24+$0x40 ss:$0x1] =	vst.idx.msk $0xffff, v28;
	v23 =	vadd.f32 v32, v42;
	v47 =	vshll.u32 v40, $0x10;
	v51 =	vmul.f32 v40, v5  }
0x1ac: {  	v20 =	vadd.f32 v49, v20;
	v32 =	vmul.f32 v47, v5;
	v21 =	vadd.f32 v25, v21  }
0x1ad: {  	v62 =	vmul.f32 v48, v15;
	v22 =	vadd.f32 v22, v51;
	v25 =	vadd.f32 v58, v56  }
0x1ae: {  	v28 =	vadd.f32 v57, v54;
	v61 =	vmul.f32 v60, v15;
	v59 =	vadd.f32 v52, v32  }
0x1af: {  	p1 =	por p0, p0;
	[tilespmem:v18+s25+$0x850 ss:$0x1] =	vst.idx.msk $0xffff, v29;
	v20 =	vadd.f32 v22, v20;
	v63 =	vadd.f32 v62, v25  }
.Ltmp2:
0x1b0: {  	[tilespmem:v17+s24+$0x50 ss:$0x1] =	vst.idx.msk $0xffff, v31;
	v24 =	vadd.f32 v61, v28;
	v21 =	vadd.f32 v59, v21;
	(pc) =	sbr.rel @p1 .LBB2_7-.Ltmp2, $4  }
0x1b1: {  	[tilespmem:v18+s25+$0x860 ss:$0x1] =	vst.idx.msk $0xffff, v23;
	v20 =	vadd.f32 v63, v20  }
0x1b2: {  	[tilespmem:v17+s24+$0x60 ss:$0x1] =	vst.idx.msk $0xffff, v19;
	v19 =	vadd.f32 v24, v21  }
0x1b3: {  	[tilespmem:v18+s25+$0x870 ss:$0x1] =	vst.idx.msk $0xffff, v20  }
0x1b4: {  	p0 =	por $0x0, $0x0;
	[tilespmem:v17+s24+$0x70 ss:$0x1] =	vst.idx.msk $0xffff, v19;
	s24 =	simm.s32 $0x80  }
0x1b5: {  	s22 =	sadd.s32 $0x1, s22  }
0x1b6: {  	p0 =	sne.s32 s22, $0x10  }
.Ltmp3:
0x1b7: {  	_ = 	snop;
	(pc) =	sbr.rel @p0 .LBB2_6-.Ltmp3, $1  }
0x1b8: {  	_ =	sdelay $0x3  }
0x1b9: {  	[hbm4b:s7+s2] =	stream.linear.scatter [tilespmem:s20], [sflag:$0x3], $0x2000, $0x38;
	[tilespmem:$0x12200] =	vst v63  }
0x1ba: {  	s21 =	sadd.s32 $0x1, s21  }
0x1bb: {  	_ =	swait.ge [sflag:s10], $0x2000;
	p0 =	sne.s32 s21, s8  }
.Ltmp4:
0x1bc: {  	[sflag:s10] =	ssyncset.done $0x0;
	(pc) =	sbr.rel @p0 .LBB2_1-.Ltmp4, $4  }
0x1bd: {  	[sflag:s10] =	ssyncadd.s32 $0xFFFFE000  }
0x1be: {  	_ =	swait.ge [sflag:s10], $0x2000  }
0x1bf: {  	[sflag:s10] =	ssyncset.done $0x0  }
0x1c0: {  	[sflag:s10] =	ssyncadd.s32 $0xFFFFE000  }
0x1c1: {  	_ =	sfence.sel $0x180000  }
0x1c2: {  	[bflag:$0x0] =	sbarrier.arrive $0xFFFF  }
0x1c3: {  	_ =	strace $0x9000004D  }
0x1c4: {  	s0 =	stileid.u32;
	[bflag:$0x2] =	sbarrier.arrive $0xFFFF  }
0x1c5: {  	p0 =	sne.s32 s0, $0x0;
	s0 =	rddreg [dreg:$0x1]  }
0x1c6: {  	s0 =	sadd.s32 @!p0 $0x100000, s0  }
0x1c7: {  	[sflag:s0] =	ssyncadd.tile.s32 @!p0 $0x1;
	_ =	shalt  }
.Lfunc_end2:
_tile_overlayer_lowered:
.L_overlay_start_2:
0x1c8: {  	(tag) =	ssettag $0x2  }
0x1c9: {  	s0 =	rddreg [dreg:$0x0];
	s2 =	stileid.u32  }
0x1ca: {  	s1 =	rddreg [dreg:$0x1];
	p0 =	sne.s32 s2, $0x0  }
0x1cb: {  	s3 =	rddreg [dreg:$0x2];
	[bflag:$0x3] =	sbarrier.arrive $0xFFFF;
	s2 =	simm.s32 @!p0 $0x1C04  }
0x1cc: {  	[timem:s3], [sflag:s2] =	dma.local @!p0 [hbm:s0], s1  }
0x1cd: {  	s0 =	simm.s32 @!p0 $0x4  }
0x1ce: {  	_ =	swait.ge @!p0 [sflag:s0], s1  }
0x1cf: {  	s1 =	ssub.s32 @!p0 $0x0, s1;
	[sflag:s0] =	ssyncset.done @!p0 $0x0  }
0x1d0: {  	[sflag:s0] =	ssyncadd.s32 @!p0 s1  }
0x1d1: {  	[bflag:$0x3] =	sbarrier.arrive $0xFFFF  }
0x1d2: {  	_ =	shalt  }

// kernel: kernel.8.cloned.1.call-start
scs
__scs_entry_jumppad:
0x0: {  	(pc) =	sbr.rel $0x88, $3  }
0x1: {  	(tag) =	ssettag $0x0;
	lr =	simm.s32 $0x1  }
0x2: {  	[smem:$0x3F93] =	sst lr;
	_ =	strace $0xD0000000  }
0x3: {  	_ = 	snop  }
0x4: {  	_ = 	snop  }
0x5: {  	_ = 	snop  }
0x6: {  	_ = 	snop  }
0x7: {  	_ = 	snop  }
__scs_overlays_trampoline_lowered:
0x8: {  	[smem:$0x3FA2] =	sst s0  }
0x9: {  	[smem:$0x3FA3] =	sst s1  }
0xa: {  	[smem:$0x3FA4] =	sst s2  }
0xb: {  	[smem:$0x3FA5] =	sst s3  }
0xc: {  	[smem:$0x3FA6] =	sst s4  }
0xd: {  	[smem:$0x3FA7] =	sst s5  }
0xe: {  	[smem:$0x3FA8] =	sst s6  }
0xf: {  	[smem:$0x3FA9] =	sst s7  }
0x10: {  	[smem:$0x3FAA] =	sst s8  }
0x11: {  	[smem:$0x3FAB] =	sst s9;
	s0 =	simm.s32 @!p0 $0x0  }
0x12: {  	s1 =	sld [smem:$0x3F91];
	s0 =	simm.s32 @p0 $0x1  }
0x13: {  	[smem:$0x3FAC] =	sst s0;
	s0 =	simm.s32 @!p1 $0x0  }
0x14: {  	s2 =	sld [smem:$0x3F90];
	s0 =	simm.s32 @p1 $0x1  }
0x15: {  	[smem:$0x3FAD] =	sst s0;
	s0 =	simm.s32 @!p2 $0x0  }
0x16: {  	s3 =	sld [smem:$0x3FDB];
	s0 =	simm.s32 @p2 $0x1  }
0x17: {  	s4 =	simm.s32 $0x1BF5;
	[smem:$0x3FAF] =	sst s0  }
0x18: {  	s0 =	sld [smem:$0x3F92];
	_ =	swait.ge [sflag:s4], $0x0  }
0x19: {  	s7 =	sld [smem:$0x3F93]  }
0x1a: {  	s8 =	sadd.s32 $0xFFFFE003, lr  }
0x1b: {  	s9 =	sadd.s32 $0xFFFFFEF7, lr;
	s5 =	simm.s32 $0xFFFFFFFF;
	p2 =	slt.u32 s8, $0xFFFFF086  }
0x1c: {  	p1 =	slt.u32 s9, $0xF7A;
	s5 =	simm.s32 @!p2 $0x0  }
0x1d: {  	s5 =	simm.s32 @p1 $0x1;
	p0 =	seq.s32 s7, s2  }
0x1e: {  	s7 =	smul.u32 @!p0 $0xF7A, s2;
	p2 =	seq.s32 @!p0 s5, $0x0  }
0x1f: {  	s9 =	smul.u32 $0xF7A, s1;
	s8 =	simm.s32 @!p0 $0x1BF5;
	p2 =	por !p2, p0  }
0x20: {  	[sflag:s8] =	ssyncset.s32 @!p0 $0xFFFFF086;
	s6 =	sadd.s32 @!p0 s3, s7;
	s7 =	simm.s32 @!p0 $0x108  }
0x21: {  	s3 =	sadd.s32 s3, s9;
	s6 =	sadd.s32 @!p0 $0x88, s6;
	s7 =	simm.s32 @p2 $0x1082  }
0x22: {  	[simem:s7], [sflag:s8] =	dma.local @!p0 [hbm:s6], $0xF7A  }
0x23: {  	s9 =	sor.u32 $0xD0000000, s2;
	s6 =	simm.s32 $0x108;
	_ =	swait.ge @!p0 [sflag:s8], $0x0  }
0x24: {  	s3 =	sadd.s32 $0x88, s3;
	s6 =	simm.s32 @!p1 $0x1082;
	[sflag:s4] =	ssyncset.s32 $0xFFFFF086  }
0x25: {  	[simem:s6], [sflag:s4] =	dma.local [hbm:s3], $0xF7A  }
0x26: {  	[smem:$0x3F93] =	sst s1;
	(tag) =	ssettag s2;
	_ =	strace s9  }
0x27: {  	s1 =	sld [smem:$0x3FA3]  }
0x28: {  	s2 =	sld [smem:$0x3FA4]  }
0x29: {  	s4 =	sld [smem:$0x3FA6]  }
0x2a: {  	p0 =	seq.s32 s5, $0x0;
	s5 =	sld [smem:$0x3FA7]  }
0x2b: {  	s6 =	sld [smem:$0x3FA8]  }
0x2c: {  	s7 =	sld [smem:$0x3FA9]  }
0x2d: {  	s3 =	simm.s32 $0x108;
	s8 =	sld [smem:$0x3FAA]  }
0x2e: {  	s3 =	simm.s32 @!p0 $0x1082;
	s9 =	sld [smem:$0x3FAB]  }
0x2f: {  	lr =	sadd.s32 s0, s3;
	s0 =	sld [smem:$0x3FA2]  }
0x30: {  	s3 =	sld [smem:$0x3FA5]  }
0x31: {  	[smem:$0x3FAE] =	sst s10  }
0x32: {  	s10 =	sld [smem:$0x3FAC];
	_ =	sdelay $0x3  }
0x33: {  	p0 =	seq.s32 s10, $0x1;
	s10 =	sld [smem:$0x3FAE];
	_ =	sdelay $0x3  }
0x34: {  	[smem:$0x3FAE] =	sst s10  }
0x35: {  	s10 =	sld [smem:$0x3FAD];
	_ =	sdelay $0x3  }
0x36: {  	p1 =	seq.s32 s10, $0x1;
	s10 =	sld [smem:$0x3FAE];
	_ =	sdelay $0x3  }
0x37: {  	[smem:$0x3FAE] =	sst s10  }
0x38: {  	s10 =	sld [smem:$0x3FAF]  }
0x39: {  	_ = 	snop;
	(pc) =	sbr.ind lr, $3  }
0x3a: {  	_ = 	snop  }
0x3b: {  	_ = 	snop  }
0x3c: {  	p2 =	seq.s32 s10, $0x1;
	s10 =	sld [smem:$0x3FAE]  }
0x3d: {  	_ =	shalt  }
0x3e: {  	_ =	shalt  }
0x3f: {  	_ =	shalt  }
0x40: {  	_ =	shalt  }
0x41: {  	_ =	shalt  }
0x42: {  	_ =	shalt  }
0x43: {  	_ =	shalt  }
0x44: {  	_ =	shalt  }
0x45: {  	_ =	shalt  }
0x46: {  	_ =	shalt  }
0x47: {  	_ =	shalt  }
0x48: {  	_ =	shalt  }
0x49: {  	_ =	shalt  }
0x4a: {  	_ =	shalt  }
0x4b: {  	_ =	shalt  }
0x4c: {  	_ =	shalt  }
0x4d: {  	_ =	shalt  }
0x4e: {  	_ =	shalt  }
0x4f: {  	_ =	shalt  }
0x50: {  	_ =	shalt  }
0x51: {  	_ =	shalt  }
0x52: {  	_ =	shalt  }
0x53: {  	_ =	shalt  }
0x54: {  	_ =	shalt  }
0x55: {  	_ =	shalt  }
0x56: {  	_ =	shalt  }
0x57: {  	_ =	shalt  }
0x58: {  	_ =	shalt  }
0x59: {  	_ =	shalt  }
0x5a: {  	_ =	shalt  }
0x5b: {  	_ =	shalt  }
0x5c: {  	_ =	shalt  }
0x5d: {  	_ =	shalt  }
0x5e: {  	_ =	shalt  }
0x5f: {  	_ =	shalt  }
0x60: {  	_ =	shalt  }
0x61: {  	_ =	shalt  }
0x62: {  	_ =	shalt  }
0x63: {  	_ =	shalt  }
0x64: {  	_ =	shalt  }
0x65: {  	_ =	shalt  }
0x66: {  	_ =	shalt  }
0x67: {  	_ =	shalt  }
0x68: {  	_ =	shalt  }
0x69: {  	_ =	shalt  }
0x6a: {  	_ =	shalt  }
0x6b: {  	_ =	shalt  }
0x6c: {  	_ =	shalt  }
0x6d: {  	_ =	shalt  }
0x6e: {  	_ =	shalt  }
0x6f: {  	_ =	shalt  }
0x70: {  	_ =	shalt  }
0x71: {  	_ =	shalt  }
0x72: {  	_ =	shalt  }
0x73: {  	_ =	shalt  }
0x74: {  	_ =	shalt  }
0x75: {  	_ =	shalt  }
0x76: {  	_ =	shalt  }
0x77: {  	_ =	shalt  }
0x78: {  	_ =	shalt  }
0x79: {  	_ =	shalt  }
0x7a: {  	_ =	shalt  }
0x7b: {  	_ =	shalt  }
0x7c: {  	_ =	shalt  }
0x7d: {  	_ =	shalt  }
0x7e: {  	_ =	shalt  }
0x7f: {  	_ =	shalt  }
0x80: {  	_ =	shalt  }
0x81: {  	_ =	shalt  }
0x82: {  	_ =	shalt  }
0x83: {  	_ =	shalt  }
0x84: {  	_ =	shalt  }
0x85: {  	_ =	shalt  }
0x86: {  	_ =	shalt  }
0x87: {  	_ =	shalt  }
.Lfunc_end0:
.L_simem_size_0:
called_computation_lowered:
.L_overlay_start_0:
0x88: {  	s2 =	sld [smem:$0x3FD9]  }
0x89: {  	s3 =	sld [smem:$0x3FFE];
	_ =	sdelay $0x1  }
0x8a: {  	s1 =	srdreg.scid  }
0x8b: {  	s0 =	sand.u32 $0x1, s1  }
0x8c: {  	s17 =	sshll.u32 s0, $0xA;
	s2 =	sadd.s32 s3, s2  }
0x8d: {  	s2 =	sadd.s32 s2, s17  }
0x8e: {  	[smem:$0x3FBA] =	sst s2  }
0x8f: {  	_ = 	snop  }
0x90: {  	s2 =	sld [smem:$0x3FC9]  }
0x91: {  	s18 =	sld [smem:$0x3FC1]  }
0x92: {  	s4 =	sld [smem:$0x3FC0];
	(tm) =	ssettm $0x1  }
0x93: {  	s5 =	sld [smem:$0x3FFB];
	_ =	sdelay $0x3  }
0x94: {  	_ =	strace s5  }
0x95: {  	s5 =	sld [smem:$0x3FFC];
	_ =	sdelay $0x3  }
0x96: {  	_ =	strace s5  }
0x97: {  	s5 =	sld [smem:$0x3FFD];
	_ =	sdelay $0x3  }
0x98: {  	_ =	strace s5  }
0x99: {  	_ =	strace $0x8FFFFFFF  }
0x9a: {  	s19 =	sld [smem:$0x3FDB];
	_ =	sdelay $0x1  }
0x9b: {  	s6 =	simm.s32 $_scs_section_size  }
0x9c: {  	s7 =	simm.s32 $_size__tile_overlayer_lowered;
	s8 =	simm.s32 $_tile_overlayer_lowered  }
0x9d: {  	s22 =	simm.s32 $0x1BFF;
	s21 =	sshll.u32 s8, $0x1;
	s5 =	sadd.s32 s6, s19  }
0x9e: {  	s9 =	simm.s32 $0x0;
	s20 =	sshll.u32 s7, $0x1;
	s7 =	sadd.s32 s21, s5  }
0x9f: {  	[timem:s9], [sflag:s22] =	dma.local [hbm:s7], s20  }
0xa0: {  	_ =	swait.ge [sflag:s22], s20  }
0xa1: {  	s6 =	ssub.s32 $0x0, s20;
	[sflag:s22] =	ssyncset.done $0x0  }
0xa2: {  	[sflag:s22] =	ssyncadd.s32 s6;
	_ =	sdelay $0x1  }
0xa3: {  	s23 =	simm.s32 $0x1B8B  }
0xa4: {  	_ =	swait.ge [sflag:s23], $0x1  }
0xa5: {  	[sflag:s23] =	ssyncset.done $0x0  }
0xa6: {  	s25 =	simm.s32 $0x1B8E;
	s24 =	sld [smem:$0x3FFE];
	[sflag:s23] =	ssyncadd.s32 $0xFFFFFFFF  }
0xa7: {  	s26 =	simm.s32 $execute0_lowered;
	[smem:$0x3FD2] =	sst s25  }
0xa8: {  	s7 =	sshll.u32 s26, $0x1;
	_ =	strace $0x80000046;
	[dreg:$0x1] =	wrdreg $0xFFFFFFFF  }
0xa9: {  	s28 =	simm.s32 $_size_execute0_lowered;
	s5 =	sadd.s32 s5, s7;
	[dreg:$0x0] =	wrdreg $0x0  }
0xaa: {  	s7 =	sshll.u32 s28, $0x1;
	[dreg:$0x2] =	wrdreg s5  }
0xab: {  	[dreg:$0x3] =	wrdreg s7  }
0xac: {  	[dreg:$0x4] =	wrdreg $0xC0  }
0xad: {  	_ =	task [dreg:s9], $0x5FFFF  }
0xae: {  	[dreg:$0x1] =	wrdreg $0xFFFFFFFF  }
0xaf: {  	[dreg:$0x0] =	wrdreg $0x60  }
0xb0: {  	[dreg:$0x2] =	wrdreg s2  }
0xb1: {  	[dreg:$0x3] =	wrdreg s18  }
0xb2: {  	[dreg:$0x4] =	wrdreg s4  }
0xb3: {  	[dreg:$0x5] =	wrdreg s24  }
0xb4: {  	[dreg:$0x6] =	wrdreg $0x9  }
0xb5: {  	_ =	task.clear_ibuf [dreg:s9], $0x7FFFF;
	_ =	strace $0x90000046  }
0xb6: {  	s29 =	simm.s32 $0x9;
	_ =	strace $0x80000048  }
0xb7: {  	_ =	swait.ge [sflag:s29], $0x1  }
0xb8: {  	[sflag:s29] =	ssyncadd.s32 $0xFFFFFFFF  }
0xb9: {  	_ =	strace $0x90000048  }
0xba: {  	_ =	sfence  }
0xbb: {  	s30 =	sld [smem:$0x0];
	_ =	sdelay $0x2  }
0xbc: {  	s31 =	sshll.u32 s1, $0xD;
	s1 =	sshrl.u32 s1, $0x2  }
0xbd: {  	s3 =	sand.u32 $0x4000, s31;
	s1 =	sadd.s32 s1, s30  }
0xbe: {  	s0 =	sor.u32 s3, s0;
	s1 =	sshll.u32 s1, $0x11  }
0xbf: {  	s0 =	sor.u32 s1, s0  }
0xc0: {  	s0 =	sadd.s32 $0x8F2B, s0  }
0xc1: {  	[sflag:s0] =	ssyncadd.remote.s32 $0x1  }
0xc2: {  	_ =	sfence.sel $0xFFFF  }
0xc3: {  	[dreg:$0x0] =	wrdreg $0xFFFFFFFF;
	(pc) =	sbr.abs _section_cstart, $3  }
0xc4: {  	[dreg:$0x1] =	wrdreg $0xFFFFFFFF  }
0xc5: {  	_ =	task.clear_ibuf [dreg:s9], $0x2FFFF;
	_ =	strace $0x9FFFFFFF  }
0xc6: {  	(tm) =	ssettm $0x7FFFFFFF  }
0xc7: {  	_ =	shalt  }
tec
execute0_lowered:
.L_overlay_start_1:
0x0: {  	(tag) =	ssettag $0x1  }
0x1: {  	v0 =	vlaneseq.u32  }
0x2: {  	s0 =	rddreg [dreg:$0x0];
	v0 =	vmul.u32 $0x8, v0  }
0x3: {  	s4 =	rddreg [dreg:$0x1]  }
0x4: {  	s5 =	rddreg [dreg:$0x2];
	v1 =	vor.u32 $0x1, v0  }
0x5: {  	s6 =	rddreg [dreg:$0x3];
	v2 =	vor.u32 $0x2, v0;
	v3 =	vor.u32 $0x3, v0;
	v4 =	vor.u32 $0x4, v0  }
0x6: {  	s1 =	rddreg [dreg:$0x4];
	v5 =	vor.u32 $0x5, v0;
	v6 =	vor.u32 $0x6, v0;
	v7 =	vor.u32 $0x7, v0  }
0x7: {  	s3 =	simm.s32 $0x0;
	s7 =	srdreg.scid;
	s2 =	stileid.u32;
	v8 =	vor.u32 $0x80, v0;
	v9 =	vor.u32 $0x81, v0;
	v10 =	vor.u32 $0x82, v0  }
0x8: {  	s11 =	simm.s32 $0x1200;
	s12 =	simm.s32 $0x1400;
	s13 =	simm.s32 $0x1480;
	v11 =	vor.u32 $0x83, v0;
	v12 =	vor.u32 $0x84, v0;
	v13 =	vor.u32 $0x85, v0  }
0x9: {  	[smem:$0x7FF] =	sst s3;
	s7 =	sand.u32 $0x1, s7;
	s8 =	sshll.u32 s2, $0x1;
	v14 =	vor.u32 $0x86, v0;
	v15 =	vor.u32 $0x87, v0;
	v16 =	vor.u32 $0x100, v0  }
0xa: {  	_ =	strace $0x80000047;
	s8 =	sor.u32 s7, s8;
	s7 =	ssub.s32 $0x2, s7;
	v17 =	vor.u32 $0x101, v0;
	v18 =	vor.u32 $0x102, v0;
	v19 =	vor.u32 $0x103, v0  }
0xb: {  	s9 =	sshll.u32 s8, $0x3;
	s10 =	sshrl.u32 s7, $0x1;
	s8 =	sshll.u32 s8, $0x6;
	v20 =	vor.u32 $0x104, v0;
	v21 =	vor.u32 $0x105, v0;
	v22 =	vor.u32 $0x106, v0  }
0xc: {  	v23 =	vor.u32 $0x107, v0;
	v24 =	vor.u32 $0x180, v0;
	v25 =	vor.u32 $0x181, v0;
	s9 =	sadd.s32 s9, s6;
	s10 =	ssub.s32 s7, s10;
	s4 =	sadd.s32 s4, s8  }
0xd: {  	v26 =	vor.u32 $0x182, v0;
	v27 =	vor.u32 $0x183, v0;
	v28 =	vor.u32 $0x184, v0;
	s5 =	sadd.s32 s5, s8;
	s6 =	sadd.s32 $0x2800, s9;
	s7 =	sadd.s32 $0x2A00, s9  }
0xe: {  	v29 =	vor.u32 $0x185, v0;
	v30 =	vor.u32 $0x186, v0;
	v31 =	vor.u32 $0x187, v0;
	s8 =	smax.u32 s10, $0x1;
	s9 =	simm.s32 $0x1;
	s10 =	simm.s32 $0x1000  }
.LBB2_1:
0xf: {  	[tilespmem:s3], [sflag:$0x1] =	stream.linear.gather [hbm4b:s0+s3], $0x1000, $0x38;
	[tilespmem:$0x1500] =	vst v63  }
0x10: {  	_ =	swait.ge [sflag:s9], $0x1000  }
0x11: {  	[sflag:s9] =	ssyncset.done $0x0  }
0x12: {  	[sflag:s9] =	ssyncadd.s32 $0xFFFFF000  }
0x13: {  	[tilespmem:s10], [sflag:$0x1] =	stream.linear.gather [hbm4b:s4+s3], $0x200, $0x38;
	[tilespmem:$0x1500] =	vst v63  }
0x14: {  	_ =	swait.ge [sflag:s9], $0x200  }
0x15: {  	[sflag:s9] =	ssyncset.done $0x0  }
0x16: {  	[sflag:s9] =	ssyncadd.s32 $0xFFFFFE00  }
0x17: {  	[tilespmem:s11], [sflag:$0x1] =	stream.linear.gather [hbm4b:s5+s3], $0x200, $0x38;
	[tilespmem:$0x1500] =	vst v63  }
0x18: {  	_ =	swait.ge [sflag:s9], $0x200  }
0x19: {  	[sflag:s9] =	ssyncset.done $0x0  }
0x1a: {  	[sflag:s9] =	ssyncadd.s32 $0xFFFFFE00  }
0x1b: {  	v32 =	vld.idx.msk [tilespmem:v0+s10+$0x0], $0xffff  }
0x1c: {  	v33 =	vld.idx.msk [tilespmem:v1+s10+$0x0], $0xffff  }
0x1d: {  	v34 =	vld.idx.msk [tilespmem:v2+s10+$0x0], $0xffff  }
0x1e: {  	v35 =	vld.idx.msk [tilespmem:v0+s11+$0x0], $0xffff  }
0x1f: {  	v36 =	vld.idx.msk [tilespmem:v1+s11+$0x0], $0xffff  }
0x20: {  	v37 =	vld.idx.msk [tilespmem:v3+s10+$0x0], $0xffff  }
0x21: {  	v38 =	vld.idx.msk [tilespmem:v2+s11+$0x0], $0xffff  }
0x22: {  	v39 =	vld.idx.msk [tilespmem:v4+s10+$0x0], $0xffff  }
0x23: {  	v40 =	vld.idx.msk [tilespmem:v5+s10+$0x0], $0xffff  }
0x24: {  	v32 =	vld.idx.msk [tilespmem:v32+s3+$0x0], $0xffff  }
0x25: {  	v41 =	vld.idx.msk [tilespmem:v3+s11+$0x0], $0xffff  }
0x26: {  	v33 =	vld.idx.msk [tilespmem:v33+s3+$0x0], $0xffff  }
0x27: {  	v42 =	vld.idx.msk [tilespmem:v6+s10+$0x0], $0xffff  }
0x28: {  	v34 =	vld.idx.msk [tilespmem:v34+s3+$0x0], $0xffff  }
0x29: {  	v43 =	vld.idx.msk [tilespmem:v7+s10+$0x0], $0xffff;
	v32 =	vmul.f32 v32, v35  }
0x2a: {  	v37 =	vld.idx.msk [tilespmem:v37+s3+$0x0], $0xffff;
	v35 =	vadd.f32 $0.0e+00, v35  }
0x2b: {  	v44 =	vld.idx.msk [tilespmem:v4+s11+$0x0], $0xffff;
	v33 =	vmul.f32 v33, v36;
	v32 =	vadd.f32 $0.0e+00, v32  }
0x2c: {  	v39 =	vld.idx.msk [tilespmem:v39+s3+$0x0], $0xffff;
	v35 =	vadd.f32 v36, v35  }
0x2d: {  	v50 =	vld.idx.msk [tilespmem:v5+s11+$0x0], $0xffff;
	v49 =	vmul.f32 v34, v38;
	v32 =	vadd.f32 v33, v32  }
0x2e: {  	v51 =	vld.idx.msk [tilespmem:v40+s3+$0x0], $0xffff;
	v35 =	vadd.f32 v38, v35  }
0x2f: {  	v53 =	vld.idx.msk [tilespmem:v6+s11+$0x0], $0xffff;
	v52 =	vmul.f32 v37, v41;
	v32 =	vadd.f32 v49, v32  }
0x30: {  	v54 =	vld.idx.msk [tilespmem:v42+s3+$0x0], $0xffff;
	v35 =	vadd.f32 v41, v35  }
0x31: {  	v56 =	vld.idx.msk [tilespmem:v7+s11+$0x0], $0xffff;
	v55 =	vmul.f32 v39, v44;
	v32 =	vadd.f32 v52, v32  }
0x32: {  	v57 =	vld.idx.msk [tilespmem:v43+s3+$0x0], $0xffff;
	v35 =	vadd.f32 v44, v35  }
0x33: {  	v58 =	vmul.f32 v51, v50;
	v32 =	vadd.f32 v55, v32  }
0x34: {  	v34 =	vadd.f32 v50, v35  }
0x35: {  	v59 =	vmul.f32 v54, v53;
	v32 =	vadd.f32 v58, v32  }
0x36: {  	v34 =	vadd.f32 v53, v34  }
0x37: {  	v60 =	vmul.f32 v57, v56;
	v32 =	vadd.f32 v59, v32  }
0x38: {  	v61 =	vadd.f32 v56, v34  }
0x39: {  	v32 =	vadd.f32 v60, v32  }
0x3a: {  	[tilespmem:$0x1480] =	vst v61  }
0x3b: {  	[tilespmem:$0x1400] =	vst v32  }
0x3c: {  	v32 =	vld.idx.msk [tilespmem:v8+s10+$0x0], $0xffff  }
0x3d: {  	v33 =	vld.idx.msk [tilespmem:v9+s10+$0x0], $0xffff  }
0x3e: {  	v62 =	vld.idx.msk [tilespmem:v10+s10+$0x0], $0xffff  }
0x3f: {  	v63 =	vld.idx.msk [tilespmem:v8+s11+$0x0], $0xffff  }
0x40: {  	v48 =	vld.idx.msk [tilespmem:v9+s11+$0x0], $0xffff  }
0x41: {  	v49 =	vld.idx.msk [tilespmem:v11+s10+$0x0], $0xffff  }
0x42: {  	v50 =	vld.idx.msk [tilespmem:v10+s11+$0x0], $0xffff  }
0x43: {  	v51 =	vld.idx.msk [tilespmem:v12+s10+$0x0], $0xffff  }
0x44: {  	v52 =	vld.idx.msk [tilespmem:v13+s10+$0x0], $0xffff  }
0x45: {  	v32 =	vld.idx.msk [tilespmem:v32+s3+$0x0], $0xffff  }
0x46: {  	v53 =	vld.idx.msk [tilespmem:v11+s11+$0x0], $0xffff  }
0x47: {  	v33 =	vld.idx.msk [tilespmem:v33+s3+$0x0], $0xffff  }
0x48: {  	v54 =	vld.idx.msk [tilespmem:v14+s10+$0x0], $0xffff  }
0x49: {  	v34 =	vld.idx.msk [tilespmem:v62+s3+$0x0], $0xffff  }
0x4a: {  	v55 =	vld.idx.msk [tilespmem:v15+s10+$0x0], $0xffff;
	v32 =	vmul.f32 v32, v63  }
0x4b: {  	v35 =	vadd.f32 $0.0e+00, v63;
	v37 =	vld.idx.msk [tilespmem:v49+s3+$0x0], $0xffff  }
0x4c: {  	v56 =	vld.idx.msk [tilespmem:v12+s11+$0x0], $0xffff;
	v33 =	vmul.f32 v33, v48;
	v32 =	vadd.f32 $0.0e+00, v32  }
0x4d: {  	v35 =	vadd.f32 v48, v35;
	v39 =	vld.idx.msk [tilespmem:v51+s3+$0x0], $0xffff  }
0x4e: {  	v58 =	vld.idx.msk [tilespmem:v13+s11+$0x0], $0xffff;
	v57 =	vmul.f32 v34, v50;
	v32 =	vadd.f32 v33, v32  }
0x4f: {  	v59 =	vld.idx.msk [tilespmem:v52+s3+$0x0], $0xffff;
	v35 =	vadd.f32 v50, v35  }
0x50: {  	v61 =	vld.idx.msk [tilespmem:v14+s11+$0x0], $0xffff;
	v60 =	vmul.f32 v37, v53;
	v32 =	vadd.f32 v57, v32  }
0x51: {  	v62 =	vld.idx.msk [tilespmem:v54+s3+$0x0], $0xffff;
	v35 =	vadd.f32 v53, v35  }
0x52: {  	v45 =	vld.idx.msk [tilespmem:v15+s11+$0x0], $0xffff;
	v63 =	vmul.f32 v39, v56;
	v32 =	vadd.f32 v60, v32  }
0x53: {  	v46 =	vld.idx.msk [tilespmem:v55+s3+$0x0], $0xffff;
	v35 =	vadd.f32 v56, v35  }
0x54: {  	v47 =	vmul.f32 v59, v58;
	v32 =	vadd.f32 v63, v32  }
0x55: {  	v34 =	vadd.f32 v58, v35  }
0x56: {  	v48 =	vmul.f32 v62, v61;
	v32 =	vadd.f32 v47, v32  }
0x57: {  	v34 =	vadd.f32 v61, v34  }
0x58: {  	v49 =	vmul.f32 v46, v45;
	v32 =	vadd.f32 v48, v32  }
0x59: {  	v50 =	vadd.f32 v45, v34  }
0x5a: {  	v32 =	vadd.f32 v49, v32  }
0x5b: {  	[tilespmem:$0x1490] =	vst v50  }
0x5c: {  	[tilespmem:$0x1410] =	vst v32  }
0x5d: {  	v32 =	vld.idx.msk [tilespmem:v16+s10+$0x0], $0xffff  }
0x5e: {  	v33 =	vld.idx.msk [tilespmem:v17+s10+$0x0], $0xffff  }
0x5f: {  	v51 =	vld.idx.msk [tilespmem:v18+s10+$0x0], $0xffff  }
0x60: {  	v52 =	vld.idx.msk [tilespmem:v16+s11+$0x0], $0xffff  }
0x61: {  	v53 =	vld.idx.msk [tilespmem:v17+s11+$0x0], $0xffff  }
0x62: {  	v54 =	vld.idx.msk [tilespmem:v19+s10+$0x0], $0xffff  }
0x63: {  	v55 =	vld.idx.msk [tilespmem:v18+s11+$0x0], $0xffff  }
0x64: {  	v56 =	vld.idx.msk [tilespmem:v20+s10+$0x0], $0xffff  }
0x65: {  	v57 =	vld.idx.msk [tilespmem:v21+s10+$0x0], $0xffff  }
0x66: {  	v32 =	vld.idx.msk [tilespmem:v32+s3+$0x0], $0xffff  }
0x67: {  	v58 =	vld.idx.msk [tilespmem:v19+s11+$0x0], $0xffff  }
0x68: {  	v33 =	vld.idx.msk [tilespmem:v33+s3+$0x0], $0xffff  }
0x69: {  	v59 =	vld.idx.msk [tilespmem:v22+s10+$0x0], $0xffff  }
0x6a: {  	v34 =	vld.idx.msk [tilespmem:v51+s3+$0x0], $0xffff  }
0x6b: {  	v60 =	vld.idx.msk [tilespmem:v23+s10+$0x0], $0xffff;
	v32 =	vmul.f32 v32, v52  }
0x6c: {  	v35 =	vadd.f32 $0.0e+00, v52;
	v37 =	vld.idx.msk [tilespmem:v54+s3+$0x0], $0xffff  }
0x6d: {  	v61 =	vld.idx.msk [tilespmem:v20+s11+$0x0], $0xffff;
	v33 =	vmul.f32 v33, v53;
	v32 =	vadd.f32 $0.0e+00, v32  }
0x6e: {  	v35 =	vadd.f32 v53, v35;
	v39 =	vld.idx.msk [tilespmem:v56+s3+$0x0], $0xffff  }
0x6f: {  	v63 =	vld.idx.msk [tilespmem:v21+s11+$0x0], $0xffff;
	v62 =	vmul.f32 v34, v55;
	v32 =	vadd.f32 v33, v32  }
0x70: {  	v45 =	vld.idx.msk [tilespmem:v57+s3+$0x0], $0xffff;
	v35 =	vadd.f32 v55, v35  }
0x71: {  	v47 =	vld.idx.msk [tilespmem:v22+s11+$0x0], $0xffff;
	v46 =	vmul.f32 v37, v58;
	v32 =	vadd.f32 v62, v32  }
0x72: {  	v48 =	vld.idx.msk [tilespmem:v59+s3+$0x0], $0xffff;
	v35 =	vadd.f32 v58, v35  }
0x73: {  	v50 =	vld.idx.msk [tilespmem:v23+s11+$0x0], $0xffff;
	v49 =	vmul.f32 v39, v61;
	v32 =	vadd.f32 v46, v32  }
0x74: {  	v51 =	vld.idx.msk [tilespmem:v60+s3+$0x0], $0xffff;
	v35 =	vadd.f32 v61, v35  }
0x75: {  	v52 =	vmul.f32 v45, v63;
	v32 =	vadd.f32 v49, v32  }
0x76: {  	v34 =	vadd.f32 v63, v35  }
0x77: {  	v53 =	vmul.f32 v48, v47;
	v32 =	vadd.f32 v52, v32  }
0x78: {  	v34 =	vadd.f32 v47, v34  }
0x79: {  	v54 =	vmul.f32 v51, v50;
	v32 =	vadd.f32 v53, v32  }
0x7a: {  	v55 =	vadd.f32 v50, v34  }
0x7b: {  	v32 =	vadd.f32 v54, v32  }
0x7c: {  	[tilespmem:$0x14A0] =	vst v55  }
0x7d: {  	[tilespmem:$0x1420] =	vst v32  }
0x7e: {  	v32 =	vld.idx.msk [tilespmem:v24+s10+$0x0], $0xffff  }
0x7f: {  	v33 =	vld.idx.msk [tilespmem:v25+s10+$0x0], $0xffff  }
0x80: {  	v56 =	vld.idx.msk [tilespmem:v26+s10+$0x0], $0xffff  }
0x81: {  	v57 =	vld.idx.msk [tilespmem:v24+s11+$0x0], $0xffff  }
0x82: {  	v58 =	vld.idx.msk [tilespmem:v25+s11+$0x0], $0xffff  }
0x83: {  	v59 =	vld.idx.msk [tilespmem:v27+s10+$0x0], $0xffff  }
0x84: {  	v60 =	vld.idx.msk [tilespmem:v26+s11+$0x0], $0xffff  }
0x85: {  	v61 =	vld.idx.msk [tilespmem:v28+s10+$0x0], $0xffff  }
0x86: {  	v62 =	vld.idx.msk [tilespmem:v29+s10+$0x0], $0xffff  }
0x87: {  	v32 =	vld.idx.msk [tilespmem:v32+s3+$0x0], $0xffff  }
0x88: {  	v63 =	vld.idx.msk [tilespmem:v27+s11+$0x0], $0xffff  }
0x89: {  	v33 =	vld.idx.msk [tilespmem:v33+s3+$0x0], $0xffff  }
0x8a: {  	v48 =	vld.idx.msk [tilespmem:v30+s10+$0x0], $0xffff  }
0x8b: {  	v34 =	vld.idx.msk [tilespmem:v56+s3+$0x0], $0xffff  }
0x8c: {  	v49 =	vld.idx.msk [tilespmem:v31+s10+$0x0], $0xffff;
	v32 =	vmul.f32 v32, v57  }
0x8d: {  	v35 =	vadd.f32 $0.0e+00, v57;
	v37 =	vld.idx.msk [tilespmem:v59+s3+$0x0], $0xffff  }
0x8e: {  	v50 =	vld.idx.msk [tilespmem:v28+s11+$0x0], $0xffff;
	v33 =	vmul.f32 v33, v58;
	v32 =	vadd.f32 $0.0e+00, v32  }
0x8f: {  	v35 =	vadd.f32 v58, v35;
	v39 =	vld.idx.msk [tilespmem:v61+s3+$0x0], $0xffff  }
0x90: {  	v52 =	vld.idx.msk [tilespmem:v29+s11+$0x0], $0xffff;
	v51 =	vmul.f32 v34, v60;
	v32 =	vadd.f32 v33, v32  }
0x91: {  	v53 =	vld.idx.msk [tilespmem:v62+s3+$0x0], $0xffff;
	v35 =	vadd.f32 v60, v35  }
0x92: {  	v55 =	vld.idx.msk [tilespmem:v30+s11+$0x0], $0xffff;
	v54 =	vmul.f32 v37, v63;
	v32 =	vadd.f32 v51, v32  }
0x93: {  	v56 =	vld.idx.msk [tilespmem:v48+s3+$0x0], $0xffff;
	v35 =	vadd.f32 v63, v35  }
0x94: {  	v59 =	vld.idx.msk [tilespmem:v49+s3+$0x0], $0xffff;
	v57 =	vmul.f32 v39, v50;
	v32 =	vadd.f32 v54, v32  }
0x95: {  	v58 =	vld.idx.msk [tilespmem:v31+s11+$0x0], $0xffff;
	v35 =	vadd.f32 v50, v35  }
0x96: {  	v60 =	vmul.f32 v53, v52;
	v32 =	vadd.f32 v57, v32  }
0x97: {  	v34 =	vadd.f32 v52, v35  }
0x98: {  	v61 =	vmul.f32 v56, v55;
	v32 =	vadd.f32 v60, v32  }
0x99: {  	v34 =	vadd.f32 v55, v34  }
0x9a: {  	v62 =	vmul.f32 v59, v58;
	v32 =	vadd.f32 v61, v32  }
0x9b: {  	v63 =	vadd.f32 v58, v34  }
0x9c: {  	v32 =	vadd.f32 v62, v32  }
0x9d: {  	[tilespmem:$0x14B0] =	vst v63  }
0x9e: {  	[tilespmem:$0x1430] =	vst v32  }
0x9f: {  	[hbm4b:s6+s3] =	stream.linear.scatter [tilespmem:s12], [sflag:$0x1], $0x40, $0x38;
	[tilespmem:$0x1500] =	vst v63  }
0xa0: {  	_ =	swait.ge [sflag:s9], $0x40  }
0xa1: {  	p0 =	sne.s32 s8, $0x1;
	[sflag:s9] =	ssyncset.done $0x0  }
.Ltmp0:
0xa2: {  	[sflag:s9] =	ssyncadd.s32 $0xFFFFFFC0;
	(pc) =	sbr.rel @p0 .LBB2_1-.Ltmp0, $4  }
0xa3: {  	[hbm4b:s7+s3] =	stream.linear.scatter [tilespmem:s13], [sflag:$0x1], $0x40, $0x38;
	[tilespmem:$0x1500] =	vst v63  }
0xa4: {  	_ =	swait.ge [sflag:s9], $0x40  }
0xa5: {  	[sflag:s9] =	ssyncset.done $0x0  }
0xa6: {  	s8 =	sadd.s32 $0xFFFFFFFF, s8;
	[sflag:s9] =	ssyncadd.s32 $0xFFFFFFC0  }
0xa7: {  	_ =	sfence.sel $0x180000  }
0xa8: {  	[bflag:$0x0] =	sbarrier.arrive $0xFFFF  }
0xa9: {  	p0 =	sne.s32 s2, $0x0;
	_ =	strace $0x90000047  }
0xaa: {  	s0 =	sadd.s32 @!p0 $0x100000, s1;
	[bflag:$0x2] =	sbarrier.arrive $0xFFFF  }
0xab: {  	[sflag:s0] =	ssyncadd.tile.s32 @!p0 $0x1;
	_ =	shalt  }
.Lfunc_end2:
_tile_overlayer_lowered:
.L_overlay_start_2:
0xac: {  	(tag) =	ssettag $0x2  }
0xad: {  	s0 =	rddreg [dreg:$0x0];
	s2 =	stileid.u32  }
0xae: {  	s1 =	rddreg [dreg:$0x1];
	p0 =	sne.s32 s2, $0x0  }
0xaf: {  	s3 =	rddreg [dreg:$0x2];
	[bflag:$0x3] =	sbarrier.arrive $0xFFFF;
	s2 =	simm.s32 @!p0 $0x1C01  }
0xb0: {  	[timem:s3], [sflag:s2] =	dma.local @!p0 [hbm:s0], s1  }
0xb1: {  	s0 =	simm.s32 @!p0 $0x1  }
0xb2: {  	_ =	swait.ge @!p0 [sflag:s0], s1  }
0xb3: {  	s1 =	ssub.s32 @!p0 $0x0, s1;
	[sflag:s0] =	ssyncset.done @!p0 $0x0  }
0xb4: {  	[sflag:s0] =	ssyncadd.s32 @!p0 s1  }
0xb5: {  	[bflag:$0x3] =	sbarrier.arrive $0xFFFF  }
0xb6: {  	_ =	shalt  }

</sc_bundles>
